<compile_context>
chip_gen: v7x
topology: tpu7x:2x2x1
jax: 0.10.2.dev20260603
libtpu: 0.0.44.dev20260713+nightly
codegen_flags: <defaults>
</compile_context>

<pallas_src>
import jax
import jax.numpy as jnp
from jax import lax
from jax.experimental import pallas as pl
from jax.experimental.pallas import tpu as pltpu
from jax.experimental.pallas import tpu_sc as plsc

N = 10000
D = 128
DH = 64
E = 320000

NC = 2
NS = 16
NW = NC * NS
E_PAD = 327680
K = 4
CH = K * 128
IRPW = E_PAD // NW // 128
R0 = 152
R1 = 8
NC2_0 = R0 // K // 2
NC2_1 = R1 // K // 2
N_PAD = 10240
RPT = N_PAD // NS

BM = 1000


def _build_sc():
  out_type = (jax.ShapeDtypeStruct((NC, N_PAD, DH), jnp.float32),
              jax.ShapeDtypeStruct((NC, N_PAD, DH), jnp.float32))
  scratch = [
      pltpu.VMEM((K, 128), jnp.int32),
      pltpu.VMEM((K, 128), jnp.int32),
      pltpu.VMEM((K, 128), jnp.int32),
      pltpu.VMEM((K, 128), jnp.int32),
      pltpu.VMEM((CH, DH), jnp.float32),
      pltpu.VMEM((CH, DH), jnp.float32),
      pltpu.VMEM_SHARED((N_PAD, DH), jnp.float32),
      pltpu.SemaphoreType.DMA,
      pltpu.SemaphoreType.DMA,
  ]

  def body(xpa, xpb, src2d, dst2d, za, outa, outb,
           sidx0, didx0, sidx1, didx1, rows0, rows1, acc, sem0, sem1):
    cid = lax.axis_index("c")
    sid = lax.axis_index("s")
    rb0 = jnp.where(cid == 0, sid * R0, NS * R0 + sid * R1)
    nc2 = jnp.where(cid == 0, NC2_0, NC2_1)
    base = sid * RPT

    def phase(xp, out):
      pltpu.sync_copy(za, acc.at[pl.ds(base, RPT)])
      plsc.subcore_barrier()

      def fire(c, si, di, buf, sem):
        rb = rb0 + c * K
        pltpu.sync_copy(src2d.at[pl.ds(rb, K)], si)
        pltpu.sync_copy(dst2d.at[pl.ds(rb, K)], di)

        def g(j, carry):
          pltpu.async_copy(xp.at[si.at[j]],
                           buf.at[pl.ds(j * 128, 128)], sem)
          return carry

        lax.fori_loop(0, K, g, 0)

      def drain(buf, sem):
        pltpu.make_async_copy(xp.at[pl.ds(0, CH)], buf, sem).wait()

      def scatter(di, buf):
        def s(j, carry):
          pltpu.sync_copy(buf.at[pl.ds(j * 128, 128)],
                          acc.at[di.at[j]], add=True)
          return carry

        lax.fori_loop(0, K, s, 0)

      fire(0, sidx0, didx0, rows0, sem0)

      def step(i, carry):
        c0 = 2 * i
        fire(c0 + 1, sidx1, didx1, rows1, sem1)
        drain(rows0, sem0)
        scatter(didx0, rows0)

        @pl.when(i < nc2 - 1)
        def _():
          fire(c0 + 2, sidx0, didx0, rows0, sem0)

        drain(rows1, sem1)
        scatter(didx1, rows1)
        return carry

      lax.fori_loop(0, nc2, step, 0)
      plsc.subcore_barrier()
      pltpu.sync_copy(acc.at[pl.ds(base, RPT)],
                      out.at[cid, pl.ds(base, RPT)])
      plsc.subcore_barrier()

    phase(xpa, outa)
    phase(xpb, outb)

  mesh = plsc.VectorSubcoreMesh(core_axis_name="c", subcore_axis_name="s")
  return pl.kernel(body, out_type=out_type,
                   mesh=mesh, scratch_types=scratch,
                   compiler_params=pltpu.CompilerParams(
                       use_tc_tiling_on_sc=False))


def _build_sc_cnt():
  out_type = jax.ShapeDtypeStruct((NC, N_PAD, 16), jnp.float32)
  scratch = [
      pltpu.VMEM((IRPW, 128), jnp.int32),
      pltpu.VMEM((128, 16), jnp.float32),
      pltpu.VMEM_SHARED((N_PAD, 16), jnp.float32),
  ]

  def body(dst2d, zc, onesc, cnt_out, didx, ones_v, cacc):
    cid = lax.axis_index("c")
    sid = lax.axis_index("s")
    wid = sid * NC + cid
    pltpu.sync_copy(zc, cacc.at[pl.ds(sid * RPT, RPT)])
    pltpu.sync_copy(dst2d.at[pl.ds(wid * IRPW, IRPW)], didx)
    pltpu.sync_copy(onesc, ones_v)
    plsc.subcore_barrier()

    def step(b, carry):
      pltpu.sync_copy(ones_v, cacc.at[didx.at[b]], add=True)
      return carry

    lax.fori_loop(0, IRPW, step, 0)
    plsc.subcore_barrier()
    base = sid * RPT
    pltpu.sync_copy(cacc.at[pl.ds(base, RPT)],
                    cnt_out.at[cid, pl.ds(base, RPT)])

  mesh = plsc.VectorSubcoreMesh(core_axis_name="c", subcore_axis_name="s")
  return pl.kernel(body, out_type=out_type,
                   mesh=mesh, scratch_types=scratch,
                   compiler_params=pltpu.CompilerParams(
                       use_tc_tiling_on_sc=False))


_sc_agg = _build_sc()
_sc_cnt = _build_sc_cnt()


def _proj_body(x_ref, w_ref, b_ref, oa_ref, ob_ref):
  t = jnp.maximum(
      jnp.dot(x_ref[...], w_ref[...], preferred_element_type=jnp.float32)
      + b_ref[...], 0.0)
  oa_ref[...] = t[:, :DH]
  ob_ref[...] = t[:, DH:]


def _proj(x, W, b):
  half = pl.BlockSpec((BM, DH), lambda i: (i, 0))
  return pl.pallas_call(
      _proj_body,
      grid=(N // BM,),
      in_specs=[
          pl.BlockSpec((BM, D), lambda i: (i, 0)),
          pl.BlockSpec((D, D), lambda i: (0, 0)),
          pl.BlockSpec((1, D), lambda i: (0, 0)),
      ],
      out_specs=(half, half),
      out_shape=(jax.ShapeDtypeStruct((N, DH), jnp.float32),
                 jax.ShapeDtypeStruct((N, DH), jnp.float32)),
  )(x, W, b.reshape(1, D))


def _combine(pa, pb, c0, c1, wla, wlb, bl, xr, wr):
  cnt = jnp.maximum(c0[:, 0:1] + c1[:, 0:1], 1.0)
  ma = (pa[0] + pa[1]) / cnt
  mb = (pb[0] + pb[1]) / cnt
  return (jnp.dot(ma, wla[...], preferred_element_type=jnp.float32)
          + jnp.dot(mb, wlb[...], preferred_element_type=jnp.float32)
          + jnp.dot(xr[...], wr[...], preferred_element_type=jnp.float32)
          + bl[...])


def _mid_body(pa, pb, c0, c1, x, wla, wlb, bl, wr, wp2, bp2,
              h_ref, xa_ref, xb_ref):
  t = _combine(pa, pb, c0, c1, wla, wlb, bl, x, wr)
  nrm = jnp.sqrt(jnp.sum(t * t, axis=-1, keepdims=True))
  h = jnp.maximum(t / jnp.maximum(nrm, 1e-12), 0.0)
  h_ref[...] = h
  xp2 = jnp.maximum(
      jnp.dot(h, wp2[...], preferred_element_type=jnp.float32) + bp2[...],
      0.0)
  xa_ref[...] = xp2[:, :DH]
  xb_ref[...] = xp2[:, DH:]


def _mid(pa, pb, c0, c1, x, Wl, bl, Wr, Wp2, bp2):
  row = pl.BlockSpec((BM, D), lambda i: (i, 0))
  part = pl.BlockSpec((NC, BM, DH), lambda i: (0, i, 0))
  cntb = pl.BlockSpec((BM, 16), lambda i: (i, 0))
  whalf = pl.BlockSpec((DH, D), lambda i: (0, 0))
  wspec = pl.BlockSpec((D, D), lambda i: (0, 0))
  bspec = pl.BlockSpec((1, D), lambda i: (0, 0))
  half = pl.BlockSpec((BM, DH), lambda i: (i, 0))
  return pl.pallas_call(
      _mid_body,
      grid=(N // BM,),
      in_specs=[part, part, cntb, cntb, row,
                whalf, whalf, bspec, wspec, wspec, bspec],
      out_specs=(row, half, half),
      out_shape=(jax.ShapeDtypeStruct((N, D), jnp.float32),
                 jax.ShapeDtypeStruct((N, DH), jnp.float32),
                 jax.ShapeDtypeStruct((N, DH), jnp.float32)),
  )(pa, pb, c0, c1, x, Wl[:DH], Wl[DH:],
    bl.reshape(1, D), Wr, Wp2, bp2.reshape(1, D))


def _post_body(pa, pb, c0, c1, h, wla, wlb, bl, wr, o_ref):
  t = _combine(pa, pb, c0, c1, wla, wlb, bl, h, wr)
  nrm = jnp.sqrt(jnp.sum(t * t, axis=-1, keepdims=True))
  o_ref[...] = t / jnp.maximum(nrm, 1e-12)


def _post(pa, pb, c0, c1, h, Wl, bl, Wr):
  row = pl.BlockSpec((BM, D), lambda i: (i, 0))
  part = pl.BlockSpec((NC, BM, DH), lambda i: (0, i, 0))
  cntb = pl.BlockSpec((BM, 16), lambda i: (i, 0))
  whalf = pl.BlockSpec((DH, D), lambda i: (0, 0))
  wspec = pl.BlockSpec((D, D), lambda i: (0, 0))
  bspec = pl.BlockSpec((1, D), lambda i: (0, 0))
  return pl.pallas_call(
      _post_body,
      grid=(N // BM,),
      in_specs=[part, part, cntb, cntb, row,
                whalf, whalf, bspec, wspec],
      out_specs=row,
      out_shape=jax.ShapeDtypeStruct((N, D), jnp.float32),
  )(pa, pb, c0, c1, h, Wl[:DH], Wl[DH:],
    bl.reshape(1, D), Wr)


def kernel(node_emb, edge_index, W1p, b1p, W1l, b1l, W1r,
           W2p, b2p, W2l, b2l, W2r):
  pad = E_PAD - E
  src = jnp.concatenate(
      [edge_index[0], jnp.zeros((pad,), jnp.int32)]).reshape(-1, 128)
  dst = jnp.concatenate(
      [edge_index[1], jnp.full((pad,), N, jnp.int32)]).reshape(-1, 128)
  za = jnp.zeros((RPT, DH), jnp.float32)
  zc = jnp.zeros((RPT, 16), jnp.float32)
  onesc = jnp.ones((128, 16), jnp.float32)

  xa, xb = _proj(node_emb, W1p, b1p)
  cnt1 = _sc_cnt(dst, zc, onesc)
  agg1a, agg1b = _sc_agg(xa, xb, src, dst, za)
  h, x2a, x2b = _mid(agg1a[:, :N], agg1b[:, :N],
                     cnt1[0, :N], cnt1[1, :N],
                     node_emb, W1l, b1l, W1r, W2p, b2p)
  agg2a, agg2b = _sc_agg(x2a, x2b, src, dst, za)
  out = _post(agg2a[:, :N], agg2b[:, :N],
              cnt1[0, :N], cnt1[1, :N], h, W2l, b2l, W2r)
  return out

# --- scband reference (transcript-rebuilt; emitter-appended) ---
"""Pipeline reference for scband-graph-sage-73512660238646 (READ-ONLY COPY).

The authoritative reference and input builder live on the scoring server;
editing this copy changes nothing except your own understanding.
"""

import jax, jax.numpy as jnp
import numpy as np

N = 10000
E = 320000
D_IN = 128
D_HID = 128
D_OUT = 128


def setup_inputs(seed: int = 0) -> dict:
    key = jax.random.key(seed)
    ks = jax.random.split(key, 12)
    node_emb = jax.random.normal(ks[0], (N, D_IN), dtype=jnp.float32)
    edge_index = jax.random.randint(ks[1], (2, E), 0, N, dtype=jnp.int32)
    s = 0.05
    W1p = jax.random.normal(ks[2], (D_IN, D_IN), dtype=jnp.float32) * s
    b1p = jnp.zeros((D_IN,), dtype=jnp.float32)
    W1l = jax.random.normal(ks[3], (D_IN, D_HID), dtype=jnp.float32) * s
    b1l = jnp.zeros((D_HID,), dtype=jnp.float32)
    W1r = jax.random.normal(ks[4], (D_IN, D_HID), dtype=jnp.float32) * s
    W2p = jax.random.normal(ks[5], (D_HID, D_HID), dtype=jnp.float32) * s
    b2p = jnp.zeros((D_HID,), dtype=jnp.float32)
    W2l = jax.random.normal(ks[6], (D_HID, D_OUT), dtype=jnp.float32) * s
    b2l = jnp.zeros((D_OUT,), dtype=jnp.float32)
    W2r = jax.random.normal(ks[7], (D_HID, D_OUT), dtype=jnp.float32) * s
    return {"node_emb": node_emb, "edge_index": edge_index,
            "W1p": W1p, "b1p": b1p, "W1l": W1l, "b1l": b1l, "W1r": W1r,
            "W2p": W2p, "b2p": b2p, "W2l": W2l, "b2l": b2l, "W2r": W2r}


def _sage_conv(x, edge_index, Wp, bp, Wl, bl, Wr):
    # PyG SAGEConv(aggr='mean', normalize=True, project=True, root_weight=True)
    src = edge_index[0]
    dst = edge_index[1]
    # project=True: x_j = relu(lin(x_j))
    xp = jax.nn.relu(x @ Wp + bp)
    # gather messages from src nodes
    msg = jnp.take(xp, src, axis=0)
    # mean aggregation by dst node (scatter-add + count)
    agg = jax.ops.segment_sum(msg, dst, num_segments=N)
    cnt = jax.ops.segment_sum(jnp.ones((msg.shape[0],), msg.dtype), dst, num_segments=N)
    mean = agg / jnp.maximum(cnt, 1.0)[:, None]
    # out = lin_l(mean) + lin_r(x_root)  (lin_r has no bias)
    out = mean @ Wl + bl + x @ Wr
    # normalize=True: L2 normalize along feature dim (F.normalize eps=1e-12)
    nrm = jnp.linalg.norm(out, axis=-1, keepdims=True)
    return out / jnp.maximum(nrm, 1e-12)


def reference(node_emb, edge_index, W1p, b1p, W1l, b1l, W1r, W2p, b2p, W2l, b2l, W2r):
    h = _sage_conv(node_emb, edge_index, W1p, b1p, W1l, b1l, W1r)
    h = jax.nn.relu(h)
    # dropout(p=0.5) is identity in eval mode
    h = _sage_conv(h, edge_index, W2p, b2p, W2l, b2l, W2r)
    return h

if __name__ == "__main__":
    import jax
    _d = setup_inputs()
    print(jax.jit(kernel)(*tuple(_d.values())))

</pallas_src>

<mosaic_0001>
#map = affine_map<(d0, d1) -> (0, 0)>
#map1 = affine_map<(d0, d1) -> (0, 0, 0)>
module attributes {stable_mosaic.version = 14 : i64} {
  func.func @body(%arg0: i32, %arg1: i32, %arg2: memref<10000x64xf32, #tpu.memory_space<hbm>>, %arg3: memref<10000x64xf32, #tpu.memory_space<hbm>>, %arg4: memref<2560x128xi32, #tpu.memory_space<hbm>>, %arg5: memref<2560x128xi32, #tpu.memory_space<hbm>>, %arg6: memref<640x64xf32, #tpu.memory_space<hbm>>, %arg7: memref<2x10240x64xf32, #tpu.memory_space<hbm>>, %arg8: memref<2x10240x64xf32, #tpu.memory_space<hbm>>, %arg9: memref<4x128xi32, #tpu.memory_space<vmem>>, %arg10: memref<4x128xi32, #tpu.memory_space<vmem>>, %arg11: memref<4x128xi32, #tpu.memory_space<vmem>>, %arg12: memref<4x128xi32, #tpu.memory_space<vmem>>, %arg13: memref<512x64xf32, #tpu.memory_space<vmem>>, %arg14: memref<512x64xf32, #tpu.memory_space<vmem>>, %arg15: memref<10240x64xf32, #tpu.memory_space<vmem_shared>>, %arg16: memref<!tpu.dma_semaphore, #tpu.memory_space<semaphore_mem>>, %arg17: memref<!tpu.dma_semaphore, #tpu.memory_space<semaphore_mem>>) attributes {dimension_semantics = [#tpu.dimension_semantics<core_parallel>, #tpu.dimension_semantics<subcore_parallel>], iteration_bounds = array<i64: 2, 16>, scalar_prefetch = 0 : i64, scratch_operands = 9 : i64, tpu.core_type = #tpu.core_type<sc_vector_subcore>, window_params = [{transform_indices = #map}, {transform_indices = #map}, {transform_indices = #map}, {transform_indices = #map}, {transform_indices = #map}, {transform_indices = #map1}, {transform_indices = #map1}]} {
    %eq3A = arith.constant 0 : i32
    %eq3A_0 = arith.cmpi eq, %arg0, %eq3A : i32
    %mul3A = arith.constant 152 : i32
    %mul3A_1 = arith.muli %arg1, %mul3A : i32
    %mul3A_2 = arith.constant 8 : i32
    %mul3A_3 = arith.muli %arg1, %mul3A_2 : i32
    %add3A = arith.constant 2432 : i32
    %add3A_4 = arith.addi %add3A, %mul3A_3 : i32
    %select_n3A = arith.select %eq3A_0, %mul3A_1, %add3A_4 : i32
    %eq3A_5 = arith.constant 0 : i32
    %eq3A_6 = arith.cmpi eq, %arg0, %eq3A_5 : i32
    %jit3A = arith.constant 19 : i32
    %jit3A_7 = arith.constant 1 : i32
    %select_n3A_8 = arith.select %eq3A_6, %jit3A, %jit3A_7 : i32
    %mul3A_9 = arith.constant 640 : i32
    %mul3A_10 = arith.muli %arg1, %mul3A_9 : i32
    "tpu.region"() ({
      %run_scoped3A = tpu.sem_alloc : memref<!tpu.dma_semaphore, #tpu.memory_space<semaphore_mem>>
      %dma_start3A = arith.constant 0 : i32
      %dma_start3A_50 = tpu.memref_slice %arg15[%mul3A_10, %dma_start3A] : memref<10240x64xf32, #tpu.memory_space<vmem_shared>> -> memref<640x64xf32, #tpu.memory_space<vmem_shared>>
      tpu.enqueue_dma source(%arg6 : memref<640x64xf32, #tpu.memory_space<hbm>>) target(%dma_start3A_50 : memref<640x64xf32, #tpu.memory_space<vmem_shared>>) target_semaphore(%run_scoped3A : memref<!tpu.dma_semaphore, #tpu.memory_space<semaphore_mem>>)
      %dma_wait3A = arith.constant 0 : i32
      %dma_wait3A_51 = tpu.memref_slice %arg15[%mul3A_10, %dma_wait3A] : memref<10240x64xf32, #tpu.memory_space<vmem_shared>> -> memref<640x64xf32, #tpu.memory_space<vmem_shared>>
      tpu.wait_dma2 semaphore(%run_scoped3A : memref<!tpu.dma_semaphore, #tpu.memory_space<semaphore_mem>>) src(%arg6 : memref<640x64xf32, #tpu.memory_space<hbm>>) dst(%dma_wait3A_51 : memref<640x64xf32, #tpu.memory_space<vmem_shared>>)
      tpu.yield
    }) : () -> ()
    %barrier3A = arith.constant 0 : index
    tpu.barrier barrier_id(%barrier3A)
    %add3A_11 = arith.constant 0 : i32
    %add3A_12 = arith.addi %select_n3A, %add3A_11 : i32
    "tpu.region"() ({
      %run_scoped3A = tpu.sem_alloc : memref<!tpu.dma_semaphore, #tpu.memory_space<semaphore_mem>>
      %dma_start3A = arith.constant 0 : i32
      %dma_start3A_50 = tpu.memref_slice %arg4[%add3A_12, %dma_start3A] : memref<2560x128xi32, #tpu.memory_space<hbm>> -> memref<4x128xi32, #tpu.memory_space<hbm>>
      %dma_start3A_51 = arith.constant 0 : i32
      %dma_start3A_52 = tpu.memref_slice %arg4[%add3A_12, %dma_start3A_51] : memref<2560x128xi32, #tpu.memory_space<hbm>> -> memref<4x128xi32, #tpu.memory_space<hbm>>
      tpu.enqueue_dma source(%dma_start3A_52 : memref<4x128xi32, #tpu.memory_space<hbm>>) target(%arg9 : memref<4x128xi32, #tpu.memory_space<vmem>>) target_semaphore(%run_scoped3A : memref<!tpu.dma_semaphore, #tpu.memory_space<semaphore_mem>>)
      %dma_wait3A = arith.constant 0 : i32
      %dma_wait3A_53 = tpu.memref_slice %arg4[%add3A_12, %dma_wait3A] : memref<2560x128xi32, #tpu.memory_space<hbm>> -> memref<4x128xi32, #tpu.memory_space<hbm>>
      %dma_wait3A_54 = arith.constant 0 : i32
      %dma_wait3A_55 = tpu.memref_slice %arg4[%add3A_12, %dma_wait3A_54] : memref<2560x128xi32, #tpu.memory_space<hbm>> -> memref<4x128xi32, #tpu.memory_space<hbm>>
      tpu.wait_dma2 semaphore(%run_scoped3A : memref<!tpu.dma_semaphore, #tpu.memory_space<semaphore_mem>>) src(%dma_wait3A_55 : memref<4x128xi32, #tpu.memory_space<hbm>>) dst(%arg9 : memref<4x128xi32, #tpu.memory_space<vmem>>)
      tpu.yield
    }) : () -> ()
    "tpu.region"() ({
      %run_scoped3A = tpu.sem_alloc : memref<!tpu.dma_semaphore, #tpu.memory_space<semaphore_mem>>
      %dma_start3A = arith.constant 0 : i32
      %dma_start3A_50 = tpu.memref_slice %arg5[%add3A_12, %dma_start3A] : memref<2560x128xi32, #tpu.memory_space<hbm>> -> memref<4x128xi32, #tpu.memory_space<hbm>>
      %dma_start3A_51 = arith.constant 0 : i32
      %dma_start3A_52 = tpu.memref_slice %arg5[%add3A_12, %dma_start3A_51] : memref<2560x128xi32, #tpu.memory_space<hbm>> -> memref<4x128xi32, #tpu.memory_space<hbm>>
      tpu.enqueue_dma source(%dma_start3A_52 : memref<4x128xi32, #tpu.memory_space<hbm>>) target(%arg10 : memref<4x128xi32, #tpu.memory_space<vmem>>) target_semaphore(%run_scoped3A : memref<!tpu.dma_semaphore, #tpu.memory_space<semaphore_mem>>)
      %dma_wait3A = arith.constant 0 : i32
      %dma_wait3A_53 = tpu.memref_slice %arg5[%add3A_12, %dma_wait3A] : memref<2560x128xi32, #tpu.memory_space<hbm>> -> memref<4x128xi32, #tpu.memory_space<hbm>>
      %dma_wait3A_54 = arith.constant 0 : i32
      %dma_wait3A_55 = tpu.memref_slice %arg5[%add3A_12, %dma_wait3A_54] : memref<2560x128xi32, #tpu.memory_space<hbm>> -> memref<4x128xi32, #tpu.memory_space<hbm>>
      tpu.wait_dma2 semaphore(%run_scoped3A : memref<!tpu.dma_semaphore, #tpu.memory_space<semaphore_mem>>) src(%dma_wait3A_55 : memref<4x128xi32, #tpu.memory_space<hbm>>) dst(%arg10 : memref<4x128xi32, #tpu.memory_space<vmem>>)
      tpu.yield
    }) : () -> ()
    %scan3A = arith.constant 0 : i32
    %scan3A_13 = arith.constant 0 : i32
    %scan3A_14 = arith.constant 4 : i32
    %scan3A_15 = arith.addi %scan3A_13, %scan3A_14 : i32
    %scan3A_16 = arith.constant 1 : i32
    scf.for %scan3A_50 = %scan3A_13 to %scan3A_15 step %scan3A_16  : i32 {
      %mul3A_51 = arith.constant 128 : i32
      %mul3A_52 = arith.muli %scan3A_50, %mul3A_51 : i32
      %dma_start3A = arith.constant 0 : i32
      %dma_start3A_53 = tpu.memref_slice %arg13[%mul3A_52, %dma_start3A] : memref<512x64xf32, #tpu.memory_space<vmem>> -> memref<128x64xf32, #tpu.memory_space<vmem>>
      %dma_start3A_54 = arith.constant 0 : i32
      %dma_start3A_55 = tpu.memref_slice %arg9[%scan3A_50, %dma_start3A_54] : memref<4x128xi32, #tpu.memory_space<vmem>> -> memref<1x128xi32, #tpu.memory_space<vmem>>
      %dma_start3A_56 = tpu.memref_squeeze %dma_start3A_55 : memref<1x128xi32, #tpu.memory_space<vmem>> -> memref<128xi32, #tpu.memory_space<vmem>>
      %dma_start3A_57 = arith.constant 0 : i32
      %dma_start3A_58 = arith.constant 0 : i32
      %dma_start3A_59 = tpu.memref_slice %arg2[%dma_start3A_57, %dma_start3A_58] : memref<10000x64xf32, #tpu.memory_space<hbm>> -> memref<10000x64xf32, #tpu.memory_space<hbm>>
      tpu.enqueue_indirect_dma source(%dma_start3A_59 : memref<10000x64xf32, #tpu.memory_space<hbm>>) target(%dma_start3A_53 : memref<128x64xf32, #tpu.memory_space<vmem>>) offsets(%dma_start3A_56 : memref<128xi32, #tpu.memory_space<vmem>>) semaphore(%arg16 : memref<!tpu.dma_semaphore, #tpu.memory_space<semaphore_mem>>)
    }
    %scan3A_17 = arith.constant 4 : i32
    %while3A = arith.constant 0 : i32
    %while3A_18 = arith.constant 0 : i32
    %while3A_19 = arith.subi %select_n3A_8, %while3A_18 : i32
    %while3A_20 = arith.addi %while3A_18, %while3A_19 : i32
    %while3A_21 = arith.constant 1 : i32
    %while3A_22 = arith.divsi %while3A_19, %while3A_21 : i32
    %while3A_23 = arith.muli %while3A_22, %while3A_21 : i32
    %while3A_24 = arith.addi %while3A_18, %while3A_23 : i32
    %while3A_25 = arith.constant 1 : i32
    scf.for %while3A_50 = %while3A_18 to %while3A_24 step %while3A_25  : i32 {
      %mul3A_51 = arith.constant 2 : i32
      %mul3A_52 = arith.muli %mul3A_51, %while3A_50 : i32
      %add3A_53 = arith.constant 1 : i32
      %add3A_54 = arith.addi %mul3A_52, %add3A_53 : i32
      %mul3A_55 = arith.constant 4 : i32
      %mul3A_56 = arith.muli %add3A_54, %mul3A_55 : i32
      %add3A_57 = arith.addi %select_n3A, %mul3A_56 : i32
      "tpu.region"() ({
        %run_scoped3A = tpu.sem_alloc : memref<!tpu.dma_semaphore, #tpu.memory_space<semaphore_mem>>
        %dma_start3A = arith.constant 0 : i32
        %dma_start3A_89 = tpu.memref_slice %arg4[%add3A_57, %dma_start3A] : memref<2560x128xi32, #tpu.memory_space<hbm>> -> memref<4x128xi32, #tpu.memory_space<hbm>>
        %dma_start3A_90 = arith.constant 0 : i32
        %dma_start3A_91 = tpu.memref_slice %arg4[%add3A_57, %dma_start3A_90] : memref<2560x128xi32, #tpu.memory_space<hbm>> -> memref<4x128xi32, #tpu.memory_space<hbm>>
        tpu.enqueue_dma source(%dma_start3A_91 : memref<4x128xi32, #tpu.memory_space<hbm>>) target(%arg11 : memref<4x128xi32, #tpu.memory_space<vmem>>) target_semaphore(%run_scoped3A : memref<!tpu.dma_semaphore, #tpu.memory_space<semaphore_mem>>)
        %dma_wait3A_92 = arith.constant 0 : i32
        %dma_wait3A_93 = tpu.memref_slice %arg4[%add3A_57, %dma_wait3A_92] : memref<2560x128xi32, #tpu.memory_space<hbm>> -> memref<4x128xi32, #tpu.memory_space<hbm>>
        %dma_wait3A_94 = arith.constant 0 : i32
        %dma_wait3A_95 = tpu.memref_slice %arg4[%add3A_57, %dma_wait3A_94] : memref<2560x128xi32, #tpu.memory_space<hbm>> -> memref<4x128xi32, #tpu.memory_space<hbm>>
        tpu.wait_dma2 semaphore(%run_scoped3A : memref<!tpu.dma_semaphore, #tpu.memory_space<semaphore_mem>>) src(%dma_wait3A_95 : memref<4x128xi32, #tpu.memory_space<hbm>>) dst(%arg11 : memref<4x128xi32, #tpu.memory_space<vmem>>)
        tpu.yield
      }) : () -> ()
      "tpu.region"() ({
        %run_scoped3A = tpu.sem_alloc : memref<!tpu.dma_semaphore, #tpu.memory_space<semaphore_mem>>
        %dma_start3A = arith.constant 0 : i32
        %dma_start3A_89 = tpu.memref_slice %arg5[%add3A_57, %dma_start3A] : memref<2560x128xi32, #tpu.memory_space<hbm>> -> memref<4x128xi32, #tpu.memory_space<hbm>>
        %dma_start3A_90 = arith.constant 0 : i32
        %dma_start3A_91 = tpu.memref_slice %arg5[%add3A_57, %dma_start3A_90] : memref<2560x128xi32, #tpu.memory_space<hbm>> -> memref<4x128xi32, #tpu.memory_space<hbm>>
        tpu.enqueue_dma source(%dma_start3A_91 : memref<4x128xi32, #tpu.memory_space<hbm>>) target(%arg12 : memref<4x128xi32, #tpu.memory_space<vmem>>) target_semaphore(%run_scoped3A : memref<!tpu.dma_semaphore, #tpu.memory_space<semaphore_mem>>)
        %dma_wait3A_92 = arith.constant 0 : i32
        %dma_wait3A_93 = tpu.memref_slice %arg5[%add3A_57, %dma_wait3A_92] : memref<2560x128xi32, #tpu.memory_space<hbm>> -> memref<4x128xi32, #tpu.memory_space<hbm>>
        %dma_wait3A_94 = arith.constant 0 : i32
        %dma_wait3A_95 = tpu.memref_slice %arg5[%add3A_57, %dma_wait3A_94] : memref<2560x128xi32, #tpu.memory_space<hbm>> -> memref<4x128xi32, #tpu.memory_space<hbm>>
        tpu.wait_dma2 semaphore(%run_scoped3A : memref<!tpu.dma_semaphore, #tpu.memory_space<semaphore_mem>>) src(%dma_wait3A_95 : memref<4x128xi32, #tpu.memory_space<hbm>>) dst(%arg12 : memref<4x128xi32, #tpu.memory_space<vmem>>)
        tpu.yield
      }) : () -> ()
      %scan3A_58 = arith.constant 0 : i32
      %scan3A_59 = arith.constant 0 : i32
      %scan3A_60 = arith.constant 4 : i32
      %scan3A_61 = arith.addi %scan3A_59, %scan3A_60 : i32
      %scan3A_62 = arith.constant 1 : i32
      scf.for %scan3A_89 = %scan3A_59 to %scan3A_61 step %scan3A_62  : i32 {
        %mul3A_90 = arith.constant 128 : i32
        %mul3A_91 = arith.muli %scan3A_89, %mul3A_90 : i32
        %dma_start3A = arith.constant 0 : i32
        %dma_start3A_92 = tpu.memref_slice %arg14[%mul3A_91, %dma_start3A] : memref<512x64xf32, #tpu.memory_space<vmem>> -> memref<128x64xf32, #tpu.memory_space<vmem>>
        %dma_start3A_93 = arith.constant 0 : i32
        %dma_start3A_94 = tpu.memref_slice %arg11[%scan3A_89, %dma_start3A_93] : memref<4x128xi32, #tpu.memory_space<vmem>> -> memref<1x128xi32, #tpu.memory_space<vmem>>
        %dma_start3A_95 = tpu.memref_squeeze %dma_start3A_94 : memref<1x128xi32, #tpu.memory_space<vmem>> -> memref<128xi32, #tpu.memory_space<vmem>>
        %dma_start3A_96 = arith.constant 0 : i32
        %dma_start3A_97 = arith.constant 0 : i32
        %dma_start3A_98 = tpu.memref_slice %arg2[%dma_start3A_96, %dma_start3A_97] : memref<10000x64xf32, #tpu.memory_space<hbm>> -> memref<10000x64xf32, #tpu.memory_space<hbm>>
        tpu.enqueue_indirect_dma source(%dma_start3A_98 : memref<10000x64xf32, #tpu.memory_space<hbm>>) target(%dma_start3A_92 : memref<128x64xf32, #tpu.memory_space<vmem>>) offsets(%dma_start3A_95 : memref<128xi32, #tpu.memory_space<vmem>>) semaphore(%arg17 : memref<!tpu.dma_semaphore, #tpu.memory_space<semaphore_mem>>)
      }
      %scan3A_63 = arith.constant 4 : i32
      %dma_wait3A = arith.constant 0 : i32
      %dma_wait3A_64 = arith.constant 0 : i32
      %dma_wait3A_65 = tpu.memref_slice %arg2[%dma_wait3A, %dma_wait3A_64] : memref<10000x64xf32, #tpu.memory_space<hbm>> -> memref<512x64xf32, #tpu.memory_space<hbm>>
      %dma_wait3A_66 = arith.constant 0 : i32
      %dma_wait3A_67 = arith.constant 0 : i32
      %dma_wait3A_68 = tpu.memref_slice %arg2[%dma_wait3A_66, %dma_wait3A_67] : memref<10000x64xf32, #tpu.memory_space<hbm>> -> memref<512x64xf32, #tpu.memory_space<hbm>>
      tpu.wait_dma2 semaphore(%arg16 : memref<!tpu.dma_semaphore, #tpu.memory_space<semaphore_mem>>) src(%dma_wait3A_68 : memref<512x64xf32, #tpu.memory_space<hbm>>) dst(%arg13 : memref<512x64xf32, #tpu.memory_space<vmem>>)
      %scan3A_69 = arith.constant 0 : i32
      %scan3A_70 = arith.constant 0 : i32
      %scan3A_71 = arith.constant 4 : i32
      %scan3A_72 = arith.addi %scan3A_70, %scan3A_71 : i32
      %scan3A_73 = arith.constant 1 : i32
      scf.for %scan3A_89 = %scan3A_70 to %scan3A_72 step %scan3A_73  : i32 {
        %mul3A_90 = arith.constant 128 : i32
        %mul3A_91 = arith.muli %scan3A_89, %mul3A_90 : i32
        "tpu.region"() ({
          %run_scoped3A = tpu.sem_alloc : memref<!tpu.dma_semaphore, #tpu.memory_space<semaphore_mem>>
          %dma_start3A = arith.constant 0 : i32
          %dma_start3A_92 = tpu.memref_slice %arg13[%mul3A_91, %dma_start3A] : memref<512x64xf32, #tpu.memory_space<vmem>> -> memref<128x64xf32, #tpu.memory_space<vmem>>
          %dma_start3A_93 = arith.constant 0 : i32
          %dma_start3A_94 = tpu.memref_slice %arg10[%scan3A_89, %dma_start3A_93] : memref<4x128xi32, #tpu.memory_space<vmem>> -> memref<1x128xi32, #tpu.memory_space<vmem>>
          %dma_start3A_95 = tpu.memref_squeeze %dma_start3A_94 : memref<1x128xi32, #tpu.memory_space<vmem>> -> memref<128xi32, #tpu.memory_space<vmem>>
          %dma_start3A_96 = arith.constant 0 : i32
          %dma_start3A_97 = arith.constant 0 : i32
          %dma_start3A_98 = tpu.memref_slice %arg15[%dma_start3A_96, %dma_start3A_97] : memref<10240x64xf32, #tpu.memory_space<vmem_shared>> -> memref<10240x64xf32, #tpu.memory_space<vmem_shared>>
          tpu.enqueue_indirect_dma source(%dma_start3A_92 : memref<128x64xf32, #tpu.memory_space<vmem>>) target(%dma_start3A_98 : memref<10240x64xf32, #tpu.memory_space<vmem_shared>>) offsets(%dma_start3A_95 : memref<128xi32, #tpu.memory_space<vmem>>) semaphore(%run_scoped3A : memref<!tpu.dma_semaphore, #tpu.memory_space<semaphore_mem>>) {add = true}
          %dma_wait3A_99 = arith.constant 0 : i32
          %dma_wait3A_100 = tpu.memref_slice %arg13[%mul3A_91, %dma_wait3A_99] : memref<512x64xf32, #tpu.memory_space<vmem>> -> memref<128x64xf32, #tpu.memory_space<vmem>>
          %dma_wait3A_101 = arith.constant 0 : i32
          %dma_wait3A_102 = tpu.memref_slice %arg10[%scan3A_89, %dma_wait3A_101] : memref<4x128xi32, #tpu.memory_space<vmem>> -> memref<1x128xi32, #tpu.memory_space<vmem>>
          %dma_wait3A_103 = tpu.memref_squeeze %dma_wait3A_102 : memref<1x128xi32, #tpu.memory_space<vmem>> -> memref<128xi32, #tpu.memory_space<vmem>>
          %dma_wait3A_104 = arith.constant 0 : i32
          %dma_wait3A_105 = arith.constant 0 : i32
          %dma_wait3A_106 = tpu.memref_slice %arg15[%dma_wait3A_104, %dma_wait3A_105] : memref<10240x64xf32, #tpu.memory_space<vmem_shared>> -> memref<10240x64xf32, #tpu.memory_space<vmem_shared>>
          tpu.wait_indirect_dma semaphore(%run_scoped3A : memref<!tpu.dma_semaphore, #tpu.memory_space<semaphore_mem>>) src(%dma_wait3A_100 : memref<128x64xf32, #tpu.memory_space<vmem>>) dst(%dma_wait3A_106 : memref<10240x64xf32, #tpu.memory_space<vmem_shared>>)
          tpu.yield
        }) : () -> ()
      }
      %scan3A_74 = arith.constant 4 : i32
      %sub3A = arith.constant 1 : i32
      %sub3A_75 = arith.subi %select_n3A_8, %sub3A : i32
      %lt3A = arith.cmpi slt, %while3A_50, %sub3A_75 : i32
      %convert_element_type3A = arith.extui %lt3A : i1 to i32
      %cond3A = arith.constant 0 : i32
      %cond3A_76 = arith.cmpi ne, %convert_element_type3A, %cond3A : i32
      scf.if %cond3A_76 {
        %add3A_89 = arith.constant 2 : i32
        %add3A_90 = arith.addi %mul3A_52, %add3A_89 : i32
        %mul3A_91 = arith.constant 4 : i32
        %mul3A_92 = arith.muli %add3A_90, %mul3A_91 : i32
        %add3A_93 = arith.addi %select_n3A, %mul3A_92 : i32
        "tpu.region"() ({
          %run_scoped3A = tpu.sem_alloc : memref<!tpu.dma_semaphore, #tpu.memory_space<semaphore_mem>>
          %dma_start3A = arith.constant 0 : i32
          %dma_start3A_100 = tpu.memref_slice %arg4[%add3A_93, %dma_start3A] : memref<2560x128xi32, #tpu.memory_space<hbm>> -> memref<4x128xi32, #tpu.memory_space<hbm>>
          %dma_start3A_101 = arith.constant 0 : i32
          %dma_start3A_102 = tpu.memref_slice %arg4[%add3A_93, %dma_start3A_101] : memref<2560x128xi32, #tpu.memory_space<hbm>> -> memref<4x128xi32, #tpu.memory_space<hbm>>
          tpu.enqueue_dma source(%dma_start3A_102 : memref<4x128xi32, #tpu.memory_space<hbm>>) target(%arg9 : memref<4x128xi32, #tpu.memory_space<vmem>>) target_semaphore(%run_scoped3A : memref<!tpu.dma_semaphore, #tpu.memory_space<semaphore_mem>>)
          %dma_wait3A_103 = arith.constant 0 : i32
          %dma_wait3A_104 = tpu.memref_slice %arg4[%add3A_93, %dma_wait3A_103] : memref<2560x128xi32, #tpu.memory_space<hbm>> -> memref<4x128xi32, #tpu.memory_space<hbm>>
          %dma_wait3A_105 = arith.constant 0 : i32
          %dma_wait3A_106 = tpu.memref_slice %arg4[%add3A_93, %dma_wait3A_105] : memref<2560x128xi32, #tpu.memory_space<hbm>> -> memref<4x128xi32, #tpu.memory_space<hbm>>
          tpu.wait_dma2 semaphore(%run_scoped3A : memref<!tpu.dma_semaphore, #tpu.memory_space<semaphore_mem>>) src(%dma_wait3A_106 : memref<4x128xi32, #tpu.memory_space<hbm>>) dst(%arg9 : memref<4x128xi32, #tpu.memory_space<vmem>>)
          tpu.yield
        }) : () -> ()
        "tpu.region"() ({
          %run_scoped3A = tpu.sem_alloc : memref<!tpu.dma_semaphore, #tpu.memory_space<semaphore_mem>>
          %dma_start3A = arith.constant 0 : i32
          %dma_start3A_100 = tpu.memref_slice %arg5[%add3A_93, %dma_start3A] : memref<2560x128xi32, #tpu.memory_space<hbm>> -> memref<4x128xi32, #tpu.memory_space<hbm>>
          %dma_start3A_101 = arith.constant 0 : i32
          %dma_start3A_102 = tpu.memref_slice %arg5[%add3A_93, %dma_start3A_101] : memref<2560x128xi32, #tpu.memory_space<hbm>> -> memref<4x128xi32, #tpu.memory_space<hbm>>
          tpu.enqueue_dma source(%dma_start3A_102 : memref<4x128xi32, #tpu.memory_space<hbm>>) target(%arg10 : memref<4x128xi32, #tpu.memory_space<vmem>>) target_semaphore(%run_scoped3A : memref<!tpu.dma_semaphore, #tpu.memory_space<semaphore_mem>>)
          %dma_wait3A_103 = arith.constant 0 : i32
          %dma_wait3A_104 = tpu.memref_slice %arg5[%add3A_93, %dma_wait3A_103] : memref<2560x128xi32, #tpu.memory_space<hbm>> -> memref<4x128xi32, #tpu.memory_space<hbm>>
          %dma_wait3A_105 = arith.constant 0 : i32
          %dma_wait3A_106 = tpu.memref_slice %arg5[%add3A_93, %dma_wait3A_105] : memref<2560x128xi32, #tpu.memory_space<hbm>> -> memref<4x128xi32, #tpu.memory_space<hbm>>
          tpu.wait_dma2 semaphore(%run_scoped3A : memref<!tpu.dma_semaphore, #tpu.memory_space<semaphore_mem>>) src(%dma_wait3A_106 : memref<4x128xi32, #tpu.memory_space<hbm>>) dst(%arg10 : memref<4x128xi32, #tpu.memory_space<vmem>>)
          tpu.yield
        }) : () -> ()
        %scan3A_94 = arith.constant 0 : i32
        %scan3A_95 = arith.constant 0 : i32
        %scan3A_96 = arith.constant 4 : i32
        %scan3A_97 = arith.addi %scan3A_95, %scan3A_96 : i32
        %scan3A_98 = arith.constant 1 : i32
        scf.for %scan3A_100 = %scan3A_95 to %scan3A_97 step %scan3A_98  : i32 {
          %mul3A_101 = arith.constant 128 : i32
          %mul3A_102 = arith.muli %scan3A_100, %mul3A_101 : i32
          %dma_start3A = arith.constant 0 : i32
          %dma_start3A_103 = tpu.memref_slice %arg13[%mul3A_102, %dma_start3A] : memref<512x64xf32, #tpu.memory_space<vmem>> -> memref<128x64xf32, #tpu.memory_space<vmem>>
          %dma_start3A_104 = arith.constant 0 : i32
          %dma_start3A_105 = tpu.memref_slice %arg9[%scan3A_100, %dma_start3A_104] : memref<4x128xi32, #tpu.memory_space<vmem>> -> memref<1x128xi32, #tpu.memory_space<vmem>>
          %dma_start3A_106 = tpu.memref_squeeze %dma_start3A_105 : memref<1x128xi32, #tpu.memory_space<vmem>> -> memref<128xi32, #tpu.memory_space<vmem>>
          %dma_start3A_107 = arith.constant 0 : i32
          %dma_start3A_108 = arith.constant 0 : i32
          %dma_start3A_109 = tpu.memref_slice %arg2[%dma_start3A_107, %dma_start3A_108] : memref<10000x64xf32, #tpu.memory_space<hbm>> -> memref<10000x64xf32, #tpu.memory_space<hbm>>
          tpu.enqueue_indirect_dma source(%dma_start3A_109 : memref<10000x64xf32, #tpu.memory_space<hbm>>) target(%dma_start3A_103 : memref<128x64xf32, #tpu.memory_space<vmem>>) offsets(%dma_start3A_106 : memref<128xi32, #tpu.memory_space<vmem>>) semaphore(%arg16 : memref<!tpu.dma_semaphore, #tpu.memory_space<semaphore_mem>>)
        }
        %scan3A_99 = arith.constant 4 : i32
      } else {
      }
      %dma_wait3A_77 = arith.constant 0 : i32
      %dma_wait3A_78 = arith.constant 0 : i32
      %dma_wait3A_79 = tpu.memref_slice %arg2[%dma_wait3A_77, %dma_wait3A_78] : memref<10000x64xf32, #tpu.memory_space<hbm>> -> memref<512x64xf32, #tpu.memory_space<hbm>>
      %dma_wait3A_80 = arith.constant 0 : i32
      %dma_wait3A_81 = arith.constant 0 : i32
      %dma_wait3A_82 = tpu.memref_slice %arg2[%dma_wait3A_80, %dma_wait3A_81] : memref<10000x64xf32, #tpu.memory_space<hbm>> -> memref<512x64xf32, #tpu.memory_space<hbm>>
      tpu.wait_dma2 semaphore(%arg17 : memref<!tpu.dma_semaphore, #tpu.memory_space<semaphore_mem>>) src(%dma_wait3A_82 : memref<512x64xf32, #tpu.memory_space<hbm>>) dst(%arg14 : memref<512x64xf32, #tpu.memory_space<vmem>>)
      %scan3A_83 = arith.constant 0 : i32
      %scan3A_84 = arith.constant 0 : i32
      %scan3A_85 = arith.constant 4 : i32
      %scan3A_86 = arith.addi %scan3A_84, %scan3A_85 : i32
      %scan3A_87 = arith.constant 1 : i32
      scf.for %scan3A_89 = %scan3A_84 to %scan3A_86 step %scan3A_87  : i32 {
        %mul3A_90 = arith.constant 128 : i32
        %mul3A_91 = arith.muli %scan3A_89, %mul3A_90 : i32
        "tpu.region"() ({
          %run_scoped3A = tpu.sem_alloc : memref<!tpu.dma_semaphore, #tpu.memory_space<semaphore_mem>>
          %dma_start3A = arith.constant 0 : i32
          %dma_start3A_92 = tpu.memref_slice %arg14[%mul3A_91, %dma_start3A] : memref<512x64xf32, #tpu.memory_space<vmem>> -> memref<128x64xf32, #tpu.memory_space<vmem>>
          %dma_start3A_93 = arith.constant 0 : i32
          %dma_start3A_94 = tpu.memref_slice %arg12[%scan3A_89, %dma_start3A_93] : memref<4x128xi32, #tpu.memory_space<vmem>> -> memref<1x128xi32, #tpu.memory_space<vmem>>
          %dma_start3A_95 = tpu.memref_squeeze %dma_start3A_94 : memref<1x128xi32, #tpu.memory_space<vmem>> -> memref<128xi32, #tpu.memory_space<vmem>>
          %dma_start3A_96 = arith.constant 0 : i32
          %dma_start3A_97 = arith.constant 0 : i32
          %dma_start3A_98 = tpu.memref_slice %arg15[%dma_start3A_96, %dma_start3A_97] : memref<10240x64xf32, #tpu.memory_space<vmem_shared>> -> memref<10240x64xf32, #tpu.memory_space<vmem_shared>>
          tpu.enqueue_indirect_dma source(%dma_start3A_92 : memref<128x64xf32, #tpu.memory_space<vmem>>) target(%dma_start3A_98 : memref<10240x64xf32, #tpu.memory_space<vmem_shared>>) offsets(%dma_start3A_95 : memref<128xi32, #tpu.memory_space<vmem>>) semaphore(%run_scoped3A : memref<!tpu.dma_semaphore, #tpu.memory_space<semaphore_mem>>) {add = true}
          %dma_wait3A_99 = arith.constant 0 : i32
          %dma_wait3A_100 = tpu.memref_slice %arg14[%mul3A_91, %dma_wait3A_99] : memref<512x64xf32, #tpu.memory_space<vmem>> -> memref<128x64xf32, #tpu.memory_space<vmem>>
          %dma_wait3A_101 = arith.constant 0 : i32
          %dma_wait3A_102 = tpu.memref_slice %arg12[%scan3A_89, %dma_wait3A_101] : memref<4x128xi32, #tpu.memory_space<vmem>> -> memref<1x128xi32, #tpu.memory_space<vmem>>
          %dma_wait3A_103 = tpu.memref_squeeze %dma_wait3A_102 : memref<1x128xi32, #tpu.memory_space<vmem>> -> memref<128xi32, #tpu.memory_space<vmem>>
          %dma_wait3A_104 = arith.constant 0 : i32
          %dma_wait3A_105 = arith.constant 0 : i32
          %dma_wait3A_106 = tpu.memref_slice %arg15[%dma_wait3A_104, %dma_wait3A_105] : memref<10240x64xf32, #tpu.memory_space<vmem_shared>> -> memref<10240x64xf32, #tpu.memory_space<vmem_shared>>
          tpu.wait_indirect_dma semaphore(%run_scoped3A : memref<!tpu.dma_semaphore, #tpu.memory_space<semaphore_mem>>) src(%dma_wait3A_100 : memref<128x64xf32, #tpu.memory_space<vmem>>) dst(%dma_wait3A_106 : memref<10240x64xf32, #tpu.memory_space<vmem_shared>>)
          tpu.yield
        }) : () -> ()
      }
      %scan3A_88 = arith.constant 4 : i32
    }
    %while3A_26 = arith.constant 1 : i32
    scf.for %while3A_50 = %while3A_24 to %while3A_20 step %while3A_26  : i32 {
      %mul3A_51 = arith.constant 2 : i32
      %mul3A_52 = arith.muli %mul3A_51, %while3A_50 : i32
      %add3A_53 = arith.constant 1 : i32
      %add3A_54 = arith.addi %mul3A_52, %add3A_53 : i32
      %mul3A_55 = arith.constant 4 : i32
      %mul3A_56 = arith.muli %add3A_54, %mul3A_55 : i32
      %add3A_57 = arith.addi %select_n3A, %mul3A_56 : i32
      "tpu.region"() ({
        %run_scoped3A = tpu.sem_alloc : memref<!tpu.dma_semaphore, #tpu.memory_space<semaphore_mem>>
        %dma_start3A = arith.constant 0 : i32
        %dma_start3A_89 = tpu.memref_slice %arg4[%add3A_57, %dma_start3A] : memref<2560x128xi32, #tpu.memory_space<hbm>> -> memref<4x128xi32, #tpu.memory_space<hbm>>
        %dma_start3A_90 = arith.constant 0 : i32
        %dma_start3A_91 = tpu.memref_slice %arg4[%add3A_57, %dma_start3A_90] : memref<2560x128xi32, #tpu.memory_space<hbm>> -> memref<4x128xi32, #tpu.memory_space<hbm>>
        tpu.enqueue_dma source(%dma_start3A_91 : memref<4x128xi32, #tpu.memory_space<hbm>>) target(%arg11 : memref<4x128xi32, #tpu.memory_space<vmem>>) target_semaphore(%run_scoped3A : memref<!tpu.dma_semaphore, #tpu.memory_space<semaphore_mem>>)
        %dma_wait3A_92 = arith.constant 0 : i32
        %dma_wait3A_93 = tpu.memref_slice %arg4[%add3A_57, %dma_wait3A_92] : memref<2560x128xi32, #tpu.memory_space<hbm>> -> memref<4x128xi32, #tpu.memory_space<hbm>>
        %dma_wait3A_94 = arith.constant 0 : i32
        %dma_wait3A_95 = tpu.memref_slice %arg4[%add3A_57, %dma_wait3A_94] : memref<2560x128xi32, #tpu.memory_space<hbm>> -> memref<4x128xi32, #tpu.memory_space<hbm>>
        tpu.wait_dma2 semaphore(%run_scoped3A : memref<!tpu.dma_semaphore, #tpu.memory_space<semaphore_mem>>) src(%dma_wait3A_95 : memref<4x128xi32, #tpu.memory_space<hbm>>) dst(%arg11 : memref<4x128xi32, #tpu.memory_space<vmem>>)
        tpu.yield
      }) : () -> ()
      "tpu.region"() ({
        %run_scoped3A = tpu.sem_alloc : memref<!tpu.dma_semaphore, #tpu.memory_space<semaphore_mem>>
        %dma_start3A = arith.constant 0 : i32
        %dma_start3A_89 = tpu.memref_slice %arg5[%add3A_57, %dma_start3A] : memref<2560x128xi32, #tpu.memory_space<hbm>> -> memref<4x128xi32, #tpu.memory_space<hbm>>
        %dma_start3A_90 = arith.constant 0 : i32
        %dma_start3A_91 = tpu.memref_slice %arg5[%add3A_57, %dma_start3A_90] : memref<2560x128xi32, #tpu.memory_space<hbm>> -> memref<4x128xi32, #tpu.memory_space<hbm>>
        tpu.enqueue_dma source(%dma_start3A_91 : memref<4x128xi32, #tpu.memory_space<hbm>>) target(%arg12 : memref<4x128xi32, #tpu.memory_space<vmem>>) target_semaphore(%run_scoped3A : memref<!tpu.dma_semaphore, #tpu.memory_space<semaphore_mem>>)
        %dma_wait3A_92 = arith.constant 0 : i32
        %dma_wait3A_93 = tpu.memref_slice %arg5[%add3A_57, %dma_wait3A_92] : memref<2560x128xi32, #tpu.memory_space<hbm>> -> memref<4x128xi32, #tpu.memory_space<hbm>>
        %dma_wait3A_94 = arith.constant 0 : i32
        %dma_wait3A_95 = tpu.memref_slice %arg5[%add3A_57, %dma_wait3A_94] : memref<2560x128xi32, #tpu.memory_space<hbm>> -> memref<4x128xi32, #tpu.memory_space<hbm>>
        tpu.wait_dma2 semaphore(%run_scoped3A : memref<!tpu.dma_semaphore, #tpu.memory_space<semaphore_mem>>) src(%dma_wait3A_95 : memref<4x128xi32, #tpu.memory_space<hbm>>) dst(%arg12 : memref<4x128xi32, #tpu.memory_space<vmem>>)
        tpu.yield
      }) : () -> ()
      %scan3A_58 = arith.constant 0 : i32
      %scan3A_59 = arith.constant 0 : i32
      %scan3A_60 = arith.constant 4 : i32
      %scan3A_61 = arith.addi %scan3A_59, %scan3A_60 : i32
      %scan3A_62 = arith.constant 1 : i32
      scf.for %scan3A_89 = %scan3A_59 to %scan3A_61 step %scan3A_62  : i32 {
        %mul3A_90 = arith.constant 128 : i32
        %mul3A_91 = arith.muli %scan3A_89, %mul3A_90 : i32
        %dma_start3A = arith.constant 0 : i32
        %dma_start3A_92 = tpu.memref_slice %arg14[%mul3A_91, %dma_start3A] : memref<512x64xf32, #tpu.memory_space<vmem>> -> memref<128x64xf32, #tpu.memory_space<vmem>>
        %dma_start3A_93 = arith.constant 0 : i32
        %dma_start3A_94 = tpu.memref_slice %arg11[%scan3A_89, %dma_start3A_93] : memref<4x128xi32, #tpu.memory_space<vmem>> -> memref<1x128xi32, #tpu.memory_space<vmem>>
        %dma_start3A_95 = tpu.memref_squeeze %dma_start3A_94 : memref<1x128xi32, #tpu.memory_space<vmem>> -> memref<128xi32, #tpu.memory_space<vmem>>
        %dma_start3A_96 = arith.constant 0 : i32
        %dma_start3A_97 = arith.constant 0 : i32
        %dma_start3A_98 = tpu.memref_slice %arg2[%dma_start3A_96, %dma_start3A_97] : memref<10000x64xf32, #tpu.memory_space<hbm>> -> memref<10000x64xf32, #tpu.memory_space<hbm>>
        tpu.enqueue_indirect_dma source(%dma_start3A_98 : memref<10000x64xf32, #tpu.memory_space<hbm>>) target(%dma_start3A_92 : memref<128x64xf32, #tpu.memory_space<vmem>>) offsets(%dma_start3A_95 : memref<128xi32, #tpu.memory_space<vmem>>) semaphore(%arg17 : memref<!tpu.dma_semaphore, #tpu.memory_space<semaphore_mem>>)
      }
      %scan3A_63 = arith.constant 4 : i32
      %dma_wait3A = arith.constant 0 : i32
      %dma_wait3A_64 = arith.constant 0 : i32
      %dma_wait3A_65 = tpu.memref_slice %arg2[%dma_wait3A, %dma_wait3A_64] : memref<10000x64xf32, #tpu.memory_space<hbm>> -> memref<512x64xf32, #tpu.memory_space<hbm>>
      %dma_wait3A_66 = arith.constant 0 : i32
      %dma_wait3A_67 = arith.constant 0 : i32
      %dma_wait3A_68 = tpu.memref_slice %arg2[%dma_wait3A_66, %dma_wait3A_67] : memref<10000x64xf32, #tpu.memory_space<hbm>> -> memref<512x64xf32, #tpu.memory_space<hbm>>
      tpu.wait_dma2 semaphore(%arg16 : memref<!tpu.dma_semaphore, #tpu.memory_space<semaphore_mem>>) src(%dma_wait3A_68 : memref<512x64xf32, #tpu.memory_space<hbm>>) dst(%arg13 : memref<512x64xf32, #tpu.memory_space<vmem>>)
      %scan3A_69 = arith.constant 0 : i32
      %scan3A_70 = arith.constant 0 : i32
      %scan3A_71 = arith.constant 4 : i32
      %scan3A_72 = arith.addi %scan3A_70, %scan3A_71 : i32
      %scan3A_73 = arith.constant 1 : i32
      scf.for %scan3A_89 = %scan3A_70 to %scan3A_72 step %scan3A_73  : i32 {
        %mul3A_90 = arith.constant 128 : i32
        %mul3A_91 = arith.muli %scan3A_89, %mul3A_90 : i32
        "tpu.region"() ({
          %run_scoped3A = tpu.sem_alloc : memref<!tpu.dma_semaphore, #tpu.memory_space<semaphore_mem>>
          %dma_start3A = arith.constant 0 : i32
          %dma_start3A_92 = tpu.memref_slice %arg13[%mul3A_91, %dma_start3A] : memref<512x64xf32, #tpu.memory_space<vmem>> -> memref<128x64xf32, #tpu.memory_space<vmem>>
          %dma_start3A_93 = arith.constant 0 : i32
          %dma_start3A_94 = tpu.memref_slice %arg10[%scan3A_89, %dma_start3A_93] : memref<4x128xi32, #tpu.memory_space<vmem>> -> memref<1x128xi32, #tpu.memory_space<vmem>>
          %dma_start3A_95 = tpu.memref_squeeze %dma_start3A_94 : memref<1x128xi32, #tpu.memory_space<vmem>> -> memref<128xi32, #tpu.memory_space<vmem>>
          %dma_start3A_96 = arith.constant 0 : i32
          %dma_start3A_97 = arith.constant 0 : i32
          %dma_start3A_98 = tpu.memref_slice %arg15[%dma_start3A_96, %dma_start3A_97] : memref<10240x64xf32, #tpu.memory_space<vmem_shared>> -> memref<10240x64xf32, #tpu.memory_space<vmem_shared>>
          tpu.enqueue_indirect_dma source(%dma_start3A_92 : memref<128x64xf32, #tpu.memory_space<vmem>>) target(%dma_start3A_98 : memref<10240x64xf32, #tpu.memory_space<vmem_shared>>) offsets(%dma_start3A_95 : memref<128xi32, #tpu.memory_space<vmem>>) semaphore(%run_scoped3A : memref<!tpu.dma_semaphore, #tpu.memory_space<semaphore_mem>>) {add = true}
          %dma_wait3A_99 = arith.constant 0 : i32
          %dma_wait3A_100 = tpu.memref_slice %arg13[%mul3A_91, %dma_wait3A_99] : memref<512x64xf32, #tpu.memory_space<vmem>> -> memref<128x64xf32, #tpu.memory_space<vmem>>
          %dma_wait3A_101 = arith.constant 0 : i32
          %dma_wait3A_102 = tpu.memref_slice %arg10[%scan3A_89, %dma_wait3A_101] : memref<4x128xi32, #tpu.memory_space<vmem>> -> memref<1x128xi32, #tpu.memory_space<vmem>>
          %dma_wait3A_103 = tpu.memref_squeeze %dma_wait3A_102 : memref<1x128xi32, #tpu.memory_space<vmem>> -> memref<128xi32, #tpu.memory_space<vmem>>
          %dma_wait3A_104 = arith.constant 0 : i32
          %dma_wait3A_105 = arith.constant 0 : i32
          %dma_wait3A_106 = tpu.memref_slice %arg15[%dma_wait3A_104, %dma_wait3A_105] : memref<10240x64xf32, #tpu.memory_space<vmem_shared>> -> memref<10240x64xf32, #tpu.memory_space<vmem_shared>>
          tpu.wait_indirect_dma semaphore(%run_scoped3A : memref<!tpu.dma_semaphore, #tpu.memory_space<semaphore_mem>>) src(%dma_wait3A_100 : memref<128x64xf32, #tpu.memory_space<vmem>>) dst(%dma_wait3A_106 : memref<10240x64xf32, #tpu.memory_space<vmem_shared>>)
          tpu.yield
        }) : () -> ()
      }
      %scan3A_74 = arith.constant 4 : i32
      %sub3A = arith.constant 1 : i32
      %sub3A_75 = arith.subi %select_n3A_8, %sub3A : i32
      %lt3A = arith.cmpi slt, %while3A_50, %sub3A_75 : i32
      %convert_element_type3A = arith.extui %lt3A : i1 to i32
      %cond3A = arith.constant 0 : i32
      %cond3A_76 = arith.cmpi ne, %convert_element_type3A, %cond3A : i32
      scf.if %cond3A_76 {
        %add3A_89 = arith.constant 2 : i32
        %add3A_90 = arith.addi %mul3A_52, %add3A_89 : i32
        %mul3A_91 = arith.constant 4 : i32
        %mul3A_92 = arith.muli %add3A_90, %mul3A_91 : i32
        %add3A_93 = arith.addi %select_n3A, %mul3A_92 : i32
        "tpu.region"() ({
          %run_scoped3A = tpu.sem_alloc : memref<!tpu.dma_semaphore, #tpu.memory_space<semaphore_mem>>
          %dma_start3A = arith.constant 0 : i32
          %dma_start3A_100 = tpu.memref_slice %arg4[%add3A_93, %dma_start3A] : memref<2560x128xi32, #tpu.memory_space<hbm>> -> memref<4x128xi32, #tpu.memory_space<hbm>>
          %dma_start3A_101 = arith.constant 0 : i32
          %dma_start3A_102 = tpu.memref_slice %arg4[%add3A_93, %dma_start3A_101] : memref<2560x128xi32, #tpu.memory_space<hbm>> -> memref<4x128xi32, #tpu.memory_space<hbm>>
          tpu.enqueue_dma source(%dma_start3A_102 : memref<4x128xi32, #tpu.memory_space<hbm>>) target(%arg9 : memref<4x128xi32, #tpu.memory_space<vmem>>) target_semaphore(%run_scoped3A : memref<!tpu.dma_semaphore, #tpu.memory_space<semaphore_mem>>)
          %dma_wait3A_103 = arith.constant 0 : i32
          %dma_wait3A_104 = tpu.memref_slice %arg4[%add3A_93, %dma_wait3A_103] : memref<2560x128xi32, #tpu.memory_space<hbm>> -> memref<4x128xi32, #tpu.memory_space<hbm>>
          %dma_wait3A_105 = arith.constant 0 : i32
          %dma_wait3A_106 = tpu.memref_slice %arg4[%add3A_93, %dma_wait3A_105] : memref<2560x128xi32, #tpu.memory_space<hbm>> -> memref<4x128xi32, #tpu.memory_space<hbm>>
          tpu.wait_dma2 semaphore(%run_scoped3A : memref<!tpu.dma_semaphore, #tpu.memory_space<semaphore_mem>>) src(%dma_wait3A_106 : memref<4x128xi32, #tpu.memory_space<hbm>>) dst(%arg9 : memref<4x128xi32, #tpu.memory_space<vmem>>)
          tpu.yield
        }) : () -> ()
        "tpu.region"() ({
          %run_scoped3A = tpu.sem_alloc : memref<!tpu.dma_semaphore, #tpu.memory_space<semaphore_mem>>
          %dma_start3A = arith.constant 0 : i32
          %dma_start3A_100 = tpu.memref_slice %arg5[%add3A_93, %dma_start3A] : memref<2560x128xi32, #tpu.memory_space<hbm>> -> memref<4x128xi32, #tpu.memory_space<hbm>>
          %dma_start3A_101 = arith.constant 0 : i32
          %dma_start3A_102 = tpu.memref_slice %arg5[%add3A_93, %dma_start3A_101] : memref<2560x128xi32, #tpu.memory_space<hbm>> -> memref<4x128xi32, #tpu.memory_space<hbm>>
          tpu.enqueue_dma source(%dma_start3A_102 : memref<4x128xi32, #tpu.memory_space<hbm>>) target(%arg10 : memref<4x128xi32, #tpu.memory_space<vmem>>) target_semaphore(%run_scoped3A : memref<!tpu.dma_semaphore, #tpu.memory_space<semaphore_mem>>)
          %dma_wait3A_103 = arith.constant 0 : i32
          %dma_wait3A_104 = tpu.memref_slice %arg5[%add3A_93, %dma_wait3A_103] : memref<2560x128xi32, #tpu.memory_space<hbm>> -> memref<4x128xi32, #tpu.memory_space<hbm>>
          %dma_wait3A_105 = arith.constant 0 : i32
          %dma_wait3A_106 = tpu.memref_slice %arg5[%add3A_93, %dma_wait3A_105] : memref<2560x128xi32, #tpu.memory_space<hbm>> -> memref<4x128xi32, #tpu.memory_space<hbm>>
          tpu.wait_dma2 semaphore(%run_scoped3A : memref<!tpu.dma_semaphore, #tpu.memory_space<semaphore_mem>>) src(%dma_wait3A_106 : memref<4x128xi32, #tpu.memory_space<hbm>>) dst(%arg10 : memref<4x128xi32, #tpu.memory_space<vmem>>)
          tpu.yield
        }) : () -> ()
        %scan3A_94 = arith.constant 0 : i32
        %scan3A_95 = arith.constant 0 : i32
        %scan3A_96 = arith.constant 4 : i32
        %scan3A_97 = arith.addi %scan3A_95, %scan3A_96 : i32
        %scan3A_98 = arith.constant 1 : i32
        scf.for %scan3A_100 = %scan3A_95 to %scan3A_97 step %scan3A_98  : i32 {
          %mul3A_101 = arith.constant 128 : i32
          %mul3A_102 = arith.muli %scan3A_100, %mul3A_101 : i32
          %dma_start3A = arith.constant 0 : i32
          %dma_start3A_103 = tpu.memref_slice %arg13[%mul3A_102, %dma_start3A] : memref<512x64xf32, #tpu.memory_space<vmem>> -> memref<128x64xf32, #tpu.memory_space<vmem>>
          %dma_start3A_104 = arith.constant 0 : i32
          %dma_start3A_105 = tpu.memref_slice %arg9[%scan3A_100, %dma_start3A_104] : memref<4x128xi32, #tpu.memory_space<vmem>> -> memref<1x128xi32, #tpu.memory_space<vmem>>
          %dma_start3A_106 = tpu.memref_squeeze %dma_start3A_105 : memref<1x128xi32, #tpu.memory_space<vmem>> -> memref<128xi32, #tpu.memory_space<vmem>>
          %dma_start3A_107 = arith.constant 0 : i32
          %dma_start3A_108 = arith.constant 0 : i32
          %dma_start3A_109 = tpu.memref_slice %arg2[%dma_start3A_107, %dma_start3A_108] : memref<10000x64xf32, #tpu.memory_space<hbm>> -> memref<10000x64xf32, #tpu.memory_space<hbm>>
          tpu.enqueue_indirect_dma source(%dma_start3A_109 : memref<10000x64xf32, #tpu.memory_space<hbm>>) target(%dma_start3A_103 : memref<128x64xf32, #tpu.memory_space<vmem>>) offsets(%dma_start3A_106 : memref<128xi32, #tpu.memory_space<vmem>>) semaphore(%arg16 : memref<!tpu.dma_semaphore, #tpu.memory_space<semaphore_mem>>)
        }
        %scan3A_99 = arith.constant 4 : i32
      } else {
      }
      %dma_wait3A_77 = arith.constant 0 : i32
      %dma_wait3A_78 = arith.constant 0 : i32
      %dma_wait3A_79 = tpu.memref_slice %arg2[%dma_wait3A_77, %dma_wait3A_78] : memref<10000x64xf32, #tpu.memory_space<hbm>> -> memref<512x64xf32, #tpu.memory_space<hbm>>
      %dma_wait3A_80 = arith.constant 0 : i32
      %dma_wait3A_81 = arith.constant 0 : i32
      %dma_wait3A_82 = tpu.memref_slice %arg2[%dma_wait3A_80, %dma_wait3A_81] : memref<10000x64xf32, #tpu.memory_space<hbm>> -> memref<512x64xf32, #tpu.memory_space<hbm>>
      tpu.wait_dma2 semaphore(%arg17 : memref<!tpu.dma_semaphore, #tpu.memory_space<semaphore_mem>>) src(%dma_wait3A_82 : memref<512x64xf32, #tpu.memory_space<hbm>>) dst(%arg14 : memref<512x64xf32, #tpu.memory_space<vmem>>)
      %scan3A_83 = arith.constant 0 : i32
      %scan3A_84 = arith.constant 0 : i32
      %scan3A_85 = arith.constant 4 : i32
      %scan3A_86 = arith.addi %scan3A_84, %scan3A_85 : i32
      %scan3A_87 = arith.constant 1 : i32
      scf.for %scan3A_89 = %scan3A_84 to %scan3A_86 step %scan3A_87  : i32 {
        %mul3A_90 = arith.constant 128 : i32
        %mul3A_91 = arith.muli %scan3A_89, %mul3A_90 : i32
        "tpu.region"() ({
          %run_scoped3A = tpu.sem_alloc : memref<!tpu.dma_semaphore, #tpu.memory_space<semaphore_mem>>
          %dma_start3A = arith.constant 0 : i32
          %dma_start3A_92 = tpu.memref_slice %arg14[%mul3A_91, %dma_start3A] : memref<512x64xf32, #tpu.memory_space<vmem>> -> memref<128x64xf32, #tpu.memory_space<vmem>>
          %dma_start3A_93 = arith.constant 0 : i32
          %dma_start3A_94 = tpu.memref_slice %arg12[%scan3A_89, %dma_start3A_93] : memref<4x128xi32, #tpu.memory_space<vmem>> -> memref<1x128xi32, #tpu.memory_space<vmem>>
          %dma_start3A_95 = tpu.memref_squeeze %dma_start3A_94 : memref<1x128xi32, #tpu.memory_space<vmem>> -> memref<128xi32, #tpu.memory_space<vmem>>
          %dma_start3A_96 = arith.constant 0 : i32
          %dma_start3A_97 = arith.constant 0 : i32
          %dma_start3A_98 = tpu.memref_slice %arg15[%dma_start3A_96, %dma_start3A_97] : memref<10240x64xf32, #tpu.memory_space<vmem_shared>> -> memref<10240x64xf32, #tpu.memory_space<vmem_shared>>
          tpu.enqueue_indirect_dma source(%dma_start3A_92 : memref<128x64xf32, #tpu.memory_space<vmem>>) target(%dma_start3A_98 : memref<10240x64xf32, #tpu.memory_space<vmem_shared>>) offsets(%dma_start3A_95 : memref<128xi32, #tpu.memory_space<vmem>>) semaphore(%run_scoped3A : memref<!tpu.dma_semaphore, #tpu.memory_space<semaphore_mem>>) {add = true}
          %dma_wait3A_99 = arith.constant 0 : i32
          %dma_wait3A_100 = tpu.memref_slice %arg14[%mul3A_91, %dma_wait3A_99] : memref<512x64xf32, #tpu.memory_space<vmem>> -> memref<128x64xf32, #tpu.memory_space<vmem>>
          %dma_wait3A_101 = arith.constant 0 : i32
          %dma_wait3A_102 = tpu.memref_slice %arg12[%scan3A_89, %dma_wait3A_101] : memref<4x128xi32, #tpu.memory_space<vmem>> -> memref<1x128xi32, #tpu.memory_space<vmem>>
          %dma_wait3A_103 = tpu.memref_squeeze %dma_wait3A_102 : memref<1x128xi32, #tpu.memory_space<vmem>> -> memref<128xi32, #tpu.memory_space<vmem>>
          %dma_wait3A_104 = arith.constant 0 : i32
          %dma_wait3A_105 = arith.constant 0 : i32
          %dma_wait3A_106 = tpu.memref_slice %arg15[%dma_wait3A_104, %dma_wait3A_105] : memref<10240x64xf32, #tpu.memory_space<vmem_shared>> -> memref<10240x64xf32, #tpu.memory_space<vmem_shared>>
          tpu.wait_indirect_dma semaphore(%run_scoped3A : memref<!tpu.dma_semaphore, #tpu.memory_space<semaphore_mem>>) src(%dma_wait3A_100 : memref<128x64xf32, #tpu.memory_space<vmem>>) dst(%dma_wait3A_106 : memref<10240x64xf32, #tpu.memory_space<vmem_shared>>)
          tpu.yield
        }) : () -> ()
      }
      %scan3A_88 = arith.constant 4 : i32
    }
    %barrier3A_27 = arith.constant 0 : index
    tpu.barrier barrier_id(%barrier3A_27)
    "tpu.region"() ({
      %run_scoped3A = tpu.sem_alloc : memref<!tpu.dma_semaphore, #tpu.memory_space<semaphore_mem>>
      %dma_start3A = arith.constant 0 : i32
      %dma_start3A_50 = tpu.memref_slice %arg7[%arg0, %mul3A_10, %dma_start3A] : memref<2x10240x64xf32, #tpu.memory_space<hbm>> -> memref<1x640x64xf32, #tpu.memory_space<hbm>>
      %dma_start3A_51 = tpu.memref_squeeze %dma_start3A_50 : memref<1x640x64xf32, #tpu.memory_space<hbm>> -> memref<640x64xf32, #tpu.memory_space<hbm>>
      %dma_start3A_52 = arith.constant 0 : i32
      %dma_start3A_53 = tpu.memref_slice %arg15[%mul3A_10, %dma_start3A_52] : memref<10240x64xf32, #tpu.memory_space<vmem_shared>> -> memref<640x64xf32, #tpu.memory_space<vmem_shared>>
      tpu.enqueue_dma source(%dma_start3A_53 : memref<640x64xf32, #tpu.memory_space<vmem_shared>>) target(%dma_start3A_51 : memref<640x64xf32, #tpu.memory_space<hbm>>) target_semaphore(%run_scoped3A : memref<!tpu.dma_semaphore, #tpu.memory_space<semaphore_mem>>)
      %dma_wait3A = arith.constant 0 : i32
      %dma_wait3A_54 = tpu.memref_slice %arg7[%arg0, %mul3A_10, %dma_wait3A] : memref<2x10240x64xf32, #tpu.memory_space<hbm>> -> memref<1x640x64xf32, #tpu.memory_space<hbm>>
      %dma_wait3A_55 = tpu.memref_squeeze %dma_wait3A_54 : memref<1x640x64xf32, #tpu.memory_space<hbm>> -> memref<640x64xf32, #tpu.memory_space<hbm>>
      %dma_wait3A_56 = arith.constant 0 : i32
      %dma_wait3A_57 = tpu.memref_slice %arg15[%mul3A_10, %dma_wait3A_56] : memref<10240x64xf32, #tpu.memory_space<vmem_shared>> -> memref<640x64xf32, #tpu.memory_space<vmem_shared>>
      tpu.wait_dma2 semaphore(%run_scoped3A : memref<!tpu.dma_semaphore, #tpu.memory_space<semaphore_mem>>) src(%dma_wait3A_57 : memref<640x64xf32, #tpu.memory_space<vmem_shared>>) dst(%dma_wait3A_55 : memref<640x64xf32, #tpu.memory_space<hbm>>)
      tpu.yield
    }) : () -> ()
    %barrier3A_28 = arith.constant 0 : index
    tpu.barrier barrier_id(%barrier3A_28)
    "tpu.region"() ({
      %run_scoped3A = tpu.sem_alloc : memref<!tpu.dma_semaphore, #tpu.memory_space<semaphore_mem>>
      %dma_start3A = arith.constant 0 : i32
      %dma_start3A_50 = tpu.memref_slice %arg15[%mul3A_10, %dma_start3A] : memref<10240x64xf32, #tpu.memory_space<vmem_shared>> -> memref<640x64xf32, #tpu.memory_space<vmem_shared>>
      tpu.enqueue_dma source(%arg6 : memref<640x64xf32, #tpu.memory_space<hbm>>) target(%dma_start3A_50 : memref<640x64xf32, #tpu.memory_space<vmem_shared>>) target_semaphore(%run_scoped3A : memref<!tpu.dma_semaphore, #tpu.memory_space<semaphore_mem>>)
      %dma_wait3A = arith.constant 0 : i32
      %dma_wait3A_51 = tpu.memref_slice %arg15[%mul3A_10, %dma_wait3A] : memref<10240x64xf32, #tpu.memory_space<vmem_shared>> -> memref<640x64xf32, #tpu.memory_space<vmem_shared>>
      tpu.wait_dma2 semaphore(%run_scoped3A : memref<!tpu.dma_semaphore, #tpu.memory_space<semaphore_mem>>) src(%arg6 : memref<640x64xf32, #tpu.memory_space<hbm>>) dst(%dma_wait3A_51 : memref<640x64xf32, #tpu.memory_space<vmem_shared>>)
      tpu.yield
    }) : () -> ()
    %barrier3A_29 = arith.constant 0 : index
    tpu.barrier barrier_id(%barrier3A_29)
    %add3A_30 = arith.constant 0 : i32
    %add3A_31 = arith.addi %select_n3A, %add3A_30 : i32
    "tpu.region"() ({
      %run_scoped3A = tpu.sem_alloc : memref<!tpu.dma_semaphore, #tpu.memory_space<semaphore_mem>>
      %dma_start3A = arith.constant 0 : i32
      %dma_start3A_50 = tpu.memref_slice %arg4[%add3A_31, %dma_start3A] : memref<2560x128xi32, #tpu.memory_space<hbm>> -> memref<4x128xi32, #tpu.memory_space<hbm>>
      %dma_start3A_51 = arith.constant 0 : i32
      %dma_start3A_52 = tpu.memref_slice %arg4[%add3A_31, %dma_start3A_51] : memref<2560x128xi32, #tpu.memory_space<hbm>> -> memref<4x128xi32, #tpu.memory_space<hbm>>
      tpu.enqueue_dma source(%dma_start3A_52 : memref<4x128xi32, #tpu.memory_space<hbm>>) target(%arg9 : memref<4x128xi32, #tpu.memory_space<vmem>>) target_semaphore(%run_scoped3A : memref<!tpu.dma_semaphore, #tpu.memory_space<semaphore_mem>>)
      %dma_wait3A = arith.constant 0 : i32
      %dma_wait3A_53 = tpu.memref_slice %arg4[%add3A_31, %dma_wait3A] : memref<2560x128xi32, #tpu.memory_space<hbm>> -> memref<4x128xi32, #tpu.memory_space<hbm>>
      %dma_wait3A_54 = arith.constant 0 : i32
      %dma_wait3A_55 = tpu.memref_slice %arg4[%add3A_31, %dma_wait3A_54] : memref<2560x128xi32, #tpu.memory_space<hbm>> -> memref<4x128xi32, #tpu.memory_space<hbm>>
      tpu.wait_dma2 semaphore(%run_scoped3A : memref<!tpu.dma_semaphore, #tpu.memory_space<semaphore_mem>>) src(%dma_wait3A_55 : memref<4x128xi32, #tpu.memory_space<hbm>>) dst(%arg9 : memref<4x128xi32, #tpu.memory_space<vmem>>)
      tpu.yield
    }) : () -> ()
    "tpu.region"() ({
      %run_scoped3A = tpu.sem_alloc : memref<!tpu.dma_semaphore, #tpu.memory_space<semaphore_mem>>
      %dma_start3A = arith.constant 0 : i32
      %dma_start3A_50 = tpu.memref_slice %arg5[%add3A_31, %dma_start3A] : memref<2560x128xi32, #tpu.memory_space<hbm>> -> memref<4x128xi32, #tpu.memory_space<hbm>>
      %dma_start3A_51 = arith.constant 0 : i32
      %dma_start3A_52 = tpu.memref_slice %arg5[%add3A_31, %dma_start3A_51] : memref<2560x128xi32, #tpu.memory_space<hbm>> -> memref<4x128xi32, #tpu.memory_space<hbm>>
      tpu.enqueue_dma source(%dma_start3A_52 : memref<4x128xi32, #tpu.memory_space<hbm>>) target(%arg10 : memref<4x128xi32, #tpu.memory_space<vmem>>) target_semaphore(%run_scoped3A : memref<!tpu.dma_semaphore, #tpu.memory_space<semaphore_mem>>)
      %dma_wait3A = arith.constant 0 : i32
      %dma_wait3A_53 = tpu.memref_slice %arg5[%add3A_31, %dma_wait3A] : memref<2560x128xi32, #tpu.memory_space<hbm>> -> memref<4x128xi32, #tpu.memory_space<hbm>>
      %dma_wait3A_54 = arith.constant 0 : i32
      %dma_wait3A_55 = tpu.memref_slice %arg5[%add3A_31, %dma_wait3A_54] : memref<2560x128xi32, #tpu.memory_space<hbm>> -> memref<4x128xi32, #tpu.memory_space<hbm>>
      tpu.wait_dma2 semaphore(%run_scoped3A : memref<!tpu.dma_semaphore, #tpu.memory_space<semaphore_mem>>) src(%dma_wait3A_55 : memref<4x128xi32, #tpu.memory_space<hbm>>) dst(%arg10 : memref<4x128xi32, #tpu.memory_space<vmem>>)
      tpu.yield
    }) : () -> ()
    %scan3A_32 = arith.constant 0 : i32
    %scan3A_33 = arith.constant 0 : i32
    %scan3A_34 = arith.constant 4 : i32
    %scan3A_35 = arith.addi %scan3A_33, %scan3A_34 : i32
    %scan3A_36 = arith.constant 1 : i32
    scf.for %scan3A_50 = %scan3A_33 to %scan3A_35 step %scan3A_36  : i32 {
      %mul3A_51 = arith.constant 128 : i32
      %mul3A_52 = arith.muli %scan3A_50, %mul3A_51 : i32
      %dma_start3A = arith.constant 0 : i32
      %dma_start3A_53 = tpu.memref_slice %arg13[%mul3A_52, %dma_start3A] : memref<512x64xf32, #tpu.memory_space<vmem>> -> memref<128x64xf32, #tpu.memory_space<vmem>>
      %dma_start3A_54 = arith.constant 0 : i32
      %dma_start3A_55 = tpu.memref_slice %arg9[%scan3A_50, %dma_start3A_54] : memref<4x128xi32, #tpu.memory_space<vmem>> -> memref<1x128xi32, #tpu.memory_space<vmem>>
      %dma_start3A_56 = tpu.memref_squeeze %dma_start3A_55 : memref<1x128xi32, #tpu.memory_space<vmem>> -> memref<128xi32, #tpu.memory_space<vmem>>
      %dma_start3A_57 = arith.constant 0 : i32
      %dma_start3A_58 = arith.constant 0 : i32
      %dma_start3A_59 = tpu.memref_slice %arg3[%dma_start3A_57, %dma_start3A_58] : memref<10000x64xf32, #tpu.memory_space<hbm>> -> memref<10000x64xf32, #tpu.memory_space<hbm>>
      tpu.enqueue_indirect_dma source(%dma_start3A_59 : memref<10000x64xf32, #tpu.memory_space<hbm>>) target(%dma_start3A_53 : memref<128x64xf32, #tpu.memory_space<vmem>>) offsets(%dma_start3A_56 : memref<128xi32, #tpu.memory_space<vmem>>) semaphore(%arg16 : memref<!tpu.dma_semaphore, #tpu.memory_space<semaphore_mem>>)
    }
    %scan3A_37 = arith.constant 4 : i32
    %while3A_38 = arith.constant 0 : i32
    %while3A_39 = arith.constant 0 : i32
    %while3A_40 = arith.subi %select_n3A_8, %while3A_39 : i32
    %while3A_41 = arith.addi %while3A_39, %while3A_40 : i32
    %while3A_42 = arith.constant 1 : i32
    %while3A_43 = arith.divsi %while3A_40, %while3A_42 : i32
    %while3A_44 = arith.muli %while3A_43, %while3A_42 : i32
    %while3A_45 = arith.addi %while3A_39, %while3A_44 : i32
    %while3A_46 = arith.constant 1 : i32
    scf.for %while3A_50 = %while3A_39 to %while3A_45 step %while3A_46  : i32 {
      %mul3A_51 = arith.constant 2 : i32
      %mul3A_52 = arith.muli %mul3A_51, %while3A_50 : i32
      %add3A_53 = arith.constant 1 : i32
      %add3A_54 = arith.addi %mul3A_52, %add3A_53 : i32
      %mul3A_55 = arith.constant 4 : i32
      %mul3A_56 = arith.muli %add3A_54, %mul3A_55 : i32
      %add3A_57 = arith.addi %select_n3A, %mul3A_56 : i32
      "tpu.region"() ({
        %run_scoped3A = tpu.sem_alloc : memref<!tpu.dma_semaphore, #tpu.memory_space<semaphore_mem>>
        %dma_start3A = arith.constant 0 : i32
        %dma_start3A_89 = tpu.memref_slice %arg4[%add3A_57, %dma_start3A] : memref<2560x128xi32, #tpu.memory_space<hbm>> -> memref<4x128xi32, #tpu.memory_space<hbm>>
        %dma_start3A_90 = arith.constant 0 : i32
        %dma_start3A_91 = tpu.memref_slice %arg4[%add3A_57, %dma_start3A_90] : memref<2560x128xi32, #tpu.memory_space<hbm>> -> memref<4x128xi32, #tpu.memory_space<hbm>>
        tpu.enqueue_dma source(%dma_start3A_91 : memref<4x128xi32, #tpu.memory_space<hbm>>) target(%arg11 : memref<4x128xi32, #tpu.memory_space<vmem>>) target_semaphore(%run_scoped3A : memref<!tpu.dma_semaphore, #tpu.memory_space<semaphore_mem>>)
        %dma_wait3A_92 = arith.constant 0 : i32
        %dma_wait3A_93 = tpu.memref_slice %arg4[%add3A_57, %dma_wait3A_92] : memref<2560x128xi32, #tpu.memory_space<hbm>> -> memref<4x128xi32, #tpu.memory_space<hbm>>
        %dma_wait3A_94 = arith.constant 0 : i32
        %dma_wait3A_95 = tpu.memref_slice %arg4[%add3A_57, %dma_wait3A_94] : memref<2560x128xi32, #tpu.memory_space<hbm>> -> memref<4x128xi32, #tpu.memory_space<hbm>>
        tpu.wait_dma2 semaphore(%run_scoped3A : memref<!tpu.dma_semaphore, #tpu.memory_space<semaphore_mem>>) src(%dma_wait3A_95 : memref<4x128xi32, #tpu.memory_space<hbm>>) dst(%arg11 : memref<4x128xi32, #tpu.memory_space<vmem>>)
        tpu.yield
      }) : () -> ()
      "tpu.region"() ({
        %run_scoped3A = tpu.sem_alloc : memref<!tpu.dma_semaphore, #tpu.memory_space<semaphore_mem>>
        %dma_start3A = arith.constant 0 : i32
        %dma_start3A_89 = tpu.memref_slice %arg5[%add3A_57, %dma_start3A] : memref<2560x128xi32, #tpu.memory_space<hbm>> -> memref<4x128xi32, #tpu.memory_space<hbm>>
        %dma_start3A_90 = arith.constant 0 : i32
        %dma_start3A_91 = tpu.memref_slice %arg5[%add3A_57, %dma_start3A_90] : memref<2560x128xi32, #tpu.memory_space<hbm>> -> memref<4x128xi32, #tpu.memory_space<hbm>>
        tpu.enqueue_dma source(%dma_start3A_91 : memref<4x128xi32, #tpu.memory_space<hbm>>) target(%arg12 : memref<4x128xi32, #tpu.memory_space<vmem>>) target_semaphore(%run_scoped3A : memref<!tpu.dma_semaphore, #tpu.memory_space<semaphore_mem>>)
        %dma_wait3A_92 = arith.constant 0 : i32
        %dma_wait3A_93 = tpu.memref_slice %arg5[%add3A_57, %dma_wait3A_92] : memref<2560x128xi32, #tpu.memory_space<hbm>> -> memref<4x128xi32, #tpu.memory_space<hbm>>
        %dma_wait3A_94 = arith.constant 0 : i32
        %dma_wait3A_95 = tpu.memref_slice %arg5[%add3A_57, %dma_wait3A_94] : memref<2560x128xi32, #tpu.memory_space<hbm>> -> memref<4x128xi32, #tpu.memory_space<hbm>>
        tpu.wait_dma2 semaphore(%run_scoped3A : memref<!tpu.dma_semaphore, #tpu.memory_space<semaphore_mem>>) src(%dma_wait3A_95 : memref<4x128xi32, #tpu.memory_space<hbm>>) dst(%arg12 : memref<4x128xi32, #tpu.memory_space<vmem>>)
        tpu.yield
      }) : () -> ()
      %scan3A_58 = arith.constant 0 : i32
      %scan3A_59 = arith.constant 0 : i32
      %scan3A_60 = arith.constant 4 : i32
      %scan3A_61 = arith.addi %scan3A_59, %scan3A_60 : i32
      %scan3A_62 = arith.constant 1 : i32
      scf.for %scan3A_89 = %scan3A_59 to %scan3A_61 step %scan3A_62  : i32 {
        %mul3A_90 = arith.constant 128 : i32
        %mul3A_91 = arith.muli %scan3A_89, %mul3A_90 : i32
        %dma_start3A = arith.constant 0 : i32
        %dma_start3A_92 = tpu.memref_slice %arg14[%mul3A_91, %dma_start3A] : memref<512x64xf32, #tpu.memory_space<vmem>> -> memref<128x64xf32, #tpu.memory_space<vmem>>
        %dma_start3A_93 = arith.constant 0 : i32
        %dma_start3A_94 = tpu.memref_slice %arg11[%scan3A_89, %dma_start3A_93] : memref<4x128xi32, #tpu.memory_space<vmem>> -> memref<1x128xi32, #tpu.memory_space<vmem>>
        %dma_start3A_95 = tpu.memref_squeeze %dma_start3A_94 : memref<1x128xi32, #tpu.memory_space<vmem>> -> memref<128xi32, #tpu.memory_space<vmem>>
        %dma_start3A_96 = arith.constant 0 : i32
        %dma_start3A_97 = arith.constant 0 : i32
        %dma_start3A_98 = tpu.memref_slice %arg3[%dma_start3A_96, %dma_start3A_97] : memref<10000x64xf32, #tpu.memory_space<hbm>> -> memref<10000x64xf32, #tpu.memory_space<hbm>>
        tpu.enqueue_indirect_dma source(%dma_start3A_98 : memref<10000x64xf32, #tpu.memory_space<hbm>>) target(%dma_start3A_92 : memref<128x64xf32, #tpu.memory_space<vmem>>) offsets(%dma_start3A_95 : memref<128xi32, #tpu.memory_space<vmem>>) semaphore(%arg17 : memref<!tpu.dma_semaphore, #tpu.memory_space<semaphore_mem>>)
      }
      %scan3A_63 = arith.constant 4 : i32
      %dma_wait3A = arith.constant 0 : i32
      %dma_wait3A_64 = arith.constant 0 : i32
      %dma_wait3A_65 = tpu.memref_slice %arg3[%dma_wait3A, %dma_wait3A_64] : memref<10000x64xf32, #tpu.memory_space<hbm>> -> memref<512x64xf32, #tpu.memory_space<hbm>>
      %dma_wait3A_66 = arith.constant 0 : i32
      %dma_wait3A_67 = arith.constant 0 : i32
      %dma_wait3A_68 = tpu.memref_slice %arg3[%dma_wait3A_66, %dma_wait3A_67] : memref<10000x64xf32, #tpu.memory_space<hbm>> -> memref<512x64xf32, #tpu.memory_space<hbm>>
      tpu.wait_dma2 semaphore(%arg16 : memref<!tpu.dma_semaphore, #tpu.memory_space<semaphore_mem>>) src(%dma_wait3A_68 : memref<512x64xf32, #tpu.memory_space<hbm>>) dst(%arg13 : memref<512x64xf32, #tpu.memory_space<vmem>>)
      %scan3A_69 = arith.constant 0 : i32
      %scan3A_70 = arith.constant 0 : i32
      %scan3A_71 = arith.constant 4 : i32
      %scan3A_72 = arith.addi %scan3A_70, %scan3A_71 : i32
      %scan3A_73 = arith.constant 1 : i32
      scf.for %scan3A_89 = %scan3A_70 to %scan3A_72 step %scan3A_73  : i32 {
        %mul3A_90 = arith.constant 128 : i32
        %mul3A_91 = arith.muli %scan3A_89, %mul3A_90 : i32
        "tpu.region"() ({
          %run_scoped3A = tpu.sem_alloc : memref<!tpu.dma_semaphore, #tpu.memory_space<semaphore_mem>>
          %dma_start3A = arith.constant 0 : i32
          %dma_start3A_92 = tpu.memref_slice %arg13[%mul3A_91, %dma_start3A] : memref<512x64xf32, #tpu.memory_space<vmem>> -> memref<128x64xf32, #tpu.memory_space<vmem>>
          %dma_start3A_93 = arith.constant 0 : i32
          %dma_start3A_94 = tpu.memref_slice %arg10[%scan3A_89, %dma_start3A_93] : memref<4x128xi32, #tpu.memory_space<vmem>> -> memref<1x128xi32, #tpu.memory_space<vmem>>
          %dma_start3A_95 = tpu.memref_squeeze %dma_start3A_94 : memref<1x128xi32, #tpu.memory_space<vmem>> -> memref<128xi32, #tpu.memory_space<vmem>>
          %dma_start3A_96 = arith.constant 0 : i32
          %dma_start3A_97 = arith.constant 0 : i32
          %dma_start3A_98 = tpu.memref_slice %arg15[%dma_start3A_96, %dma_start3A_97] : memref<10240x64xf32, #tpu.memory_space<vmem_shared>> -> memref<10240x64xf32, #tpu.memory_space<vmem_shared>>
          tpu.enqueue_indirect_dma source(%dma_start3A_92 : memref<128x64xf32, #tpu.memory_space<vmem>>) target(%dma_start3A_98 : memref<10240x64xf32, #tpu.memory_space<vmem_shared>>) offsets(%dma_start3A_95 : memref<128xi32, #tpu.memory_space<vmem>>) semaphore(%run_scoped3A : memref<!tpu.dma_semaphore, #tpu.memory_space<semaphore_mem>>) {add = true}
          %dma_wait3A_99 = arith.constant 0 : i32
          %dma_wait3A_100 = tpu.memref_slice %arg13[%mul3A_91, %dma_wait3A_99] : memref<512x64xf32, #tpu.memory_space<vmem>> -> memref<128x64xf32, #tpu.memory_space<vmem>>
          %dma_wait3A_101 = arith.constant 0 : i32
          %dma_wait3A_102 = tpu.memref_slice %arg10[%scan3A_89, %dma_wait3A_101] : memref<4x128xi32, #tpu.memory_space<vmem>> -> memref<1x128xi32, #tpu.memory_space<vmem>>
          %dma_wait3A_103 = tpu.memref_squeeze %dma_wait3A_102 : memref<1x128xi32, #tpu.memory_space<vmem>> -> memref<128xi32, #tpu.memory_space<vmem>>
          %dma_wait3A_104 = arith.constant 0 : i32
          %dma_wait3A_105 = arith.constant 0 : i32
          %dma_wait3A_106 = tpu.memref_slice %arg15[%dma_wait3A_104, %dma_wait3A_105] : memref<10240x64xf32, #tpu.memory_space<vmem_shared>> -> memref<10240x64xf32, #tpu.memory_space<vmem_shared>>
          tpu.wait_indirect_dma semaphore(%run_scoped3A : memref<!tpu.dma_semaphore, #tpu.memory_space<semaphore_mem>>) src(%dma_wait3A_100 : memref<128x64xf32, #tpu.memory_space<vmem>>) dst(%dma_wait3A_106 : memref<10240x64xf32, #tpu.memory_space<vmem_shared>>)
          tpu.yield
        }) : () -> ()
      }
      %scan3A_74 = arith.constant 4 : i32
      %sub3A = arith.constant 1 : i32
      %sub3A_75 = arith.subi %select_n3A_8, %sub3A : i32
      %lt3A = arith.cmpi slt, %while3A_50, %sub3A_75 : i32
      %convert_element_type3A = arith.extui %lt3A : i1 to i32
      %cond3A = arith.constant 0 : i32
      %cond3A_76 = arith.cmpi ne, %convert_element_type3A, %cond3A : i32
      scf.if %cond3A_76 {
        %add3A_89 = arith.constant 2 : i32
        %add3A_90 = arith.addi %mul3A_52, %add3A_89 : i32
        %mul3A_91 = arith.constant 4 : i32
        %mul3A_92 = arith.muli %add3A_90, %mul3A_91 : i32
        %add3A_93 = arith.addi %select_n3A, %mul3A_92 : i32
        "tpu.region"() ({
          %run_scoped3A = tpu.sem_alloc : memref<!tpu.dma_semaphore, #tpu.memory_space<semaphore_mem>>
          %dma_start3A = arith.constant 0 : i32
          %dma_start3A_100 = tpu.memref_slice %arg4[%add3A_93, %dma_start3A] : memref<2560x128xi32, #tpu.memory_space<hbm>> -> memref<4x128xi32, #tpu.memory_space<hbm>>
          %dma_start3A_101 = arith.constant 0 : i32
          %dma_start3A_102 = tpu.memref_slice %arg4[%add3A_93, %dma_start3A_101] : memref<2560x128xi32, #tpu.memory_space<hbm>> -> memref<4x128xi32, #tpu.memory_space<hbm>>
          tpu.enqueue_dma source(%dma_start3A_102 : memref<4x128xi32, #tpu.memory_space<hbm>>) target(%arg9 : memref<4x128xi32, #tpu.memory_space<vmem>>) target_semaphore(%run_scoped3A : memref<!tpu.dma_semaphore, #tpu.memory_space<semaphore_mem>>)
          %dma_wait3A_103 = arith.constant 0 : i32
          %dma_wait3A_104 = tpu.memref_slice %arg4[%add3A_93, %dma_wait3A_103] : memref<2560x128xi32, #tpu.memory_space<hbm>> -> memref<4x128xi32, #tpu.memory_space<hbm>>
          %dma_wait3A_105 = arith.constant 0 : i32
          %dma_wait3A_106 = tpu.memref_slice %arg4[%add3A_93, %dma_wait3A_105] : memref<2560x128xi32, #tpu.memory_space<hbm>> -> memref<4x128xi32, #tpu.memory_space<hbm>>
          tpu.wait_dma2 semaphore(%run_scoped3A : memref<!tpu.dma_semaphore, #tpu.memory_space<semaphore_mem>>) src(%dma_wait3A_106 : memref<4x128xi32, #tpu.memory_space<hbm>>) dst(%arg9 : memref<4x128xi32, #tpu.memory_space<vmem>>)
          tpu.yield
        }) : () -> ()
        "tpu.region"() ({
          %run_scoped3A = tpu.sem_alloc : memref<!tpu.dma_semaphore, #tpu.memory_space<semaphore_mem>>
          %dma_start3A = arith.constant 0 : i32
          %dma_start3A_100 = tpu.memref_slice %arg5[%add3A_93, %dma_start3A] : memref<2560x128xi32, #tpu.memory_space<hbm>> -> memref<4x128xi32, #tpu.memory_space<hbm>>
          %dma_start3A_101 = arith.constant 0 : i32
          %dma_start3A_102 = tpu.memref_slice %arg5[%add3A_93, %dma_start3A_101] : memref<2560x128xi32, #tpu.memory_space<hbm>> -> memref<4x128xi32, #tpu.memory_space<hbm>>
          tpu.enqueue_dma source(%dma_start3A_102 : memref<4x128xi32, #tpu.memory_space<hbm>>) target(%arg10 : memref<4x128xi32, #tpu.memory_space<vmem>>) target_semaphore(%run_scoped3A : memref<!tpu.dma_semaphore, #tpu.memory_space<semaphore_mem>>)
          %dma_wait3A_103 = arith.constant 0 : i32
          %dma_wait3A_104 = tpu.memref_slice %arg5[%add3A_93, %dma_wait3A_103] : memref<2560x128xi32, #tpu.memory_space<hbm>> -> memref<4x128xi32, #tpu.memory_space<hbm>>
          %dma_wait3A_105 = arith.constant 0 : i32
          %dma_wait3A_106 = tpu.memref_slice %arg5[%add3A_93, %dma_wait3A_105] : memref<2560x128xi32, #tpu.memory_space<hbm>> -> memref<4x128xi32, #tpu.memory_space<hbm>>
          tpu.wait_dma2 semaphore(%run_scoped3A : memref<!tpu.dma_semaphore, #tpu.memory_space<semaphore_mem>>) src(%dma_wait3A_106 : memref<4x128xi32, #tpu.memory_space<hbm>>) dst(%arg10 : memref<4x128xi32, #tpu.memory_space<vmem>>)
          tpu.yield
        }) : () -> ()
        %scan3A_94 = arith.constant 0 : i32
        %scan3A_95 = arith.constant 0 : i32
        %scan3A_96 = arith.constant 4 : i32
        %scan3A_97 = arith.addi %scan3A_95, %scan3A_96 : i32
        %scan3A_98 = arith.constant 1 : i32
        scf.for %scan3A_100 = %scan3A_95 to %scan3A_97 step %scan3A_98  : i32 {
          %mul3A_101 = arith.constant 128 : i32
          %mul3A_102 = arith.muli %scan3A_100, %mul3A_101 : i32
          %dma_start3A = arith.constant 0 : i32
          %dma_start3A_103 = tpu.memref_slice %arg13[%mul3A_102, %dma_start3A] : memref<512x64xf32, #tpu.memory_space<vmem>> -> memref<128x64xf32, #tpu.memory_space<vmem>>
          %dma_start3A_104 = arith.constant 0 : i32
          %dma_start3A_105 = tpu.memref_slice %arg9[%scan3A_100, %dma_start3A_104] : memref<4x128xi32, #tpu.memory_space<vmem>> -> memref<1x128xi32, #tpu.memory_space<vmem>>
          %dma_start3A_106 = tpu.memref_squeeze %dma_start3A_105 : memref<1x128xi32, #tpu.memory_space<vmem>> -> memref<128xi32, #tpu.memory_space<vmem>>
          %dma_start3A_107 = arith.constant 0 : i32
          %dma_start3A_108 = arith.constant 0 : i32
          %dma_start3A_109 = tpu.memref_slice %arg3[%dma_start3A_107, %dma_start3A_108] : memref<10000x64xf32, #tpu.memory_space<hbm>> -> memref<10000x64xf32, #tpu.memory_space<hbm>>
          tpu.enqueue_indirect_dma source(%dma_start3A_109 : memref<10000x64xf32, #tpu.memory_space<hbm>>) target(%dma_start3A_103 : memref<128x64xf32, #tpu.memory_space<vmem>>) offsets(%dma_start3A_106 : memref<128xi32, #tpu.memory_space<vmem>>) semaphore(%arg16 : memref<!tpu.dma_semaphore, #tpu.memory_space<semaphore_mem>>)
        }
        %scan3A_99 = arith.constant 4 : i32
      } else {
      }
      %dma_wait3A_77 = arith.constant 0 : i32
      %dma_wait3A_78 = arith.constant 0 : i32
      %dma_wait3A_79 = tpu.memref_slice %arg3[%dma_wait3A_77, %dma_wait3A_78] : memref<10000x64xf32, #tpu.memory_space<hbm>> -> memref<512x64xf32, #tpu.memory_space<hbm>>
      %dma_wait3A_80 = arith.constant 0 : i32
      %dma_wait3A_81 = arith.constant 0 : i32
      %dma_wait3A_82 = tpu.memref_slice %arg3[%dma_wait3A_80, %dma_wait3A_81] : memref<10000x64xf32, #tpu.memory_space<hbm>> -> memref<512x64xf32, #tpu.memory_space<hbm>>
      tpu.wait_dma2 semaphore(%arg17 : memref<!tpu.dma_semaphore, #tpu.memory_space<semaphore_mem>>) src(%dma_wait3A_82 : memref<512x64xf32, #tpu.memory_space<hbm>>) dst(%arg14 : memref<512x64xf32, #tpu.memory_space<vmem>>)
      %scan3A_83 = arith.constant 0 : i32
      %scan3A_84 = arith.constant 0 : i32
      %scan3A_85 = arith.constant 4 : i32
      %scan3A_86 = arith.addi %scan3A_84, %scan3A_85 : i32
      %scan3A_87 = arith.constant 1 : i32
      scf.for %scan3A_89 = %scan3A_84 to %scan3A_86 step %scan3A_87  : i32 {
        %mul3A_90 = arith.constant 128 : i32
        %mul3A_91 = arith.muli %scan3A_89, %mul3A_90 : i32
        "tpu.region"() ({
          %run_scoped3A = tpu.sem_alloc : memref<!tpu.dma_semaphore, #tpu.memory_space<semaphore_mem>>
          %dma_start3A = arith.constant 0 : i32
          %dma_start3A_92 = tpu.memref_slice %arg14[%mul3A_91, %dma_start3A] : memref<512x64xf32, #tpu.memory_space<vmem>> -> memref<128x64xf32, #tpu.memory_space<vmem>>
          %dma_start3A_93 = arith.constant 0 : i32
          %dma_start3A_94 = tpu.memref_slice %arg12[%scan3A_89, %dma_start3A_93] : memref<4x128xi32, #tpu.memory_space<vmem>> -> memref<1x128xi32, #tpu.memory_space<vmem>>
          %dma_start3A_95 = tpu.memref_squeeze %dma_start3A_94 : memref<1x128xi32, #tpu.memory_space<vmem>> -> memref<128xi32, #tpu.memory_space<vmem>>
          %dma_start3A_96 = arith.constant 0 : i32
          %dma_start3A_97 = arith.constant 0 : i32
          %dma_start3A_98 = tpu.memref_slice %arg15[%dma_start3A_96, %dma_start3A_97] : memref<10240x64xf32, #tpu.memory_space<vmem_shared>> -> memref<10240x64xf32, #tpu.memory_space<vmem_shared>>
          tpu.enqueue_indirect_dma source(%dma_start3A_92 : memref<128x64xf32, #tpu.memory_space<vmem>>) target(%dma_start3A_98 : memref<10240x64xf32, #tpu.memory_space<vmem_shared>>) offsets(%dma_start3A_95 : memref<128xi32, #tpu.memory_space<vmem>>) semaphore(%run_scoped3A : memref<!tpu.dma_semaphore, #tpu.memory_space<semaphore_mem>>) {add = true}
          %dma_wait3A_99 = arith.constant 0 : i32
          %dma_wait3A_100 = tpu.memref_slice %arg14[%mul3A_91, %dma_wait3A_99] : memref<512x64xf32, #tpu.memory_space<vmem>> -> memref<128x64xf32, #tpu.memory_space<vmem>>
          %dma_wait3A_101 = arith.constant 0 : i32
          %dma_wait3A_102 = tpu.memref_slice %arg12[%scan3A_89, %dma_wait3A_101] : memref<4x128xi32, #tpu.memory_space<vmem>> -> memref<1x128xi32, #tpu.memory_space<vmem>>
          %dma_wait3A_103 = tpu.memref_squeeze %dma_wait3A_102 : memref<1x128xi32, #tpu.memory_space<vmem>> -> memref<128xi32, #tpu.memory_space<vmem>>
          %dma_wait3A_104 = arith.constant 0 : i32
          %dma_wait3A_105 = arith.constant 0 : i32
          %dma_wait3A_106 = tpu.memref_slice %arg15[%dma_wait3A_104, %dma_wait3A_105] : memref<10240x64xf32, #tpu.memory_space<vmem_shared>> -> memref<10240x64xf32, #tpu.memory_space<vmem_shared>>
          tpu.wait_indirect_dma semaphore(%run_scoped3A : memref<!tpu.dma_semaphore, #tpu.memory_space<semaphore_mem>>) src(%dma_wait3A_100 : memref<128x64xf32, #tpu.memory_space<vmem>>) dst(%dma_wait3A_106 : memref<10240x64xf32, #tpu.memory_space<vmem_shared>>)
          tpu.yield
        }) : () -> ()
      }
      %scan3A_88 = arith.constant 4 : i32
    }
    %while3A_47 = arith.constant 1 : i32
    scf.for %while3A_50 = %while3A_45 to %while3A_41 step %while3A_47  : i32 {
      %mul3A_51 = arith.constant 2 : i32
      %mul3A_52 = arith.muli %mul3A_51, %while3A_50 : i32
      %add3A_53 = arith.constant 1 : i32
      %add3A_54 = arith.addi %mul3A_52, %add3A_53 : i32
      %mul3A_55 = arith.constant 4 : i32
      %mul3A_56 = arith.muli %add3A_54, %mul3A_55 : i32
      %add3A_57 = arith.addi %select_n3A, %mul3A_56 : i32
      "tpu.region"() ({
        %run_scoped3A = tpu.sem_alloc : memref<!tpu.dma_semaphore, #tpu.memory_space<semaphore_mem>>
        %dma_start3A = arith.constant 0 : i32
        %dma_start3A_89 = tpu.memref_slice %arg4[%add3A_57, %dma_start3A] : memref<2560x128xi32, #tpu.memory_space<hbm>> -> memref<4x128xi32, #tpu.memory_space<hbm>>
        %dma_start3A_90 = arith.constant 0 : i32
        %dma_start3A_91 = tpu.memref_slice %arg4[%add3A_57, %dma_start3A_90] : memref<2560x128xi32, #tpu.memory_space<hbm>> -> memref<4x128xi32, #tpu.memory_space<hbm>>
        tpu.enqueue_dma source(%dma_start3A_91 : memref<4x128xi32, #tpu.memory_space<hbm>>) target(%arg11 : memref<4x128xi32, #tpu.memory_space<vmem>>) target_semaphore(%run_scoped3A : memref<!tpu.dma_semaphore, #tpu.memory_space<semaphore_mem>>)
        %dma_wait3A_92 = arith.constant 0 : i32
        %dma_wait3A_93 = tpu.memref_slice %arg4[%add3A_57, %dma_wait3A_92] : memref<2560x128xi32, #tpu.memory_space<hbm>> -> memref<4x128xi32, #tpu.memory_space<hbm>>
        %dma_wait3A_94 = arith.constant 0 : i32
        %dma_wait3A_95 = tpu.memref_slice %arg4[%add3A_57, %dma_wait3A_94] : memref<2560x128xi32, #tpu.memory_space<hbm>> -> memref<4x128xi32, #tpu.memory_space<hbm>>
        tpu.wait_dma2 semaphore(%run_scoped3A : memref<!tpu.dma_semaphore, #tpu.memory_space<semaphore_mem>>) src(%dma_wait3A_95 : memref<4x128xi32, #tpu.memory_space<hbm>>) dst(%arg11 : memref<4x128xi32, #tpu.memory_space<vmem>>)
        tpu.yield
      }) : () -> ()
      "tpu.region"() ({
        %run_scoped3A = tpu.sem_alloc : memref<!tpu.dma_semaphore, #tpu.memory_space<semaphore_mem>>
        %dma_start3A = arith.constant 0 : i32
        %dma_start3A_89 = tpu.memref_slice %arg5[%add3A_57, %dma_start3A] : memref<2560x128xi32, #tpu.memory_space<hbm>> -> memref<4x128xi32, #tpu.memory_space<hbm>>
        %dma_start3A_90 = arith.constant 0 : i32
        %dma_start3A_91 = tpu.memref_slice %arg5[%add3A_57, %dma_start3A_90] : memref<2560x128xi32, #tpu.memory_space<hbm>> -> memref<4x128xi32, #tpu.memory_space<hbm>>
        tpu.enqueue_dma source(%dma_start3A_91 : memref<4x128xi32, #tpu.memory_space<hbm>>) target(%arg12 : memref<4x128xi32, #tpu.memory_space<vmem>>) target_semaphore(%run_scoped3A : memref<!tpu.dma_semaphore, #tpu.memory_space<semaphore_mem>>)
        %dma_wait3A_92 = arith.constant 0 : i32
        %dma_wait3A_93 = tpu.memref_slice %arg5[%add3A_57, %dma_wait3A_92] : memref<2560x128xi32, #tpu.memory_space<hbm>> -> memref<4x128xi32, #tpu.memory_space<hbm>>
        %dma_wait3A_94 = arith.constant 0 : i32
        %dma_wait3A_95 = tpu.memref_slice %arg5[%add3A_57, %dma_wait3A_94] : memref<2560x128xi32, #tpu.memory_space<hbm>> -> memref<4x128xi32, #tpu.memory_space<hbm>>
        tpu.wait_dma2 semaphore(%run_scoped3A : memref<!tpu.dma_semaphore, #tpu.memory_space<semaphore_mem>>) src(%dma_wait3A_95 : memref<4x128xi32, #tpu.memory_space<hbm>>) dst(%arg12 : memref<4x128xi32, #tpu.memory_space<vmem>>)
        tpu.yield
      }) : () -> ()
      %scan3A_58 = arith.constant 0 : i32
      %scan3A_59 = arith.constant 0 : i32
      %scan3A_60 = arith.constant 4 : i32
      %scan3A_61 = arith.addi %scan3A_59, %scan3A_60 : i32
      %scan3A_62 = arith.constant 1 : i32
      scf.for %scan3A_89 = %scan3A_59 to %scan3A_61 step %scan3A_62  : i32 {
        %mul3A_90 = arith.constant 128 : i32
        %mul3A_91 = arith.muli %scan3A_89, %mul3A_90 : i32
        %dma_start3A = arith.constant 0 : i32
        %dma_start3A_92 = tpu.memref_slice %arg14[%mul3A_91, %dma_start3A] : memref<512x64xf32, #tpu.memory_space<vmem>> -> memref<128x64xf32, #tpu.memory_space<vmem>>
        %dma_start3A_93 = arith.constant 0 : i32
        %dma_start3A_94 = tpu.memref_slice %arg11[%scan3A_89, %dma_start3A_93] : memref<4x128xi32, #tpu.memory_space<vmem>> -> memref<1x128xi32, #tpu.memory_space<vmem>>
        %dma_start3A_95 = tpu.memref_squeeze %dma_start3A_94 : memref<1x128xi32, #tpu.memory_space<vmem>> -> memref<128xi32, #tpu.memory_space<vmem>>
        %dma_start3A_96 = arith.constant 0 : i32
        %dma_start3A_97 = arith.constant 0 : i32
        %dma_start3A_98 = tpu.memref_slice %arg3[%dma_start3A_96, %dma_start3A_97] : memref<10000x64xf32, #tpu.memory_space<hbm>> -> memref<10000x64xf32, #tpu.memory_space<hbm>>
        tpu.enqueue_indirect_dma source(%dma_start3A_98 : memref<10000x64xf32, #tpu.memory_space<hbm>>) target(%dma_start3A_92 : memref<128x64xf32, #tpu.memory_space<vmem>>) offsets(%dma_start3A_95 : memref<128xi32, #tpu.memory_space<vmem>>) semaphore(%arg17 : memref<!tpu.dma_semaphore, #tpu.memory_space<semaphore_mem>>)
      }
      %scan3A_63 = arith.constant 4 : i32
      %dma_wait3A = arith.constant 0 : i32
      %dma_wait3A_64 = arith.constant 0 : i32
      %dma_wait3A_65 = tpu.memref_slice %arg3[%dma_wait3A, %dma_wait3A_64] : memref<10000x64xf32, #tpu.memory_space<hbm>> -> memref<512x64xf32, #tpu.memory_space<hbm>>
      %dma_wait3A_66 = arith.constant 0 : i32
      %dma_wait3A_67 = arith.constant 0 : i32
      %dma_wait3A_68 = tpu.memref_slice %arg3[%dma_wait3A_66, %dma_wait3A_67] : memref<10000x64xf32, #tpu.memory_space<hbm>> -> memref<512x64xf32, #tpu.memory_space<hbm>>
      tpu.wait_dma2 semaphore(%arg16 : memref<!tpu.dma_semaphore, #tpu.memory_space<semaphore_mem>>) src(%dma_wait3A_68 : memref<512x64xf32, #tpu.memory_space<hbm>>) dst(%arg13 : memref<512x64xf32, #tpu.memory_space<vmem>>)
      %scan3A_69 = arith.constant 0 : i32
      %scan3A_70 = arith.constant 0 : i32
      %scan3A_71 = arith.constant 4 : i32
      %scan3A_72 = arith.addi %scan3A_70, %scan3A_71 : i32
      %scan3A_73 = arith.constant 1 : i32
      scf.for %scan3A_89 = %scan3A_70 to %scan3A_72 step %scan3A_73  : i32 {
        %mul3A_90 = arith.constant 128 : i32
        %mul3A_91 = arith.muli %scan3A_89, %mul3A_90 : i32
        "tpu.region"() ({
          %run_scoped3A = tpu.sem_alloc : memref<!tpu.dma_semaphore, #tpu.memory_space<semaphore_mem>>
          %dma_start3A = arith.constant 0 : i32
          %dma_start3A_92 = tpu.memref_slice %arg13[%mul3A_91, %dma_start3A] : memref<512x64xf32, #tpu.memory_space<vmem>> -> memref<128x64xf32, #tpu.memory_space<vmem>>
          %dma_start3A_93 = arith.constant 0 : i32
          %dma_start3A_94 = tpu.memref_slice %arg10[%scan3A_89, %dma_start3A_93] : memref<4x128xi32, #tpu.memory_space<vmem>> -> memref<1x128xi32, #tpu.memory_space<vmem>>
          %dma_start3A_95 = tpu.memref_squeeze %dma_start3A_94 : memref<1x128xi32, #tpu.memory_space<vmem>> -> memref<128xi32, #tpu.memory_space<vmem>>
          %dma_start3A_96 = arith.constant 0 : i32
          %dma_start3A_97 = arith.constant 0 : i32
          %dma_start3A_98 = tpu.memref_slice %arg15[%dma_start3A_96, %dma_start3A_97] : memref<10240x64xf32, #tpu.memory_space<vmem_shared>> -> memref<10240x64xf32, #tpu.memory_space<vmem_shared>>
          tpu.enqueue_indirect_dma source(%dma_start3A_92 : memref<128x64xf32, #tpu.memory_space<vmem>>) target(%dma_start3A_98 : memref<10240x64xf32, #tpu.memory_space<vmem_shared>>) offsets(%dma_start3A_95 : memref<128xi32, #tpu.memory_space<vmem>>) semaphore(%run_scoped3A : memref<!tpu.dma_semaphore, #tpu.memory_space<semaphore_mem>>) {add = true}
          %dma_wait3A_99 = arith.constant 0 : i32
          %dma_wait3A_100 = tpu.memref_slice %arg13[%mul3A_91, %dma_wait3A_99] : memref<512x64xf32, #tpu.memory_space<vmem>> -> memref<128x64xf32, #tpu.memory_space<vmem>>
          %dma_wait3A_101 = arith.constant 0 : i32
          %dma_wait3A_102 = tpu.memref_slice %arg10[%scan3A_89, %dma_wait3A_101] : memref<4x128xi32, #tpu.memory_space<vmem>> -> memref<1x128xi32, #tpu.memory_space<vmem>>
          %dma_wait3A_103 = tpu.memref_squeeze %dma_wait3A_102 : memref<1x128xi32, #tpu.memory_space<vmem>> -> memref<128xi32, #tpu.memory_space<vmem>>
          %dma_wait3A_104 = arith.constant 0 : i32
          %dma_wait3A_105 = arith.constant 0 : i32
          %dma_wait3A_106 = tpu.memref_slice %arg15[%dma_wait3A_104, %dma_wait3A_105] : memref<10240x64xf32, #tpu.memory_space<vmem_shared>> -> memref<10240x64xf32, #tpu.memory_space<vmem_shared>>
          tpu.wait_indirect_dma semaphore(%run_scoped3A : memref<!tpu.dma_semaphore, #tpu.memory_space<semaphore_mem>>) src(%dma_wait3A_100 : memref<128x64xf32, #tpu.memory_space<vmem>>) dst(%dma_wait3A_106 : memref<10240x64xf32, #tpu.memory_space<vmem_shared>>)
          tpu.yield
        }) : () -> ()
      }
      %scan3A_74 = arith.constant 4 : i32
      %sub3A = arith.constant 1 : i32
      %sub3A_75 = arith.subi %select_n3A_8, %sub3A : i32
      %lt3A = arith.cmpi slt, %while3A_50, %sub3A_75 : i32
      %convert_element_type3A = arith.extui %lt3A : i1 to i32
      %cond3A = arith.constant 0 : i32
      %cond3A_76 = arith.cmpi ne, %convert_element_type3A, %cond3A : i32
      scf.if %cond3A_76 {
        %add3A_89 = arith.constant 2 : i32
        %add3A_90 = arith.addi %mul3A_52, %add3A_89 : i32
        %mul3A_91 = arith.constant 4 : i32
        %mul3A_92 = arith.muli %add3A_90, %mul3A_91 : i32
        %add3A_93 = arith.addi %select_n3A, %mul3A_92 : i32
        "tpu.region"() ({
          %run_scoped3A = tpu.sem_alloc : memref<!tpu.dma_semaphore, #tpu.memory_space<semaphore_mem>>
          %dma_start3A = arith.constant 0 : i32
          %dma_start3A_100 = tpu.memref_slice %arg4[%add3A_93, %dma_start3A] : memref<2560x128xi32, #tpu.memory_space<hbm>> -> memref<4x128xi32, #tpu.memory_space<hbm>>
          %dma_start3A_101 = arith.constant 0 : i32
          %dma_start3A_102 = tpu.memref_slice %arg4[%add3A_93, %dma_start3A_101] : memref<2560x128xi32, #tpu.memory_space<hbm>> -> memref<4x128xi32, #tpu.memory_space<hbm>>
          tpu.enqueue_dma source(%dma_start3A_102 : memref<4x128xi32, #tpu.memory_space<hbm>>) target(%arg9 : memref<4x128xi32, #tpu.memory_space<vmem>>) target_semaphore(%run_scoped3A : memref<!tpu.dma_semaphore, #tpu.memory_space<semaphore_mem>>)
          %dma_wait3A_103 = arith.constant 0 : i32
          %dma_wait3A_104 = tpu.memref_slice %arg4[%add3A_93, %dma_wait3A_103] : memref<2560x128xi32, #tpu.memory_space<hbm>> -> memref<4x128xi32, #tpu.memory_space<hbm>>
          %dma_wait3A_105 = arith.constant 0 : i32
          %dma_wait3A_106 = tpu.memref_slice %arg4[%add3A_93, %dma_wait3A_105] : memref<2560x128xi32, #tpu.memory_space<hbm>> -> memref<4x128xi32, #tpu.memory_space<hbm>>
          tpu.wait_dma2 semaphore(%run_scoped3A : memref<!tpu.dma_semaphore, #tpu.memory_space<semaphore_mem>>) src(%dma_wait3A_106 : memref<4x128xi32, #tpu.memory_space<hbm>>) dst(%arg9 : memref<4x128xi32, #tpu.memory_space<vmem>>)
          tpu.yield
        }) : () -> ()
        "tpu.region"() ({
          %run_scoped3A = tpu.sem_alloc : memref<!tpu.dma_semaphore, #tpu.memory_space<semaphore_mem>>
          %dma_start3A = arith.constant 0 : i32
          %dma_start3A_100 = tpu.memref_slice %arg5[%add3A_93, %dma_start3A] : memref<2560x128xi32, #tpu.memory_space<hbm>> -> memref<4x128xi32, #tpu.memory_space<hbm>>
          %dma_start3A_101 = arith.constant 0 : i32
          %dma_start3A_102 = tpu.memref_slice %arg5[%add3A_93, %dma_start3A_101] : memref<2560x128xi32, #tpu.memory_space<hbm>> -> memref<4x128xi32, #tpu.memory_space<hbm>>
          tpu.enqueue_dma source(%dma_start3A_102 : memref<4x128xi32, #tpu.memory_space<hbm>>) target(%arg10 : memref<4x128xi32, #tpu.memory_space<vmem>>) target_semaphore(%run_scoped3A : memref<!tpu.dma_semaphore, #tpu.memory_space<semaphore_mem>>)
          %dma_wait3A_103 = arith.constant 0 : i32
          %dma_wait3A_104 = tpu.memref_slice %arg5[%add3A_93, %dma_wait3A_103] : memref<2560x128xi32, #tpu.memory_space<hbm>> -> memref<4x128xi32, #tpu.memory_space<hbm>>
          %dma_wait3A_105 = arith.constant 0 : i32
          %dma_wait3A_106 = tpu.memref_slice %arg5[%add3A_93, %dma_wait3A_105] : memref<2560x128xi32, #tpu.memory_space<hbm>> -> memref<4x128xi32, #tpu.memory_space<hbm>>
          tpu.wait_dma2 semaphore(%run_scoped3A : memref<!tpu.dma_semaphore, #tpu.memory_space<semaphore_mem>>) src(%dma_wait3A_106 : memref<4x128xi32, #tpu.memory_space<hbm>>) dst(%arg10 : memref<4x128xi32, #tpu.memory_space<vmem>>)
          tpu.yield
        }) : () -> ()
        %scan3A_94 = arith.constant 0 : i32
        %scan3A_95 = arith.constant 0 : i32
        %scan3A_96 = arith.constant 4 : i32
        %scan3A_97 = arith.addi %scan3A_95, %scan3A_96 : i32
        %scan3A_98 = arith.constant 1 : i32
        scf.for %scan3A_100 = %scan3A_95 to %scan3A_97 step %scan3A_98  : i32 {
          %mul3A_101 = arith.constant 128 : i32
          %mul3A_102 = arith.muli %scan3A_100, %mul3A_101 : i32
          %dma_start3A = arith.constant 0 : i32
          %dma_start3A_103 = tpu.memref_slice %arg13[%mul3A_102, %dma_start3A] : memref<512x64xf32, #tpu.memory_space<vmem>> -> memref<128x64xf32, #tpu.memory_space<vmem>>
          %dma_start3A_104 = arith.constant 0 : i32
          %dma_start3A_105 = tpu.memref_slice %arg9[%scan3A_100, %dma_start3A_104] : memref<4x128xi32, #tpu.memory_space<vmem>> -> memref<1x128xi32, #tpu.memory_space<vmem>>
          %dma_start3A_106 = tpu.memref_squeeze %dma_start3A_105 : memref<1x128xi32, #tpu.memory_space<vmem>> -> memref<128xi32, #tpu.memory_space<vmem>>
          %dma_start3A_107 = arith.constant 0 : i32
          %dma_start3A_108 = arith.constant 0 : i32
          %dma_start3A_109 = tpu.memref_slice %arg3[%dma_start3A_107, %dma_start3A_108] : memref<10000x64xf32, #tpu.memory_space<hbm>> -> memref<10000x64xf32, #tpu.memory_space<hbm>>
          tpu.enqueue_indirect_dma source(%dma_start3A_109 : memref<10000x64xf32, #tpu.memory_space<hbm>>) target(%dma_start3A_103 : memref<128x64xf32, #tpu.memory_space<vmem>>) offsets(%dma_start3A_106 : memref<128xi32, #tpu.memory_space<vmem>>) semaphore(%arg16 : memref<!tpu.dma_semaphore, #tpu.memory_space<semaphore_mem>>)
        }
        %scan3A_99 = arith.constant 4 : i32
      } else {
      }
      %dma_wait3A_77 = arith.constant 0 : i32
      %dma_wait3A_78 = arith.constant 0 : i32
      %dma_wait3A_79 = tpu.memref_slice %arg3[%dma_wait3A_77, %dma_wait3A_78] : memref<10000x64xf32, #tpu.memory_space<hbm>> -> memref<512x64xf32, #tpu.memory_space<hbm>>
      %dma_wait3A_80 = arith.constant 0 : i32
      %dma_wait3A_81 = arith.constant 0 : i32
      %dma_wait3A_82 = tpu.memref_slice %arg3[%dma_wait3A_80, %dma_wait3A_81] : memref<10000x64xf32, #tpu.memory_space<hbm>> -> memref<512x64xf32, #tpu.memory_space<hbm>>
      tpu.wait_dma2 semaphore(%arg17 : memref<!tpu.dma_semaphore, #tpu.memory_space<semaphore_mem>>) src(%dma_wait3A_82 : memref<512x64xf32, #tpu.memory_space<hbm>>) dst(%arg14 : memref<512x64xf32, #tpu.memory_space<vmem>>)
      %scan3A_83 = arith.constant 0 : i32
      %scan3A_84 = arith.constant 0 : i32
      %scan3A_85 = arith.constant 4 : i32
      %scan3A_86 = arith.addi %scan3A_84, %scan3A_85 : i32
      %scan3A_87 = arith.constant 1 : i32
      scf.for %scan3A_89 = %scan3A_84 to %scan3A_86 step %scan3A_87  : i32 {
        %mul3A_90 = arith.constant 128 : i32
        %mul3A_91 = arith.muli %scan3A_89, %mul3A_90 : i32
        "tpu.region"() ({
          %run_scoped3A = tpu.sem_alloc : memref<!tpu.dma_semaphore, #tpu.memory_space<semaphore_mem>>
          %dma_start3A = arith.constant 0 : i32
          %dma_start3A_92 = tpu.memref_slice %arg14[%mul3A_91, %dma_start3A] : memref<512x64xf32, #tpu.memory_space<vmem>> -> memref<128x64xf32, #tpu.memory_space<vmem>>
          %dma_start3A_93 = arith.constant 0 : i32
          %dma_start3A_94 = tpu.memref_slice %arg12[%scan3A_89, %dma_start3A_93] : memref<4x128xi32, #tpu.memory_space<vmem>> -> memref<1x128xi32, #tpu.memory_space<vmem>>
          %dma_start3A_95 = tpu.memref_squeeze %dma_start3A_94 : memref<1x128xi32, #tpu.memory_space<vmem>> -> memref<128xi32, #tpu.memory_space<vmem>>
          %dma_start3A_96 = arith.constant 0 : i32
          %dma_start3A_97 = arith.constant 0 : i32
          %dma_start3A_98 = tpu.memref_slice %arg15[%dma_start3A_96, %dma_start3A_97] : memref<10240x64xf32, #tpu.memory_space<vmem_shared>> -> memref<10240x64xf32, #tpu.memory_space<vmem_shared>>
          tpu.enqueue_indirect_dma source(%dma_start3A_92 : memref<128x64xf32, #tpu.memory_space<vmem>>) target(%dma_start3A_98 : memref<10240x64xf32, #tpu.memory_space<vmem_shared>>) offsets(%dma_start3A_95 : memref<128xi32, #tpu.memory_space<vmem>>) semaphore(%run_scoped3A : memref<!tpu.dma_semaphore, #tpu.memory_space<semaphore_mem>>) {add = true}
          %dma_wait3A_99 = arith.constant 0 : i32
          %dma_wait3A_100 = tpu.memref_slice %arg14[%mul3A_91, %dma_wait3A_99] : memref<512x64xf32, #tpu.memory_space<vmem>> -> memref<128x64xf32, #tpu.memory_space<vmem>>
          %dma_wait3A_101 = arith.constant 0 : i32
          %dma_wait3A_102 = tpu.memref_slice %arg12[%scan3A_89, %dma_wait3A_101] : memref<4x128xi32, #tpu.memory_space<vmem>> -> memref<1x128xi32, #tpu.memory_space<vmem>>
          %dma_wait3A_103 = tpu.memref_squeeze %dma_wait3A_102 : memref<1x128xi32, #tpu.memory_space<vmem>> -> memref<128xi32, #tpu.memory_space<vmem>>
          %dma_wait3A_104 = arith.constant 0 : i32
          %dma_wait3A_105 = arith.constant 0 : i32
          %dma_wait3A_106 = tpu.memref_slice %arg15[%dma_wait3A_104, %dma_wait3A_105] : memref<10240x64xf32, #tpu.memory_space<vmem_shared>> -> memref<10240x64xf32, #tpu.memory_space<vmem_shared>>
          tpu.wait_indirect_dma semaphore(%run_scoped3A : memref<!tpu.dma_semaphore, #tpu.memory_space<semaphore_mem>>) src(%dma_wait3A_100 : memref<128x64xf32, #tpu.memory_space<vmem>>) dst(%dma_wait3A_106 : memref<10240x64xf32, #tpu.memory_space<vmem_shared>>)
          tpu.yield
        }) : () -> ()
      }
      %scan3A_88 = arith.constant 4 : i32
    }
    %barrier3A_48 = arith.constant 0 : index
    tpu.barrier barrier_id(%barrier3A_48)
    "tpu.region"() ({
      %run_scoped3A = tpu.sem_alloc : memref<!tpu.dma_semaphore, #tpu.memory_space<semaphore_mem>>
      %dma_start3A = arith.constant 0 : i32
      %dma_start3A_50 = tpu.memref_slice %arg8[%arg0, %mul3A_10, %dma_start3A] : memref<2x10240x64xf32, #tpu.memory_space<hbm>> -> memref<1x640x64xf32, #tpu.memory_space<hbm>>
      %dma_start3A_51 = tpu.memref_squeeze %dma_start3A_50 : memref<1x640x64xf32, #tpu.memory_space<hbm>> -> memref<640x64xf32, #tpu.memory_space<hbm>>
      %dma_start3A_52 = arith.constant 0 : i32
      %dma_start3A_53 = tpu.memref_slice %arg15[%mul3A_10, %dma_start3A_52] : memref<10240x64xf32, #tpu.memory_space<vmem_shared>> -> memref<640x64xf32, #tpu.memory_space<vmem_shared>>
      tpu.enqueue_dma source(%dma_start3A_53 : memref<640x64xf32, #tpu.memory_space<vmem_shared>>) target(%dma_start3A_51 : memref<640x64xf32, #tpu.memory_space<hbm>>) target_semaphore(%run_scoped3A : memref<!tpu.dma_semaphore, #tpu.memory_space<semaphore_mem>>)
      %dma_wait3A = arith.constant 0 : i32
      %dma_wait3A_54 = tpu.memref_slice %arg8[%arg0, %mul3A_10, %dma_wait3A] : memref<2x10240x64xf32, #tpu.memory_space<hbm>> -> memref<1x640x64xf32, #tpu.memory_space<hbm>>
      %dma_wait3A_55 = tpu.memref_squeeze %dma_wait3A_54 : memref<1x640x64xf32, #tpu.memory_space<hbm>> -> memref<640x64xf32, #tpu.memory_space<hbm>>
      %dma_wait3A_56 = arith.constant 0 : i32
      %dma_wait3A_57 = tpu.memref_slice %arg15[%mul3A_10, %dma_wait3A_56] : memref<10240x64xf32, #tpu.memory_space<vmem_shared>> -> memref<640x64xf32, #tpu.memory_space<vmem_shared>>
      tpu.wait_dma2 semaphore(%run_scoped3A : memref<!tpu.dma_semaphore, #tpu.memory_space<semaphore_mem>>) src(%dma_wait3A_57 : memref<640x64xf32, #tpu.memory_space<vmem_shared>>) dst(%dma_wait3A_55 : memref<640x64xf32, #tpu.memory_space<hbm>>)
      tpu.yield
    }) : () -> ()
    %barrier3A_49 = arith.constant 0 : index
    tpu.barrier barrier_id(%barrier3A_49)
    return
  }
}

#map = affine_map<(d0, d1) -> (0, 0)>
#map1 = affine_map<(d0, d1) -> (0, 0, 0)>
module attributes {stable_mosaic.version = 14 : i64} {
  func.func @body(%arg0: i32, %arg1: i32, %arg2: memref<2560x128xi32, #tpu.memory_space<hbm>>, %arg3: memref<640x16xf32, #tpu.memory_space<hbm>>, %arg4: memref<128x16xf32, #tpu.memory_space<hbm>>, %arg5: memref<2x10240x16xf32, #tpu.memory_space<hbm>>, %arg6: memref<80x128xi32, #tpu.memory_space<vmem>>, %arg7: memref<128x16xf32, #tpu.memory_space<vmem>>, %arg8: memref<10240x16xf32, #tpu.memory_space<vmem_shared>>) attributes {dimension_semantics = [#tpu.dimension_semantics<core_parallel>, #tpu.dimension_semantics<subcore_parallel>], iteration_bounds = array<i64: 2, 16>, scalar_prefetch = 0 : i64, scratch_operands = 3 : i64, tpu.core_type = #tpu.core_type<sc_vector_subcore>, window_params = [{transform_indices = #map}, {transform_indices = #map}, {transform_indices = #map}, {transform_indices = #map1}]} {
    %mul3A = arith.constant 2 : i32
    %mul3A_0 = arith.muli %arg1, %mul3A : i32
    %add3A = arith.addi %mul3A_0, %arg0 : i32
    %mul3A_1 = arith.constant 640 : i32
    %mul3A_2 = arith.muli %arg1, %mul3A_1 : i32
    "tpu.region"() ({
      %run_scoped3A = tpu.sem_alloc : memref<!tpu.dma_semaphore, #tpu.memory_space<semaphore_mem>>
      %dma_start3A = arith.constant 0 : i32
      %dma_start3A_13 = tpu.memref_slice %arg8[%mul3A_2, %dma_start3A] : memref<10240x16xf32, #tpu.memory_space<vmem_shared>> -> memref<640x16xf32, #tpu.memory_space<vmem_shared>>
      tpu.enqueue_dma source(%arg3 : memref<640x16xf32, #tpu.memory_space<hbm>>) target(%dma_start3A_13 : memref<640x16xf32, #tpu.memory_space<vmem_shared>>) target_semaphore(%run_scoped3A : memref<!tpu.dma_semaphore, #tpu.memory_space<semaphore_mem>>)
      %dma_wait3A = arith.constant 0 : i32
      %dma_wait3A_14 = tpu.memref_slice %arg8[%mul3A_2, %dma_wait3A] : memref<10240x16xf32, #tpu.memory_space<vmem_shared>> -> memref<640x16xf32, #tpu.memory_space<vmem_shared>>
      tpu.wait_dma2 semaphore(%run_scoped3A : memref<!tpu.dma_semaphore, #tpu.memory_space<semaphore_mem>>) src(%arg3 : memref<640x16xf32, #tpu.memory_space<hbm>>) dst(%dma_wait3A_14 : memref<640x16xf32, #tpu.memory_space<vmem_shared>>)
      tpu.yield
    }) : () -> ()
    %mul3A_3 = arith.constant 80 : i32
    %mul3A_4 = arith.muli %add3A, %mul3A_3 : i32
    "tpu.region"() ({
      %run_scoped3A = tpu.sem_alloc : memref<!tpu.dma_semaphore, #tpu.memory_space<semaphore_mem>>
      %dma_start3A = arith.constant 0 : i32
      %dma_start3A_13 = tpu.memref_slice %arg2[%mul3A_4, %dma_start3A] : memref<2560x128xi32, #tpu.memory_space<hbm>> -> memref<80x128xi32, #tpu.memory_space<hbm>>
      %dma_start3A_14 = arith.constant 0 : i32
      %dma_start3A_15 = tpu.memref_slice %arg2[%mul3A_4, %dma_start3A_14] : memref<2560x128xi32, #tpu.memory_space<hbm>> -> memref<80x128xi32, #tpu.memory_space<hbm>>
      tpu.enqueue_dma source(%dma_start3A_15 : memref<80x128xi32, #tpu.memory_space<hbm>>) target(%arg6 : memref<80x128xi32, #tpu.memory_space<vmem>>) target_semaphore(%run_scoped3A : memref<!tpu.dma_semaphore, #tpu.memory_space<semaphore_mem>>)
      %dma_wait3A = arith.constant 0 : i32
      %dma_wait3A_16 = tpu.memref_slice %arg2[%mul3A_4, %dma_wait3A] : memref<2560x128xi32, #tpu.memory_space<hbm>> -> memref<80x128xi32, #tpu.memory_space<hbm>>
      %dma_wait3A_17 = arith.constant 0 : i32
      %dma_wait3A_18 = tpu.memref_slice %arg2[%mul3A_4, %dma_wait3A_17] : memref<2560x128xi32, #tpu.memory_space<hbm>> -> memref<80x128xi32, #tpu.memory_space<hbm>>
      tpu.wait_dma2 semaphore(%run_scoped3A : memref<!tpu.dma_semaphore, #tpu.memory_space<semaphore_mem>>) src(%dma_wait3A_18 : memref<80x128xi32, #tpu.memory_space<hbm>>) dst(%arg6 : memref<80x128xi32, #tpu.memory_space<vmem>>)
      tpu.yield
    }) : () -> ()
    "tpu.region"() ({
      %run_scoped3A = tpu.sem_alloc : memref<!tpu.dma_semaphore, #tpu.memory_space<semaphore_mem>>
      tpu.enqueue_dma source(%arg4 : memref<128x16xf32, #tpu.memory_space<hbm>>) target(%arg7 : memref<128x16xf32, #tpu.memory_space<vmem>>) target_semaphore(%run_scoped3A : memref<!tpu.dma_semaphore, #tpu.memory_space<semaphore_mem>>)
      tpu.wait_dma2 semaphore(%run_scoped3A : memref<!tpu.dma_semaphore, #tpu.memory_space<semaphore_mem>>) src(%arg4 : memref<128x16xf32, #tpu.memory_space<hbm>>) dst(%arg7 : memref<128x16xf32, #tpu.memory_space<vmem>>)
      tpu.yield
    }) : () -> ()
    %barrier3A = arith.constant 0 : index
    tpu.barrier barrier_id(%barrier3A)
    %scan3A = arith.constant 0 : i32
    %scan3A_5 = arith.constant 0 : i32
    %scan3A_6 = arith.constant 80 : i32
    %scan3A_7 = arith.addi %scan3A_5, %scan3A_6 : i32
    %scan3A_8 = arith.constant 1 : i32
    scf.for %scan3A_13 = %scan3A_5 to %scan3A_7 step %scan3A_8  : i32 {
      "tpu.region"() ({
        %run_scoped3A = tpu.sem_alloc : memref<!tpu.dma_semaphore, #tpu.memory_space<semaphore_mem>>
        %dma_start3A = arith.constant 0 : i32
        %dma_start3A_14 = tpu.memref_slice %arg6[%scan3A_13, %dma_start3A] : memref<80x128xi32, #tpu.memory_space<vmem>> -> memref<1x128xi32, #tpu.memory_space<vmem>>
        %dma_start3A_15 = tpu.memref_squeeze %dma_start3A_14 : memref<1x128xi32, #tpu.memory_space<vmem>> -> memref<128xi32, #tpu.memory_space<vmem>>
        %dma_start3A_16 = arith.constant 0 : i32
        %dma_start3A_17 = arith.constant 0 : i32
        %dma_start3A_18 = tpu.memref_slice %arg8[%dma_start3A_16, %dma_start3A_17] : memref<10240x16xf32, #tpu.memory_space<vmem_shared>> -> memref<10240x16xf32, #tpu.memory_space<vmem_shared>>
        tpu.enqueue_indirect_dma source(%arg7 : memref<128x16xf32, #tpu.memory_space<vmem>>) target(%dma_start3A_18 : memref<10240x16xf32, #tpu.memory_space<vmem_shared>>) offsets(%dma_start3A_15 : memref<128xi32, #tpu.memory_space<vmem>>) semaphore(%run_scoped3A : memref<!tpu.dma_semaphore, #tpu.memory_space<semaphore_mem>>) {add = true}
        %dma_wait3A = arith.constant 0 : i32
        %dma_wait3A_19 = tpu.memref_slice %arg6[%scan3A_13, %dma_wait3A] : memref<80x128xi32, #tpu.memory_space<vmem>> -> memref<1x128xi32, #tpu.memory_space<vmem>>
        %dma_wait3A_20 = tpu.memref_squeeze %dma_wait3A_19 : memref<1x128xi32, #tpu.memory_space<vmem>> -> memref<128xi32, #tpu.memory_space<vmem>>
        %dma_wait3A_21 = arith.constant 0 : i32
        %dma_wait3A_22 = arith.constant 0 : i32
        %dma_wait3A_23 = tpu.memref_slice %arg8[%dma_wait3A_21, %dma_wait3A_22] : memref<10240x16xf32, #tpu.memory_space<vmem_shared>> -> memref<10240x16xf32, #tpu.memory_space<vmem_shared>>
        tpu.wait_indirect_dma semaphore(%run_scoped3A : memref<!tpu.dma_semaphore, #tpu.memory_space<semaphore_mem>>) src(%arg7 : memref<128x16xf32, #tpu.memory_space<vmem>>) dst(%dma_wait3A_23 : memref<10240x16xf32, #tpu.memory_space<vmem_shared>>)
        tpu.yield
      }) : () -> ()
    }
    %scan3A_9 = arith.constant 80 : i32
    %barrier3A_10 = arith.constant 0 : index
    tpu.barrier barrier_id(%barrier3A_10)
    %mul3A_11 = arith.constant 640 : i32
    %mul3A_12 = arith.muli %arg1, %mul3A_11 : i32
    "tpu.region"() ({
      %run_scoped3A = tpu.sem_alloc : memref<!tpu.dma_semaphore, #tpu.memory_space<semaphore_mem>>
      %dma_start3A = arith.constant 0 : i32
      %dma_start3A_13 = tpu.memref_slice %arg5[%arg0, %mul3A_12, %dma_start3A] : memref<2x10240x16xf32, #tpu.memory_space<hbm>> -> memref<1x640x16xf32, #tpu.memory_space<hbm>>
      %dma_start3A_14 = tpu.memref_squeeze %dma_start3A_13 : memref<1x640x16xf32, #tpu.memory_space<hbm>> -> memref<640x16xf32, #tpu.memory_space<hbm>>
      %dma_start3A_15 = arith.constant 0 : i32
      %dma_start3A_16 = tpu.memref_slice %arg8[%mul3A_12, %dma_start3A_15] : memref<10240x16xf32, #tpu.memory_space<vmem_shared>> -> memref<640x16xf32, #tpu.memory_space<vmem_shared>>
      tpu.enqueue_dma source(%dma_start3A_16 : memref<640x16xf32, #tpu.memory_space<vmem_shared>>) target(%dma_start3A_14 : memref<640x16xf32, #tpu.memory_space<hbm>>) target_semaphore(%run_scoped3A : memref<!tpu.dma_semaphore, #tpu.memory_space<semaphore_mem>>)
      %dma_wait3A = arith.constant 0 : i32
      %dma_wait3A_17 = tpu.memref_slice %arg5[%arg0, %mul3A_12, %dma_wait3A] : memref<2x10240x16xf32, #tpu.memory_space<hbm>> -> memref<1x640x16xf32, #tpu.memory_space<hbm>>
      %dma_wait3A_18 = tpu.memref_squeeze %dma_wait3A_17 : memref<1x640x16xf32, #tpu.memory_space<hbm>> -> memref<640x16xf32, #tpu.memory_space<hbm>>
      %dma_wait3A_19 = arith.constant 0 : i32
      %dma_wait3A_20 = tpu.memref_slice %arg8[%mul3A_12, %dma_wait3A_19] : memref<10240x16xf32, #tpu.memory_space<vmem_shared>> -> memref<640x16xf32, #tpu.memory_space<vmem_shared>>
      tpu.wait_dma2 semaphore(%run_scoped3A : memref<!tpu.dma_semaphore, #tpu.memory_space<semaphore_mem>>) src(%dma_wait3A_20 : memref<640x16xf32, #tpu.memory_space<vmem_shared>>) dst(%dma_wait3A_18 : memref<640x16xf32, #tpu.memory_space<hbm>>)
      tpu.yield
    }) : () -> ()
    return
  }
}

#map = affine_map<(d0, d1) -> (0, 0)>
#map1 = affine_map<(d0, d1) -> (0, 0, 0)>
module attributes {stable_mosaic.version = 14 : i64} {
  func.func @body(%arg0: i32, %arg1: i32, %arg2: memref<10000x64xf32, #tpu.memory_space<hbm>>, %arg3: memref<10000x64xf32, #tpu.memory_space<hbm>>, %arg4: memref<2560x128xi32, #tpu.memory_space<hbm>>, %arg5: memref<2560x128xi32, #tpu.memory_space<hbm>>, %arg6: memref<640x64xf32, #tpu.memory_space<hbm>>, %arg7: memref<2x10240x64xf32, #tpu.memory_space<hbm>>, %arg8: memref<2x10240x64xf32, #tpu.memory_space<hbm>>, %arg9: memref<4x128xi32, #tpu.memory_space<vmem>>, %arg10: memref<4x128xi32, #tpu.memory_space<vmem>>, %arg11: memref<4x128xi32, #tpu.memory_space<vmem>>, %arg12: memref<4x128xi32, #tpu.memory_space<vmem>>, %arg13: memref<512x64xf32, #tpu.memory_space<vmem>>, %arg14: memref<512x64xf32, #tpu.memory_space<vmem>>, %arg15: memref<10240x64xf32, #tpu.memory_space<vmem_shared>>, %arg16: memref<!tpu.dma_semaphore, #tpu.memory_space<semaphore_mem>>, %arg17: memref<!tpu.dma_semaphore, #tpu.memory_space<semaphore_mem>>) attributes {dimension_semantics = [#tpu.dimension_semantics<core_parallel>, #tpu.dimension_semantics<subcore_parallel>], iteration_bounds = array<i64: 2, 16>, scalar_prefetch = 0 : i64, scratch_operands = 9 : i64, tpu.core_type = #tpu.core_type<sc_vector_subcore>, window_params = [{transform_indices = #map}, {transform_indices = #map}, {transform_indices = #map}, {transform_indices = #map}, {transform_indices = #map}, {transform_indices = #map1}, {transform_indices = #map1}]} {
    %eq3A = arith.constant 0 : i32
    %eq3A_0 = arith.cmpi eq, %arg0, %eq3A : i32
    %mul3A = arith.constant 152 : i32
    %mul3A_1 = arith.muli %arg1, %mul3A : i32
    %mul3A_2 = arith.constant 8 : i32
    %mul3A_3 = arith.muli %arg1, %mul3A_2 : i32
    %add3A = arith.constant 2432 : i32
    %add3A_4 = arith.addi %add3A, %mul3A_3 : i32
    %select_n3A = arith.select %eq3A_0, %mul3A_1, %add3A_4 : i32
    %eq3A_5 = arith.constant 0 : i32
    %eq3A_6 = arith.cmpi eq, %arg0, %eq3A_5 : i32
    %jit3A = arith.constant 19 : i32
    %jit3A_7 = arith.constant 1 : i32
    %select_n3A_8 = arith.select %eq3A_6, %jit3A, %jit3A_7 : i32
    %mul3A_9 = arith.constant 640 : i32
    %mul3A_10 = arith.muli %arg1, %mul3A_9 : i32
    "tpu.region"() ({
      %run_scoped3A = tpu.sem_alloc : memref<!tpu.dma_semaphore, #tpu.memory_space<semaphore_mem>>
      %dma_start3A = arith.constant 0 : i32
      %dma_start3A_50 = tpu.memref_slice %arg15[%mul3A_10, %dma_start3A] : memref<10240x64xf32, #tpu.memory_space<vmem_shared>> -> memref<640x64xf32, #tpu.memory_space<vmem_shared>>
      tpu.enqueue_dma source(%arg6 : memref<640x64xf32, #tpu.memory_space<hbm>>) target(%dma_start3A_50 : memref<640x64xf32, #tpu.memory_space<vmem_shared>>) target_semaphore(%run_scoped3A : memref<!tpu.dma_semaphore, #tpu.memory_space<semaphore_mem>>)
      %dma_wait3A = arith.constant 0 : i32
      %dma_wait3A_51 = tpu.memref_slice %arg15[%mul3A_10, %dma_wait3A] : memref<10240x64xf32, #tpu.memory_space<vmem_shared>> -> memref<640x64xf32, #tpu.memory_space<vmem_shared>>
      tpu.wait_dma2 semaphore(%run_scoped3A : memref<!tpu.dma_semaphore, #tpu.memory_space<semaphore_mem>>) src(%arg6 : memref<640x64xf32, #tpu.memory_space<hbm>>) dst(%dma_wait3A_51 : memref<640x64xf32, #tpu.memory_space<vmem_shared>>)
      tpu.yield
    }) : () -> ()
    %barrier3A = arith.constant 0 : index
    tpu.barrier barrier_id(%barrier3A)
    %add3A_11 = arith.constant 0 : i32
    %add3A_12 = arith.addi %select_n3A, %add3A_11 : i32
    "tpu.region"() ({
      %run_scoped3A = tpu.sem_alloc : memref<!tpu.dma_semaphore, #tpu.memory_space<semaphore_mem>>
      %dma_start3A = arith.constant 0 : i32
      %dma_start3A_50 = tpu.memref_slice %arg4[%add3A_12, %dma_start3A] : memref<2560x128xi32, #tpu.memory_space<hbm>> -> memref<4x128xi32, #tpu.memory_space<hbm>>
      %dma_start3A_51 = arith.constant 0 : i32
      %dma_start3A_52 = tpu.memref_slice %arg4[%add3A_12, %dma_start3A_51] : memref<2560x128xi32, #tpu.memory_space<hbm>> -> memref<4x128xi32, #tpu.memory_space<hbm>>
      tpu.enqueue_dma source(%dma_start3A_52 : memref<4x128xi32, #tpu.memory_space<hbm>>) target(%arg9 : memref<4x128xi32, #tpu.memory_space<vmem>>) target_semaphore(%run_scoped3A : memref<!tpu.dma_semaphore, #tpu.memory_space<semaphore_mem>>)
      %dma_wait3A = arith.constant 0 : i32
      %dma_wait3A_53 = tpu.memref_slice %arg4[%add3A_12, %dma_wait3A] : memref<2560x128xi32, #tpu.memory_space<hbm>> -> memref<4x128xi32, #tpu.memory_space<hbm>>
      %dma_wait3A_54 = arith.constant 0 : i32
      %dma_wait3A_55 = tpu.memref_slice %arg4[%add3A_12, %dma_wait3A_54] : memref<2560x128xi32, #tpu.memory_space<hbm>> -> memref<4x128xi32, #tpu.memory_space<hbm>>
      tpu.wait_dma2 semaphore(%run_scoped3A : memref<!tpu.dma_semaphore, #tpu.memory_space<semaphore_mem>>) src(%dma_wait3A_55 : memref<4x128xi32, #tpu.memory_space<hbm>>) dst(%arg9 : memref<4x128xi32, #tpu.memory_space<vmem>>)
      tpu.yield
    }) : () -> ()
    "tpu.region"() ({
      %run_scoped3A = tpu.sem_alloc : memref<!tpu.dma_semaphore, #tpu.memory_space<semaphore_mem>>
      %dma_start3A = arith.constant 0 : i32
      %dma_start3A_50 = tpu.memref_slice %arg5[%add3A_12, %dma_start3A] : memref<2560x128xi32, #tpu.memory_space<hbm>> -> memref<4x128xi32, #tpu.memory_space<hbm>>
      %dma_start3A_51 = arith.constant 0 : i32
      %dma_start3A_52 = tpu.memref_slice %arg5[%add3A_12, %dma_start3A_51] : memref<2560x128xi32, #tpu.memory_space<hbm>> -> memref<4x128xi32, #tpu.memory_space<hbm>>
      tpu.enqueue_dma source(%dma_start3A_52 : memref<4x128xi32, #tpu.memory_space<hbm>>) target(%arg10 : memref<4x128xi32, #tpu.memory_space<vmem>>) target_semaphore(%run_scoped3A : memref<!tpu.dma_semaphore, #tpu.memory_space<semaphore_mem>>)
      %dma_wait3A = arith.constant 0 : i32
      %dma_wait3A_53 = tpu.memref_slice %arg5[%add3A_12, %dma_wait3A] : memref<2560x128xi32, #tpu.memory_space<hbm>> -> memref<4x128xi32, #tpu.memory_space<hbm>>
      %dma_wait3A_54 = arith.constant 0 : i32
      %dma_wait3A_55 = tpu.memref_slice %arg5[%add3A_12, %dma_wait3A_54] : memref<2560x128xi32, #tpu.memory_space<hbm>> -> memref<4x128xi32, #tpu.memory_space<hbm>>
      tpu.wait_dma2 semaphore(%run_scoped3A : memref<!tpu.dma_semaphore, #tpu.memory_space<semaphore_mem>>) src(%dma_wait3A_55 : memref<4x128xi32, #tpu.memory_space<hbm>>) dst(%arg10 : memref<4x128xi32, #tpu.memory_space<vmem>>)
      tpu.yield
    }) : () -> ()
    %scan3A = arith.constant 0 : i32
    %scan3A_13 = arith.constant 0 : i32
    %scan3A_14 = arith.constant 4 : i32
    %scan3A_15 = arith.addi %scan3A_13, %scan3A_14 : i32
    %scan3A_16 = arith.constant 1 : i32
    scf.for %scan3A_50 = %scan3A_13 to %scan3A_15 step %scan3A_16  : i32 {
      %mul3A_51 = arith.constant 128 : i32
      %mul3A_52 = arith.muli %scan3A_50, %mul3A_51 : i32
      %dma_start3A = arith.constant 0 : i32
      %dma_start3A_53 = tpu.memref_slice %arg13[%mul3A_52, %dma_start3A] : memref<512x64xf32, #tpu.memory_space<vmem>> -> memref<128x64xf32, #tpu.memory_space<vmem>>
      %dma_start3A_54 = arith.constant 0 : i32
      %dma_start3A_55 = tpu.memref_slice %arg9[%scan3A_50, %dma_start3A_54] : memref<4x128xi32, #tpu.memory_space<vmem>> -> memref<1x128xi32, #tpu.memory_space<vmem>>
      %dma_start3A_56 = tpu.memref_squeeze %dma_start3A_55 : memref<1x128xi32, #tpu.memory_space<vmem>> -> memref<128xi32, #tpu.memory_space<vmem>>
      %dma_start3A_57 = arith.constant 0 : i32
      %dma_start3A_58 = arith.constant 0 : i32
      %dma_start3A_59 = tpu.memref_slice %arg2[%dma_start3A_57, %dma_start3A_58] : memref<10000x64xf32, #tpu.memory_space<hbm>> -> memref<10000x64xf32, #tpu.memory_space<hbm>>
      tpu.enqueue_indirect_dma source(%dma_start3A_59 : memref<10000x64xf32, #tpu.memory_space<hbm>>) target(%dma_start3A_53 : memref<128x64xf32, #tpu.memory_space<vmem>>) offsets(%dma_start3A_56 : memref<128xi32, #tpu.memory_space<vmem>>) semaphore(%arg16 : memref<!tpu.dma_semaphore, #tpu.memory_space<semaphore_mem>>)
    }
    %scan3A_17 = arith.constant 4 : i32
    %while3A = arith.constant 0 : i32
    %while3A_18 = arith.constant 0 : i32
    %while3A_19 = arith.subi %select_n3A_8, %while3A_18 : i32
    %while3A_20 = arith.addi %while3A_18, %while3A_19 : i32
    %while3A_21 = arith.constant 1 : i32
    %while3A_22 = arith.divsi %while3A_19, %while3A_21 : i32
    %while3A_23 = arith.muli %while3A_22, %while3A_21 : i32
    %while3A_24 = arith.addi %while3A_18, %while3A_23 : i32
    %while3A_25 = arith.constant 1 : i32
    scf.for %while3A_50 = %while3A_18 to %while3A_24 step %while3A_25  : i32 {
      %mul3A_51 = arith.constant 2 : i32
      %mul3A_52 = arith.muli %mul3A_51, %while3A_50 : i32
      %add3A_53 = arith.constant 1 : i32
      %add3A_54 = arith.addi %mul3A_52, %add3A_53 : i32
      %mul3A_55 = arith.constant 4 : i32
      %mul3A_56 = arith.muli %add3A_54, %mul3A_55 : i32
      %add3A_57 = arith.addi %select_n3A, %mul3A_56 : i32
      "tpu.region"() ({
        %run_scoped3A = tpu.sem_alloc : memref<!tpu.dma_semaphore, #tpu.memory_space<semaphore_mem>>
        %dma_start3A = arith.constant 0 : i32
        %dma_start3A_89 = tpu.memref_slice %arg4[%add3A_57, %dma_start3A] : memref<2560x128xi32, #tpu.memory_space<hbm>> -> memref<4x128xi32, #tpu.memory_space<hbm>>
        %dma_start3A_90 = arith.constant 0 : i32
        %dma_start3A_91 = tpu.memref_slice %arg4[%add3A_57, %dma_start3A_90] : memref<2560x128xi32, #tpu.memory_space<hbm>> -> memref<4x128xi32, #tpu.memory_space<hbm>>
        tpu.enqueue_dma source(%dma_start3A_91 : memref<4x128xi32, #tpu.memory_space<hbm>>) target(%arg11 : memref<4x128xi32, #tpu.memory_space<vmem>>) target_semaphore(%run_scoped3A : memref<!tpu.dma_semaphore, #tpu.memory_space<semaphore_mem>>)
        %dma_wait3A_92 = arith.constant 0 : i32
        %dma_wait3A_93 = tpu.memref_slice %arg4[%add3A_57, %dma_wait3A_92] : memref<2560x128xi32, #tpu.memory_space<hbm>> -> memref<4x128xi32, #tpu.memory_space<hbm>>
        %dma_wait3A_94 = arith.constant 0 : i32
        %dma_wait3A_95 = tpu.memref_slice %arg4[%add3A_57, %dma_wait3A_94] : memref<2560x128xi32, #tpu.memory_space<hbm>> -> memref<4x128xi32, #tpu.memory_space<hbm>>
        tpu.wait_dma2 semaphore(%run_scoped3A : memref<!tpu.dma_semaphore, #tpu.memory_space<semaphore_mem>>) src(%dma_wait3A_95 : memref<4x128xi32, #tpu.memory_space<hbm>>) dst(%arg11 : memref<4x128xi32, #tpu.memory_space<vmem>>)
        tpu.yield
      }) : () -> ()
      "tpu.region"() ({
        %run_scoped3A = tpu.sem_alloc : memref<!tpu.dma_semaphore, #tpu.memory_space<semaphore_mem>>
        %dma_start3A = arith.constant 0 : i32
        %dma_start3A_89 = tpu.memref_slice %arg5[%add3A_57, %dma_start3A] : memref<2560x128xi32, #tpu.memory_space<hbm>> -> memref<4x128xi32, #tpu.memory_space<hbm>>
        %dma_start3A_90 = arith.constant 0 : i32
        %dma_start3A_91 = tpu.memref_slice %arg5[%add3A_57, %dma_start3A_90] : memref<2560x128xi32, #tpu.memory_space<hbm>> -> memref<4x128xi32, #tpu.memory_space<hbm>>
        tpu.enqueue_dma source(%dma_start3A_91 : memref<4x128xi32, #tpu.memory_space<hbm>>) target(%arg12 : memref<4x128xi32, #tpu.memory_space<vmem>>) target_semaphore(%run_scoped3A : memref<!tpu.dma_semaphore, #tpu.memory_space<semaphore_mem>>)
        %dma_wait3A_92 = arith.constant 0 : i32
        %dma_wait3A_93 = tpu.memref_slice %arg5[%add3A_57, %dma_wait3A_92] : memref<2560x128xi32, #tpu.memory_space<hbm>> -> memref<4x128xi32, #tpu.memory_space<hbm>>
        %dma_wait3A_94 = arith.constant 0 : i32
        %dma_wait3A_95 = tpu.memref_slice %arg5[%add3A_57, %dma_wait3A_94] : memref<2560x128xi32, #tpu.memory_space<hbm>> -> memref<4x128xi32, #tpu.memory_space<hbm>>
        tpu.wait_dma2 semaphore(%run_scoped3A : memref<!tpu.dma_semaphore, #tpu.memory_space<semaphore_mem>>) src(%dma_wait3A_95 : memref<4x128xi32, #tpu.memory_space<hbm>>) dst(%arg12 : memref<4x128xi32, #tpu.memory_space<vmem>>)
        tpu.yield
      }) : () -> ()
      %scan3A_58 = arith.constant 0 : i32
      %scan3A_59 = arith.constant 0 : i32
      %scan3A_60 = arith.constant 4 : i32
      %scan3A_61 = arith.addi %scan3A_59, %scan3A_60 : i32
      %scan3A_62 = arith.constant 1 : i32
      scf.for %scan3A_89 = %scan3A_59 to %scan3A_61 step %scan3A_62  : i32 {
        %mul3A_90 = arith.constant 128 : i32
        %mul3A_91 = arith.muli %scan3A_89, %mul3A_90 : i32
        %dma_start3A = arith.constant 0 : i32
        %dma_start3A_92 = tpu.memref_slice %arg14[%mul3A_91, %dma_start3A] : memref<512x64xf32, #tpu.memory_space<vmem>> -> memref<128x64xf32, #tpu.memory_space<vmem>>
        %dma_start3A_93 = arith.constant 0 : i32
        %dma_start3A_94 = tpu.memref_slice %arg11[%scan3A_89, %dma_start3A_93] : memref<4x128xi32, #tpu.memory_space<vmem>> -> memref<1x128xi32, #tpu.memory_space<vmem>>
        %dma_start3A_95 = tpu.memref_squeeze %dma_start3A_94 : memref<1x128xi32, #tpu.memory_space<vmem>> -> memref<128xi32, #tpu.memory_space<vmem>>
        %dma_start3A_96 = arith.constant 0 : i32
        %dma_start3A_97 = arith.constant 0 : i32
        %dma_start3A_98 = tpu.memref_slice %arg2[%dma_start3A_96, %dma_start3A_97] : memref<10000x64xf32, #tpu.memory_space<hbm>> -> memref<10000x64xf32, #tpu.memory_space<hbm>>
        tpu.enqueue_indirect_dma source(%dma_start3A_98 : memref<10000x64xf32, #tpu.memory_space<hbm>>) target(%dma_start3A_92 : memref<128x64xf32, #tpu.memory_space<vmem>>) offsets(%dma_start3A_95 : memref<128xi32, #tpu.memory_space<vmem>>) semaphore(%arg17 : memref<!tpu.dma_semaphore, #tpu.memory_space<semaphore_mem>>)
      }
      %scan3A_63 = arith.constant 4 : i32
      %dma_wait3A = arith.constant 0 : i32
      %dma_wait3A_64 = arith.constant 0 : i32
      %dma_wait3A_65 = tpu.memref_slice %arg2[%dma_wait3A, %dma_wait3A_64] : memref<10000x64xf32, #tpu.memory_space<hbm>> -> memref<512x64xf32, #tpu.memory_space<hbm>>
      %dma_wait3A_66 = arith.constant 0 : i32
      %dma_wait3A_67 = arith.constant 0 : i32
      %dma_wait3A_68 = tpu.memref_slice %arg2[%dma_wait3A_66, %dma_wait3A_67] : memref<10000x64xf32, #tpu.memory_space<hbm>> -> memref<512x64xf32, #tpu.memory_space<hbm>>
      tpu.wait_dma2 semaphore(%arg16 : memref<!tpu.dma_semaphore, #tpu.memory_space<semaphore_mem>>) src(%dma_wait3A_68 : memref<512x64xf32, #tpu.memory_space<hbm>>) dst(%arg13 : memref<512x64xf32, #tpu.memory_space<vmem>>)
      %scan3A_69 = arith.constant 0 : i32
      %scan3A_70 = arith.constant 0 : i32
      %scan3A_71 = arith.constant 4 : i32
      %scan3A_72 = arith.addi %scan3A_70, %scan3A_71 : i32
      %scan3A_73 = arith.constant 1 : i32
      scf.for %scan3A_89 = %scan3A_70 to %scan3A_72 step %scan3A_73  : i32 {
        %mul3A_90 = arith.constant 128 : i32
        %mul3A_91 = arith.muli %scan3A_89, %mul3A_90 : i32
        "tpu.region"() ({
          %run_scoped3A = tpu.sem_alloc : memref<!tpu.dma_semaphore, #tpu.memory_space<semaphore_mem>>
          %dma_start3A = arith.constant 0 : i32
          %dma_start3A_92 = tpu.memref_slice %arg13[%mul3A_91, %dma_start3A] : memref<512x64xf32, #tpu.memory_space<vmem>> -> memref<128x64xf32, #tpu.memory_space<vmem>>
          %dma_start3A_93 = arith.constant 0 : i32
          %dma_start3A_94 = tpu.memref_slice %arg10[%scan3A_89, %dma_start3A_93] : memref<4x128xi32, #tpu.memory_space<vmem>> -> memref<1x128xi32, #tpu.memory_space<vmem>>
          %dma_start3A_95 = tpu.memref_squeeze %dma_start3A_94 : memref<1x128xi32, #tpu.memory_space<vmem>> -> memref<128xi32, #tpu.memory_space<vmem>>
          %dma_start3A_96 = arith.constant 0 : i32
          %dma_start3A_97 = arith.constant 0 : i32
          %dma_start3A_98 = tpu.memref_slice %arg15[%dma_start3A_96, %dma_start3A_97] : memref<10240x64xf32, #tpu.memory_space<vmem_shared>> -> memref<10240x64xf32, #tpu.memory_space<vmem_shared>>
          tpu.enqueue_indirect_dma source(%dma_start3A_92 : memref<128x64xf32, #tpu.memory_space<vmem>>) target(%dma_start3A_98 : memref<10240x64xf32, #tpu.memory_space<vmem_shared>>) offsets(%dma_start3A_95 : memref<128xi32, #tpu.memory_space<vmem>>) semaphore(%run_scoped3A : memref<!tpu.dma_semaphore, #tpu.memory_space<semaphore_mem>>) {add = true}
          %dma_wait3A_99 = arith.constant 0 : i32
          %dma_wait3A_100 = tpu.memref_slice %arg13[%mul3A_91, %dma_wait3A_99] : memref<512x64xf32, #tpu.memory_space<vmem>> -> memref<128x64xf32, #tpu.memory_space<vmem>>
          %dma_wait3A_101 = arith.constant 0 : i32
          %dma_wait3A_102 = tpu.memref_slice %arg10[%scan3A_89, %dma_wait3A_101] : memref<4x128xi32, #tpu.memory_space<vmem>> -> memref<1x128xi32, #tpu.memory_space<vmem>>
          %dma_wait3A_103 = tpu.memref_squeeze %dma_wait3A_102 : memref<1x128xi32, #tpu.memory_space<vmem>> -> memref<128xi32, #tpu.memory_space<vmem>>
          %dma_wait3A_104 = arith.constant 0 : i32
          %dma_wait3A_105 = arith.constant 0 : i32
          %dma_wait3A_106 = tpu.memref_slice %arg15[%dma_wait3A_104, %dma_wait3A_105] : memref<10240x64xf32, #tpu.memory_space<vmem_shared>> -> memref<10240x64xf32, #tpu.memory_space<vmem_shared>>
          tpu.wait_indirect_dma semaphore(%run_scoped3A : memref<!tpu.dma_semaphore, #tpu.memory_space<semaphore_mem>>) src(%dma_wait3A_100 : memref<128x64xf32, #tpu.memory_space<vmem>>) dst(%dma_wait3A_106 : memref<10240x64xf32, #tpu.memory_space<vmem_shared>>)
          tpu.yield
        }) : () -> ()
      }
      %scan3A_74 = arith.constant 4 : i32
      %sub3A = arith.constant 1 : i32
      %sub3A_75 = arith.subi %select_n3A_8, %sub3A : i32
      %lt3A = arith.cmpi slt, %while3A_50, %sub3A_75 : i32
      %convert_element_type3A = arith.extui %lt3A : i1 to i32
      %cond3A = arith.constant 0 : i32
      %cond3A_76 = arith.cmpi ne, %convert_element_type3A, %cond3A : i32
      scf.if %cond3A_76 {
        %add3A_89 = arith.constant 2 : i32
        %add3A_90 = arith.addi %mul3A_52, %add3A_89 : i32
        %mul3A_91 = arith.constant 4 : i32
        %mul3A_92 = arith.muli %add3A_90, %mul3A_91 : i32
        %add3A_93 = arith.addi %select_n3A, %mul3A_92 : i32
        "tpu.region"() ({
          %run_scoped3A = tpu.sem_alloc : memref<!tpu.dma_semaphore, #tpu.memory_space<semaphore_mem>>
          %dma_start3A = arith.constant 0 : i32
          %dma_start3A_100 = tpu.memref_slice %arg4[%add3A_93, %dma_start3A] : memref<2560x128xi32, #tpu.memory_space<hbm>> -> memref<4x128xi32, #tpu.memory_space<hbm>>
          %dma_start3A_101 = arith.constant 0 : i32
          %dma_start3A_102 = tpu.memref_slice %arg4[%add3A_93, %dma_start3A_101] : memref<2560x128xi32, #tpu.memory_space<hbm>> -> memref<4x128xi32, #tpu.memory_space<hbm>>
          tpu.enqueue_dma source(%dma_start3A_102 : memref<4x128xi32, #tpu.memory_space<hbm>>) target(%arg9 : memref<4x128xi32, #tpu.memory_space<vmem>>) target_semaphore(%run_scoped3A : memref<!tpu.dma_semaphore, #tpu.memory_space<semaphore_mem>>)
          %dma_wait3A_103 = arith.constant 0 : i32
          %dma_wait3A_104 = tpu.memref_slice %arg4[%add3A_93, %dma_wait3A_103] : memref<2560x128xi32, #tpu.memory_space<hbm>> -> memref<4x128xi32, #tpu.memory_space<hbm>>
          %dma_wait3A_105 = arith.constant 0 : i32
          %dma_wait3A_106 = tpu.memref_slice %arg4[%add3A_93, %dma_wait3A_105] : memref<2560x128xi32, #tpu.memory_space<hbm>> -> memref<4x128xi32, #tpu.memory_space<hbm>>
          tpu.wait_dma2 semaphore(%run_scoped3A : memref<!tpu.dma_semaphore, #tpu.memory_space<semaphore_mem>>) src(%dma_wait3A_106 : memref<4x128xi32, #tpu.memory_space<hbm>>) dst(%arg9 : memref<4x128xi32, #tpu.memory_space<vmem>>)
          tpu.yield
        }) : () -> ()
        "tpu.region"() ({
          %run_scoped3A = tpu.sem_alloc : memref<!tpu.dma_semaphore, #tpu.memory_space<semaphore_mem>>
          %dma_start3A = arith.constant 0 : i32
          %dma_start3A_100 = tpu.memref_slice %arg5[%add3A_93, %dma_start3A] : memref<2560x128xi32, #tpu.memory_space<hbm>> -> memref<4x128xi32, #tpu.memory_space<hbm>>
          %dma_start3A_101 = arith.constant 0 : i32
          %dma_start3A_102 = tpu.memref_slice %arg5[%add3A_93, %dma_start3A_101] : memref<2560x128xi32, #tpu.memory_space<hbm>> -> memref<4x128xi32, #tpu.memory_space<hbm>>
          tpu.enqueue_dma source(%dma_start3A_102 : memref<4x128xi32, #tpu.memory_space<hbm>>) target(%arg10 : memref<4x128xi32, #tpu.memory_space<vmem>>) target_semaphore(%run_scoped3A : memref<!tpu.dma_semaphore, #tpu.memory_space<semaphore_mem>>)
          %dma_wait3A_103 = arith.constant 0 : i32
          %dma_wait3A_104 = tpu.memref_slice %arg5[%add3A_93, %dma_wait3A_103] : memref<2560x128xi32, #tpu.memory_space<hbm>> -> memref<4x128xi32, #tpu.memory_space<hbm>>
          %dma_wait3A_105 = arith.constant 0 : i32
          %dma_wait3A_106 = tpu.memref_slice %arg5[%add3A_93, %dma_wait3A_105] : memref<2560x128xi32, #tpu.memory_space<hbm>> -> memref<4x128xi32, #tpu.memory_space<hbm>>
          tpu.wait_dma2 semaphore(%run_scoped3A : memref<!tpu.dma_semaphore, #tpu.memory_space<semaphore_mem>>) src(%dma_wait3A_106 : memref<4x128xi32, #tpu.memory_space<hbm>>) dst(%arg10 : memref<4x128xi32, #tpu.memory_space<vmem>>)
          tpu.yield
        }) : () -> ()
        %scan3A_94 = arith.constant 0 : i32
        %scan3A_95 = arith.constant 0 : i32
        %scan3A_96 = arith.constant 4 : i32
        %scan3A_97 = arith.addi %scan3A_95, %scan3A_96 : i32
        %scan3A_98 = arith.constant 1 : i32
        scf.for %scan3A_100 = %scan3A_95 to %scan3A_97 step %scan3A_98  : i32 {
          %mul3A_101 = arith.constant 128 : i32
          %mul3A_102 = arith.muli %scan3A_100, %mul3A_101 : i32
          %dma_start3A = arith.constant 0 : i32
          %dma_start3A_103 = tpu.memref_slice %arg13[%mul3A_102, %dma_start3A] : memref<512x64xf32, #tpu.memory_space<vmem>> -> memref<128x64xf32, #tpu.memory_space<vmem>>
          %dma_start3A_104 = arith.constant 0 : i32
          %dma_start3A_105 = tpu.memref_slice %arg9[%scan3A_100, %dma_start3A_104] : memref<4x128xi32, #tpu.memory_space<vmem>> -> memref<1x128xi32, #tpu.memory_space<vmem>>
          %dma_start3A_106 = tpu.memref_squeeze %dma_start3A_105 : memref<1x128xi32, #tpu.memory_space<vmem>> -> memref<128xi32, #tpu.memory_space<vmem>>
          %dma_start3A_107 = arith.constant 0 : i32
          %dma_start3A_108 = arith.constant 0 : i32
          %dma_start3A_109 = tpu.memref_slice %arg2[%dma_start3A_107, %dma_start3A_108] : memref<10000x64xf32, #tpu.memory_space<hbm>> -> memref<10000x64xf32, #tpu.memory_space<hbm>>
          tpu.enqueue_indirect_dma source(%dma_start3A_109 : memref<10000x64xf32, #tpu.memory_space<hbm>>) target(%dma_start3A_103 : memref<128x64xf32, #tpu.memory_space<vmem>>) offsets(%dma_start3A_106 : memref<128xi32, #tpu.memory_space<vmem>>) semaphore(%arg16 : memref<!tpu.dma_semaphore, #tpu.memory_space<semaphore_mem>>)
        }
        %scan3A_99 = arith.constant 4 : i32
      } else {
      }
      %dma_wait3A_77 = arith.constant 0 : i32
      %dma_wait3A_78 = arith.constant 0 : i32
      %dma_wait3A_79 = tpu.memref_slice %arg2[%dma_wait3A_77, %dma_wait3A_78] : memref<10000x64xf32, #tpu.memory_space<hbm>> -> memref<512x64xf32, #tpu.memory_space<hbm>>
      %dma_wait3A_80 = arith.constant 0 : i32
      %dma_wait3A_81 = arith.constant 0 : i32
      %dma_wait3A_82 = tpu.memref_slice %arg2[%dma_wait3A_80, %dma_wait3A_81] : memref<10000x64xf32, #tpu.memory_space<hbm>> -> memref<512x64xf32, #tpu.memory_space<hbm>>
      tpu.wait_dma2 semaphore(%arg17 : memref<!tpu.dma_semaphore, #tpu.memory_space<semaphore_mem>>) src(%dma_wait3A_82 : memref<512x64xf32, #tpu.memory_space<hbm>>) dst(%arg14 : memref<512x64xf32, #tpu.memory_space<vmem>>)
      %scan3A_83 = arith.constant 0 : i32
      %scan3A_84 = arith.constant 0 : i32
      %scan3A_85 = arith.constant 4 : i32
      %scan3A_86 = arith.addi %scan3A_84, %scan3A_85 : i32
      %scan3A_87 = arith.constant 1 : i32
      scf.for %scan3A_89 = %scan3A_84 to %scan3A_86 step %scan3A_87  : i32 {
        %mul3A_90 = arith.constant 128 : i32
        %mul3A_91 = arith.muli %scan3A_89, %mul3A_90 : i32
        "tpu.region"() ({
          %run_scoped3A = tpu.sem_alloc : memref<!tpu.dma_semaphore, #tpu.memory_space<semaphore_mem>>
          %dma_start3A = arith.constant 0 : i32
          %dma_start3A_92 = tpu.memref_slice %arg14[%mul3A_91, %dma_start3A] : memref<512x64xf32, #tpu.memory_space<vmem>> -> memref<128x64xf32, #tpu.memory_space<vmem>>
          %dma_start3A_93 = arith.constant 0 : i32
          %dma_start3A_94 = tpu.memref_slice %arg12[%scan3A_89, %dma_start3A_93] : memref<4x128xi32, #tpu.memory_space<vmem>> -> memref<1x128xi32, #tpu.memory_space<vmem>>
          %dma_start3A_95 = tpu.memref_squeeze %dma_start3A_94 : memref<1x128xi32, #tpu.memory_space<vmem>> -> memref<128xi32, #tpu.memory_space<vmem>>
          %dma_start3A_96 = arith.constant 0 : i32
          %dma_start3A_97 = arith.constant 0 : i32
          %dma_start3A_98 = tpu.memref_slice %arg15[%dma_start3A_96, %dma_start3A_97] : memref<10240x64xf32, #tpu.memory_space<vmem_shared>> -> memref<10240x64xf32, #tpu.memory_space<vmem_shared>>
          tpu.enqueue_indirect_dma source(%dma_start3A_92 : memref<128x64xf32, #tpu.memory_space<vmem>>) target(%dma_start3A_98 : memref<10240x64xf32, #tpu.memory_space<vmem_shared>>) offsets(%dma_start3A_95 : memref<128xi32, #tpu.memory_space<vmem>>) semaphore(%run_scoped3A : memref<!tpu.dma_semaphore, #tpu.memory_space<semaphore_mem>>) {add = true}
          %dma_wait3A_99 = arith.constant 0 : i32
          %dma_wait3A_100 = tpu.memref_slice %arg14[%mul3A_91, %dma_wait3A_99] : memref<512x64xf32, #tpu.memory_space<vmem>> -> memref<128x64xf32, #tpu.memory_space<vmem>>
          %dma_wait3A_101 = arith.constant 0 : i32
          %dma_wait3A_102 = tpu.memref_slice %arg12[%scan3A_89, %dma_wait3A_101] : memref<4x128xi32, #tpu.memory_space<vmem>> -> memref<1x128xi32, #tpu.memory_space<vmem>>
          %dma_wait3A_103 = tpu.memref_squeeze %dma_wait3A_102 : memref<1x128xi32, #tpu.memory_space<vmem>> -> memref<128xi32, #tpu.memory_space<vmem>>
          %dma_wait3A_104 = arith.constant 0 : i32
          %dma_wait3A_105 = arith.constant 0 : i32
          %dma_wait3A_106 = tpu.memref_slice %arg15[%dma_wait3A_104, %dma_wait3A_105] : memref<10240x64xf32, #tpu.memory_space<vmem_shared>> -> memref<10240x64xf32, #tpu.memory_space<vmem_shared>>
          tpu.wait_indirect_dma semaphore(%run_scoped3A : memref<!tpu.dma_semaphore, #tpu.memory_space<semaphore_mem>>) src(%dma_wait3A_100 : memref<128x64xf32, #tpu.memory_space<vmem>>) dst(%dma_wait3A_106 : memref<10240x64xf32, #tpu.memory_space<vmem_shared>>)
          tpu.yield
        }) : () -> ()
      }
      %scan3A_88 = arith.constant 4 : i32
    }
    %while3A_26 = arith.constant 1 : i32
    scf.for %while3A_50 = %while3A_24 to %while3A_20 step %while3A_26  : i32 {
      %mul3A_51 = arith.constant 2 : i32
      %mul3A_52 = arith.muli %mul3A_51, %while3A_50 : i32
      %add3A_53 = arith.constant 1 : i32
      %add3A_54 = arith.addi %mul3A_52, %add3A_53 : i32
      %mul3A_55 = arith.constant 4 : i32
      %mul3A_56 = arith.muli %add3A_54, %mul3A_55 : i32
      %add3A_57 = arith.addi %select_n3A, %mul3A_56 : i32
      "tpu.region"() ({
        %run_scoped3A = tpu.sem_alloc : memref<!tpu.dma_semaphore, #tpu.memory_space<semaphore_mem>>
        %dma_start3A = arith.constant 0 : i32
        %dma_start3A_89 = tpu.memref_slice %arg4[%add3A_57, %dma_start3A] : memref<2560x128xi32, #tpu.memory_space<hbm>> -> memref<4x128xi32, #tpu.memory_space<hbm>>
        %dma_start3A_90 = arith.constant 0 : i32
        %dma_start3A_91 = tpu.memref_slice %arg4[%add3A_57, %dma_start3A_90] : memref<2560x128xi32, #tpu.memory_space<hbm>> -> memref<4x128xi32, #tpu.memory_space<hbm>>
        tpu.enqueue_dma source(%dma_start3A_91 : memref<4x128xi32, #tpu.memory_space<hbm>>) target(%arg11 : memref<4x128xi32, #tpu.memory_space<vmem>>) target_semaphore(%run_scoped3A : memref<!tpu.dma_semaphore, #tpu.memory_space<semaphore_mem>>)
        %dma_wait3A_92 = arith.constant 0 : i32
        %dma_wait3A_93 = tpu.memref_slice %arg4[%add3A_57, %dma_wait3A_92] : memref<2560x128xi32, #tpu.memory_space<hbm>> -> memref<4x128xi32, #tpu.memory_space<hbm>>
        %dma_wait3A_94 = arith.constant 0 : i32
        %dma_wait3A_95 = tpu.memref_slice %arg4[%add3A_57, %dma_wait3A_94] : memref<2560x128xi32, #tpu.memory_space<hbm>> -> memref<4x128xi32, #tpu.memory_space<hbm>>
        tpu.wait_dma2 semaphore(%run_scoped3A : memref<!tpu.dma_semaphore, #tpu.memory_space<semaphore_mem>>) src(%dma_wait3A_95 : memref<4x128xi32, #tpu.memory_space<hbm>>) dst(%arg11 : memref<4x128xi32, #tpu.memory_space<vmem>>)
        tpu.yield
      }) : () -> ()
      "tpu.region"() ({
        %run_scoped3A = tpu.sem_alloc : memref<!tpu.dma_semaphore, #tpu.memory_space<semaphore_mem>>
        %dma_start3A = arith.constant 0 : i32
        %dma_start3A_89 = tpu.memref_slice %arg5[%add3A_57, %dma_start3A] : memref<2560x128xi32, #tpu.memory_space<hbm>> -> memref<4x128xi32, #tpu.memory_space<hbm>>
        %dma_start3A_90 = arith.constant 0 : i32
        %dma_start3A_91 = tpu.memref_slice %arg5[%add3A_57, %dma_start3A_90] : memref<2560x128xi32, #tpu.memory_space<hbm>> -> memref<4x128xi32, #tpu.memory_space<hbm>>
        tpu.enqueue_dma source(%dma_start3A_91 : memref<4x128xi32, #tpu.memory_space<hbm>>) target(%arg12 : memref<4x128xi32, #tpu.memory_space<vmem>>) target_semaphore(%run_scoped3A : memref<!tpu.dma_semaphore, #tpu.memory_space<semaphore_mem>>)
        %dma_wait3A_92 = arith.constant 0 : i32
        %dma_wait3A_93 = tpu.memref_slice %arg5[%add3A_57, %dma_wait3A_92] : memref<2560x128xi32, #tpu.memory_space<hbm>> -> memref<4x128xi32, #tpu.memory_space<hbm>>
        %dma_wait3A_94 = arith.constant 0 : i32
        %dma_wait3A_95 = tpu.memref_slice %arg5[%add3A_57, %dma_wait3A_94] : memref<2560x128xi32, #tpu.memory_space<hbm>> -> memref<4x128xi32, #tpu.memory_space<hbm>>
        tpu.wait_dma2 semaphore(%run_scoped3A : memref<!tpu.dma_semaphore, #tpu.memory_space<semaphore_mem>>) src(%dma_wait3A_95 : memref<4x128xi32, #tpu.memory_space<hbm>>) dst(%arg12 : memref<4x128xi32, #tpu.memory_space<vmem>>)
        tpu.yield
      }) : () -> ()
      %scan3A_58 = arith.constant 0 : i32
      %scan3A_59 = arith.constant 0 : i32
      %scan3A_60 = arith.constant 4 : i32
      %scan3A_61 = arith.addi %scan3A_59, %scan3A_60 : i32
      %scan3A_62 = arith.constant 1 : i32
      scf.for %scan3A_89 = %scan3A_59 to %scan3A_61 step %scan3A_62  : i32 {
        %mul3A_90 = arith.constant 128 : i32
        %mul3A_91 = arith.muli %scan3A_89, %mul3A_90 : i32
        %dma_start3A = arith.constant 0 : i32
        %dma_start3A_92 = tpu.memref_slice %arg14[%mul3A_91, %dma_start3A] : memref<512x64xf32, #tpu.memory_space<vmem>> -> memref<128x64xf32, #tpu.memory_space<vmem>>
        %dma_start3A_93 = arith.constant 0 : i32
        %dma_start3A_94 = tpu.memref_slice %arg11[%scan3A_89, %dma_start3A_93] : memref<4x128xi32, #tpu.memory_space<vmem>> -> memref<1x128xi32, #tpu.memory_space<vmem>>
        %dma_start3A_95 = tpu.memref_squeeze %dma_start3A_94 : memref<1x128xi32, #tpu.memory_space<vmem>> -> memref<128xi32, #tpu.memory_space<vmem>>
        %dma_start3A_96 = arith.constant 0 : i32
        %dma_start3A_97 = arith.constant 0 : i32
        %dma_start3A_98 = tpu.memref_slice %arg2[%dma_start3A_96, %dma_start3A_97] : memref<10000x64xf32, #tpu.memory_space<hbm>> -> memref<10000x64xf32, #tpu.memory_space<hbm>>
        tpu.enqueue_indirect_dma source(%dma_start3A_98 : memref<10000x64xf32, #tpu.memory_space<hbm>>) target(%dma_start3A_92 : memref<128x64xf32, #tpu.memory_space<vmem>>) offsets(%dma_start3A_95 : memref<128xi32, #tpu.memory_space<vmem>>) semaphore(%arg17 : memref<!tpu.dma_semaphore, #tpu.memory_space<semaphore_mem>>)
      }
      %scan3A_63 = arith.constant 4 : i32
      %dma_wait3A = arith.constant 0 : i32
      %dma_wait3A_64 = arith.constant 0 : i32
      %dma_wait3A_65 = tpu.memref_slice %arg2[%dma_wait3A, %dma_wait3A_64] : memref<10000x64xf32, #tpu.memory_space<hbm>> -> memref<512x64xf32, #tpu.memory_space<hbm>>
      %dma_wait3A_66 = arith.constant 0 : i32
      %dma_wait3A_67 = arith.constant 0 : i32
      %dma_wait3A_68 = tpu.memref_slice %arg2[%dma_wait3A_66, %dma_wait3A_67] : memref<10000x64xf32, #tpu.memory_space<hbm>> -> memref<512x64xf32, #tpu.memory_space<hbm>>
      tpu.wait_dma2 semaphore(%arg16 : memref<!tpu.dma_semaphore, #tpu.memory_space<semaphore_mem>>) src(%dma_wait3A_68 : memref<512x64xf32, #tpu.memory_space<hbm>>) dst(%arg13 : memref<512x64xf32, #tpu.memory_space<vmem>>)
      %scan3A_69 = arith.constant 0 : i32
      %scan3A_70 = arith.constant 0 : i32
      %scan3A_71 = arith.constant 4 : i32
      %scan3A_72 = arith.addi %scan3A_70, %scan3A_71 : i32
      %scan3A_73 = arith.constant 1 : i32
      scf.for %scan3A_89 = %scan3A_70 to %scan3A_72 step %scan3A_73  : i32 {
        %mul3A_90 = arith.constant 128 : i32
        %mul3A_91 = arith.muli %scan3A_89, %mul3A_90 : i32
        "tpu.region"() ({
          %run_scoped3A = tpu.sem_alloc : memref<!tpu.dma_semaphore, #tpu.memory_space<semaphore_mem>>
          %dma_start3A = arith.constant 0 : i32
          %dma_start3A_92 = tpu.memref_slice %arg13[%mul3A_91, %dma_start3A] : memref<512x64xf32, #tpu.memory_space<vmem>> -> memref<128x64xf32, #tpu.memory_space<vmem>>
          %dma_start3A_93 = arith.constant 0 : i32
          %dma_start3A_94 = tpu.memref_slice %arg10[%scan3A_89, %dma_start3A_93] : memref<4x128xi32, #tpu.memory_space<vmem>> -> memref<1x128xi32, #tpu.memory_space<vmem>>
          %dma_start3A_95 = tpu.memref_squeeze %dma_start3A_94 : memref<1x128xi32, #tpu.memory_space<vmem>> -> memref<128xi32, #tpu.memory_space<vmem>>
          %dma_start3A_96 = arith.constant 0 : i32
          %dma_start3A_97 = arith.constant 0 : i32
          %dma_start3A_98 = tpu.memref_slice %arg15[%dma_start3A_96, %dma_start3A_97] : memref<10240x64xf32, #tpu.memory_space<vmem_shared>> -> memref<10240x64xf32, #tpu.memory_space<vmem_shared>>
          tpu.enqueue_indirect_dma source(%dma_start3A_92 : memref<128x64xf32, #tpu.memory_space<vmem>>) target(%dma_start3A_98 : memref<10240x64xf32, #tpu.memory_space<vmem_shared>>) offsets(%dma_start3A_95 : memref<128xi32, #tpu.memory_space<vmem>>) semaphore(%run_scoped3A : memref<!tpu.dma_semaphore, #tpu.memory_space<semaphore_mem>>) {add = true}
          %dma_wait3A_99 = arith.constant 0 : i32
          %dma_wait3A_100 = tpu.memref_slice %arg13[%mul3A_91, %dma_wait3A_99] : memref<512x64xf32, #tpu.memory_space<vmem>> -> memref<128x64xf32, #tpu.memory_space<vmem>>
          %dma_wait3A_101 = arith.constant 0 : i32
          %dma_wait3A_102 = tpu.memref_slice %arg10[%scan3A_89, %dma_wait3A_101] : memref<4x128xi32, #tpu.memory_space<vmem>> -> memref<1x128xi32, #tpu.memory_space<vmem>>
          %dma_wait3A_103 = tpu.memref_squeeze %dma_wait3A_102 : memref<1x128xi32, #tpu.memory_space<vmem>> -> memref<128xi32, #tpu.memory_space<vmem>>
          %dma_wait3A_104 = arith.constant 0 : i32
          %dma_wait3A_105 = arith.constant 0 : i32
          %dma_wait3A_106 = tpu.memref_slice %arg15[%dma_wait3A_104, %dma_wait3A_105] : memref<10240x64xf32, #tpu.memory_space<vmem_shared>> -> memref<10240x64xf32, #tpu.memory_space<vmem_shared>>
          tpu.wait_indirect_dma semaphore(%run_scoped3A : memref<!tpu.dma_semaphore, #tpu.memory_space<semaphore_mem>>) src(%dma_wait3A_100 : memref<128x64xf32, #tpu.memory_space<vmem>>) dst(%dma_wait3A_106 : memref<10240x64xf32, #tpu.memory_space<vmem_shared>>)
          tpu.yield
        }) : () -> ()
      }
      %scan3A_74 = arith.constant 4 : i32
      %sub3A = arith.constant 1 : i32
      %sub3A_75 = arith.subi %select_n3A_8, %sub3A : i32
      %lt3A = arith.cmpi slt, %while3A_50, %sub3A_75 : i32
      %convert_element_type3A = arith.extui %lt3A : i1 to i32
      %cond3A = arith.constant 0 : i32
      %cond3A_76 = arith.cmpi ne, %convert_element_type3A, %cond3A : i32
      scf.if %cond3A_76 {
        %add3A_89 = arith.constant 2 : i32
        %add3A_90 = arith.addi %mul3A_52, %add3A_89 : i32
        %mul3A_91 = arith.constant 4 : i32
        %mul3A_92 = arith.muli %add3A_90, %mul3A_91 : i32
        %add3A_93 = arith.addi %select_n3A, %mul3A_92 : i32
        "tpu.region"() ({
          %run_scoped3A = tpu.sem_alloc : memref<!tpu.dma_semaphore, #tpu.memory_space<semaphore_mem>>
          %dma_start3A = arith.constant 0 : i32
          %dma_start3A_100 = tpu.memref_slice %arg4[%add3A_93, %dma_start3A] : memref<2560x128xi32, #tpu.memory_space<hbm>> -> memref<4x128xi32, #tpu.memory_space<hbm>>
          %dma_start3A_101 = arith.constant 0 : i32
          %dma_start3A_102 = tpu.memref_slice %arg4[%add3A_93, %dma_start3A_101] : memref<2560x128xi32, #tpu.memory_space<hbm>> -> memref<4x128xi32, #tpu.memory_space<hbm>>
          tpu.enqueue_dma source(%dma_start3A_102 : memref<4x128xi32, #tpu.memory_space<hbm>>) target(%arg9 : memref<4x128xi32, #tpu.memory_space<vmem>>) target_semaphore(%run_scoped3A : memref<!tpu.dma_semaphore, #tpu.memory_space<semaphore_mem>>)
          %dma_wait3A_103 = arith.constant 0 : i32
          %dma_wait3A_104 = tpu.memref_slice %arg4[%add3A_93, %dma_wait3A_103] : memref<2560x128xi32, #tpu.memory_space<hbm>> -> memref<4x128xi32, #tpu.memory_space<hbm>>
          %dma_wait3A_105 = arith.constant 0 : i32
          %dma_wait3A_106 = tpu.memref_slice %arg4[%add3A_93, %dma_wait3A_105] : memref<2560x128xi32, #tpu.memory_space<hbm>> -> memref<4x128xi32, #tpu.memory_space<hbm>>
          tpu.wait_dma2 semaphore(%run_scoped3A : memref<!tpu.dma_semaphore, #tpu.memory_space<semaphore_mem>>) src(%dma_wait3A_106 : memref<4x128xi32, #tpu.memory_space<hbm>>) dst(%arg9 : memref<4x128xi32, #tpu.memory_space<vmem>>)
          tpu.yield
        }) : () -> ()
        "tpu.region"() ({
          %run_scoped3A = tpu.sem_alloc : memref<!tpu.dma_semaphore, #tpu.memory_space<semaphore_mem>>
          %dma_start3A = arith.constant 0 : i32
          %dma_start3A_100 = tpu.memref_slice %arg5[%add3A_93, %dma_start3A] : memref<2560x128xi32, #tpu.memory_space<hbm>> -> memref<4x128xi32, #tpu.memory_space<hbm>>
          %dma_start3A_101 = arith.constant 0 : i32
          %dma_start3A_102 = tpu.memref_slice %arg5[%add3A_93, %dma_start3A_101] : memref<2560x128xi32, #tpu.memory_space<hbm>> -> memref<4x128xi32, #tpu.memory_space<hbm>>
          tpu.enqueue_dma source(%dma_start3A_102 : memref<4x128xi32, #tpu.memory_space<hbm>>) target(%arg10 : memref<4x128xi32, #tpu.memory_space<vmem>>) target_semaphore(%run_scoped3A : memref<!tpu.dma_semaphore, #tpu.memory_space<semaphore_mem>>)
          %dma_wait3A_103 = arith.constant 0 : i32
          %dma_wait3A_104 = tpu.memref_slice %arg5[%add3A_93, %dma_wait3A_103] : memref<2560x128xi32, #tpu.memory_space<hbm>> -> memref<4x128xi32, #tpu.memory_space<hbm>>
          %dma_wait3A_105 = arith.constant 0 : i32
          %dma_wait3A_106 = tpu.memref_slice %arg5[%add3A_93, %dma_wait3A_105] : memref<2560x128xi32, #tpu.memory_space<hbm>> -> memref<4x128xi32, #tpu.memory_space<hbm>>
          tpu.wait_dma2 semaphore(%run_scoped3A : memref<!tpu.dma_semaphore, #tpu.memory_space<semaphore_mem>>) src(%dma_wait3A_106 : memref<4x128xi32, #tpu.memory_space<hbm>>) dst(%arg10 : memref<4x128xi32, #tpu.memory_space<vmem>>)
          tpu.yield
        }) : () -> ()
        %scan3A_94 = arith.constant 0 : i32
        %scan3A_95 = arith.constant 0 : i32
        %scan3A_96 = arith.constant 4 : i32
        %scan3A_97 = arith.addi %scan3A_95, %scan3A_96 : i32
        %scan3A_98 = arith.constant 1 : i32
        scf.for %scan3A_100 = %scan3A_95 to %scan3A_97 step %scan3A_98  : i32 {
          %mul3A_101 = arith.constant 128 : i32
          %mul3A_102 = arith.muli %scan3A_100, %mul3A_101 : i32
          %dma_start3A = arith.constant 0 : i32
          %dma_start3A_103 = tpu.memref_slice %arg13[%mul3A_102, %dma_start3A] : memref<512x64xf32, #tpu.memory_space<vmem>> -> memref<128x64xf32, #tpu.memory_space<vmem>>
          %dma_start3A_104 = arith.constant 0 : i32
          %dma_start3A_105 = tpu.memref_slice %arg9[%scan3A_100, %dma_start3A_104] : memref<4x128xi32, #tpu.memory_space<vmem>> -> memref<1x128xi32, #tpu.memory_space<vmem>>
          %dma_start3A_106 = tpu.memref_squeeze %dma_start3A_105 : memref<1x128xi32, #tpu.memory_space<vmem>> -> memref<128xi32, #tpu.memory_space<vmem>>
          %dma_start3A_107 = arith.constant 0 : i32
          %dma_start3A_108 = arith.constant 0 : i32
          %dma_start3A_109 = tpu.memref_slice %arg2[%dma_start3A_107, %dma_start3A_108] : memref<10000x64xf32, #tpu.memory_space<hbm>> -> memref<10000x64xf32, #tpu.memory_space<hbm>>
          tpu.enqueue_indirect_dma source(%dma_start3A_109 : memref<10000x64xf32, #tpu.memory_space<hbm>>) target(%dma_start3A_103 : memref<128x64xf32, #tpu.memory_space<vmem>>) offsets(%dma_start3A_106 : memref<128xi32, #tpu.memory_space<vmem>>) semaphore(%arg16 : memref<!tpu.dma_semaphore, #tpu.memory_space<semaphore_mem>>)
        }
        %scan3A_99 = arith.constant 4 : i32
      } else {
      }
      %dma_wait3A_77 = arith.constant 0 : i32
      %dma_wait3A_78 = arith.constant 0 : i32
      %dma_wait3A_79 = tpu.memref_slice %arg2[%dma_wait3A_77, %dma_wait3A_78] : memref<10000x64xf32, #tpu.memory_space<hbm>> -> memref<512x64xf32, #tpu.memory_space<hbm>>
      %dma_wait3A_80 = arith.constant 0 : i32
      %dma_wait3A_81 = arith.constant 0 : i32
      %dma_wait3A_82 = tpu.memref_slice %arg2[%dma_wait3A_80, %dma_wait3A_81] : memref<10000x64xf32, #tpu.memory_space<hbm>> -> memref<512x64xf32, #tpu.memory_space<hbm>>
      tpu.wait_dma2 semaphore(%arg17 : memref<!tpu.dma_semaphore, #tpu.memory_space<semaphore_mem>>) src(%dma_wait3A_82 : memref<512x64xf32, #tpu.memory_space<hbm>>) dst(%arg14 : memref<512x64xf32, #tpu.memory_space<vmem>>)
      %scan3A_83 = arith.constant 0 : i32
      %scan3A_84 = arith.constant 0 : i32
      %scan3A_85 = arith.constant 4 : i32
      %scan3A_86 = arith.addi %scan3A_84, %scan3A_85 : i32
      %scan3A_87 = arith.constant 1 : i32
      scf.for %scan3A_89 = %scan3A_84 to %scan3A_86 step %scan3A_87  : i32 {
        %mul3A_90 = arith.constant 128 : i32
        %mul3A_91 = arith.muli %scan3A_89, %mul3A_90 : i32
        "tpu.region"() ({
          %run_scoped3A = tpu.sem_alloc : memref<!tpu.dma_semaphore, #tpu.memory_space<semaphore_mem>>
          %dma_start3A = arith.constant 0 : i32
          %dma_start3A_92 = tpu.memref_slice %arg14[%mul3A_91, %dma_start3A] : memref<512x64xf32, #tpu.memory_space<vmem>> -> memref<128x64xf32, #tpu.memory_space<vmem>>
          %dma_start3A_93 = arith.constant 0 : i32
          %dma_start3A_94 = tpu.memref_slice %arg12[%scan3A_89, %dma_start3A_93] : memref<4x128xi32, #tpu.memory_space<vmem>> -> memref<1x128xi32, #tpu.memory_space<vmem>>
          %dma_start3A_95 = tpu.memref_squeeze %dma_start3A_94 : memref<1x128xi32, #tpu.memory_space<vmem>> -> memref<128xi32, #tpu.memory_space<vmem>>
          %dma_start3A_96 = arith.constant 0 : i32
          %dma_start3A_97 = arith.constant 0 : i32
          %dma_start3A_98 = tpu.memref_slice %arg15[%dma_start3A_96, %dma_start3A_97] : memref<10240x64xf32, #tpu.memory_space<vmem_shared>> -> memref<10240x64xf32, #tpu.memory_space<vmem_shared>>
          tpu.enqueue_indirect_dma source(%dma_start3A_92 : memref<128x64xf32, #tpu.memory_space<vmem>>) target(%dma_start3A_98 : memref<10240x64xf32, #tpu.memory_space<vmem_shared>>) offsets(%dma_start3A_95 : memref<128xi32, #tpu.memory_space<vmem>>) semaphore(%run_scoped3A : memref<!tpu.dma_semaphore, #tpu.memory_space<semaphore_mem>>) {add = true}
          %dma_wait3A_99 = arith.constant 0 : i32
          %dma_wait3A_100 = tpu.memref_slice %arg14[%mul3A_91, %dma_wait3A_99] : memref<512x64xf32, #tpu.memory_space<vmem>> -> memref<128x64xf32, #tpu.memory_space<vmem>>
          %dma_wait3A_101 = arith.constant 0 : i32
          %dma_wait3A_102 = tpu.memref_slice %arg12[%scan3A_89, %dma_wait3A_101] : memref<4x128xi32, #tpu.memory_space<vmem>> -> memref<1x128xi32, #tpu.memory_space<vmem>>
          %dma_wait3A_103 = tpu.memref_squeeze %dma_wait3A_102 : memref<1x128xi32, #tpu.memory_space<vmem>> -> memref<128xi32, #tpu.memory_space<vmem>>
          %dma_wait3A_104 = arith.constant 0 : i32
          %dma_wait3A_105 = arith.constant 0 : i32
          %dma_wait3A_106 = tpu.memref_slice %arg15[%dma_wait3A_104, %dma_wait3A_105] : memref<10240x64xf32, #tpu.memory_space<vmem_shared>> -> memref<10240x64xf32, #tpu.memory_space<vmem_shared>>
          tpu.wait_indirect_dma semaphore(%run_scoped3A : memref<!tpu.dma_semaphore, #tpu.memory_space<semaphore_mem>>) src(%dma_wait3A_100 : memref<128x64xf32, #tpu.memory_space<vmem>>) dst(%dma_wait3A_106 : memref<10240x64xf32, #tpu.memory_space<vmem_shared>>)
          tpu.yield
        }) : () -> ()
      }
      %scan3A_88 = arith.constant 4 : i32
    }
    %barrier3A_27 = arith.constant 0 : index
    tpu.barrier barrier_id(%barrier3A_27)
    "tpu.region"() ({
      %run_scoped3A = tpu.sem_alloc : memref<!tpu.dma_semaphore, #tpu.memory_space<semaphore_mem>>
      %dma_start3A = arith.constant 0 : i32
      %dma_start3A_50 = tpu.memref_slice %arg7[%arg0, %mul3A_10, %dma_start3A] : memref<2x10240x64xf32, #tpu.memory_space<hbm>> -> memref<1x640x64xf32, #tpu.memory_space<hbm>>
      %dma_start3A_51 = tpu.memref_squeeze %dma_start3A_50 : memref<1x640x64xf32, #tpu.memory_space<hbm>> -> memref<640x64xf32, #tpu.memory_space<hbm>>
      %dma_start3A_52 = arith.constant 0 : i32
      %dma_start3A_53 = tpu.memref_slice %arg15[%mul3A_10, %dma_start3A_52] : memref<10240x64xf32, #tpu.memory_space<vmem_shared>> -> memref<640x64xf32, #tpu.memory_space<vmem_shared>>
      tpu.enqueue_dma source(%dma_start3A_53 : memref<640x64xf32, #tpu.memory_space<vmem_shared>>) target(%dma_start3A_51 : memref<640x64xf32, #tpu.memory_space<hbm>>) target_semaphore(%run_scoped3A : memref<!tpu.dma_semaphore, #tpu.memory_space<semaphore_mem>>)
      %dma_wait3A = arith.constant 0 : i32
      %dma_wait3A_54 = tpu.memref_slice %arg7[%arg0, %mul3A_10, %dma_wait3A] : memref<2x10240x64xf32, #tpu.memory_space<hbm>> -> memref<1x640x64xf32, #tpu.memory_space<hbm>>
      %dma_wait3A_55 = tpu.memref_squeeze %dma_wait3A_54 : memref<1x640x64xf32, #tpu.memory_space<hbm>> -> memref<640x64xf32, #tpu.memory_space<hbm>>
      %dma_wait3A_56 = arith.constant 0 : i32
      %dma_wait3A_57 = tpu.memref_slice %arg15[%mul3A_10, %dma_wait3A_56] : memref<10240x64xf32, #tpu.memory_space<vmem_shared>> -> memref<640x64xf32, #tpu.memory_space<vmem_shared>>
      tpu.wait_dma2 semaphore(%run_scoped3A : memref<!tpu.dma_semaphore, #tpu.memory_space<semaphore_mem>>) src(%dma_wait3A_57 : memref<640x64xf32, #tpu.memory_space<vmem_shared>>) dst(%dma_wait3A_55 : memref<640x64xf32, #tpu.memory_space<hbm>>)
      tpu.yield
    }) : () -> ()
    %barrier3A_28 = arith.constant 0 : index
    tpu.barrier barrier_id(%barrier3A_28)
    "tpu.region"() ({
      %run_scoped3A = tpu.sem_alloc : memref<!tpu.dma_semaphore, #tpu.memory_space<semaphore_mem>>
      %dma_start3A = arith.constant 0 : i32
      %dma_start3A_50 = tpu.memref_slice %arg15[%mul3A_10, %dma_start3A] : memref<10240x64xf32, #tpu.memory_space<vmem_shared>> -> memref<640x64xf32, #tpu.memory_space<vmem_shared>>
      tpu.enqueue_dma source(%arg6 : memref<640x64xf32, #tpu.memory_space<hbm>>) target(%dma_start3A_50 : memref<640x64xf32, #tpu.memory_space<vmem_shared>>) target_semaphore(%run_scoped3A : memref<!tpu.dma_semaphore, #tpu.memory_space<semaphore_mem>>)
      %dma_wait3A = arith.constant 0 : i32
      %dma_wait3A_51 = tpu.memref_slice %arg15[%mul3A_10, %dma_wait3A] : memref<10240x64xf32, #tpu.memory_space<vmem_shared>> -> memref<640x64xf32, #tpu.memory_space<vmem_shared>>
      tpu.wait_dma2 semaphore(%run_scoped3A : memref<!tpu.dma_semaphore, #tpu.memory_space<semaphore_mem>>) src(%arg6 : memref<640x64xf32, #tpu.memory_space<hbm>>) dst(%dma_wait3A_51 : memref<640x64xf32, #tpu.memory_space<vmem_shared>>)
      tpu.yield
    }) : () -> ()
    %barrier3A_29 = arith.constant 0 : index
    tpu.barrier barrier_id(%barrier3A_29)
    %add3A_30 = arith.constant 0 : i32
    %add3A_31 = arith.addi %select_n3A, %add3A_30 : i32
    "tpu.region"() ({
      %run_scoped3A = tpu.sem_alloc : memref<!tpu.dma_semaphore, #tpu.memory_space<semaphore_mem>>
      %dma_start3A = arith.constant 0 : i32
      %dma_start3A_50 = tpu.memref_slice %arg4[%add3A_31, %dma_start3A] : memref<2560x128xi32, #tpu.memory_space<hbm>> -> memref<4x128xi32, #tpu.memory_space<hbm>>
      %dma_start3A_51 = arith.constant 0 : i32
      %dma_start3A_52 = tpu.memref_slice %arg4[%add3A_31, %dma_start3A_51] : memref<2560x128xi32, #tpu.memory_space<hbm>> -> memref<4x128xi32, #tpu.memory_space<hbm>>
      tpu.enqueue_dma source(%dma_start3A_52 : memref<4x128xi32, #tpu.memory_space<hbm>>) target(%arg9 : memref<4x128xi32, #tpu.memory_space<vmem>>) target_semaphore(%run_scoped3A : memref<!tpu.dma_semaphore, #tpu.memory_space<semaphore_mem>>)
      %dma_wait3A = arith.constant 0 : i32
      %dma_wait3A_53 = tpu.memref_slice %arg4[%add3A_31, %dma_wait3A] : memref<2560x128xi32, #tpu.memory_space<hbm>> -> memref<4x128xi32, #tpu.memory_space<hbm>>
      %dma_wait3A_54 = arith.constant 0 : i32
      %dma_wait3A_55 = tpu.memref_slice %arg4[%add3A_31, %dma_wait3A_54] : memref<2560x128xi32, #tpu.memory_space<hbm>> -> memref<4x128xi32, #tpu.memory_space<hbm>>
      tpu.wait_dma2 semaphore(%run_scoped3A : memref<!tpu.dma_semaphore, #tpu.memory_space<semaphore_mem>>) src(%dma_wait3A_55 : memref<4x128xi32, #tpu.memory_space<hbm>>) dst(%arg9 : memref<4x128xi32, #tpu.memory_space<vmem>>)
      tpu.yield
    }) : () -> ()
    "tpu.region"() ({
      %run_scoped3A = tpu.sem_alloc : memref<!tpu.dma_semaphore, #tpu.memory_space<semaphore_mem>>
      %dma_start3A = arith.constant 0 : i32
      %dma_start3A_50 = tpu.memref_slice %arg5[%add3A_31, %dma_start3A] : memref<2560x128xi32, #tpu.memory_space<hbm>> -> memref<4x128xi32, #tpu.memory_space<hbm>>
      %dma_start3A_51 = arith.constant 0 : i32
      %dma_start3A_52 = tpu.memref_slice %arg5[%add3A_31, %dma_start3A_51] : memref<2560x128xi32, #tpu.memory_space<hbm>> -> memref<4x128xi32, #tpu.memory_space<hbm>>
      tpu.enqueue_dma source(%dma_start3A_52 : memref<4x128xi32, #tpu.memory_space<hbm>>) target(%arg10 : memref<4x128xi32, #tpu.memory_space<vmem>>) target_semaphore(%run_scoped3A : memref<!tpu.dma_semaphore, #tpu.memory_space<semaphore_mem>>)
      %dma_wait3A = arith.constant 0 : i32
      %dma_wait3A_53 = tpu.memref_slice %arg5[%add3A_31, %dma_wait3A] : memref<2560x128xi32, #tpu.memory_space<hbm>> -> memref<4x128xi32, #tpu.memory_space<hbm>>
      %dma_wait3A_54 = arith.constant 0 : i32
      %dma_wait3A_55 = tpu.memref_slice %arg5[%add3A_31, %dma_wait3A_54] : memref<2560x128xi32, #tpu.memory_space<hbm>> -> memref<4x128xi32, #tpu.memory_space<hbm>>
      tpu.wait_dma2 semaphore(%run_scoped3A : memref<!tpu.dma_semaphore, #tpu.memory_space<semaphore_mem>>) src(%dma_wait3A_55 : memref<4x128xi32, #tpu.memory_space<hbm>>) dst(%arg10 : memref<4x128xi32, #tpu.memory_space<vmem>>)
      tpu.yield
    }) : () -> ()
    %scan3A_32 = arith.constant 0 : i32
    %scan3A_33 = arith.constant 0 : i32
    %scan3A_34 = arith.constant 4 : i32
    %scan3A_35 = arith.addi %scan3A_33, %scan3A_34 : i32
    %scan3A_36 = arith.constant 1 : i32
    scf.for %scan3A_50 = %scan3A_33 to %scan3A_35 step %scan3A_36  : i32 {
      %mul3A_51 = arith.constant 128 : i32
      %mul3A_52 = arith.muli %scan3A_50, %mul3A_51 : i32
      %dma_start3A = arith.constant 0 : i32
      %dma_start3A_53 = tpu.memref_slice %arg13[%mul3A_52, %dma_start3A] : memref<512x64xf32, #tpu.memory_space<vmem>> -> memref<128x64xf32, #tpu.memory_space<vmem>>
      %dma_start3A_54 = arith.constant 0 : i32
      %dma_start3A_55 = tpu.memref_slice %arg9[%scan3A_50, %dma_start3A_54] : memref<4x128xi32, #tpu.memory_space<vmem>> -> memref<1x128xi32, #tpu.memory_space<vmem>>
      %dma_start3A_56 = tpu.memref_squeeze %dma_start3A_55 : memref<1x128xi32, #tpu.memory_space<vmem>> -> memref<128xi32, #tpu.memory_space<vmem>>
      %dma_start3A_57 = arith.constant 0 : i32
      %dma_start3A_58 = arith.constant 0 : i32
      %dma_start3A_59 = tpu.memref_slice %arg3[%dma_start3A_57, %dma_start3A_58] : memref<10000x64xf32, #tpu.memory_space<hbm>> -> memref<10000x64xf32, #tpu.memory_space<hbm>>
      tpu.enqueue_indirect_dma source(%dma_start3A_59 : memref<10000x64xf32, #tpu.memory_space<hbm>>) target(%dma_start3A_53 : memref<128x64xf32, #tpu.memory_space<vmem>>) offsets(%dma_start3A_56 : memref<128xi32, #tpu.memory_space<vmem>>) semaphore(%arg16 : memref<!tpu.dma_semaphore, #tpu.memory_space<semaphore_mem>>)
    }
    %scan3A_37 = arith.constant 4 : i32
    %while3A_38 = arith.constant 0 : i32
    %while3A_39 = arith.constant 0 : i32
    %while3A_40 = arith.subi %select_n3A_8, %while3A_39 : i32
    %while3A_41 = arith.addi %while3A_39, %while3A_40 : i32
    %while3A_42 = arith.constant 1 : i32
    %while3A_43 = arith.divsi %while3A_40, %while3A_42 : i32
    %while3A_44 = arith.muli %while3A_43, %while3A_42 : i32
    %while3A_45 = arith.addi %while3A_39, %while3A_44 : i32
    %while3A_46 = arith.constant 1 : i32
    scf.for %while3A_50 = %while3A_39 to %while3A_45 step %while3A_46  : i32 {
      %mul3A_51 = arith.constant 2 : i32
      %mul3A_52 = arith.muli %mul3A_51, %while3A_50 : i32
      %add3A_53 = arith.constant 1 : i32
      %add3A_54 = arith.addi %mul3A_52, %add3A_53 : i32
      %mul3A_55 = arith.constant 4 : i32
      %mul3A_56 = arith.muli %add3A_54, %mul3A_55 : i32
      %add3A_57 = arith.addi %select_n3A, %mul3A_56 : i32
      "tpu.region"() ({
        %run_scoped3A = tpu.sem_alloc : memref<!tpu.dma_semaphore, #tpu.memory_space<semaphore_mem>>
        %dma_start3A = arith.constant 0 : i32
        %dma_start3A_89 = tpu.memref_slice %arg4[%add3A_57, %dma_start3A] : memref<2560x128xi32, #tpu.memory_space<hbm>> -> memref<4x128xi32, #tpu.memory_space<hbm>>
        %dma_start3A_90 = arith.constant 0 : i32
        %dma_start3A_91 = tpu.memref_slice %arg4[%add3A_57, %dma_start3A_90] : memref<2560x128xi32, #tpu.memory_space<hbm>> -> memref<4x128xi32, #tpu.memory_space<hbm>>
        tpu.enqueue_dma source(%dma_start3A_91 : memref<4x128xi32, #tpu.memory_space<hbm>>) target(%arg11 : memref<4x128xi32, #tpu.memory_space<vmem>>) target_semaphore(%run_scoped3A : memref<!tpu.dma_semaphore, #tpu.memory_space<semaphore_mem>>)
        %dma_wait3A_92 = arith.constant 0 : i32
        %dma_wait3A_93 = tpu.memref_slice %arg4[%add3A_57, %dma_wait3A_92] : memref<2560x128xi32, #tpu.memory_space<hbm>> -> memref<4x128xi32, #tpu.memory_space<hbm>>
        %dma_wait3A_94 = arith.constant 0 : i32
        %dma_wait3A_95 = tpu.memref_slice %arg4[%add3A_57, %dma_wait3A_94] : memref<2560x128xi32, #tpu.memory_space<hbm>> -> memref<4x128xi32, #tpu.memory_space<hbm>>
        tpu.wait_dma2 semaphore(%run_scoped3A : memref<!tpu.dma_semaphore, #tpu.memory_space<semaphore_mem>>) src(%dma_wait3A_95 : memref<4x128xi32, #tpu.memory_space<hbm>>) dst(%arg11 : memref<4x128xi32, #tpu.memory_space<vmem>>)
        tpu.yield
      }) : () -> ()
      "tpu.region"() ({
        %run_scoped3A = tpu.sem_alloc : memref<!tpu.dma_semaphore, #tpu.memory_space<semaphore_mem>>
        %dma_start3A = arith.constant 0 : i32
        %dma_start3A_89 = tpu.memref_slice %arg5[%add3A_57, %dma_start3A] : memref<2560x128xi32, #tpu.memory_space<hbm>> -> memref<4x128xi32, #tpu.memory_space<hbm>>
        %dma_start3A_90 = arith.constant 0 : i32
        %dma_start3A_91 = tpu.memref_slice %arg5[%add3A_57, %dma_start3A_90] : memref<2560x128xi32, #tpu.memory_space<hbm>> -> memref<4x128xi32, #tpu.memory_space<hbm>>
        tpu.enqueue_dma source(%dma_start3A_91 : memref<4x128xi32, #tpu.memory_space<hbm>>) target(%arg12 : memref<4x128xi32, #tpu.memory_space<vmem>>) target_semaphore(%run_scoped3A : memref<!tpu.dma_semaphore, #tpu.memory_space<semaphore_mem>>)
        %dma_wait3A_92 = arith.constant 0 : i32
        %dma_wait3A_93 = tpu.memref_slice %arg5[%add3A_57, %dma_wait3A_92] : memref<2560x128xi32, #tpu.memory_space<hbm>> -> memref<4x128xi32, #tpu.memory_space<hbm>>
        %dma_wait3A_94 = arith.constant 0 : i32
        %dma_wait3A_95 = tpu.memref_slice %arg5[%add3A_57, %dma_wait3A_94] : memref<2560x128xi32, #tpu.memory_space<hbm>> -> memref<4x128xi32, #tpu.memory_space<hbm>>
        tpu.wait_dma2 semaphore(%run_scoped3A : memref<!tpu.dma_semaphore, #tpu.memory_space<semaphore_mem>>) src(%dma_wait3A_95 : memref<4x128xi32, #tpu.memory_space<hbm>>) dst(%arg12 : memref<4x128xi32, #tpu.memory_space<vmem>>)
        tpu.yield
      }) : () -> ()
      %scan3A_58 = arith.constant 0 : i32
      %scan3A_59 = arith.constant 0 : i32
      %scan3A_60 = arith.constant 4 : i32
      %scan3A_61 = arith.addi %scan3A_59, %scan3A_60 : i32
      %scan3A_62 = arith.constant 1 : i32
      scf.for %scan3A_89 = %scan3A_59 to %scan3A_61 step %scan3A_62  : i32 {
        %mul3A_90 = arith.constant 128 : i32
        %mul3A_91 = arith.muli %scan3A_89, %mul3A_90 : i32
        %dma_start3A = arith.constant 0 : i32
        %dma_start3A_92 = tpu.memref_slice %arg14[%mul3A_91, %dma_start3A] : memref<512x64xf32, #tpu.memory_space<vmem>> -> memref<128x64xf32, #tpu.memory_space<vmem>>
        %dma_start3A_93 = arith.constant 0 : i32
        %dma_start3A_94 = tpu.memref_slice %arg11[%scan3A_89, %dma_start3A_93] : memref<4x128xi32, #tpu.memory_space<vmem>> -> memref<1x128xi32, #tpu.memory_space<vmem>>
        %dma_start3A_95 = tpu.memref_squeeze %dma_start3A_94 : memref<1x128xi32, #tpu.memory_space<vmem>> -> memref<128xi32, #tpu.memory_space<vmem>>
        %dma_start3A_96 = arith.constant 0 : i32
        %dma_start3A_97 = arith.constant 0 : i32
        %dma_start3A_98 = tpu.memref_slice %arg3[%dma_start3A_96, %dma_start3A_97] : memref<10000x64xf32, #tpu.memory_space<hbm>> -> memref<10000x64xf32, #tpu.memory_space<hbm>>
        tpu.enqueue_indirect_dma source(%dma_start3A_98 : memref<10000x64xf32, #tpu.memory_space<hbm>>) target(%dma_start3A_92 : memref<128x64xf32, #tpu.memory_space<vmem>>) offsets(%dma_start3A_95 : memref<128xi32, #tpu.memory_space<vmem>>) semaphore(%arg17 : memref<!tpu.dma_semaphore, #tpu.memory_space<semaphore_mem>>)
      }
      %scan3A_63 = arith.constant 4 : i32
      %dma_wait3A = arith.constant 0 : i32
      %dma_wait3A_64 = arith.constant 0 : i32
      %dma_wait3A_65 = tpu.memref_slice %arg3[%dma_wait3A, %dma_wait3A_64] : memref<10000x64xf32, #tpu.memory_space<hbm>> -> memref<512x64xf32, #tpu.memory_space<hbm>>
      %dma_wait3A_66 = arith.constant 0 : i32
      %dma_wait3A_67 = arith.constant 0 : i32
      %dma_wait3A_68 = tpu.memref_slice %arg3[%dma_wait3A_66, %dma_wait3A_67] : memref<10000x64xf32, #tpu.memory_space<hbm>> -> memref<512x64xf32, #tpu.memory_space<hbm>>
      tpu.wait_dma2 semaphore(%arg16 : memref<!tpu.dma_semaphore, #tpu.memory_space<semaphore_mem>>) src(%dma_wait3A_68 : memref<512x64xf32, #tpu.memory_space<hbm>>) dst(%arg13 : memref<512x64xf32, #tpu.memory_space<vmem>>)
      %scan3A_69 = arith.constant 0 : i32
      %scan3A_70 = arith.constant 0 : i32
      %scan3A_71 = arith.constant 4 : i32
      %scan3A_72 = arith.addi %scan3A_70, %scan3A_71 : i32
      %scan3A_73 = arith.constant 1 : i32
      scf.for %scan3A_89 = %scan3A_70 to %scan3A_72 step %scan3A_73  : i32 {
        %mul3A_90 = arith.constant 128 : i32
        %mul3A_91 = arith.muli %scan3A_89, %mul3A_90 : i32
        "tpu.region"() ({
          %run_scoped3A = tpu.sem_alloc : memref<!tpu.dma_semaphore, #tpu.memory_space<semaphore_mem>>
          %dma_start3A = arith.constant 0 : i32
          %dma_start3A_92 = tpu.memref_slice %arg13[%mul3A_91, %dma_start3A] : memref<512x64xf32, #tpu.memory_space<vmem>> -> memref<128x64xf32, #tpu.memory_space<vmem>>
          %dma_start3A_93 = arith.constant 0 : i32
          %dma_start3A_94 = tpu.memref_slice %arg10[%scan3A_89, %dma_start3A_93] : memref<4x128xi32, #tpu.memory_space<vmem>> -> memref<1x128xi32, #tpu.memory_space<vmem>>
          %dma_start3A_95 = tpu.memref_squeeze %dma_start3A_94 : memref<1x128xi32, #tpu.memory_space<vmem>> -> memref<128xi32, #tpu.memory_space<vmem>>
          %dma_start3A_96 = arith.constant 0 : i32
          %dma_start3A_97 = arith.constant 0 : i32
          %dma_start3A_98 = tpu.memref_slice %arg15[%dma_start3A_96, %dma_start3A_97] : memref<10240x64xf32, #tpu.memory_space<vmem_shared>> -> memref<10240x64xf32, #tpu.memory_space<vmem_shared>>
          tpu.enqueue_indirect_dma source(%dma_start3A_92 : memref<128x64xf32, #tpu.memory_space<vmem>>) target(%dma_start3A_98 : memref<10240x64xf32, #tpu.memory_space<vmem_shared>>) offsets(%dma_start3A_95 : memref<128xi32, #tpu.memory_space<vmem>>) semaphore(%run_scoped3A : memref<!tpu.dma_semaphore, #tpu.memory_space<semaphore_mem>>) {add = true}
          %dma_wait3A_99 = arith.constant 0 : i32
          %dma_wait3A_100 = tpu.memref_slice %arg13[%mul3A_91, %dma_wait3A_99] : memref<512x64xf32, #tpu.memory_space<vmem>> -> memref<128x64xf32, #tpu.memory_space<vmem>>
          %dma_wait3A_101 = arith.constant 0 : i32
          %dma_wait3A_102 = tpu.memref_slice %arg10[%scan3A_89, %dma_wait3A_101] : memref<4x128xi32, #tpu.memory_space<vmem>> -> memref<1x128xi32, #tpu.memory_space<vmem>>
          %dma_wait3A_103 = tpu.memref_squeeze %dma_wait3A_102 : memref<1x128xi32, #tpu.memory_space<vmem>> -> memref<128xi32, #tpu.memory_space<vmem>>
          %dma_wait3A_104 = arith.constant 0 : i32
          %dma_wait3A_105 = arith.constant 0 : i32
          %dma_wait3A_106 = tpu.memref_slice %arg15[%dma_wait3A_104, %dma_wait3A_105] : memref<10240x64xf32, #tpu.memory_space<vmem_shared>> -> memref<10240x64xf32, #tpu.memory_space<vmem_shared>>
          tpu.wait_indirect_dma semaphore(%run_scoped3A : memref<!tpu.dma_semaphore, #tpu.memory_space<semaphore_mem>>) src(%dma_wait3A_100 : memref<128x64xf32, #tpu.memory_space<vmem>>) dst(%dma_wait3A_106 : memref<10240x64xf32, #tpu.memory_space<vmem_shared>>)
          tpu.yield
        }) : () -> ()
      }
      %scan3A_74 = arith.constant 4 : i32
      %sub3A = arith.constant 1 : i32
      %sub3A_75 = arith.subi %select_n3A_8, %sub3A : i32
      %lt3A = arith.cmpi slt, %while3A_50, %sub3A_75 : i32
      %convert_element_type3A = arith.extui %lt3A : i1 to i32
      %cond3A = arith.constant 0 : i32
      %cond3A_76 = arith.cmpi ne, %convert_element_type3A, %cond3A : i32
      scf.if %cond3A_76 {
        %add3A_89 = arith.constant 2 : i32
        %add3A_90 = arith.addi %mul3A_52, %add3A_89 : i32
        %mul3A_91 = arith.constant 4 : i32
        %mul3A_92 = arith.muli %add3A_90, %mul3A_91 : i32
        %add3A_93 = arith.addi %select_n3A, %mul3A_92 : i32
        "tpu.region"() ({
          %run_scoped3A = tpu.sem_alloc : memref<!tpu.dma_semaphore, #tpu.memory_space<semaphore_mem>>
          %dma_start3A = arith.constant 0 : i32
          %dma_start3A_100 = tpu.memref_slice %arg4[%add3A_93, %dma_start3A] : memref<2560x128xi32, #tpu.memory_space<hbm>> -> memref<4x128xi32, #tpu.memory_space<hbm>>
          %dma_start3A_101 = arith.constant 0 : i32
          %dma_start3A_102 = tpu.memref_slice %arg4[%add3A_93, %dma_start3A_101] : memref<2560x128xi32, #tpu.memory_space<hbm>> -> memref<4x128xi32, #tpu.memory_space<hbm>>
          tpu.enqueue_dma source(%dma_start3A_102 : memref<4x128xi32, #tpu.memory_space<hbm>>) target(%arg9 : memref<4x128xi32, #tpu.memory_space<vmem>>) target_semaphore(%run_scoped3A : memref<!tpu.dma_semaphore, #tpu.memory_space<semaphore_mem>>)
          %dma_wait3A_103 = arith.constant 0 : i32
          %dma_wait3A_104 = tpu.memref_slice %arg4[%add3A_93, %dma_wait3A_103] : memref<2560x128xi32, #tpu.memory_space<hbm>> -> memref<4x128xi32, #tpu.memory_space<hbm>>
          %dma_wait3A_105 = arith.constant 0 : i32
          %dma_wait3A_106 = tpu.memref_slice %arg4[%add3A_93, %dma_wait3A_105] : memref<2560x128xi32, #tpu.memory_space<hbm>> -> memref<4x128xi32, #tpu.memory_space<hbm>>
          tpu.wait_dma2 semaphore(%run_scoped3A : memref<!tpu.dma_semaphore, #tpu.memory_space<semaphore_mem>>) src(%dma_wait3A_106 : memref<4x128xi32, #tpu.memory_space<hbm>>) dst(%arg9 : memref<4x128xi32, #tpu.memory_space<vmem>>)
          tpu.yield
        }) : () -> ()
        "tpu.region"() ({
          %run_scoped3A = tpu.sem_alloc : memref<!tpu.dma_semaphore, #tpu.memory_space<semaphore_mem>>
          %dma_start3A = arith.constant 0 : i32
          %dma_start3A_100 = tpu.memref_slice %arg5[%add3A_93, %dma_start3A] : memref<2560x128xi32, #tpu.memory_space<hbm>> -> memref<4x128xi32, #tpu.memory_space<hbm>>
          %dma_start3A_101 = arith.constant 0 : i32
          %dma_start3A_102 = tpu.memref_slice %arg5[%add3A_93, %dma_start3A_101] : memref<2560x128xi32, #tpu.memory_space<hbm>> -> memref<4x128xi32, #tpu.memory_space<hbm>>
          tpu.enqueue_dma source(%dma_start3A_102 : memref<4x128xi32, #tpu.memory_space<hbm>>) target(%arg10 : memref<4x128xi32, #tpu.memory_space<vmem>>) target_semaphore(%run_scoped3A : memref<!tpu.dma_semaphore, #tpu.memory_space<semaphore_mem>>)
          %dma_wait3A_103 = arith.constant 0 : i32
          %dma_wait3A_104 = tpu.memref_slice %arg5[%add3A_93, %dma_wait3A_103] : memref<2560x128xi32, #tpu.memory_space<hbm>> -> memref<4x128xi32, #tpu.memory_space<hbm>>
          %dma_wait3A_105 = arith.constant 0 : i32
          %dma_wait3A_106 = tpu.memref_slice %arg5[%add3A_93, %dma_wait3A_105] : memref<2560x128xi32, #tpu.memory_space<hbm>> -> memref<4x128xi32, #tpu.memory_space<hbm>>
          tpu.wait_dma2 semaphore(%run_scoped3A : memref<!tpu.dma_semaphore, #tpu.memory_space<semaphore_mem>>) src(%dma_wait3A_106 : memref<4x128xi32, #tpu.memory_space<hbm>>) dst(%arg10 : memref<4x128xi32, #tpu.memory_space<vmem>>)
          tpu.yield
        }) : () -> ()
        %scan3A_94 = arith.constant 0 : i32
        %scan3A_95 = arith.constant 0 : i32
        %scan3A_96 = arith.constant 4 : i32
        %scan3A_97 = arith.addi %scan3A_95, %scan3A_96 : i32
        %scan3A_98 = arith.constant 1 : i32
        scf.for %scan3A_100 = %scan3A_95 to %scan3A_97 step %scan3A_98  : i32 {
          %mul3A_101 = arith.constant 128 : i32
          %mul3A_102 = arith.muli %scan3A_100, %mul3A_101 : i32
          %dma_start3A = arith.constant 0 : i32
          %dma_start3A_103 = tpu.memref_slice %arg13[%mul3A_102, %dma_start3A] : memref<512x64xf32, #tpu.memory_space<vmem>> -> memref<128x64xf32, #tpu.memory_space<vmem>>
          %dma_start3A_104 = arith.constant 0 : i32
          %dma_start3A_105 = tpu.memref_slice %arg9[%scan3A_100, %dma_start3A_104] : memref<4x128xi32, #tpu.memory_space<vmem>> -> memref<1x128xi32, #tpu.memory_space<vmem>>
          %dma_start3A_106 = tpu.memref_squeeze %dma_start3A_105 : memref<1x128xi32, #tpu.memory_space<vmem>> -> memref<128xi32, #tpu.memory_space<vmem>>
          %dma_start3A_107 = arith.constant 0 : i32
          %dma_start3A_108 = arith.constant 0 : i32
          %dma_start3A_109 = tpu.memref_slice %arg3[%dma_start3A_107, %dma_start3A_108] : memref<10000x64xf32, #tpu.memory_space<hbm>> -> memref<10000x64xf32, #tpu.memory_space<hbm>>
          tpu.enqueue_indirect_dma source(%dma_start3A_109 : memref<10000x64xf32, #tpu.memory_space<hbm>>) target(%dma_start3A_103 : memref<128x64xf32, #tpu.memory_space<vmem>>) offsets(%dma_start3A_106 : memref<128xi32, #tpu.memory_space<vmem>>) semaphore(%arg16 : memref<!tpu.dma_semaphore, #tpu.memory_space<semaphore_mem>>)
        }
        %scan3A_99 = arith.constant 4 : i32
      } else {
      }
      %dma_wait3A_77 = arith.constant 0 : i32
      %dma_wait3A_78 = arith.constant 0 : i32
      %dma_wait3A_79 = tpu.memref_slice %arg3[%dma_wait3A_77, %dma_wait3A_78] : memref<10000x64xf32, #tpu.memory_space<hbm>> -> memref<512x64xf32, #tpu.memory_space<hbm>>
      %dma_wait3A_80 = arith.constant 0 : i32
      %dma_wait3A_81 = arith.constant 0 : i32
      %dma_wait3A_82 = tpu.memref_slice %arg3[%dma_wait3A_80, %dma_wait3A_81] : memref<10000x64xf32, #tpu.memory_space<hbm>> -> memref<512x64xf32, #tpu.memory_space<hbm>>
      tpu.wait_dma2 semaphore(%arg17 : memref<!tpu.dma_semaphore, #tpu.memory_space<semaphore_mem>>) src(%dma_wait3A_82 : memref<512x64xf32, #tpu.memory_space<hbm>>) dst(%arg14 : memref<512x64xf32, #tpu.memory_space<vmem>>)
      %scan3A_83 = arith.constant 0 : i32
      %scan3A_84 = arith.constant 0 : i32
      %scan3A_85 = arith.constant 4 : i32
      %scan3A_86 = arith.addi %scan3A_84, %scan3A_85 : i32
      %scan3A_87 = arith.constant 1 : i32
      scf.for %scan3A_89 = %scan3A_84 to %scan3A_86 step %scan3A_87  : i32 {
        %mul3A_90 = arith.constant 128 : i32
        %mul3A_91 = arith.muli %scan3A_89, %mul3A_90 : i32
        "tpu.region"() ({
          %run_scoped3A = tpu.sem_alloc : memref<!tpu.dma_semaphore, #tpu.memory_space<semaphore_mem>>
          %dma_start3A = arith.constant 0 : i32
          %dma_start3A_92 = tpu.memref_slice %arg14[%mul3A_91, %dma_start3A] : memref<512x64xf32, #tpu.memory_space<vmem>> -> memref<128x64xf32, #tpu.memory_space<vmem>>
          %dma_start3A_93 = arith.constant 0 : i32
          %dma_start3A_94 = tpu.memref_slice %arg12[%scan3A_89, %dma_start3A_93] : memref<4x128xi32, #tpu.memory_space<vmem>> -> memref<1x128xi32, #tpu.memory_space<vmem>>
          %dma_start3A_95 = tpu.memref_squeeze %dma_start3A_94 : memref<1x128xi32, #tpu.memory_space<vmem>> -> memref<128xi32, #tpu.memory_space<vmem>>
          %dma_start3A_96 = arith.constant 0 : i32
          %dma_start3A_97 = arith.constant 0 : i32
          %dma_start3A_98 = tpu.memref_slice %arg15[%dma_start3A_96, %dma_start3A_97] : memref<10240x64xf32, #tpu.memory_space<vmem_shared>> -> memref<10240x64xf32, #tpu.memory_space<vmem_shared>>
          tpu.enqueue_indirect_dma source(%dma_start3A_92 : memref<128x64xf32, #tpu.memory_space<vmem>>) target(%dma_start3A_98 : memref<10240x64xf32, #tpu.memory_space<vmem_shared>>) offsets(%dma_start3A_95 : memref<128xi32, #tpu.memory_space<vmem>>) semaphore(%run_scoped3A : memref<!tpu.dma_semaphore, #tpu.memory_space<semaphore_mem>>) {add = true}
          %dma_wait3A_99 = arith.constant 0 : i32
          %dma_wait3A_100 = tpu.memref_slice %arg14[%mul3A_91, %dma_wait3A_99] : memref<512x64xf32, #tpu.memory_space<vmem>> -> memref<128x64xf32, #tpu.memory_space<vmem>>
          %dma_wait3A_101 = arith.constant 0 : i32
          %dma_wait3A_102 = tpu.memref_slice %arg12[%scan3A_89, %dma_wait3A_101] : memref<4x128xi32, #tpu.memory_space<vmem>> -> memref<1x128xi32, #tpu.memory_space<vmem>>
          %dma_wait3A_103 = tpu.memref_squeeze %dma_wait3A_102 : memref<1x128xi32, #tpu.memory_space<vmem>> -> memref<128xi32, #tpu.memory_space<vmem>>
          %dma_wait3A_104 = arith.constant 0 : i32
          %dma_wait3A_105 = arith.constant 0 : i32
          %dma_wait3A_106 = tpu.memref_slice %arg15[%dma_wait3A_104, %dma_wait3A_105] : memref<10240x64xf32, #tpu.memory_space<vmem_shared>> -> memref<10240x64xf32, #tpu.memory_space<vmem_shared>>
          tpu.wait_indirect_dma semaphore(%run_scoped3A : memref<!tpu.dma_semaphore, #tpu.memory_space<semaphore_mem>>) src(%dma_wait3A_100 : memref<128x64xf32, #tpu.memory_space<vmem>>) dst(%dma_wait3A_106 : memref<10240x64xf32, #tpu.memory_space<vmem_shared>>)
          tpu.yield
        }) : () -> ()
      }
      %scan3A_88 = arith.constant 4 : i32
    }
    %while3A_47 = arith.constant 1 : i32
    scf.for %while3A_50 = %while3A_45 to %while3A_41 step %while3A_47  : i32 {
      %mul3A_51 = arith.constant 2 : i32
      %mul3A_52 = arith.muli %mul3A_51, %while3A_50 : i32
      %add3A_53 = arith.constant 1 : i32
      %add3A_54 = arith.addi %mul3A_52, %add3A_53 : i32
      %mul3A_55 = arith.constant 4 : i32
      %mul3A_56 = arith.muli %add3A_54, %mul3A_55 : i32
      %add3A_57 = arith.addi %select_n3A, %mul3A_56 : i32
      "tpu.region"() ({
        %run_scoped3A = tpu.sem_alloc : memref<!tpu.dma_semaphore, #tpu.memory_space<semaphore_mem>>
        %dma_start3A = arith.constant 0 : i32
        %dma_start3A_89 = tpu.memref_slice %arg4[%add3A_57, %dma_start3A] : memref<2560x128xi32, #tpu.memory_space<hbm>> -> memref<4x128xi32, #tpu.memory_space<hbm>>
        %dma_start3A_90 = arith.constant 0 : i32
        %dma_start3A_91 = tpu.memref_slice %arg4[%add3A_57, %dma_start3A_90] : memref<2560x128xi32, #tpu.memory_space<hbm>> -> memref<4x128xi32, #tpu.memory_space<hbm>>
        tpu.enqueue_dma source(%dma_start3A_91 : memref<4x128xi32, #tpu.memory_space<hbm>>) target(%arg11 : memref<4x128xi32, #tpu.memory_space<vmem>>) target_semaphore(%run_scoped3A : memref<!tpu.dma_semaphore, #tpu.memory_space<semaphore_mem>>)
        %dma_wait3A_92 = arith.constant 0 : i32
        %dma_wait3A_93 = tpu.memref_slice %arg4[%add3A_57, %dma_wait3A_92] : memref<2560x128xi32, #tpu.memory_space<hbm>> -> memref<4x128xi32, #tpu.memory_space<hbm>>
        %dma_wait3A_94 = arith.constant 0 : i32
        %dma_wait3A_95 = tpu.memref_slice %arg4[%add3A_57, %dma_wait3A_94] : memref<2560x128xi32, #tpu.memory_space<hbm>> -> memref<4x128xi32, #tpu.memory_space<hbm>>
        tpu.wait_dma2 semaphore(%run_scoped3A : memref<!tpu.dma_semaphore, #tpu.memory_space<semaphore_mem>>) src(%dma_wait3A_95 : memref<4x128xi32, #tpu.memory_space<hbm>>) dst(%arg11 : memref<4x128xi32, #tpu.memory_space<vmem>>)
        tpu.yield
      }) : () -> ()
      "tpu.region"() ({
        %run_scoped3A = tpu.sem_alloc : memref<!tpu.dma_semaphore, #tpu.memory_space<semaphore_mem>>
        %dma_start3A = arith.constant 0 : i32
        %dma_start3A_89 = tpu.memref_slice %arg5[%add3A_57, %dma_start3A] : memref<2560x128xi32, #tpu.memory_space<hbm>> -> memref<4x128xi32, #tpu.memory_space<hbm>>
        %dma_start3A_90 = arith.constant 0 : i32
        %dma_start3A_91 = tpu.memref_slice %arg5[%add3A_57, %dma_start3A_90] : memref<2560x128xi32, #tpu.memory_space<hbm>> -> memref<4x128xi32, #tpu.memory_space<hbm>>
        tpu.enqueue_dma source(%dma_start3A_91 : memref<4x128xi32, #tpu.memory_space<hbm>>) target(%arg12 : memref<4x128xi32, #tpu.memory_space<vmem>>) target_semaphore(%run_scoped3A : memref<!tpu.dma_semaphore, #tpu.memory_space<semaphore_mem>>)
        %dma_wait3A_92 = arith.constant 0 : i32
        %dma_wait3A_93 = tpu.memref_slice %arg5[%add3A_57, %dma_wait3A_92] : memref<2560x128xi32, #tpu.memory_space<hbm>> -> memref<4x128xi32, #tpu.memory_space<hbm>>
        %dma_wait3A_94 = arith.constant 0 : i32
        %dma_wait3A_95 = tpu.memref_slice %arg5[%add3A_57, %dma_wait3A_94] : memref<2560x128xi32, #tpu.memory_space<hbm>> -> memref<4x128xi32, #tpu.memory_space<hbm>>
        tpu.wait_dma2 semaphore(%run_scoped3A : memref<!tpu.dma_semaphore, #tpu.memory_space<semaphore_mem>>) src(%dma_wait3A_95 : memref<4x128xi32, #tpu.memory_space<hbm>>) dst(%arg12 : memref<4x128xi32, #tpu.memory_space<vmem>>)
        tpu.yield
      }) : () -> ()
      %scan3A_58 = arith.constant 0 : i32
      %scan3A_59 = arith.constant 0 : i32
      %scan3A_60 = arith.constant 4 : i32
      %scan3A_61 = arith.addi %scan3A_59, %scan3A_60 : i32
      %scan3A_62 = arith.constant 1 : i32
      scf.for %scan3A_89 = %scan3A_59 to %scan3A_61 step %scan3A_62  : i32 {
        %mul3A_90 = arith.constant 128 : i32
        %mul3A_91 = arith.muli %scan3A_89, %mul3A_90 : i32
        %dma_start3A = arith.constant 0 : i32
        %dma_start3A_92 = tpu.memref_slice %arg14[%mul3A_91, %dma_start3A] : memref<512x64xf32, #tpu.memory_space<vmem>> -> memref<128x64xf32, #tpu.memory_space<vmem>>
        %dma_start3A_93 = arith.constant 0 : i32
        %dma_start3A_94 = tpu.memref_slice %arg11[%scan3A_89, %dma_start3A_93] : memref<4x128xi32, #tpu.memory_space<vmem>> -> memref<1x128xi32, #tpu.memory_space<vmem>>
        %dma_start3A_95 = tpu.memref_squeeze %dma_start3A_94 : memref<1x128xi32, #tpu.memory_space<vmem>> -> memref<128xi32, #tpu.memory_space<vmem>>
        %dma_start3A_96 = arith.constant 0 : i32
        %dma_start3A_97 = arith.constant 0 : i32
        %dma_start3A_98 = tpu.memref_slice %arg3[%dma_start3A_96, %dma_start3A_97] : memref<10000x64xf32, #tpu.memory_space<hbm>> -> memref<10000x64xf32, #tpu.memory_space<hbm>>
        tpu.enqueue_indirect_dma source(%dma_start3A_98 : memref<10000x64xf32, #tpu.memory_space<hbm>>) target(%dma_start3A_92 : memref<128x64xf32, #tpu.memory_space<vmem>>) offsets(%dma_start3A_95 : memref<128xi32, #tpu.memory_space<vmem>>) semaphore(%arg17 : memref<!tpu.dma_semaphore, #tpu.memory_space<semaphore_mem>>)
      }
      %scan3A_63 = arith.constant 4 : i32
      %dma_wait3A = arith.constant 0 : i32
      %dma_wait3A_64 = arith.constant 0 : i32
      %dma_wait3A_65 = tpu.memref_slice %arg3[%dma_wait3A, %dma_wait3A_64] : memref<10000x64xf32, #tpu.memory_space<hbm>> -> memref<512x64xf32, #tpu.memory_space<hbm>>
      %dma_wait3A_66 = arith.constant 0 : i32
      %dma_wait3A_67 = arith.constant 0 : i32
      %dma_wait3A_68 = tpu.memref_slice %arg3[%dma_wait3A_66, %dma_wait3A_67] : memref<10000x64xf32, #tpu.memory_space<hbm>> -> memref<512x64xf32, #tpu.memory_space<hbm>>
      tpu.wait_dma2 semaphore(%arg16 : memref<!tpu.dma_semaphore, #tpu.memory_space<semaphore_mem>>) src(%dma_wait3A_68 : memref<512x64xf32, #tpu.memory_space<hbm>>) dst(%arg13 : memref<512x64xf32, #tpu.memory_space<vmem>>)
      %scan3A_69 = arith.constant 0 : i32
      %scan3A_70 = arith.constant 0 : i32
      %scan3A_71 = arith.constant 4 : i32
      %scan3A_72 = arith.addi %scan3A_70, %scan3A_71 : i32
      %scan3A_73 = arith.constant 1 : i32
      scf.for %scan3A_89 = %scan3A_70 to %scan3A_72 step %scan3A_73  : i32 {
        %mul3A_90 = arith.constant 128 : i32
        %mul3A_91 = arith.muli %scan3A_89, %mul3A_90 : i32
        "tpu.region"() ({
          %run_scoped3A = tpu.sem_alloc : memref<!tpu.dma_semaphore, #tpu.memory_space<semaphore_mem>>
          %dma_start3A = arith.constant 0 : i32
          %dma_start3A_92 = tpu.memref_slice %arg13[%mul3A_91, %dma_start3A] : memref<512x64xf32, #tpu.memory_space<vmem>> -> memref<128x64xf32, #tpu.memory_space<vmem>>
          %dma_start3A_93 = arith.constant 0 : i32
          %dma_start3A_94 = tpu.memref_slice %arg10[%scan3A_89, %dma_start3A_93] : memref<4x128xi32, #tpu.memory_space<vmem>> -> memref<1x128xi32, #tpu.memory_space<vmem>>
          %dma_start3A_95 = tpu.memref_squeeze %dma_start3A_94 : memref<1x128xi32, #tpu.memory_space<vmem>> -> memref<128xi32, #tpu.memory_space<vmem>>
          %dma_start3A_96 = arith.constant 0 : i32
          %dma_start3A_97 = arith.constant 0 : i32
          %dma_start3A_98 = tpu.memref_slice %arg15[%dma_start3A_96, %dma_start3A_97] : memref<10240x64xf32, #tpu.memory_space<vmem_shared>> -> memref<10240x64xf32, #tpu.memory_space<vmem_shared>>
          tpu.enqueue_indirect_dma source(%dma_start3A_92 : memref<128x64xf32, #tpu.memory_space<vmem>>) target(%dma_start3A_98 : memref<10240x64xf32, #tpu.memory_space<vmem_shared>>) offsets(%dma_start3A_95 : memref<128xi32, #tpu.memory_space<vmem>>) semaphore(%run_scoped3A : memref<!tpu.dma_semaphore, #tpu.memory_space<semaphore_mem>>) {add = true}
          %dma_wait3A_99 = arith.constant 0 : i32
          %dma_wait3A_100 = tpu.memref_slice %arg13[%mul3A_91, %dma_wait3A_99] : memref<512x64xf32, #tpu.memory_space<vmem>> -> memref<128x64xf32, #tpu.memory_space<vmem>>
          %dma_wait3A_101 = arith.constant 0 : i32
          %dma_wait3A_102 = tpu.memref_slice %arg10[%scan3A_89, %dma_wait3A_101] : memref<4x128xi32, #tpu.memory_space<vmem>> -> memref<1x128xi32, #tpu.memory_space<vmem>>
          %dma_wait3A_103 = tpu.memref_squeeze %dma_wait3A_102 : memref<1x128xi32, #tpu.memory_space<vmem>> -> memref<128xi32, #tpu.memory_space<vmem>>
          %dma_wait3A_104 = arith.constant 0 : i32
          %dma_wait3A_105 = arith.constant 0 : i32
          %dma_wait3A_106 = tpu.memref_slice %arg15[%dma_wait3A_104, %dma_wait3A_105] : memref<10240x64xf32, #tpu.memory_space<vmem_shared>> -> memref<10240x64xf32, #tpu.memory_space<vmem_shared>>
          tpu.wait_indirect_dma semaphore(%run_scoped3A : memref<!tpu.dma_semaphore, #tpu.memory_space<semaphore_mem>>) src(%dma_wait3A_100 : memref<128x64xf32, #tpu.memory_space<vmem>>) dst(%dma_wait3A_106 : memref<10240x64xf32, #tpu.memory_space<vmem_shared>>)
          tpu.yield
        }) : () -> ()
      }
      %scan3A_74 = arith.constant 4 : i32
      %sub3A = arith.constant 1 : i32
      %sub3A_75 = arith.subi %select_n3A_8, %sub3A : i32
      %lt3A = arith.cmpi slt, %while3A_50, %sub3A_75 : i32
      %convert_element_type3A = arith.extui %lt3A : i1 to i32
      %cond3A = arith.constant 0 : i32
      %cond3A_76 = arith.cmpi ne, %convert_element_type3A, %cond3A : i32
      scf.if %cond3A_76 {
        %add3A_89 = arith.constant 2 : i32
        %add3A_90 = arith.addi %mul3A_52, %add3A_89 : i32
        %mul3A_91 = arith.constant 4 : i32
        %mul3A_92 = arith.muli %add3A_90, %mul3A_91 : i32
        %add3A_93 = arith.addi %select_n3A, %mul3A_92 : i32
        "tpu.region"() ({
          %run_scoped3A = tpu.sem_alloc : memref<!tpu.dma_semaphore, #tpu.memory_space<semaphore_mem>>
          %dma_start3A = arith.constant 0 : i32
          %dma_start3A_100 = tpu.memref_slice %arg4[%add3A_93, %dma_start3A] : memref<2560x128xi32, #tpu.memory_space<hbm>> -> memref<4x128xi32, #tpu.memory_space<hbm>>
          %dma_start3A_101 = arith.constant 0 : i32
          %dma_start3A_102 = tpu.memref_slice %arg4[%add3A_93, %dma_start3A_101] : memref<2560x128xi32, #tpu.memory_space<hbm>> -> memref<4x128xi32, #tpu.memory_space<hbm>>
          tpu.enqueue_dma source(%dma_start3A_102 : memref<4x128xi32, #tpu.memory_space<hbm>>) target(%arg9 : memref<4x128xi32, #tpu.memory_space<vmem>>) target_semaphore(%run_scoped3A : memref<!tpu.dma_semaphore, #tpu.memory_space<semaphore_mem>>)
          %dma_wait3A_103 = arith.constant 0 : i32
          %dma_wait3A_104 = tpu.memref_slice %arg4[%add3A_93, %dma_wait3A_103] : memref<2560x128xi32, #tpu.memory_space<hbm>> -> memref<4x128xi32, #tpu.memory_space<hbm>>
          %dma_wait3A_105 = arith.constant 0 : i32
          %dma_wait3A_106 = tpu.memref_slice %arg4[%add3A_93, %dma_wait3A_105] : memref<2560x128xi32, #tpu.memory_space<hbm>> -> memref<4x128xi32, #tpu.memory_space<hbm>>
          tpu.wait_dma2 semaphore(%run_scoped3A : memref<!tpu.dma_semaphore, #tpu.memory_space<semaphore_mem>>) src(%dma_wait3A_106 : memref<4x128xi32, #tpu.memory_space<hbm>>) dst(%arg9 : memref<4x128xi32, #tpu.memory_space<vmem>>)
          tpu.yield
        }) : () -> ()
        "tpu.region"() ({
          %run_scoped3A = tpu.sem_alloc : memref<!tpu.dma_semaphore, #tpu.memory_space<semaphore_mem>>
          %dma_start3A = arith.constant 0 : i32
          %dma_start3A_100 = tpu.memref_slice %arg5[%add3A_93, %dma_start3A] : memref<2560x128xi32, #tpu.memory_space<hbm>> -> memref<4x128xi32, #tpu.memory_space<hbm>>
          %dma_start3A_101 = arith.constant 0 : i32
          %dma_start3A_102 = tpu.memref_slice %arg5[%add3A_93, %dma_start3A_101] : memref<2560x128xi32, #tpu.memory_space<hbm>> -> memref<4x128xi32, #tpu.memory_space<hbm>>
          tpu.enqueue_dma source(%dma_start3A_102 : memref<4x128xi32, #tpu.memory_space<hbm>>) target(%arg10 : memref<4x128xi32, #tpu.memory_space<vmem>>) target_semaphore(%run_scoped3A : memref<!tpu.dma_semaphore, #tpu.memory_space<semaphore_mem>>)
          %dma_wait3A_103 = arith.constant 0 : i32
          %dma_wait3A_104 = tpu.memref_slice %arg5[%add3A_93, %dma_wait3A_103] : memref<2560x128xi32, #tpu.memory_space<hbm>> -> memref<4x128xi32, #tpu.memory_space<hbm>>
          %dma_wait3A_105 = arith.constant 0 : i32
          %dma_wait3A_106 = tpu.memref_slice %arg5[%add3A_93, %dma_wait3A_105] : memref<2560x128xi32, #tpu.memory_space<hbm>> -> memref<4x128xi32, #tpu.memory_space<hbm>>
          tpu.wait_dma2 semaphore(%run_scoped3A : memref<!tpu.dma_semaphore, #tpu.memory_space<semaphore_mem>>) src(%dma_wait3A_106 : memref<4x128xi32, #tpu.memory_space<hbm>>) dst(%arg10 : memref<4x128xi32, #tpu.memory_space<vmem>>)
          tpu.yield
        }) : () -> ()
        %scan3A_94 = arith.constant 0 : i32
        %scan3A_95 = arith.constant 0 : i32
        %scan3A_96 = arith.constant 4 : i32
        %scan3A_97 = arith.addi %scan3A_95, %scan3A_96 : i32
        %scan3A_98 = arith.constant 1 : i32
        scf.for %scan3A_100 = %scan3A_95 to %scan3A_97 step %scan3A_98  : i32 {
          %mul3A_101 = arith.constant 128 : i32
          %mul3A_102 = arith.muli %scan3A_100, %mul3A_101 : i32
          %dma_start3A = arith.constant 0 : i32
          %dma_start3A_103 = tpu.memref_slice %arg13[%mul3A_102, %dma_start3A] : memref<512x64xf32, #tpu.memory_space<vmem>> -> memref<128x64xf32, #tpu.memory_space<vmem>>
          %dma_start3A_104 = arith.constant 0 : i32
          %dma_start3A_105 = tpu.memref_slice %arg9[%scan3A_100, %dma_start3A_104] : memref<4x128xi32, #tpu.memory_space<vmem>> -> memref<1x128xi32, #tpu.memory_space<vmem>>
          %dma_start3A_106 = tpu.memref_squeeze %dma_start3A_105 : memref<1x128xi32, #tpu.memory_space<vmem>> -> memref<128xi32, #tpu.memory_space<vmem>>
          %dma_start3A_107 = arith.constant 0 : i32
          %dma_start3A_108 = arith.constant 0 : i32
          %dma_start3A_109 = tpu.memref_slice %arg3[%dma_start3A_107, %dma_start3A_108] : memref<10000x64xf32, #tpu.memory_space<hbm>> -> memref<10000x64xf32, #tpu.memory_space<hbm>>
          tpu.enqueue_indirect_dma source(%dma_start3A_109 : memref<10000x64xf32, #tpu.memory_space<hbm>>) target(%dma_start3A_103 : memref<128x64xf32, #tpu.memory_space<vmem>>) offsets(%dma_start3A_106 : memref<128xi32, #tpu.memory_space<vmem>>) semaphore(%arg16 : memref<!tpu.dma_semaphore, #tpu.memory_space<semaphore_mem>>)
        }
        %scan3A_99 = arith.constant 4 : i32
      } else {
      }
      %dma_wait3A_77 = arith.constant 0 : i32
      %dma_wait3A_78 = arith.constant 0 : i32
      %dma_wait3A_79 = tpu.memref_slice %arg3[%dma_wait3A_77, %dma_wait3A_78] : memref<10000x64xf32, #tpu.memory_space<hbm>> -> memref<512x64xf32, #tpu.memory_space<hbm>>
      %dma_wait3A_80 = arith.constant 0 : i32
      %dma_wait3A_81 = arith.constant 0 : i32
      %dma_wait3A_82 = tpu.memref_slice %arg3[%dma_wait3A_80, %dma_wait3A_81] : memref<10000x64xf32, #tpu.memory_space<hbm>> -> memref<512x64xf32, #tpu.memory_space<hbm>>
      tpu.wait_dma2 semaphore(%arg17 : memref<!tpu.dma_semaphore, #tpu.memory_space<semaphore_mem>>) src(%dma_wait3A_82 : memref<512x64xf32, #tpu.memory_space<hbm>>) dst(%arg14 : memref<512x64xf32, #tpu.memory_space<vmem>>)
      %scan3A_83 = arith.constant 0 : i32
      %scan3A_84 = arith.constant 0 : i32
      %scan3A_85 = arith.constant 4 : i32
      %scan3A_86 = arith.addi %scan3A_84, %scan3A_85 : i32
      %scan3A_87 = arith.constant 1 : i32
      scf.for %scan3A_89 = %scan3A_84 to %scan3A_86 step %scan3A_87  : i32 {
        %mul3A_90 = arith.constant 128 : i32
        %mul3A_91 = arith.muli %scan3A_89, %mul3A_90 : i32
        "tpu.region"() ({
          %run_scoped3A = tpu.sem_alloc : memref<!tpu.dma_semaphore, #tpu.memory_space<semaphore_mem>>
          %dma_start3A = arith.constant 0 : i32
          %dma_start3A_92 = tpu.memref_slice %arg14[%mul3A_91, %dma_start3A] : memref<512x64xf32, #tpu.memory_space<vmem>> -> memref<128x64xf32, #tpu.memory_space<vmem>>
          %dma_start3A_93 = arith.constant 0 : i32
          %dma_start3A_94 = tpu.memref_slice %arg12[%scan3A_89, %dma_start3A_93] : memref<4x128xi32, #tpu.memory_space<vmem>> -> memref<1x128xi32, #tpu.memory_space<vmem>>
          %dma_start3A_95 = tpu.memref_squeeze %dma_start3A_94 : memref<1x128xi32, #tpu.memory_space<vmem>> -> memref<128xi32, #tpu.memory_space<vmem>>
          %dma_start3A_96 = arith.constant 0 : i32
          %dma_start3A_97 = arith.constant 0 : i32
          %dma_start3A_98 = tpu.memref_slice %arg15[%dma_start3A_96, %dma_start3A_97] : memref<10240x64xf32, #tpu.memory_space<vmem_shared>> -> memref<10240x64xf32, #tpu.memory_space<vmem_shared>>
          tpu.enqueue_indirect_dma source(%dma_start3A_92 : memref<128x64xf32, #tpu.memory_space<vmem>>) target(%dma_start3A_98 : memref<10240x64xf32, #tpu.memory_space<vmem_shared>>) offsets(%dma_start3A_95 : memref<128xi32, #tpu.memory_space<vmem>>) semaphore(%run_scoped3A : memref<!tpu.dma_semaphore, #tpu.memory_space<semaphore_mem>>) {add = true}
          %dma_wait3A_99 = arith.constant 0 : i32
          %dma_wait3A_100 = tpu.memref_slice %arg14[%mul3A_91, %dma_wait3A_99] : memref<512x64xf32, #tpu.memory_space<vmem>> -> memref<128x64xf32, #tpu.memory_space<vmem>>
          %dma_wait3A_101 = arith.constant 0 : i32
          %dma_wait3A_102 = tpu.memref_slice %arg12[%scan3A_89, %dma_wait3A_101] : memref<4x128xi32, #tpu.memory_space<vmem>> -> memref<1x128xi32, #tpu.memory_space<vmem>>
          %dma_wait3A_103 = tpu.memref_squeeze %dma_wait3A_102 : memref<1x128xi32, #tpu.memory_space<vmem>> -> memref<128xi32, #tpu.memory_space<vmem>>
          %dma_wait3A_104 = arith.constant 0 : i32
          %dma_wait3A_105 = arith.constant 0 : i32
          %dma_wait3A_106 = tpu.memref_slice %arg15[%dma_wait3A_104, %dma_wait3A_105] : memref<10240x64xf32, #tpu.memory_space<vmem_shared>> -> memref<10240x64xf32, #tpu.memory_space<vmem_shared>>
          tpu.wait_indirect_dma semaphore(%run_scoped3A : memref<!tpu.dma_semaphore, #tpu.memory_space<semaphore_mem>>) src(%dma_wait3A_100 : memref<128x64xf32, #tpu.memory_space<vmem>>) dst(%dma_wait3A_106 : memref<10240x64xf32, #tpu.memory_space<vmem_shared>>)
          tpu.yield
        }) : () -> ()
      }
      %scan3A_88 = arith.constant 4 : i32
    }
    %barrier3A_48 = arith.constant 0 : index
    tpu.barrier barrier_id(%barrier3A_48)
    "tpu.region"() ({
      %run_scoped3A = tpu.sem_alloc : memref<!tpu.dma_semaphore, #tpu.memory_space<semaphore_mem>>
      %dma_start3A = arith.constant 0 : i32
      %dma_start3A_50 = tpu.memref_slice %arg8[%arg0, %mul3A_10, %dma_start3A] : memref<2x10240x64xf32, #tpu.memory_space<hbm>> -> memref<1x640x64xf32, #tpu.memory_space<hbm>>
      %dma_start3A_51 = tpu.memref_squeeze %dma_start3A_50 : memref<1x640x64xf32, #tpu.memory_space<hbm>> -> memref<640x64xf32, #tpu.memory_space<hbm>>
      %dma_start3A_52 = arith.constant 0 : i32
      %dma_start3A_53 = tpu.memref_slice %arg15[%mul3A_10, %dma_start3A_52] : memref<10240x64xf32, #tpu.memory_space<vmem_shared>> -> memref<640x64xf32, #tpu.memory_space<vmem_shared>>
      tpu.enqueue_dma source(%dma_start3A_53 : memref<640x64xf32, #tpu.memory_space<vmem_shared>>) target(%dma_start3A_51 : memref<640x64xf32, #tpu.memory_space<hbm>>) target_semaphore(%run_scoped3A : memref<!tpu.dma_semaphore, #tpu.memory_space<semaphore_mem>>)
      %dma_wait3A = arith.constant 0 : i32
      %dma_wait3A_54 = tpu.memref_slice %arg8[%arg0, %mul3A_10, %dma_wait3A] : memref<2x10240x64xf32, #tpu.memory_space<hbm>> -> memref<1x640x64xf32, #tpu.memory_space<hbm>>
      %dma_wait3A_55 = tpu.memref_squeeze %dma_wait3A_54 : memref<1x640x64xf32, #tpu.memory_space<hbm>> -> memref<640x64xf32, #tpu.memory_space<hbm>>
      %dma_wait3A_56 = arith.constant 0 : i32
      %dma_wait3A_57 = tpu.memref_slice %arg15[%mul3A_10, %dma_wait3A_56] : memref<10240x64xf32, #tpu.memory_space<vmem_shared>> -> memref<640x64xf32, #tpu.memory_space<vmem_shared>>
      tpu.wait_dma2 semaphore(%run_scoped3A : memref<!tpu.dma_semaphore, #tpu.memory_space<semaphore_mem>>) src(%dma_wait3A_57 : memref<640x64xf32, #tpu.memory_space<vmem_shared>>) dst(%dma_wait3A_55 : memref<640x64xf32, #tpu.memory_space<hbm>>)
      tpu.yield
    }) : () -> ()
    %barrier3A_49 = arith.constant 0 : index
    tpu.barrier barrier_id(%barrier3A_49)
    return
  }
}

module attributes {stable_mosaic.version = 14 : i64} {
  func.func @_proj_body(%arg0: i32, %arg1: memref<1000x128xf32, #tpu.memory_space<vmem>>, %arg2: memref<128x128xf32, #tpu.memory_space<vmem>>, %arg3: memref<1x128xf32, #tpu.memory_space<vmem>>, %arg4: memref<1000x64xf32, #tpu.memory_space<vmem>>, %arg5: memref<1000x64xf32, #tpu.memory_space<vmem>>) attributes {dimension_semantics = [#tpu.dimension_semantics<arbitrary>], iteration_bounds = array<i64: 10>, scalar_prefetch = 0 : i64, scratch_operands = 0 : i64, tpu.core_type = #tpu.core_type<tc>, window_params = [{transform_indices = @transform_0, window_bounds = array<i64: 1000, 128>}, {pipeline_mode = #tpu.pipeline_mode<synchronous>, transform_indices = @transform_1, window_bounds = array<i64: 128, 128>}, {pipeline_mode = #tpu.pipeline_mode<synchronous>, transform_indices = @transform_2, window_bounds = array<i64: 1, 128>}, {transform_indices = @transform_3, window_bounds = array<i64: 1000, 64>}, {transform_indices = @transform_4, window_bounds = array<i64: 1000, 64>}]} {
    %get3A = arith.constant 0 : index
    %get3A_0 = arith.constant 0 : index
    %get3A_1 = vector.load %arg1[%get3A, %get3A_0] : memref<1000x128xf32, #tpu.memory_space<vmem>>, vector<1000x128xf32>
    %get3A_2 = arith.constant 0 : index
    %get3A_3 = arith.constant 0 : index
    %get3A_4 = vector.load %arg2[%get3A_2, %get3A_3] : memref<128x128xf32, #tpu.memory_space<vmem>>, vector<128x128xf32>
    %dot_general3A = arith.constant dense<0.000000e+00> : vector<1000x128xf32>
    %dot_general3A_5 = tpu.matmul %get3A_1, %get3A_4, %dot_general3A {dimension_numbers = #tpu.dot_dimension_numbers<[1], [0], [0], [1], [0, 0, 1, 1], [], []>, transpose_lhs_hint = false} : vector<1000x128xf32>, vector<128x128xf32>, vector<1000x128xf32> -> vector<1000x128xf32>
    %get3A_6 = arith.constant 0 : index
    %get3A_7 = arith.constant 0 : index
    %get3A_8 = vector.load %arg3[%get3A_6, %get3A_7] : memref<1x128xf32, #tpu.memory_space<vmem>>, vector<1x128xf32>
    %add3A = vector.broadcast %get3A_8 : vector<1x128xf32> to vector<1000x128xf32>
    %add3A_9 = arith.addf %dot_general3A_5, %add3A : vector<1000x128xf32>
    %max3A = arith.constant 0.000000e+00 : f32
    %max3A_10 = vector.broadcast %max3A : f32 to vector<1000x128xf32>
    %max3A_11 = arith.maximumf %add3A_9, %max3A_10 : vector<1000x128xf32>
    %slice3A = vector.extract_strided_slice %max3A_11 {offsets = [0, 0], sizes = [1000, 64], strides = [1, 1]} : vector<1000x128xf32> to vector<1000x64xf32>
    %swap3A = arith.constant 0 : index
    %swap3A_12 = arith.constant 0 : index
    %swap3A_13 = vector.load %arg4[%swap3A, %swap3A_12] : memref<1000x64xf32, #tpu.memory_space<vmem>>, vector<1000x64xf32>
    tpu.vector_store %arg4[%swap3A, %swap3A_12], %slice3A {strides = array<i32>} : memref<1000x64xf32, #tpu.memory_space<vmem>>, vector<1000x64xf32>,
    %slice3A_14 = vector.extract_strided_slice %max3A_11 {offsets = [0, 64], sizes = [1000, 64], strides = [1, 1]} : vector<1000x128xf32> to vector<1000x64xf32>
    %swap3A_15 = arith.constant 0 : index
    %swap3A_16 = arith.constant 0 : index
    %swap3A_17 = vector.load %arg5[%swap3A_15, %swap3A_16] : memref<1000x64xf32, #tpu.memory_space<vmem>>, vector<1000x64xf32>
    tpu.vector_store %arg5[%swap3A_15, %swap3A_16], %slice3A_14 {strides = array<i32>} : memref<1000x64xf32, #tpu.memory_space<vmem>>, vector<1000x64xf32>,
    return
  }
  func.func @transform_0(%arg0: i32) -> (i32, i32) {
    %c0_i32 = arith.constant 0 : i32
    %c0_i32_0 = arith.constant 0 : i32
    return %arg0, %c0_i32 : i32, i32
  }
  func.func @transform_1(%arg0: i32) -> (i32, i32) {
    %c0_i32 = arith.constant 0 : i32
    %c0_i32_0 = arith.constant 0 : i32
    %c0_i32_1 = arith.constant 0 : i32
    return %c0_i32, %c0_i32_0 : i32, i32
  }
  func.func @transform_2(%arg0: i32) -> (i32, i32) {
    %c0_i32 = arith.constant 0 : i32
    %c0_i32_0 = arith.constant 0 : i32
    %c0_i32_1 = arith.constant 0 : i32
    return %c0_i32, %c0_i32_0 : i32, i32
  }
  func.func @transform_3(%arg0: i32) -> (i32, i32) {
    %c0_i32 = arith.constant 0 : i32
    %c0_i32_0 = arith.constant 0 : i32
    return %arg0, %c0_i32 : i32, i32
  }
  func.func @transform_4(%arg0: i32) -> (i32, i32) {
    %c0_i32 = arith.constant 0 : i32
    %c0_i32_0 = arith.constant 0 : i32
    return %arg0, %c0_i32 : i32, i32
  }
}

module attributes {stable_mosaic.version = 14 : i64} {
  func.func @_mid_body(%arg0: i32, %arg1: memref<2x1000x64xf32, #tpu.memory_space<vmem>>, %arg2: memref<2x1000x64xf32, #tpu.memory_space<vmem>>, %arg3: memref<1000x16xf32, #tpu.memory_space<vmem>>, %arg4: memref<1000x16xf32, #tpu.memory_space<vmem>>, %arg5: memref<1000x128xf32, #tpu.memory_space<vmem>>, %arg6: memref<64x128xf32, #tpu.memory_space<vmem>>, %arg7: memref<64x128xf32, #tpu.memory_space<vmem>>, %arg8: memref<1x128xf32, #tpu.memory_space<vmem>>, %arg9: memref<128x128xf32, #tpu.memory_space<vmem>>, %arg10: memref<128x128xf32, #tpu.memory_space<vmem>>, %arg11: memref<1x128xf32, #tpu.memory_space<vmem>>, %arg12: memref<1000x128xf32, #tpu.memory_space<vmem>>, %arg13: memref<1000x64xf32, #tpu.memory_space<vmem>>, %arg14: memref<1000x64xf32, #tpu.memory_space<vmem>>) attributes {dimension_semantics = [#tpu.dimension_semantics<arbitrary>], iteration_bounds = array<i64: 10>, scalar_prefetch = 0 : i64, scratch_operands = 0 : i64, tpu.core_type = #tpu.core_type<tc>, window_params = [{transform_indices = @transform_0, window_bounds = array<i64: 2, 1000, 64>}, {transform_indices = @transform_1, window_bounds = array<i64: 2, 1000, 64>}, {transform_indices = @transform_2, window_bounds = array<i64: 1000, 16>}, {transform_indices = @transform_3, window_bounds = array<i64: 1000, 16>}, {transform_indices = @transform_4, window_bounds = array<i64: 1000, 128>}, {pipeline_mode = #tpu.pipeline_mode<synchronous>, transform_indices = @transform_5, window_bounds = array<i64: 64, 128>}, {pipeline_mode = #tpu.pipeline_mode<synchronous>, transform_indices = @transform_6, window_bounds = array<i64: 64, 128>}, {pipeline_mode = #tpu.pipeline_mode<synchronous>, transform_indices = @transform_7, window_bounds = array<i64: 1, 128>}, {pipeline_mode = #tpu.pipeline_mode<synchronous>, transform_indices = @transform_8, window_bounds = array<i64: 128, 128>}, {pipeline_mode = #tpu.pipeline_mode<synchronous>, transform_indices = @transform_9, window_bounds = array<i64: 128, 128>}, {pipeline_mode = #tpu.pipeline_mode<synchronous>, transform_indices = @transform_10, window_bounds = array<i64: 1, 128>}, {transform_indices = @transform_11, window_bounds = array<i64: 1000, 128>}, {transform_indices = @transform_12, window_bounds = array<i64: 1000, 64>}, {transform_indices = @transform_13, window_bounds = array<i64: 1000, 64>}]} {
    %get3A = arith.constant 0 : index
    %get3A_0 = arith.constant 0 : index
    %get3A_1 = vector.load %arg3[%get3A, %get3A_0] : memref<1000x16xf32, #tpu.memory_space<vmem>>, vector<1000x1xf32>
    %get3A_2 = arith.constant 0 : index
    %get3A_3 = arith.constant 0 : index
    %get3A_4 = vector.load %arg4[%get3A_2, %get3A_3] : memref<1000x16xf32, #tpu.memory_space<vmem>>, vector<1000x1xf32>
    %add3A = arith.addf %get3A_1, %get3A_4 : vector<1000x1xf32>
    %max3A = arith.constant 1.000000e+00 : f32
    %max3A_5 = vector.broadcast %max3A : f32 to vector<1000x1xf32>
    %max3A_6 = arith.maximumf %add3A, %max3A_5 : vector<1000x1xf32>
    %get3A_7 = arith.constant 0 : index
    %get3A_8 = arith.constant 0 : index
    %get3A_9 = arith.constant 0 : index
    %get3A_10 = vector.load %arg1[%get3A_7, %get3A_8, %get3A_9] : memref<2x1000x64xf32, #tpu.memory_space<vmem>>, vector<1x1000x64xf32>
    %get3A_11 = vector.shape_cast %get3A_10 : vector<1x1000x64xf32> to vector<1000x64xf32>
    %get3A_12 = arith.constant 1 : index
    %get3A_13 = arith.constant 0 : index
    %get3A_14 = arith.constant 0 : index
    %get3A_15 = vector.load %arg1[%get3A_12, %get3A_13, %get3A_14] : memref<2x1000x64xf32, #tpu.memory_space<vmem>>, vector<1x1000x64xf32>
    %get3A_16 = vector.shape_cast %get3A_15 : vector<1x1000x64xf32> to vector<1000x64xf32>
    %add3A_17 = arith.addf %get3A_11, %get3A_16 : vector<1000x64xf32>
    %div3A = vector.broadcast %max3A_6 : vector<1000x1xf32> to vector<1000x64xf32>
    %div3A_18 = arith.divf %add3A_17, %div3A : vector<1000x64xf32>
    %get3A_19 = arith.constant 0 : index
    %get3A_20 = arith.constant 0 : index
    %get3A_21 = arith.constant 0 : index
    %get3A_22 = vector.load %arg2[%get3A_19, %get3A_20, %get3A_21] : memref<2x1000x64xf32, #tpu.memory_space<vmem>>, vector<1x1000x64xf32>
    %get3A_23 = vector.shape_cast %get3A_22 : vector<1x1000x64xf32> to vector<1000x64xf32>
    %get3A_24 = arith.constant 1 : index
    %get3A_25 = arith.constant 0 : index
    %get3A_26 = arith.constant 0 : index
    %get3A_27 = vector.load %arg2[%get3A_24, %get3A_25, %get3A_26] : memref<2x1000x64xf32, #tpu.memory_space<vmem>>, vector<1x1000x64xf32>
    %get3A_28 = vector.shape_cast %get3A_27 : vector<1x1000x64xf32> to vector<1000x64xf32>
    %add3A_29 = arith.addf %get3A_23, %get3A_28 : vector<1000x64xf32>
    %div3A_30 = vector.broadcast %max3A_6 : vector<1000x1xf32> to vector<1000x64xf32>
    %div3A_31 = arith.divf %add3A_29, %div3A_30 : vector<1000x64xf32>
    %get3A_32 = arith.constant 0 : index
    %get3A_33 = arith.constant 0 : index
    %get3A_34 = vector.load %arg6[%get3A_32, %get3A_33] : memref<64x128xf32, #tpu.memory_space<vmem>>, vector<64x128xf32>
    %dot_general3A = arith.constant dense<0.000000e+00> : vector<1000x128xf32>
    %dot_general3A_35 = tpu.matmul %div3A_18, %get3A_34, %dot_general3A {dimension_numbers = #tpu.dot_dimension_numbers<[1], [0], [0], [1], [0, 0, 1, 1], [], []>, transpose_lhs_hint = false} : vector<1000x64xf32>, vector<64x128xf32>, vector<1000x128xf32> -> vector<1000x128xf32>
    %get3A_36 = arith.constant 0 : index
    %get3A_37 = arith.constant 0 : index
    %get3A_38 = vector.load %arg7[%get3A_36, %get3A_37] : memref<64x128xf32, #tpu.memory_space<vmem>>, vector<64x128xf32>
    %dot_general3A_39 = arith.constant dense<0.000000e+00> : vector<1000x128xf32>
    %dot_general3A_40 = tpu.matmul %div3A_31, %get3A_38, %dot_general3A_39 {dimension_numbers = #tpu.dot_dimension_numbers<[1], [0], [0], [1], [0, 0, 1, 1], [], []>, transpose_lhs_hint = false} : vector<1000x64xf32>, vector<64x128xf32>, vector<1000x128xf32> -> vector<1000x128xf32>
    %add3A_41 = arith.addf %dot_general3A_35, %dot_general3A_40 : vector<1000x128xf32>
    %get3A_42 = arith.constant 0 : index
    %get3A_43 = arith.constant 0 : index
    %get3A_44 = vector.load %arg5[%get3A_42, %get3A_43] : memref<1000x128xf32, #tpu.memory_space<vmem>>, vector<1000x128xf32>
    %get3A_45 = arith.constant 0 : index
    %get3A_46 = arith.constant 0 : index
    %get3A_47 = vector.load %arg9[%get3A_45, %get3A_46] : memref<128x128xf32, #tpu.memory_space<vmem>>, vector<128x128xf32>
    %dot_general3A_48 = arith.constant dense<0.000000e+00> : vector<1000x128xf32>
    %dot_general3A_49 = tpu.matmul %get3A_44, %get3A_47, %dot_general3A_48 {dimension_numbers = #tpu.dot_dimension_numbers<[1], [0], [0], [1], [0, 0, 1, 1], [], []>, transpose_lhs_hint = false} : vector<1000x128xf32>, vector<128x128xf32>, vector<1000x128xf32> -> vector<1000x128xf32>
    %add3A_50 = arith.addf %add3A_41, %dot_general3A_49 : vector<1000x128xf32>
    %get3A_51 = arith.constant 0 : index
    %get3A_52 = arith.constant 0 : index
    %get3A_53 = vector.load %arg8[%get3A_51, %get3A_52] : memref<1x128xf32, #tpu.memory_space<vmem>>, vector<1x128xf32>
    %add3A_54 = vector.broadcast %get3A_53 : vector<1x128xf32> to vector<1000x128xf32>
    %add3A_55 = arith.addf %add3A_50, %add3A_54 : vector<1000x128xf32>
    %mul3A = arith.mulf %add3A_55, %add3A_55 : vector<1000x128xf32>
    %reduce_sum3A = arith.constant dense<0.000000e+00> : vector<1000xf32>
    %reduce_sum3A_56 = vector.multi_reduction <add>, %mul3A, %reduce_sum3A [1] : vector<1000x128xf32> to vector<1000xf32>
    %broadcast_in_dim3A = vector.shape_cast %reduce_sum3A_56 : vector<1000xf32> to vector<1000x1xf32>
    %sqrt3A = math.sqrt %broadcast_in_dim3A : vector<1000x1xf32>
    %max3A_57 = arith.constant 9.99999996E-13 : f32
    %max3A_58 = vector.broadcast %max3A_57 : f32 to vector<1000x1xf32>
    %max3A_59 = arith.maximumf %sqrt3A, %max3A_58 : vector<1000x1xf32>
    %div3A_60 = vector.broadcast %max3A_59 : vector<1000x1xf32> to vector<1000x128xf32>
    %div3A_61 = arith.divf %add3A_55, %div3A_60 : vector<1000x128xf32>
    %max3A_62 = arith.constant 0.000000e+00 : f32
    %max3A_63 = vector.broadcast %max3A_62 : f32 to vector<1000x128xf32>
    %max3A_64 = arith.maximumf %div3A_61, %max3A_63 : vector<1000x128xf32>
    %swap3A = arith.constant 0 : index
    %swap3A_65 = arith.constant 0 : index
    %swap3A_66 = vector.load %arg12[%swap3A, %swap3A_65] : memref<1000x128xf32, #tpu.memory_space<vmem>>, vector<1000x128xf32>
    tpu.vector_store %arg12[%swap3A, %swap3A_65], %max3A_64 {strides = array<i32>} : memref<1000x128xf32, #tpu.memory_space<vmem>>, vector<1000x128xf32>,
    %get3A_67 = arith.constant 0 : index
    %get3A_68 = arith.constant 0 : index
    %get3A_69 = vector.load %arg10[%get3A_67, %get3A_68] : memref<128x128xf32, #tpu.memory_space<vmem>>, vector<128x128xf32>
    %dot_general3A_70 = arith.constant dense<0.000000e+00> : vector<1000x128xf32>
    %dot_general3A_71 = tpu.matmul %max3A_64, %get3A_69, %dot_general3A_70 {dimension_numbers = #tpu.dot_dimension_numbers<[1], [0], [0], [1], [0, 0, 1, 1], [], []>, transpose_lhs_hint = false} : vector<1000x128xf32>, vector<128x128xf32>, vector<1000x128xf32> -> vector<1000x128xf32>
    %get3A_72 = arith.constant 0 : index
    %get3A_73 = arith.constant 0 : index
    %get3A_74 = vector.load %arg11[%get3A_72, %get3A_73] : memref<1x128xf32, #tpu.memory_space<vmem>>, vector<1x128xf32>
    %add3A_75 = vector.broadcast %get3A_74 : vector<1x128xf32> to vector<1000x128xf32>
    %add3A_76 = arith.addf %dot_general3A_71, %add3A_75 : vector<1000x128xf32>
    %max3A_77 = arith.constant 0.000000e+00 : f32
    %max3A_78 = vector.broadcast %max3A_77 : f32 to vector<1000x128xf32>
    %max3A_79 = arith.maximumf %add3A_76, %max3A_78 : vector<1000x128xf32>
    %slice3A = vector.extract_strided_slice %max3A_79 {offsets = [0, 0], sizes = [1000, 64], strides = [1, 1]} : vector<1000x128xf32> to vector<1000x64xf32>
    %swap3A_80 = arith.constant 0 : index
    %swap3A_81 = arith.constant 0 : index
    %swap3A_82 = vector.load %arg13[%swap3A_80, %swap3A_81] : memref<1000x64xf32, #tpu.memory_space<vmem>>, vector<1000x64xf32>
    tpu.vector_store %arg13[%swap3A_80, %swap3A_81], %slice3A {strides = array<i32>} : memref<1000x64xf32, #tpu.memory_space<vmem>>, vector<1000x64xf32>,
    %slice3A_83 = vector.extract_strided_slice %max3A_79 {offsets = [0, 64], sizes = [1000, 64], strides = [1, 1]} : vector<1000x128xf32> to vector<1000x64xf32>
    %swap3A_84 = arith.constant 0 : index
    %swap3A_85 = arith.constant 0 : index
    %swap3A_86 = vector.load %arg14[%swap3A_84, %swap3A_85] : memref<1000x64xf32, #tpu.memory_space<vmem>>, vector<1000x64xf32>
    tpu.vector_store %arg14[%swap3A_84, %swap3A_85], %slice3A_83 {strides = array<i32>} : memref<1000x64xf32, #tpu.memory_space<vmem>>, vector<1000x64xf32>,
    return
  }
  func.func @transform_0(%arg0: i32) -> (i32, i32, i32) {
    %c0_i32 = arith.constant 0 : i32
    %c0_i32_0 = arith.constant 0 : i32
    %c0_i32_1 = arith.constant 0 : i32
    return %c0_i32, %arg0, %c0_i32_0 : i32, i32, i32
  }
  func.func @transform_1(%arg0: i32) -> (i32, i32, i32) {
    %c0_i32 = arith.constant 0 : i32
    %c0_i32_0 = arith.constant 0 : i32
    %c0_i32_1 = arith.constant 0 : i32
    return %c0_i32, %arg0, %c0_i32_0 : i32, i32, i32
  }
  func.func @transform_2(%arg0: i32) -> (i32, i32) {
    %c0_i32 = arith.constant 0 : i32
    %c0_i32_0 = arith.constant 0 : i32
    return %arg0, %c0_i32 : i32, i32
  }
  func.func @transform_3(%arg0: i32) -> (i32, i32) {
    %c0_i32 = arith.constant 0 : i32
    %c0_i32_0 = arith.constant 0 : i32
    return %arg0, %c0_i32 : i32, i32
  }
  func.func @transform_4(%arg0: i32) -> (i32, i32) {
    %c0_i32 = arith.constant 0 : i32
    %c0_i32_0 = arith.constant 0 : i32
    return %arg0, %c0_i32 : i32, i32
  }
  func.func @transform_5(%arg0: i32) -> (i32, i32) {
    %c0_i32 = arith.constant 0 : i32
    %c0_i32_0 = arith.constant 0 : i32
    %c0_i32_1 = arith.constant 0 : i32
    return %c0_i32, %c0_i32_0 : i32, i32
  }
  func.func @transform_6(%arg0: i32) -> (i32, i32) {
    %c0_i32 = arith.constant 0 : i32
    %c0_i32_0 = arith.constant 0 : i32
    %c0_i32_1 = arith.constant 0 : i32
    return %c0_i32, %c0_i32_0 : i32, i32
  }
  func.func @transform_7(%arg0: i32) -> (i32, i32) {
    %c0_i32 = arith.constant 0 : i32
    %c0_i32_0 = arith.constant 0 : i32
    %c0_i32_1 = arith.constant 0 : i32
    return %c0_i32, %c0_i32_0 : i32, i32
  }
  func.func @transform_8(%arg0: i32) -> (i32, i32) {
    %c0_i32 = arith.constant 0 : i32
    %c0_i32_0 = arith.constant 0 : i32
    %c0_i32_1 = arith.constant 0 : i32
    return %c0_i32, %c0_i32_0 : i32, i32
  }
  func.func @transform_9(%arg0: i32) -> (i32, i32) {
    %c0_i32 = arith.constant 0 : i32
    %c0_i32_0 = arith.constant 0 : i32
    %c0_i32_1 = arith.constant 0 : i32
    return %c0_i32, %c0_i32_0 : i32, i32
  }
  func.func @transform_10(%arg0: i32) -> (i32, i32) {
    %c0_i32 = arith.constant 0 : i32
    %c0_i32_0 = arith.constant 0 : i32
    %c0_i32_1 = arith.constant 0 : i32
    return %c0_i32, %c0_i32_0 : i32, i32
  }
  func.func @transform_11(%arg0: i32) -> (i32, i32) {
    %c0_i32 = arith.constant 0 : i32
    %c0_i32_0 = arith.constant 0 : i32
    return %arg0, %c0_i32 : i32, i32
  }
  func.func @transform_12(%arg0: i32) -> (i32, i32) {
    %c0_i32 = arith.constant 0 : i32
    %c0_i32_0 = arith.constant 0 : i32
    return %arg0, %c0_i32 : i32, i32
  }
  func.func @transform_13(%arg0: i32) -> (i32, i32) {
    %c0_i32 = arith.constant 0 : i32
    %c0_i32_0 = arith.constant 0 : i32
    return %arg0, %c0_i32 : i32, i32
  }
}

module attributes {stable_mosaic.version = 14 : i64} {
  func.func @_post_body(%arg0: i32, %arg1: memref<2x1000x64xf32, #tpu.memory_space<vmem>>, %arg2: memref<2x1000x64xf32, #tpu.memory_space<vmem>>, %arg3: memref<1000x16xf32, #tpu.memory_space<vmem>>, %arg4: memref<1000x16xf32, #tpu.memory_space<vmem>>, %arg5: memref<1000x128xf32, #tpu.memory_space<vmem>>, %arg6: memref<64x128xf32, #tpu.memory_space<vmem>>, %arg7: memref<64x128xf32, #tpu.memory_space<vmem>>, %arg8: memref<1x128xf32, #tpu.memory_space<vmem>>, %arg9: memref<128x128xf32, #tpu.memory_space<vmem>>, %arg10: memref<1000x128xf32, #tpu.memory_space<vmem>>) attributes {dimension_semantics = [#tpu.dimension_semantics<arbitrary>], iteration_bounds = array<i64: 10>, scalar_prefetch = 0 : i64, scratch_operands = 0 : i64, tpu.core_type = #tpu.core_type<tc>, window_params = [{transform_indices = @transform_0, window_bounds = array<i64: 2, 1000, 64>}, {transform_indices = @transform_1, window_bounds = array<i64: 2, 1000, 64>}, {transform_indices = @transform_2, window_bounds = array<i64: 1000, 16>}, {transform_indices = @transform_3, window_bounds = array<i64: 1000, 16>}, {transform_indices = @transform_4, window_bounds = array<i64: 1000, 128>}, {pipeline_mode = #tpu.pipeline_mode<synchronous>, transform_indices = @transform_5, window_bounds = array<i64: 64, 128>}, {pipeline_mode = #tpu.pipeline_mode<synchronous>, transform_indices = @transform_6, window_bounds = array<i64: 64, 128>}, {pipeline_mode = #tpu.pipeline_mode<synchronous>, transform_indices = @transform_7, window_bounds = array<i64: 1, 128>}, {pipeline_mode = #tpu.pipeline_mode<synchronous>, transform_indices = @transform_8, window_bounds = array<i64: 128, 128>}, {transform_indices = @transform_9, window_bounds = array<i64: 1000, 128>}]} {
    %get3A = arith.constant 0 : index
    %get3A_0 = arith.constant 0 : index
    %get3A_1 = vector.load %arg3[%get3A, %get3A_0] : memref<1000x16xf32, #tpu.memory_space<vmem>>, vector<1000x1xf32>
    %get3A_2 = arith.constant 0 : index
    %get3A_3 = arith.constant 0 : index
    %get3A_4 = vector.load %arg4[%get3A_2, %get3A_3] : memref<1000x16xf32, #tpu.memory_space<vmem>>, vector<1000x1xf32>
    %add3A = arith.addf %get3A_1, %get3A_4 : vector<1000x1xf32>
    %max3A = arith.constant 1.000000e+00 : f32
    %max3A_5 = vector.broadcast %max3A : f32 to vector<1000x1xf32>
    %max3A_6 = arith.maximumf %add3A, %max3A_5 : vector<1000x1xf32>
    %get3A_7 = arith.constant 0 : index
    %get3A_8 = arith.constant 0 : index
    %get3A_9 = arith.constant 0 : index
    %get3A_10 = vector.load %arg1[%get3A_7, %get3A_8, %get3A_9] : memref<2x1000x64xf32, #tpu.memory_space<vmem>>, vector<1x1000x64xf32>
    %get3A_11 = vector.shape_cast %get3A_10 : vector<1x1000x64xf32> to vector<1000x64xf32>
    %get3A_12 = arith.constant 1 : index
    %get3A_13 = arith.constant 0 : index
    %get3A_14 = arith.constant 0 : index
    %get3A_15 = vector.load %arg1[%get3A_12, %get3A_13, %get3A_14] : memref<2x1000x64xf32, #tpu.memory_space<vmem>>, vector<1x1000x64xf32>
    %get3A_16 = vector.shape_cast %get3A_15 : vector<1x1000x64xf32> to vector<1000x64xf32>
    %add3A_17 = arith.addf %get3A_11, %get3A_16 : vector<1000x64xf32>
    %div3A = vector.broadcast %max3A_6 : vector<1000x1xf32> to vector<1000x64xf32>
    %div3A_18 = arith.divf %add3A_17, %div3A : vector<1000x64xf32>
    %get3A_19 = arith.constant 0 : index
    %get3A_20 = arith.constant 0 : index
    %get3A_21 = arith.constant 0 : index
    %get3A_22 = vector.load %arg2[%get3A_19, %get3A_20, %get3A_21] : memref<2x1000x64xf32, #tpu.memory_space<vmem>>, vector<1x1000x64xf32>
    %get3A_23 = vector.shape_cast %get3A_22 : vector<1x1000x64xf32> to vector<1000x64xf32>
    %get3A_24 = arith.constant 1 : index
    %get3A_25 = arith.constant 0 : index
    %get3A_26 = arith.constant 0 : index
    %get3A_27 = vector.load %arg2[%get3A_24, %get3A_25, %get3A_26] : memref<2x1000x64xf32, #tpu.memory_space<vmem>>, vector<1x1000x64xf32>
    %get3A_28 = vector.shape_cast %get3A_27 : vector<1x1000x64xf32> to vector<1000x64xf32>
    %add3A_29 = arith.addf %get3A_23, %get3A_28 : vector<1000x64xf32>
    %div3A_30 = vector.broadcast %max3A_6 : vector<1000x1xf32> to vector<1000x64xf32>
    %div3A_31 = arith.divf %add3A_29, %div3A_30 : vector<1000x64xf32>
    %get3A_32 = arith.constant 0 : index
    %get3A_33 = arith.constant 0 : index
    %get3A_34 = vector.load %arg6[%get3A_32, %get3A_33] : memref<64x128xf32, #tpu.memory_space<vmem>>, vector<64x128xf32>
    %dot_general3A = arith.constant dense<0.000000e+00> : vector<1000x128xf32>
    %dot_general3A_35 = tpu.matmul %div3A_18, %get3A_34, %dot_general3A {dimension_numbers = #tpu.dot_dimension_numbers<[1], [0], [0], [1], [0, 0, 1, 1], [], []>, transpose_lhs_hint = false} : vector<1000x64xf32>, vector<64x128xf32>, vector<1000x128xf32> -> vector<1000x128xf32>
    %get3A_36 = arith.constant 0 : index
    %get3A_37 = arith.constant 0 : index
    %get3A_38 = vector.load %arg7[%get3A_36, %get3A_37] : memref<64x128xf32, #tpu.memory_space<vmem>>, vector<64x128xf32>
    %dot_general3A_39 = arith.constant dense<0.000000e+00> : vector<1000x128xf32>
    %dot_general3A_40 = tpu.matmul %div3A_31, %get3A_38, %dot_general3A_39 {dimension_numbers = #tpu.dot_dimension_numbers<[1], [0], [0], [1], [0, 0, 1, 1], [], []>, transpose_lhs_hint = false} : vector<1000x64xf32>, vector<64x128xf32>, vector<1000x128xf32> -> vector<1000x128xf32>
    %add3A_41 = arith.addf %dot_general3A_35, %dot_general3A_40 : vector<1000x128xf32>
    %get3A_42 = arith.constant 0 : index
    %get3A_43 = arith.constant 0 : index
    %get3A_44 = vector.load %arg5[%get3A_42, %get3A_43] : memref<1000x128xf32, #tpu.memory_space<vmem>>, vector<1000x128xf32>
    %get3A_45 = arith.constant 0 : index
    %get3A_46 = arith.constant 0 : index
    %get3A_47 = vector.load %arg9[%get3A_45, %get3A_46] : memref<128x128xf32, #tpu.memory_space<vmem>>, vector<128x128xf32>
    %dot_general3A_48 = arith.constant dense<0.000000e+00> : vector<1000x128xf32>
    %dot_general3A_49 = tpu.matmul %get3A_44, %get3A_47, %dot_general3A_48 {dimension_numbers = #tpu.dot_dimension_numbers<[1], [0], [0], [1], [0, 0, 1, 1], [], []>, transpose_lhs_hint = false} : vector<1000x128xf32>, vector<128x128xf32>, vector<1000x128xf32> -> vector<1000x128xf32>
    %add3A_50 = arith.addf %add3A_41, %dot_general3A_49 : vector<1000x128xf32>
    %get3A_51 = arith.constant 0 : index
    %get3A_52 = arith.constant 0 : index
    %get3A_53 = vector.load %arg8[%get3A_51, %get3A_52] : memref<1x128xf32, #tpu.memory_space<vmem>>, vector<1x128xf32>
    %add3A_54 = vector.broadcast %get3A_53 : vector<1x128xf32> to vector<1000x128xf32>
    %add3A_55 = arith.addf %add3A_50, %add3A_54 : vector<1000x128xf32>
    %mul3A = arith.mulf %add3A_55, %add3A_55 : vector<1000x128xf32>
    %reduce_sum3A = arith.constant dense<0.000000e+00> : vector<1000xf32>
    %reduce_sum3A_56 = vector.multi_reduction <add>, %mul3A, %reduce_sum3A [1] : vector<1000x128xf32> to vector<1000xf32>
    %broadcast_in_dim3A = vector.shape_cast %reduce_sum3A_56 : vector<1000xf32> to vector<1000x1xf32>
    %sqrt3A = math.sqrt %broadcast_in_dim3A : vector<1000x1xf32>
    %max3A_57 = arith.constant 9.99999996E-13 : f32
    %max3A_58 = vector.broadcast %max3A_57 : f32 to vector<1000x1xf32>
    %max3A_59 = arith.maximumf %sqrt3A, %max3A_58 : vector<1000x1xf32>
    %div3A_60 = vector.broadcast %max3A_59 : vector<1000x1xf32> to vector<1000x128xf32>
    %div3A_61 = arith.divf %add3A_55, %div3A_60 : vector<1000x128xf32>
    %swap3A = arith.constant 0 : index
    %swap3A_62 = arith.constant 0 : index
    %swap3A_63 = vector.load %arg10[%swap3A, %swap3A_62] : memref<1000x128xf32, #tpu.memory_space<vmem>>, vector<1000x128xf32>
    tpu.vector_store %arg10[%swap3A, %swap3A_62], %div3A_61 {strides = array<i32>} : memref<1000x128xf32, #tpu.memory_space<vmem>>, vector<1000x128xf32>,
    return
  }
  func.func @transform_0(%arg0: i32) -> (i32, i32, i32) {
    %c0_i32 = arith.constant 0 : i32
    %c0_i32_0 = arith.constant 0 : i32
    %c0_i32_1 = arith.constant 0 : i32
    return %c0_i32, %arg0, %c0_i32_0 : i32, i32, i32
  }
  func.func @transform_1(%arg0: i32) -> (i32, i32, i32) {
    %c0_i32 = arith.constant 0 : i32
    %c0_i32_0 = arith.constant 0 : i32
    %c0_i32_1 = arith.constant 0 : i32
    return %c0_i32, %arg0, %c0_i32_0 : i32, i32, i32
  }
  func.func @transform_2(%arg0: i32) -> (i32, i32) {
    %c0_i32 = arith.constant 0 : i32
    %c0_i32_0 = arith.constant 0 : i32
    return %arg0, %c0_i32 : i32, i32
  }
  func.func @transform_3(%arg0: i32) -> (i32, i32) {
    %c0_i32 = arith.constant 0 : i32
    %c0_i32_0 = arith.constant 0 : i32
    return %arg0, %c0_i32 : i32, i32
  }
  func.func @transform_4(%arg0: i32) -> (i32, i32) {
    %c0_i32 = arith.constant 0 : i32
    %c0_i32_0 = arith.constant 0 : i32
    return %arg0, %c0_i32 : i32, i32
  }
  func.func @transform_5(%arg0: i32) -> (i32, i32) {
    %c0_i32 = arith.constant 0 : i32
    %c0_i32_0 = arith.constant 0 : i32
    %c0_i32_1 = arith.constant 0 : i32
    return %c0_i32, %c0_i32_0 : i32, i32
  }
  func.func @transform_6(%arg0: i32) -> (i32, i32) {
    %c0_i32 = arith.constant 0 : i32
    %c0_i32_0 = arith.constant 0 : i32
    %c0_i32_1 = arith.constant 0 : i32
    return %c0_i32, %c0_i32_0 : i32, i32
  }
  func.func @transform_7(%arg0: i32) -> (i32, i32) {
    %c0_i32 = arith.constant 0 : i32
    %c0_i32_0 = arith.constant 0 : i32
    %c0_i32_1 = arith.constant 0 : i32
    return %c0_i32, %c0_i32_0 : i32, i32
  }
  func.func @transform_8(%arg0: i32) -> (i32, i32) {
    %c0_i32 = arith.constant 0 : i32
    %c0_i32_0 = arith.constant 0 : i32
    %c0_i32_1 = arith.constant 0 : i32
    return %c0_i32, %c0_i32_0 : i32, i32
  }
  func.func @transform_9(%arg0: i32) -> (i32, i32) {
    %c0_i32 = arith.constant 0 : i32
    %c0_i32_0 = arith.constant 0 : i32
    return %arg0, %c0_i32 : i32, i32
  }
}

</mosaic_0001>

<sc_bundles>
// kernel: kernel.11.cloned.1.call-start
scs
__scs_entry_jumppad:
0x0: {  	(pc) =	sbr.rel $0x88, $3  }
0x1: {  	(tag) =	ssettag $0x0;
	lr =	simm.s32 $0x1  }
0x2: {  	[smem:$0x3F95] =	sst lr;
	_ =	strace $0xD0000000  }
0x3: {  	_ = 	snop  }
0x4: {  	_ = 	snop  }
0x5: {  	_ = 	snop  }
0x6: {  	_ = 	snop  }
0x7: {  	_ = 	snop  }
__scs_overlays_trampoline_lowered:
0x8: {  	[smem:$0x3FA4] =	sst s0  }
0x9: {  	[smem:$0x3FA5] =	sst s1  }
0xa: {  	[smem:$0x3FA6] =	sst s2  }
0xb: {  	[smem:$0x3FA7] =	sst s3  }
0xc: {  	[smem:$0x3FA8] =	sst s4  }
0xd: {  	[smem:$0x3FA9] =	sst s5  }
0xe: {  	[smem:$0x3FAA] =	sst s6  }
0xf: {  	[smem:$0x3FAB] =	sst s7  }
0x10: {  	[smem:$0x3FAC] =	sst s8  }
0x11: {  	[smem:$0x3FAD] =	sst s9;
	s0 =	simm.s32 @!p0 $0x0  }
0x12: {  	s1 =	sld [smem:$0x3F93];
	s0 =	simm.s32 @p0 $0x1  }
0x13: {  	[smem:$0x3FAE] =	sst s0;
	s0 =	simm.s32 @!p1 $0x0  }
0x14: {  	s2 =	sld [smem:$0x3F92];
	s0 =	simm.s32 @p1 $0x1  }
0x15: {  	[smem:$0x3FAF] =	sst s0;
	s0 =	simm.s32 @!p2 $0x0  }
0x16: {  	s3 =	sld [smem:$0x3FDB];
	s0 =	simm.s32 @p2 $0x1  }
0x17: {  	s4 =	simm.s32 $0x1BF5;
	[smem:$0x3FB1] =	sst s0  }
0x18: {  	s0 =	sld [smem:$0x3F94];
	_ =	swait.ge [sflag:s4], $0x0  }
0x19: {  	s7 =	sld [smem:$0x3F95]  }
0x1a: {  	s8 =	sadd.s32 $0xFFFFE003, lr  }
0x1b: {  	s9 =	sadd.s32 $0xFFFFFEF7, lr;
	s5 =	simm.s32 $0xFFFFFFFF;
	p2 =	slt.u32 s8, $0xFFFFF086  }
0x1c: {  	p1 =	slt.u32 s9, $0xF7A;
	s5 =	simm.s32 @!p2 $0x0  }
0x1d: {  	s5 =	simm.s32 @p1 $0x1;
	p0 =	seq.s32 s7, s2  }
0x1e: {  	s7 =	smul.u32 @!p0 $0xF7A, s2;
	p2 =	seq.s32 @!p0 s5, $0x0  }
0x1f: {  	s9 =	smul.u32 $0xF7A, s1;
	s8 =	simm.s32 @!p0 $0x1BF5;
	p2 =	por !p2, p0  }
0x20: {  	[sflag:s8] =	ssyncset.s32 @!p0 $0xFFFFF086;
	s6 =	sadd.s32 @!p0 s3, s7;
	s7 =	simm.s32 @!p0 $0x108  }
0x21: {  	s3 =	sadd.s32 s3, s9;
	s6 =	sadd.s32 @!p0 $0x88, s6;
	s7 =	simm.s32 @p2 $0x1082  }
0x22: {  	[simem:s7], [sflag:s8] =	dma.local @!p0 [hbm:s6], $0xF7A  }
0x23: {  	s9 =	sor.u32 $0xD0000000, s2;
	s6 =	simm.s32 $0x108;
	_ =	swait.ge @!p0 [sflag:s8], $0x0  }
0x24: {  	s3 =	sadd.s32 $0x88, s3;
	s6 =	simm.s32 @!p1 $0x1082;
	[sflag:s4] =	ssyncset.s32 $0xFFFFF086  }
0x25: {  	[simem:s6], [sflag:s4] =	dma.local [hbm:s3], $0xF7A  }
0x26: {  	[smem:$0x3F95] =	sst s1;
	(tag) =	ssettag s2;
	_ =	strace s9  }
0x27: {  	s1 =	sld [smem:$0x3FA5]  }
0x28: {  	s2 =	sld [smem:$0x3FA6]  }
0x29: {  	s4 =	sld [smem:$0x3FA8]  }
0x2a: {  	p0 =	seq.s32 s5, $0x0;
	s5 =	sld [smem:$0x3FA9]  }
0x2b: {  	s6 =	sld [smem:$0x3FAA]  }
0x2c: {  	s7 =	sld [smem:$0x3FAB]  }
0x2d: {  	s3 =	simm.s32 $0x108;
	s8 =	sld [smem:$0x3FAC]  }
0x2e: {  	s3 =	simm.s32 @!p0 $0x1082;
	s9 =	sld [smem:$0x3FAD]  }
0x2f: {  	lr =	sadd.s32 s0, s3;
	s0 =	sld [smem:$0x3FA4]  }
0x30: {  	s3 =	sld [smem:$0x3FA7]  }
0x31: {  	[smem:$0x3FB0] =	sst s10  }
0x32: {  	s10 =	sld [smem:$0x3FAE];
	_ =	sdelay $0x3  }
0x33: {  	p0 =	seq.s32 s10, $0x1;
	s10 =	sld [smem:$0x3FB0];
	_ =	sdelay $0x3  }
0x34: {  	[smem:$0x3FB0] =	sst s10  }
0x35: {  	s10 =	sld [smem:$0x3FAF];
	_ =	sdelay $0x3  }
0x36: {  	p1 =	seq.s32 s10, $0x1;
	s10 =	sld [smem:$0x3FB0];
	_ =	sdelay $0x3  }
0x37: {  	[smem:$0x3FB0] =	sst s10  }
0x38: {  	s10 =	sld [smem:$0x3FB1]  }
0x39: {  	_ = 	snop;
	(pc) =	sbr.ind lr, $3  }
0x3a: {  	_ = 	snop  }
0x3b: {  	_ = 	snop  }
0x3c: {  	p2 =	seq.s32 s10, $0x1;
	s10 =	sld [smem:$0x3FB0]  }
0x3d: {  	_ =	shalt  }
0x3e: {  	_ =	shalt  }
0x3f: {  	_ =	shalt  }
0x40: {  	_ =	shalt  }
0x41: {  	_ =	shalt  }
0x42: {  	_ =	shalt  }
0x43: {  	_ =	shalt  }
0x44: {  	_ =	shalt  }
0x45: {  	_ =	shalt  }
0x46: {  	_ =	shalt  }
0x47: {  	_ =	shalt  }
0x48: {  	_ =	shalt  }
0x49: {  	_ =	shalt  }
0x4a: {  	_ =	shalt  }
0x4b: {  	_ =	shalt  }
0x4c: {  	_ =	shalt  }
0x4d: {  	_ =	shalt  }
0x4e: {  	_ =	shalt  }
0x4f: {  	_ =	shalt  }
0x50: {  	_ =	shalt  }
0x51: {  	_ =	shalt  }
0x52: {  	_ =	shalt  }
0x53: {  	_ =	shalt  }
0x54: {  	_ =	shalt  }
0x55: {  	_ =	shalt  }
0x56: {  	_ =	shalt  }
0x57: {  	_ =	shalt  }
0x58: {  	_ =	shalt  }
0x59: {  	_ =	shalt  }
0x5a: {  	_ =	shalt  }
0x5b: {  	_ =	shalt  }
0x5c: {  	_ =	shalt  }
0x5d: {  	_ =	shalt  }
0x5e: {  	_ =	shalt  }
0x5f: {  	_ =	shalt  }
0x60: {  	_ =	shalt  }
0x61: {  	_ =	shalt  }
0x62: {  	_ =	shalt  }
0x63: {  	_ =	shalt  }
0x64: {  	_ =	shalt  }
0x65: {  	_ =	shalt  }
0x66: {  	_ =	shalt  }
0x67: {  	_ =	shalt  }
0x68: {  	_ =	shalt  }
0x69: {  	_ =	shalt  }
0x6a: {  	_ =	shalt  }
0x6b: {  	_ =	shalt  }
0x6c: {  	_ =	shalt  }
0x6d: {  	_ =	shalt  }
0x6e: {  	_ =	shalt  }
0x6f: {  	_ =	shalt  }
0x70: {  	_ =	shalt  }
0x71: {  	_ =	shalt  }
0x72: {  	_ =	shalt  }
0x73: {  	_ =	shalt  }
0x74: {  	_ =	shalt  }
0x75: {  	_ =	shalt  }
0x76: {  	_ =	shalt  }
0x77: {  	_ =	shalt  }
0x78: {  	_ =	shalt  }
0x79: {  	_ =	shalt  }
0x7a: {  	_ =	shalt  }
0x7b: {  	_ =	shalt  }
0x7c: {  	_ =	shalt  }
0x7d: {  	_ =	shalt  }
0x7e: {  	_ =	shalt  }
0x7f: {  	_ =	shalt  }
0x80: {  	_ =	shalt  }
0x81: {  	_ =	shalt  }
0x82: {  	_ =	shalt  }
0x83: {  	_ =	shalt  }
0x84: {  	_ =	shalt  }
0x85: {  	_ =	shalt  }
0x86: {  	_ =	shalt  }
0x87: {  	_ =	shalt  }
.Lfunc_end0:
.L_simem_size_0:
called_computation.1_lowered:
.L_overlay_start_0:
0x88: {  	s2 =	sld [smem:$0x3FD9]  }
0x89: {  	s3 =	sld [smem:$0x3FFE];
	_ =	sdelay $0x1  }
0x8a: {  	s1 =	srdreg.scid  }
0x8b: {  	s0 =	sand.u32 $0x1, s1  }
0x8c: {  	s17 =	sshll.u32 s0, $0xA;
	s2 =	sadd.s32 s3, s2  }
0x8d: {  	s2 =	sadd.s32 s2, s17  }
0x8e: {  	[smem:$0x3FBC] =	sst s2  }
0x8f: {  	_ = 	snop  }
0x90: {  	s2 =	sld [smem:$0x3FD0];
	(tm) =	ssettm $0x1  }
0x91: {  	s18 =	sld [smem:$0x3FFB];
	_ =	sdelay $0x3  }
0x92: {  	_ =	strace s18  }
0x93: {  	s3 =	sld [smem:$0x3FFC];
	_ =	sdelay $0x3  }
0x94: {  	_ =	strace s3  }
0x95: {  	s3 =	sld [smem:$0x3FFD];
	_ =	sdelay $0x3  }
0x96: {  	_ =	strace s3  }
0x97: {  	_ =	strace $0x8FFFFFFF  }
0x98: {  	s19 =	sld [smem:$0x3FDB];
	_ =	sdelay $0x1  }
0x99: {  	s4 =	simm.s32 $_scs_section_size  }
0x9a: {  	s5 =	simm.s32 $_size__tile_overlayer_lowered;
	s6 =	simm.s32 $_tile_overlayer_lowered  }
0x9b: {  	s22 =	simm.s32 $0x1BFF;
	s21 =	sshll.u32 s6, $0x1;
	s3 =	sadd.s32 s4, s19  }
0x9c: {  	s7 =	simm.s32 $0x0;
	s20 =	sshll.u32 s5, $0x1;
	s5 =	sadd.s32 s21, s3  }
0x9d: {  	[timem:s7], [sflag:s22] =	dma.local [hbm:s5], s20  }
0x9e: {  	_ =	swait.ge [sflag:s22], s20  }
0x9f: {  	s4 =	ssub.s32 $0x0, s20;
	[sflag:s22] =	ssyncset.done $0x0  }
0xa0: {  	[sflag:s22] =	ssyncadd.s32 s4;
	_ =	sdelay $0x1  }
0xa1: {  	s23 =	simm.s32 $0x1B8B  }
0xa2: {  	_ =	swait.ge [sflag:s23], $0x1  }
0xa3: {  	[sflag:s23] =	ssyncset.done $0x0  }
0xa4: {  	s25 =	simm.s32 $0x1B8E;
	s24 =	sld [smem:$0x3FFE];
	[sflag:s23] =	ssyncadd.s32 $0xFFFFFFFF  }
0xa5: {  	s26 =	simm.s32 $execute0_lowered;
	[smem:$0x3FD2] =	sst s25  }
0xa6: {  	s5 =	sshll.u32 s26, $0x1;
	_ =	strace $0x80000046;
	[dreg:$0x1] =	wrdreg $0xFFFFFFFF  }
0xa7: {  	s28 =	simm.s32 $_size_execute0_lowered;
	s3 =	sadd.s32 s3, s5;
	[dreg:$0x0] =	wrdreg $0x0  }
0xa8: {  	s5 =	sshll.u32 s28, $0x1;
	[dreg:$0x2] =	wrdreg s3  }
0xa9: {  	[dreg:$0x3] =	wrdreg s5  }
0xaa: {  	[dreg:$0x4] =	wrdreg $0xC0  }
0xab: {  	_ =	task [dreg:s7], $0x5FFFF  }
0xac: {  	[dreg:$0x1] =	wrdreg $0xFFFFFFFF  }
0xad: {  	[dreg:$0x0] =	wrdreg $0x60  }
0xae: {  	[dreg:$0x2] =	wrdreg s2  }
0xaf: {  	[dreg:$0x3] =	wrdreg s24  }
0xb0: {  	[dreg:$0x4] =	wrdreg $0x108000  }
0xb1: {  	[dreg:$0x5] =	wrdreg $0xA  }
0xb2: {  	_ =	task.clear_ibuf [dreg:s7], $0x6FFFF;
	_ =	strace $0x90000046  }
0xb3: {  	s29 =	simm.s32 $0xA;
	_ =	strace $0x80000048  }
0xb4: {  	_ =	swait.ge [sflag:s29], $0x1  }
0xb5: {  	[sflag:s29] =	ssyncadd.s32 $0xFFFFFFFF  }
0xb6: {  	_ =	strace $0x90000048  }
0xb7: {  	_ =	sfence  }
0xb8: {  	s30 =	sld [smem:$0x0];
	_ =	sdelay $0x2  }
0xb9: {  	s31 =	sshll.u32 s1, $0xD;
	s1 =	sshrl.u32 s1, $0x2  }
0xba: {  	s3 =	sand.u32 $0x4000, s31;
	s1 =	sadd.s32 s1, s30  }
0xbb: {  	s0 =	sor.u32 s3, s0;
	s1 =	sshll.u32 s1, $0x11  }
0xbc: {  	s0 =	sor.u32 s1, s0  }
0xbd: {  	s0 =	sadd.s32 $0x8F2B, s0  }
0xbe: {  	[sflag:s0] =	ssyncadd.remote.s32 $0x1  }
0xbf: {  	_ =	sfence.sel $0xFFFF  }
0xc0: {  	[dreg:$0x0] =	wrdreg $0xFFFFFFFF;
	(pc) =	sbr.abs _section_cstart, $3  }
0xc1: {  	[dreg:$0x1] =	wrdreg $0xFFFFFFFF  }
0xc2: {  	_ =	task.clear_ibuf [dreg:s7], $0x2FFFF;
	_ =	strace $0x9FFFFFFF  }
0xc3: {  	(tm) =	ssettm $0x7FFFFFFF  }
tec
execute0_lowered:
.L_overlay_start_1:
0x0: {  	(tag) =	ssettag $0x1  }
0x1: {  	s1 =	rddreg [dreg:$0x0]  }
0x2: {  	s0 =	rddreg [dreg:$0x1]  }
0x3: {  	s3 =	rddreg [dreg:$0x2];
	s4 =	simm.s32 $0x0  }
0x4: {  	s9 =	stileid.u32;
	s2 =	srdreg.scid;
	s18 =	simm.s32 $0x3  }
0x5: {  	s20 =	simm.s32 $0x80;
	s12 =	simm.s32 $0x800;
	s14 =	simm.s32 $0x2800  }
0x6: {  	s28 =	simm.s32 $0x400;
	s29 =	simm.s32 $0x600;
	s30 =	simm.s32 $0x8800  }
0x7: {  	s17 =	simm.s32 $0x580;
	s13 =	simm.s32 $0xE800;
	s16 =	simm.s32 $0x280  }
0x8: {  	s31 =	simm.s32 $0x0;
	[smem:$0x7FF] =	sst s4;
	s5 =	smul.u32 $0x98, s9  }
0x9: {  	s2 =	sand.u32 $0x1, s2;
	s6 =	sshll.u32 s9, $0x3;
	s8 =	smul.u32 $0xA000, s9  }
0xa: {  	s10 =	sadd.s32 $0x2B200, s0;
	s9 =	sshll.u32 s9, $0x6;
	p0 =	seq.s32 s2, $0x0  }
0xb: {  	s6 =	sor.u32 $0x980, s6;
	s7 =	smul.u32 $0xA0000, s2;
	_ =	strace $0x80000047  }
0xc: {  	s2 =	ssub.s32 $0x2, s2;
	[dreg:$0x4] =	wrdreg s10;
	s21 =	sor.u32 $0x1C03, s9  }
0xd: {  	s9 =	simm.s32 $0x6800;
	s10 =	simm.s32 $0x2;
	s6 =	smov.u32 @p0 s5  }
0xe: {  	s5 =	sadd.s32 $0x3800, s0;
	s22 =	sshrl.u32 s2, $0x1;
	[dreg:$0x5] =	wrdreg s21  }
0xf: {  	s6 =	sshll.u32 s6, $0x4;
	s7 =	sadd.s32 s8, s7;
	s2 =	ssub.s32 s2, s22  }
0x10: {  	s8 =	sadd.s32 s8, s3;
	s6 =	sadd.s32 s6, s0;
	s7 =	sshrl.u32 s7, $0x3  }
0x11: {  	s26 =	smax.u32 s2, $0x1;
	s19 =	sshrl.u32 s8, $0x3;
	s2 =	simm.s32 $0x200  }
0x12: {  	s8 =	simm.s32 $0x500;
	s0 =	sadd.s32 s7, s0;
	[dreg:$0xa] =	wrdreg s26  }
0x13: {  	s7 =	simm.s32 $0x13;
	s23 =	sadd.s32 $0x21200, s6;
	[dreg:$0xd] =	wrdreg s19  }
0x14: {  	s24 =	sadd.s32 $0x17200, s6;
	s26 =	sadd.s32 $0x17280, s6;
	[dreg:$0x6] =	wrdreg s23  }
0x15: {  	s15 =	sadd.s32 $0x21280, s6;
	s6 =	simm.s32 $0x4800;
	[dreg:$0x7] =	wrdreg s24  }
0x16: {  	s7 =	simm.s32 @!p0 $0x1;
	s25 =	sadd.s32 $0x2C600, s0;
	[dreg:$0xb] =	wrdreg s26  }
0x17: {  	s0 =	sadd.s32 $0x54600, s0;
	s23 =	simm.s32 $0xC800;
	[dreg:$0xc] =	wrdreg s15  }
0x18: {  	s24 =	smov.u32 s15;
	s11 =	sadd.s32 $0xFFFFFFFF, s7;
	[dreg:$0x8] =	wrdreg s25  }
0x19: {  	[dreg:$0x9] =	wrdreg s0;
	s0 =	simm.s32 $0xA800;
	s25 =	simm.s32 $0x1  }
.LBB2_1:
0x1a: {  	[dreg:$0xe] =	wrdreg s31  }
0x1b: {  	s15 =	rddreg [dreg:$0x4]  }
0x1c: {  	s21 =	rddreg [dreg:$0x5]  }
0x1d: {  	[spmem:s19], [sflag:s21] =	dma.local [hbm:s15], $0x1400  }
0x1e: {  	_ =	swait.ge [sflag:s18], $0x1400  }
0x1f: {  	[sflag:s18] =	ssyncset.done $0x0  }
0x20: {  	[sflag:s18] =	ssyncadd.s32 $0xFFFFEC00  }
0x21: {  	[bflag:$0x0] =	sbarrier.arrive $0xFFFF  }
0x22: {  	s21 =	rddreg [dreg:$0x6]  }
0x23: {  	[tilespmem:s4], [sflag:$0x3] =	stream.linear.gather [hbm4b:s21+s4], $0x200, $0x38;
	[tilespmem:$0x1A800] =	vst v63  }
0x24: {  	_ =	swait.ge [sflag:s18], $0x200  }
0x25: {  	[sflag:s18] =	ssyncset.done $0x0  }
0x26: {  	s22 =	rddreg [dreg:$0x7];
	[sflag:s18] =	ssyncadd.s32 $0xFFFFFE00  }
0x27: {  	[tilespmem:s2], [sflag:$0x3] =	stream.linear.gather [hbm4b:s22+s4], $0x200, $0x38;
	[tilespmem:$0x1A800] =	vst v63  }
0x28: {  	p2 =	sne.s32 s7, $0x1;
	_ =	swait.ge [sflag:s18], $0x200  }
0x29: {  	p0 =	por $0x0, $0x0;
	s31 =	simm.s32 $0x6800;
	[sflag:s18] =	ssyncset.done $0x0  }
0x2a: {  	p1 =	por $0x0, $0x0;
	s19 =	simm.s32 $0x100;
	[sflag:s18] =	ssyncadd.s32 $0xFFFFFE00  }
0x2b: {  	[tilespmem:s12], [sflag:$0x1] =	stream.indirect.gather [hbm4b:s1+s20], $0x40, s4, s20, $0xb8;
	[tilespmem:$0x1A800] =	vst v63  }
0x2c: {  	s15 =	simm.s32 $0x1;
	s21 =	simm.s32 $0x180;
	s22 =	sadd.s32 $0xFFFFFFC0, s24  }
0x2d: {  	[tilespmem:s14], [sflag:$0x1] =	stream.indirect.gather [hbm4b:s1+s20], $0x40, s20, s20, $0xb8;
	[tilespmem:$0x1A800] =	vst v63  }
.Ltmp0:
0x2e: {  	s2 =	simm.s32 $0x4800;
	[dreg:$0xf] =	wrdreg s22;
	(pc) =	sbr.rel @!p2 .LBB2_6-.Ltmp0, $4  }
0x2f: {  	[tilespmem:s6], [sflag:$0x1] =	stream.indirect.gather [hbm4b:s1+s20], $0x40, s19, s20, $0xb8;
	[tilespmem:$0x1A800] =	vst v63  }
0x30: {  	s22 =	simm.s32 $0x0;
	s12 =	simm.s32 $0x800;
	s6 =	simm.s32 $0x2800  }
0x31: {  	[tilespmem:s9], [sflag:$0x1] =	stream.indirect.gather [hbm4b:s1+s20], $0x40, s21, s20, $0xb8;
	[tilespmem:$0x1A800] =	vst v63  }
0x32: {  	s19 =	smov.u32 s26;
	s9 =	simm.s32 $0x200;
	s21 =	smov.u32 s24  }
0x33: {  	s8 =	rddreg [dreg:$0xf]  }
0x34: {  	[tilespmem:s28], [sflag:$0x3] =	stream.linear.gather [hbm4b:s8+s4], $0x200, $0x38;
	[tilespmem:$0x1A800] =	vst v63  }
0x35: {  	_ =	swait.ge [sflag:s18], $0x200  }
0x36: {  	[sflag:s18] =	ssyncset.done $0x0  }
0x37: {  	s19 =	sadd.s32 $0xFFFFFFC0, s26;
	[sflag:s18] =	ssyncadd.s32 $0xFFFFFE00  }
0x38: {  	[tilespmem:s29], [sflag:$0x3] =	stream.linear.gather [hbm4b:s19+s4], $0x200, $0x38;
	[tilespmem:$0x1A800] =	vst v63  }
0x39: {  	_ =	swait.ge [sflag:s18], $0x200  }
0x3a: {  	[sflag:s18] =	ssyncset.done $0x0  }
0x3b: {  	[sflag:s18] =	ssyncadd.s32 $0xFFFFFE00  }
0x3c: {  	[tilespmem:s30], [sflag:$0x2] =	stream.indirect.gather [hbm4b:s1+s20], $0x40, s28, s20, $0xb8;
	[tilespmem:$0x1A800] =	vst v63  }
0x3d: {  	s21 =	simm.s32 $0x480  }
0x3e: {  	[tilespmem:s0], [sflag:$0x2] =	stream.indirect.gather [hbm4b:s1+s20], $0x40, s21, s20, $0xb8;
	[tilespmem:$0x1A800] =	vst v63  }
0x3f: {  	s14 =	simm.s32 $0x500  }
0x40: {  	[tilespmem:s23], [sflag:$0x2] =	stream.indirect.gather [hbm4b:s1+s20], $0x40, s14, s20, $0xb8;
	[tilespmem:$0x1A800] =	vst v63  }
0x41: {  	s17 =	simm.s32 $0x580  }
0x42: {  	[tilespmem:s13], [sflag:$0x2] =	stream.indirect.gather [hbm4b:s1+s20], $0x40, s17, s20, $0xb8;
	[tilespmem:$0x1A800] =	vst v63  }
0x43: {  	_ =	swait.ge [sflag:s25], $0x8000  }
0x44: {  	[sflag:s25] =	ssyncset.done $0x0  }
0x45: {  	[sflag:s25] =	ssyncadd.s32 $0xFFFF8000  }
0x46: {  	[spmem:s3] =	stream.indirect.scatter.add.f32 [tilespmem:s12], [sflag:$0x3], $0x40, s9, s20, $0xb8;
	[tilespmem:$0x1A800] =	vst v63  }
0x47: {  	_ =	swait.ge [sflag:s18], $0x2000  }
0x48: {  	[sflag:s18] =	ssyncset.done $0x0  }
0x49: {  	s16 =	simm.s32 $0x280;
	[sflag:s18] =	ssyncadd.s32 $0xFFFFE000  }
0x4a: {  	[spmem:s3] =	stream.indirect.scatter.add.f32 [tilespmem:s6], [sflag:$0x3], $0x40, s16, s20, $0xb8;
	[tilespmem:$0x1A800] =	vst v63  }
0x4b: {  	_ =	swait.ge [sflag:s18], $0x2000  }
0x4c: {  	[sflag:s18] =	ssyncset.done $0x0  }
0x4d: {  	s22 =	simm.s32 $0x300;
	[sflag:s18] =	ssyncadd.s32 $0xFFFFE000  }
0x4e: {  	[spmem:s3] =	stream.indirect.scatter.add.f32 [tilespmem:s2], [sflag:$0x3], $0x40, s22, s20, $0xb8;
	[tilespmem:$0x1A800] =	vst v63  }
0x4f: {  	_ =	swait.ge [sflag:s18], $0x2000  }
0x50: {  	[sflag:s18] =	ssyncset.done $0x0  }
0x51: {  	s14 =	simm.s32 $0x380;
	[sflag:s18] =	ssyncadd.s32 $0xFFFFE000  }
0x52: {  	[spmem:s3] =	stream.indirect.scatter.add.f32 [tilespmem:s31], [sflag:$0x3], $0x40, s14, s20, $0xb8;
	[tilespmem:$0x1A800] =	vst v63  }
0x53: {  	_ =	swait.ge [sflag:s18], $0x2000  }
0x54: {  	p1 =	sle.u32 s11, $0x0;
	[sflag:s18] =	ssyncset.done $0x0  }
0x55: {  	s19 =	simm.s32 @!p1 $0x0;
	s21 =	simm.s32 @!p1 $0x3;
	[sflag:s18] =	ssyncadd.s32 $0xFFFFE000  }
0x56: {  	[tilespmem:s19], [sflag:$0x3] =	stream.linear.gather @!p1 [hbm4b:s24+s19], $0x200, $0x38;
	[tilespmem:$0x1A800] =	vst v63  }
0x57: {  	_ =	swait.ge @!p1 [sflag:s21], $0x200  }
0x58: {  	[sflag:s21] =	ssyncset.done @!p1 $0x0  }
0x59: {  	s22 =	simm.s32 @!p1 $0x200;
	[sflag:s21] =	ssyncadd.s32 @!p1 $0xFFFFFE00  }
0x5a: {  	[tilespmem:s22], [sflag:$0x3] =	stream.linear.gather @!p1 [hbm4b:s26+s19], $0x200, $0x38;
	[tilespmem:$0x1A800] =	vst v63  }
0x5b: {  	_ =	swait.ge @!p1 [sflag:s21], $0x200  }
0x5c: {  	[sflag:s21] =	ssyncset.done @!p1 $0x0  }
0x5d: {  	s22 =	simm.s32 @!p1 $0x800;
	[sflag:s21] =	ssyncadd.s32 @!p1 $0xFFFFFE00;
	s21 =	simm.s32 @!p1 $0x80  }
0x5e: {  	[tilespmem:s22], [sflag:$0x1] =	stream.indirect.gather @!p1 [hbm4b:s1+s21], $0x40, s19, s21, $0xb8;
	[tilespmem:$0x1A800] =	vst v63  }
0x5f: {  	s19 =	simm.s32 @!p1 $0x2800  }
0x60: {  	[tilespmem:s19], [sflag:$0x1] =	stream.indirect.gather @!p1 [hbm4b:s1+s21], $0x40, s21, s21, $0xb8;
	[tilespmem:$0x1A800] =	vst v63  }
0x61: {  	s22 =	simm.s32 @!p1 $0x4800;
	s19 =	simm.s32 @!p1 $0x100  }
0x62: {  	[tilespmem:s22], [sflag:$0x1] =	stream.indirect.gather @!p1 [hbm4b:s1+s21], $0x40, s19, s21, $0xb8;
	[tilespmem:$0x1A800] =	vst v63  }
0x63: {  	s19 =	simm.s32 @!p1 $0x180;
	s22 =	simm.s32 @!p1 $0x6800  }
0x64: {  	[tilespmem:s22], [sflag:$0x1] =	stream.indirect.gather @!p1 [hbm4b:s1+s21], $0x40, s19, s21, $0xb8;
	[tilespmem:$0x1A800] =	vst v63  }
0x65: {  	_ =	swait.ge [sflag:s10], $0x8000  }
0x66: {  	[sflag:s10] =	ssyncset.done $0x0  }
0x67: {  	[sflag:s10] =	ssyncadd.s32 $0xFFFF8000  }
0x68: {  	[spmem:s3] =	stream.indirect.scatter.add.f32 [tilespmem:s30], [sflag:$0x3], $0x40, s29, s20, $0xb8;
	[tilespmem:$0x1A800] =	vst v63  }
0x69: {  	_ =	swait.ge [sflag:s18], $0x2000  }
0x6a: {  	[sflag:s18] =	ssyncset.done $0x0  }
0x6b: {  	s2 =	simm.s32 $0x680;
	[sflag:s18] =	ssyncadd.s32 $0xFFFFE000  }
0x6c: {  	[spmem:s3] =	stream.indirect.scatter.add.f32 [tilespmem:s0], [sflag:$0x3], $0x40, s2, s20, $0xb8;
	[tilespmem:$0x1A800] =	vst v63  }
0x6d: {  	_ =	swait.ge [sflag:s18], $0x2000  }
0x6e: {  	[sflag:s18] =	ssyncset.done $0x0  }
0x6f: {  	s12 =	simm.s32 $0x700;
	[sflag:s18] =	ssyncadd.s32 $0xFFFFE000  }
0x70: {  	[spmem:s3] =	stream.indirect.scatter.add.f32 [tilespmem:s23], [sflag:$0x3], $0x40, s12, s20, $0xb8;
	[tilespmem:$0x1A800] =	vst v63  }
0x71: {  	p2 =	sne.s32 s7, $0x2;
	s8 =	simm.s32 $0x4800;
	_ =	swait.ge [sflag:s18], $0x2000  }
.Ltmp1:
0x72: {  	s17 =	simm.s32 $0x780;
	[sflag:s18] =	ssyncset.done $0x0;
	(pc) =	sbr.rel @!p2 .LBB2_3-.Ltmp1, $4  }
0x73: {  	s9 =	simm.s32 $0x300;
	s6 =	simm.s32 $0x800;
	[sflag:s18] =	ssyncadd.s32 $0xFFFFE000  }
0x74: {  	[spmem:s3] =	stream.indirect.scatter.add.f32 [tilespmem:s13], [sflag:$0x3], $0x40, s17, s20, $0xb8;
	[tilespmem:$0x1A800] =	vst v63  }
0x75: {  	s22 =	simm.s32 $0x2;
	s19 =	sadd.s32 $0x80, s26;
	_ =	swait.ge [sflag:s18], $0x2000  }
0x76: {  	s21 =	sadd.s32 $0x80, s24;
	p1 =	por $0x1, $0x1;
	[sflag:s18] =	ssyncset.done $0x0  }
.LBB2_4:
0x77: {  	s26 =	sadd.s32 $0xFFFFFFC0, s21  }
0x78: {  	[sflag:s18] =	ssyncadd.s32 $0xFFFFE000;
	s24 =	smov.u32 s22;
	s22 =	sadd.s32 $0x1, s22  }
0x79: {  	[tilespmem:s28], [sflag:$0x3] =	stream.linear.gather [hbm4b:s26+s4], $0x200, $0x38;
	[tilespmem:$0x1A800] =	vst v63  }
0x7a: {  	p2 =	sne.s32 s7, s22;
	_ =	swait.ge [sflag:s18], $0x200  }
0x7b: {  	[sflag:s18] =	ssyncset.done $0x0  }
0x7c: {  	s26 =	sadd.s32 $0xFFFFFFC0, s19;
	[sflag:s18] =	ssyncadd.s32 $0xFFFFFE00  }
0x7d: {  	[tilespmem:s29], [sflag:$0x3] =	stream.linear.gather [hbm4b:s26+s4], $0x200, $0x38;
	[tilespmem:$0x1A800] =	vst v63  }
0x7e: {  	_ =	swait.ge [sflag:s18], $0x200  }
0x7f: {  	[sflag:s18] =	ssyncset.done $0x0  }
0x80: {  	[sflag:s18] =	ssyncadd.s32 $0xFFFFFE00  }
0x81: {  	[tilespmem:s30], [sflag:$0x2] =	stream.indirect.gather [hbm4b:s1+s20], $0x40, s28, s20, $0xb8;
	[tilespmem:$0x1A800] =	vst v63  }
0x82: {  	s26 =	simm.s32 $0x480  }
0x83: {  	[tilespmem:s0], [sflag:$0x2] =	stream.indirect.gather [hbm4b:s1+s20], $0x40, s26, s20, $0xb8;
	[tilespmem:$0x1A800] =	vst v63  }
0x84: {  	s26 =	simm.s32 $0x500  }
0x85: {  	[tilespmem:s23], [sflag:$0x2] =	stream.indirect.gather [hbm4b:s1+s20], $0x40, s26, s20, $0xb8;
	[tilespmem:$0x1A800] =	vst v63  }
0x86: {  	s26 =	simm.s32 $0x580  }
0x87: {  	[tilespmem:s13], [sflag:$0x2] =	stream.indirect.gather [hbm4b:s1+s20], $0x40, s26, s20, $0xb8;
	[tilespmem:$0x1A800] =	vst v63  }
0x88: {  	_ =	swait.ge [sflag:s25], $0x8000  }
0x89: {  	[sflag:s25] =	ssyncset.done $0x0  }
0x8a: {  	s16 =	simm.s32 $0x200;
	[sflag:s25] =	ssyncadd.s32 $0xFFFF8000  }
0x8b: {  	[spmem:s3] =	stream.indirect.scatter.add.f32 [tilespmem:s6], [sflag:$0x3], $0x40, s16, s20, $0xb8;
	[tilespmem:$0x1A800] =	vst v63  }
0x8c: {  	_ =	swait.ge [sflag:s18], $0x2000  }
0x8d: {  	[sflag:s18] =	ssyncset.done $0x0  }
0x8e: {  	s26 =	simm.s32 $0x280;
	s16 =	simm.s32 $0x2800;
	[sflag:s18] =	ssyncadd.s32 $0xFFFFE000  }
0x8f: {  	[spmem:s3] =	stream.indirect.scatter.add.f32 [tilespmem:s16], [sflag:$0x3], $0x40, s26, s20, $0xb8;
	[tilespmem:$0x1A800] =	vst v63  }
0x90: {  	_ =	swait.ge [sflag:s18], $0x2000  }
0x91: {  	[sflag:s18] =	ssyncset.done $0x0  }
0x92: {  	[sflag:s18] =	ssyncadd.s32 $0xFFFFE000  }
0x93: {  	[spmem:s3] =	stream.indirect.scatter.add.f32 [tilespmem:s8], [sflag:$0x3], $0x40, s9, s20, $0xb8;
	[tilespmem:$0x1A800] =	vst v63  }
0x94: {  	_ =	swait.ge [sflag:s18], $0x2000  }
0x95: {  	[sflag:s18] =	ssyncset.done $0x0  }
0x96: {  	[sflag:s18] =	ssyncadd.s32 $0xFFFFE000  }
0x97: {  	[spmem:s3] =	stream.indirect.scatter.add.f32 [tilespmem:s31], [sflag:$0x3], $0x40, s14, s20, $0xb8;
	[tilespmem:$0x1A800] =	vst v63  }
0x98: {  	_ =	swait.ge [sflag:s18], $0x2000  }
0x99: {  	p3 =	sge.u32 s15, s11;
	s15 =	smov.u32 s24;
	[sflag:s18] =	ssyncset.done $0x0  }
0x9a: {  	s24 =	simm.s32 @!p3 $0x0;
	s26 =	simm.s32 @!p3 $0x3;
	[sflag:s18] =	ssyncadd.s32 $0xFFFFE000  }
0x9b: {  	[tilespmem:s24], [sflag:$0x3] =	stream.linear.gather @!p3 [hbm4b:s21+s24], $0x200, $0x38;
	[tilespmem:$0x1A800] =	vst v63  }
0x9c: {  	_ =	swait.ge @!p3 [sflag:s26], $0x200  }
0x9d: {  	[sflag:s26] =	ssyncset.done @!p3 $0x0  }
0x9e: {  	s31 =	simm.s32 @!p3 $0x200;
	[sflag:s26] =	ssyncadd.s32 @!p3 $0xFFFFFE00  }
0x9f: {  	[tilespmem:s31], [sflag:$0x3] =	stream.linear.gather @!p3 [hbm4b:s19+s24], $0x200, $0x38;
	[tilespmem:$0x1A800] =	vst v63  }
0xa0: {  	_ =	swait.ge @!p3 [sflag:s26], $0x200  }
0xa1: {  	[sflag:s26] =	ssyncset.done @!p3 $0x0  }
0xa2: {  	s31 =	simm.s32 @!p3 $0x800;
	[sflag:s26] =	ssyncadd.s32 @!p3 $0xFFFFFE00;
	s26 =	simm.s32 @!p3 $0x80  }
0xa3: {  	[tilespmem:s31], [sflag:$0x1] =	stream.indirect.gather @!p3 [hbm4b:s1+s26], $0x40, s24, s26, $0xb8;
	[tilespmem:$0x1A800] =	vst v63  }
0xa4: {  	s24 =	simm.s32 @!p3 $0x2800  }
0xa5: {  	[tilespmem:s24], [sflag:$0x1] =	stream.indirect.gather @!p3 [hbm4b:s1+s26], $0x40, s26, s26, $0xb8;
	[tilespmem:$0x1A800] =	vst v63  }
0xa6: {  	s31 =	simm.s32 @!p3 $0x4800;
	s24 =	simm.s32 @!p3 $0x100  }
0xa7: {  	[tilespmem:s31], [sflag:$0x1] =	stream.indirect.gather @!p3 [hbm4b:s1+s26], $0x40, s24, s26, $0xb8;
	[tilespmem:$0x1A800] =	vst v63  }
0xa8: {  	s24 =	simm.s32 @!p3 $0x180;
	s31 =	simm.s32 @!p3 $0x6800  }
0xa9: {  	[tilespmem:s31], [sflag:$0x1] =	stream.indirect.gather @!p3 [hbm4b:s1+s26], $0x40, s24, s26, $0xb8;
	[tilespmem:$0x1A800] =	vst v63  }
0xaa: {  	s31 =	simm.s32 $0x6800  }
0xab: {  	_ =	swait.ge [sflag:s10], $0x8000  }
0xac: {  	[sflag:s10] =	ssyncset.done $0x0  }
0xad: {  	[sflag:s10] =	ssyncadd.s32 $0xFFFF8000  }
0xae: {  	[spmem:s3] =	stream.indirect.scatter.add.f32 [tilespmem:s30], [sflag:$0x3], $0x40, s29, s20, $0xb8;
	[tilespmem:$0x1A800] =	vst v63  }
0xaf: {  	_ =	swait.ge [sflag:s18], $0x2000  }
0xb0: {  	[sflag:s18] =	ssyncset.done $0x0  }
0xb1: {  	[sflag:s18] =	ssyncadd.s32 $0xFFFFE000  }
0xb2: {  	[spmem:s3] =	stream.indirect.scatter.add.f32 [tilespmem:s0], [sflag:$0x3], $0x40, s2, s20, $0xb8;
	[tilespmem:$0x1A800] =	vst v63  }
0xb3: {  	_ =	swait.ge [sflag:s18], $0x2000  }
0xb4: {  	[sflag:s18] =	ssyncset.done $0x0  }
0xb5: {  	[sflag:s18] =	ssyncadd.s32 $0xFFFFE000  }
0xb6: {  	[spmem:s3] =	stream.indirect.scatter.add.f32 [tilespmem:s23], [sflag:$0x3], $0x40, s12, s20, $0xb8;
	[tilespmem:$0x1A800] =	vst v63  }
0xb7: {  	_ =	swait.ge [sflag:s18], $0x2000  }
.Ltmp2:
0xb8: {  	[sflag:s18] =	ssyncset.done $0x0;
	(pc) =	sbr.rel @p2 .LBB2_4-.Ltmp2, $4  }
0xb9: {  	[sflag:s18] =	ssyncadd.s32 $0xFFFFE000  }
0xba: {  	[spmem:s3] =	stream.indirect.scatter.add.f32 [tilespmem:s13], [sflag:$0x3], $0x40, s17, s20, $0xb8;
	[tilespmem:$0x1A800] =	vst v63  }
0xbb: {  	_ =	swait.ge [sflag:s18], $0x2000  }
0xbc: {  	s21 =	sadd.s32 $0x80, s21;
	s19 =	sadd.s32 $0x80, s19;
	[sflag:s18] =	ssyncset.done $0x0  }
0xbd: {  	s26 =	rddreg [dreg:$0xb]  }
0xbe: {  	s22 =	smov.u32 s15;
	s24 =	rddreg [dreg:$0xc];
	s8 =	simm.s32 $0x500  }
0xbf: {  	s17 =	simm.s32 $0x580;
	s16 =	simm.s32 $0x280;
	s2 =	simm.s32 $0x4800  }
0xc0: {  	s6 =	simm.s32 $0x2800;
	s9 =	simm.s32 $0x200;
	s12 =	simm.s32 $0x800  }
.LBB2_6:
0xc1: {  	s15 =	sadd.s32 $0xFFFFFFC0, s21;
	[sflag:s18] =	ssyncadd.s32 @p1 $0xFFFFE000  }
0xc2: {  	[tilespmem:s28], [sflag:$0x3] =	stream.linear.gather [hbm4b:s15+s4], $0x200, $0x38;
	[tilespmem:$0x1A800] =	vst v63  }
0xc3: {  	_ =	swait.ge [sflag:s18], $0x200  }
0xc4: {  	[sflag:s18] =	ssyncset.done $0x0  }
0xc5: {  	s14 =	sadd.s32 $0xFFFFFFC0, s19;
	[sflag:s18] =	ssyncadd.s32 $0xFFFFFE00  }
0xc6: {  	[tilespmem:s29], [sflag:$0x3] =	stream.linear.gather [hbm4b:s14+s4], $0x200, $0x38;
	[tilespmem:$0x1A800] =	vst v63  }
0xc7: {  	_ =	swait.ge [sflag:s18], $0x200  }
0xc8: {  	[sflag:s18] =	ssyncset.done $0x0  }
0xc9: {  	[sflag:s18] =	ssyncadd.s32 $0xFFFFFE00  }
0xca: {  	[tilespmem:s30], [sflag:$0x2] =	stream.indirect.gather [hbm4b:s1+s20], $0x40, s28, s20, $0xb8;
	[tilespmem:$0x1A800] =	vst v63  }
0xcb: {  	s14 =	simm.s32 $0x480  }
0xcc: {  	[tilespmem:s0], [sflag:$0x2] =	stream.indirect.gather [hbm4b:s1+s20], $0x40, s14, s20, $0xb8;
	[tilespmem:$0x1A800] =	vst v63  }
0xcd: {  	_ = 	snop  }
0xce: {  	[tilespmem:s23], [sflag:$0x2] =	stream.indirect.gather [hbm4b:s1+s20], $0x40, s8, s20, $0xb8;
	[tilespmem:$0x1A800] =	vst v63  }
0xcf: {  	_ = 	snop  }
0xd0: {  	[tilespmem:s13], [sflag:$0x2] =	stream.indirect.gather [hbm4b:s1+s20], $0x40, s17, s20, $0xb8;
	[tilespmem:$0x1A800] =	vst v63  }
0xd1: {  	_ =	swait.ge [sflag:s25], $0x8000  }
0xd2: {  	[sflag:s25] =	ssyncset.done $0x0  }
0xd3: {  	[sflag:s25] =	ssyncadd.s32 $0xFFFF8000  }
0xd4: {  	[spmem:s3] =	stream.indirect.scatter.add.f32 [tilespmem:s12], [sflag:$0x3], $0x40, s9, s20, $0xb8;
	[tilespmem:$0x1A800] =	vst v63  }
0xd5: {  	_ =	swait.ge [sflag:s18], $0x2000  }
0xd6: {  	[sflag:s18] =	ssyncset.done $0x0  }
0xd7: {  	[sflag:s18] =	ssyncadd.s32 $0xFFFFE000  }
0xd8: {  	[spmem:s3] =	stream.indirect.scatter.add.f32 [tilespmem:s6], [sflag:$0x3], $0x40, s16, s20, $0xb8;
	[tilespmem:$0x1A800] =	vst v63  }
0xd9: {  	_ =	swait.ge [sflag:s18], $0x2000  }
0xda: {  	[sflag:s18] =	ssyncset.done $0x0  }
0xdb: {  	s14 =	simm.s32 $0x300;
	[sflag:s18] =	ssyncadd.s32 $0xFFFFE000  }
0xdc: {  	[spmem:s3] =	stream.indirect.scatter.add.f32 [tilespmem:s2], [sflag:$0x3], $0x40, s14, s20, $0xb8;
	[tilespmem:$0x1A800] =	vst v63  }
0xdd: {  	_ =	swait.ge [sflag:s18], $0x2000  }
0xde: {  	[sflag:s18] =	ssyncset.done $0x0  }
0xdf: {  	s14 =	simm.s32 $0x380;
	[sflag:s18] =	ssyncadd.s32 $0xFFFFE000  }
0xe0: {  	[spmem:s3] =	stream.indirect.scatter.add.f32 [tilespmem:s31], [sflag:$0x3], $0x40, s14, s20, $0xb8;
	[tilespmem:$0x1A800] =	vst v63  }
0xe1: {  	_ =	swait.ge [sflag:s18], $0x2000  }
0xe2: {  	p1 =	sge.u32 s22, s11;
	[sflag:s18] =	ssyncset.done $0x0  }
0xe3: {  	s15 =	simm.s32 @!p1 $0x0;
	s22 =	simm.s32 @!p1 $0x3;
	[sflag:s18] =	ssyncadd.s32 $0xFFFFE000  }
0xe4: {  	[tilespmem:s15], [sflag:$0x3] =	stream.linear.gather @!p1 [hbm4b:s21+s15], $0x200, $0x38;
	[tilespmem:$0x1A800] =	vst v63  }
0xe5: {  	_ =	swait.ge @!p1 [sflag:s22], $0x200  }
0xe6: {  	[sflag:s22] =	ssyncset.done @!p1 $0x0  }
0xe7: {  	s21 =	simm.s32 @!p1 $0x200;
	[sflag:s22] =	ssyncadd.s32 @!p1 $0xFFFFFE00  }
0xe8: {  	[tilespmem:s21], [sflag:$0x3] =	stream.linear.gather @!p1 [hbm4b:s19+s15], $0x200, $0x38;
	[tilespmem:$0x1A800] =	vst v63  }
0xe9: {  	_ =	swait.ge @!p1 [sflag:s22], $0x200  }
0xea: {  	[sflag:s22] =	ssyncset.done @!p1 $0x0  }
0xeb: {  	s19 =	simm.s32 @!p1 $0x80;
	s21 =	simm.s32 @!p1 $0x800;
	[sflag:s22] =	ssyncadd.s32 @!p1 $0xFFFFFE00  }
0xec: {  	[tilespmem:s21], [sflag:$0x1] =	stream.indirect.gather @!p1 [hbm4b:s1+s19], $0x40, s15, s19, $0xb8;
	[tilespmem:$0x1A800] =	vst v63  }
0xed: {  	s15 =	simm.s32 @!p1 $0x2800  }
0xee: {  	[tilespmem:s15], [sflag:$0x1] =	stream.indirect.gather @!p1 [hbm4b:s1+s19], $0x40, s19, s19, $0xb8;
	[tilespmem:$0x1A800] =	vst v63  }
0xef: {  	s21 =	simm.s32 @!p1 $0x4800;
	s15 =	simm.s32 @!p1 $0x100  }
0xf0: {  	[tilespmem:s21], [sflag:$0x1] =	stream.indirect.gather @!p1 [hbm4b:s1+s19], $0x40, s15, s19, $0xb8;
	[tilespmem:$0x1A800] =	vst v63  }
0xf1: {  	s15 =	simm.s32 @!p1 $0x180;
	s21 =	simm.s32 @!p1 $0x6800  }
0xf2: {  	[tilespmem:s21], [sflag:$0x1] =	stream.indirect.gather @!p1 [hbm4b:s1+s19], $0x40, s15, s19, $0xb8;
	[tilespmem:$0x1A800] =	vst v63  }
0xf3: {  	_ =	swait.ge [sflag:s10], $0x8000  }
0xf4: {  	[sflag:s10] =	ssyncset.done $0x0  }
0xf5: {  	[sflag:s10] =	ssyncadd.s32 $0xFFFF8000  }
0xf6: {  	[spmem:s3] =	stream.indirect.scatter.add.f32 [tilespmem:s30], [sflag:$0x3], $0x40, s29, s20, $0xb8;
	[tilespmem:$0x1A800] =	vst v63  }
0xf7: {  	_ =	swait.ge [sflag:s18], $0x2000  }
0xf8: {  	[sflag:s18] =	ssyncset.done $0x0  }
0xf9: {  	s21 =	simm.s32 $0x680;
	[sflag:s18] =	ssyncadd.s32 $0xFFFFE000  }
0xfa: {  	[spmem:s3] =	stream.indirect.scatter.add.f32 [tilespmem:s0], [sflag:$0x3], $0x40, s21, s20, $0xb8;
	[tilespmem:$0x1A800] =	vst v63  }
0xfb: {  	_ =	swait.ge [sflag:s18], $0x2000  }
0xfc: {  	[sflag:s18] =	ssyncset.done $0x0  }
0xfd: {  	s22 =	simm.s32 $0x700;
	[sflag:s18] =	ssyncadd.s32 $0xFFFFE000  }
0xfe: {  	[spmem:s3] =	stream.indirect.scatter.add.f32 [tilespmem:s23], [sflag:$0x3], $0x40, s22, s20, $0xb8;
	[tilespmem:$0x1A800] =	vst v63  }
0xff: {  	_ =	swait.ge [sflag:s18], $0x2000  }
0x100: {  	[sflag:s18] =	ssyncset.done $0x0  }
0x101: {  	s14 =	simm.s32 $0x780;
	[sflag:s18] =	ssyncadd.s32 $0xFFFFE000  }
0x102: {  	[spmem:s3] =	stream.indirect.scatter.add.f32 [tilespmem:s13], [sflag:$0x3], $0x40, s14, s20, $0xb8;
	[tilespmem:$0x1A800] =	vst v63  }
0x103: {  	_ =	swait.ge [sflag:s18], $0x2000  }
0x104: {  	[sflag:s18] =	ssyncset.done $0x0  }
0x105: {  	[sflag:s18] =	ssyncadd.s32 $0xFFFFE000  }
0x106: {  	[bflag:$0x0] =	sbarrier.arrive $0xFFFF  }
0x107: {  	s19 =	rddreg [dreg:$0x8]  }
0x108: {  	s21 =	rddreg [dreg:$0xd]  }
0x109: {  	s22 =	rddreg [dreg:$0x5]  }
0x10a: {  	[hbm:s19], [sflag:s22] =	dma.local [spmem:s21], $0x1400  }
0x10b: {  	_ =	swait.ge [sflag:s18], $0x1400  }
0x10c: {  	[sflag:s18] =	ssyncset.done $0x0  }
0x10d: {  	[sflag:s18] =	ssyncadd.s32 $0xFFFFEC00  }
0x10e: {  	[bflag:$0x0] =	sbarrier.arrive $0xFFFF  }
0x10f: {  	s14 =	rddreg [dreg:$0x4]  }
0x110: {  	[spmem:s21], [sflag:s22] =	dma.local [hbm:s14], $0x1400  }
0x111: {  	_ =	swait.ge [sflag:s18], $0x1400  }
0x112: {  	[sflag:s18] =	ssyncset.done $0x0  }
0x113: {  	[sflag:s18] =	ssyncadd.s32 $0xFFFFEC00  }
0x114: {  	[bflag:$0x0] =	sbarrier.arrive $0xFFFF  }
0x115: {  	s22 =	simm.s32 $0x0;
	s21 =	rddreg [dreg:$0x6]  }
0x116: {  	[tilespmem:s22], [sflag:$0x3] =	stream.linear.gather [hbm4b:s21+s22], $0x200, $0x38;
	[tilespmem:$0x1A800] =	vst v63  }
0x117: {  	_ =	swait.ge [sflag:s18], $0x200  }
0x118: {  	[sflag:s18] =	ssyncset.done $0x0  }
0x119: {  	s14 =	rddreg [dreg:$0x7];
	[sflag:s18] =	ssyncadd.s32 $0xFFFFFE00  }
0x11a: {  	[tilespmem:s9], [sflag:$0x3] =	stream.linear.gather [hbm4b:s14+s22], $0x200, $0x38;
	[tilespmem:$0x1A800] =	vst v63  }
0x11b: {  	_ =	swait.ge [sflag:s18], $0x200  }
0x11c: {  	[sflag:s18] =	ssyncset.done $0x0  }
0x11d: {  	p1 =	sne.s32 s7, $0x1;
	[sflag:s18] =	ssyncadd.s32 $0xFFFFFE00  }
0x11e: {  	[tilespmem:s12], [sflag:$0x1] =	stream.indirect.gather [hbm4b:s5+s20], $0x40, s22, s20, $0xb8;
	[tilespmem:$0x1A800] =	vst v63  }
0x11f: {  	s15 =	simm.s32 $0x1;
	s19 =	simm.s32 $0x100;
	s21 =	simm.s32 $0x180  }
0x120: {  	[tilespmem:s6], [sflag:$0x1] =	stream.indirect.gather [hbm4b:s5+s20], $0x40, s20, s20, $0xb8;
	[tilespmem:$0x1A800] =	vst v63  }
.Ltmp3:
0x121: {  	s14 =	simm.s32 $0x800;
	s9 =	simm.s32 $0x2800;
	(pc) =	sbr.rel @!p1 .LBB2_11-.Ltmp3, $4  }
0x122: {  	[tilespmem:s2], [sflag:$0x1] =	stream.indirect.gather [hbm4b:s5+s20], $0x40, s19, s20, $0xb8;
	[tilespmem:$0x1A800] =	vst v63  }
0x123: {  	s12 =	simm.s32 $0x200;
	s6 =	simm.s32 $0x4800;
	s19 =	smov.u32 s26  }
0x124: {  	[tilespmem:s31], [sflag:$0x1] =	stream.indirect.gather [hbm4b:s5+s20], $0x40, s21, s20, $0xb8;
	[tilespmem:$0x1A800] =	vst v63  }
0x125: {  	s2 =	simm.s32 $0x6800;
	s21 =	smov.u32 s24;
	s31 =	rddreg [dreg:$0xe]  }
0x126: {  	s19 =	rddreg [dreg:$0xf]  }
0x127: {  	[tilespmem:s28], [sflag:$0x3] =	stream.linear.gather [hbm4b:s19+s4], $0x200, $0x38;
	[tilespmem:$0x1A800] =	vst v63  }
0x128: {  	_ =	swait.ge [sflag:s18], $0x200  }
0x129: {  	[sflag:s18] =	ssyncset.done $0x0  }
0x12a: {  	s31 =	sadd.s32 $0xFFFFFFC0, s26;
	[sflag:s18] =	ssyncadd.s32 $0xFFFFFE00  }
0x12b: {  	[tilespmem:s29], [sflag:$0x3] =	stream.linear.gather [hbm4b:s31+s4], $0x200, $0x38;
	[tilespmem:$0x1A800] =	vst v63  }
0x12c: {  	_ =	swait.ge [sflag:s18], $0x200  }
0x12d: {  	[sflag:s18] =	ssyncset.done $0x0  }
0x12e: {  	[sflag:s18] =	ssyncadd.s32 $0xFFFFFE00  }
0x12f: {  	[tilespmem:s30], [sflag:$0x2] =	stream.indirect.gather [hbm4b:s5+s20], $0x40, s28, s20, $0xb8;
	[tilespmem:$0x1A800] =	vst v63  }
0x130: {  	s21 =	simm.s32 $0x480  }
0x131: {  	[tilespmem:s0], [sflag:$0x2] =	stream.indirect.gather [hbm4b:s5+s20], $0x40, s21, s20, $0xb8;
	[tilespmem:$0x1A800] =	vst v63  }
0x132: {  	_ = 	snop  }
0x133: {  	[tilespmem:s23], [sflag:$0x2] =	stream.indirect.gather [hbm4b:s5+s20], $0x40, s8, s20, $0xb8;
	[tilespmem:$0x1A800] =	vst v63  }
0x134: {  	_ = 	snop  }
0x135: {  	[tilespmem:s13], [sflag:$0x2] =	stream.indirect.gather [hbm4b:s5+s20], $0x40, s17, s20, $0xb8;
	[tilespmem:$0x1A800] =	vst v63  }
0x136: {  	_ =	swait.ge [sflag:s25], $0x8000  }
0x137: {  	[sflag:s25] =	ssyncset.done $0x0  }
0x138: {  	[sflag:s25] =	ssyncadd.s32 $0xFFFF8000  }
0x139: {  	[spmem:s3] =	stream.indirect.scatter.add.f32 [tilespmem:s14], [sflag:$0x3], $0x40, s12, s20, $0xb8;
	[tilespmem:$0x1A800] =	vst v63  }
0x13a: {  	_ =	swait.ge [sflag:s18], $0x2000  }
0x13b: {  	[sflag:s18] =	ssyncset.done $0x0  }
0x13c: {  	[sflag:s18] =	ssyncadd.s32 $0xFFFFE000  }
0x13d: {  	[spmem:s3] =	stream.indirect.scatter.add.f32 [tilespmem:s9], [sflag:$0x3], $0x40, s16, s20, $0xb8;
	[tilespmem:$0x1A800] =	vst v63  }
0x13e: {  	_ =	swait.ge [sflag:s18], $0x2000  }
0x13f: {  	[sflag:s18] =	ssyncset.done $0x0  }
0x140: {  	s22 =	simm.s32 $0x300;
	[sflag:s18] =	ssyncadd.s32 $0xFFFFE000  }
0x141: {  	[spmem:s3] =	stream.indirect.scatter.add.f32 [tilespmem:s6], [sflag:$0x3], $0x40, s22, s20, $0xb8;
	[tilespmem:$0x1A800] =	vst v63  }
0x142: {  	_ =	swait.ge [sflag:s18], $0x2000  }
0x143: {  	[sflag:s18] =	ssyncset.done $0x0  }
0x144: {  	s31 =	simm.s32 $0x380;
	[sflag:s18] =	ssyncadd.s32 $0xFFFFE000  }
0x145: {  	[spmem:s3] =	stream.indirect.scatter.add.f32 [tilespmem:s2], [sflag:$0x3], $0x40, s31, s20, $0xb8;
	[tilespmem:$0x1A800] =	vst v63  }
0x146: {  	_ =	swait.ge [sflag:s18], $0x2000  }
0x147: {  	p0 =	sle.u32 s11, $0x0;
	[sflag:s18] =	ssyncset.done $0x0  }
0x148: {  	s19 =	simm.s32 @!p0 $0x0;
	s21 =	simm.s32 @!p0 $0x3;
	[sflag:s18] =	ssyncadd.s32 $0xFFFFE000  }
0x149: {  	[tilespmem:s19], [sflag:$0x3] =	stream.linear.gather @!p0 [hbm4b:s24+s19], $0x200, $0x38;
	[tilespmem:$0x1A800] =	vst v63  }
0x14a: {  	_ =	swait.ge @!p0 [sflag:s21], $0x200  }
0x14b: {  	[sflag:s21] =	ssyncset.done @!p0 $0x0  }
0x14c: {  	s22 =	simm.s32 @!p0 $0x200;
	[sflag:s21] =	ssyncadd.s32 @!p0 $0xFFFFFE00  }
0x14d: {  	[tilespmem:s22], [sflag:$0x3] =	stream.linear.gather @!p0 [hbm4b:s26+s19], $0x200, $0x38;
	[tilespmem:$0x1A800] =	vst v63  }
0x14e: {  	_ =	swait.ge @!p0 [sflag:s21], $0x200  }
0x14f: {  	[sflag:s21] =	ssyncset.done @!p0 $0x0  }
0x150: {  	s22 =	simm.s32 @!p0 $0x800;
	[sflag:s21] =	ssyncadd.s32 @!p0 $0xFFFFFE00;
	s21 =	simm.s32 @!p0 $0x80  }
0x151: {  	[tilespmem:s22], [sflag:$0x1] =	stream.indirect.gather @!p0 [hbm4b:s5+s21], $0x40, s19, s21, $0xb8;
	[tilespmem:$0x1A800] =	vst v63  }
0x152: {  	s19 =	simm.s32 @!p0 $0x2800  }
0x153: {  	[tilespmem:s19], [sflag:$0x1] =	stream.indirect.gather @!p0 [hbm4b:s5+s21], $0x40, s21, s21, $0xb8;
	[tilespmem:$0x1A800] =	vst v63  }
0x154: {  	s22 =	simm.s32 @!p0 $0x4800;
	s19 =	simm.s32 @!p0 $0x100  }
0x155: {  	[tilespmem:s22], [sflag:$0x1] =	stream.indirect.gather @!p0 [hbm4b:s5+s21], $0x40, s19, s21, $0xb8;
	[tilespmem:$0x1A800] =	vst v63  }
0x156: {  	s19 =	simm.s32 @!p0 $0x180;
	s22 =	simm.s32 @!p0 $0x6800  }
0x157: {  	[tilespmem:s22], [sflag:$0x1] =	stream.indirect.gather @!p0 [hbm4b:s5+s21], $0x40, s19, s21, $0xb8;
	[tilespmem:$0x1A800] =	vst v63  }
0x158: {  	_ =	swait.ge [sflag:s10], $0x8000  }
0x159: {  	[sflag:s10] =	ssyncset.done $0x0  }
0x15a: {  	[sflag:s10] =	ssyncadd.s32 $0xFFFF8000  }
0x15b: {  	[spmem:s3] =	stream.indirect.scatter.add.f32 [tilespmem:s30], [sflag:$0x3], $0x40, s29, s20, $0xb8;
	[tilespmem:$0x1A800] =	vst v63  }
0x15c: {  	_ =	swait.ge [sflag:s18], $0x2000  }
0x15d: {  	[sflag:s18] =	ssyncset.done $0x0  }
0x15e: {  	s21 =	simm.s32 $0x680;
	[sflag:s18] =	ssyncadd.s32 $0xFFFFE000  }
0x15f: {  	[spmem:s3] =	stream.indirect.scatter.add.f32 [tilespmem:s0], [sflag:$0x3], $0x40, s21, s20, $0xb8;
	[tilespmem:$0x1A800] =	vst v63  }
0x160: {  	_ =	swait.ge [sflag:s18], $0x2000  }
0x161: {  	[sflag:s18] =	ssyncset.done $0x0  }
0x162: {  	s22 =	simm.s32 $0x700;
	[sflag:s18] =	ssyncadd.s32 $0xFFFFE000  }
0x163: {  	[spmem:s3] =	stream.indirect.scatter.add.f32 [tilespmem:s23], [sflag:$0x3], $0x40, s22, s20, $0xb8;
	[tilespmem:$0x1A800] =	vst v63  }
0x164: {  	p1 =	sne.s32 s7, $0x2;
	_ =	swait.ge [sflag:s18], $0x2000  }
.Ltmp4:
0x165: {  	[sflag:s18] =	ssyncset.done $0x0;
	(pc) =	sbr.rel @!p1 .LBB2_8-.Ltmp4, $4  }
0x166: {  	s31 =	simm.s32 $0x780;
	[sflag:s18] =	ssyncadd.s32 $0xFFFFE000  }
0x167: {  	[spmem:s3] =	stream.indirect.scatter.add.f32 [tilespmem:s13], [sflag:$0x3], $0x40, s31, s20, $0xb8;
	[tilespmem:$0x1A800] =	vst v63  }
0x168: {  	s19 =	sadd.s32 $0x80, s26;
	p0 =	por $0x1, $0x1;
	_ =	swait.ge [sflag:s18], $0x2000  }
0x169: {  	s21 =	sadd.s32 $0x80, s24;
	s22 =	simm.s32 $0x2;
	[sflag:s18] =	ssyncset.done $0x0  }
.LBB2_9:
0x16a: {  	s26 =	sadd.s32 $0xFFFFFFC0, s21  }
0x16b: {  	[sflag:s18] =	ssyncadd.s32 $0xFFFFE000;
	s24 =	smov.u32 s22;
	s22 =	sadd.s32 $0x1, s22  }
0x16c: {  	[tilespmem:s28], [sflag:$0x3] =	stream.linear.gather [hbm4b:s26+s4], $0x200, $0x38;
	[tilespmem:$0x1A800] =	vst v63  }
0x16d: {  	p1 =	sne.s32 s7, s22;
	_ =	swait.ge [sflag:s18], $0x200  }
0x16e: {  	[sflag:s18] =	ssyncset.done $0x0  }
0x16f: {  	s26 =	sadd.s32 $0xFFFFFFC0, s19;
	[sflag:s18] =	ssyncadd.s32 $0xFFFFFE00  }
0x170: {  	[tilespmem:s29], [sflag:$0x3] =	stream.linear.gather [hbm4b:s26+s4], $0x200, $0x38;
	[tilespmem:$0x1A800] =	vst v63  }
0x171: {  	_ =	swait.ge [sflag:s18], $0x200  }
0x172: {  	[sflag:s18] =	ssyncset.done $0x0  }
0x173: {  	[sflag:s18] =	ssyncadd.s32 $0xFFFFFE00  }
0x174: {  	[tilespmem:s30], [sflag:$0x2] =	stream.indirect.gather [hbm4b:s5+s20], $0x40, s28, s20, $0xb8;
	[tilespmem:$0x1A800] =	vst v63  }
0x175: {  	s26 =	simm.s32 $0x480  }
0x176: {  	[tilespmem:s0], [sflag:$0x2] =	stream.indirect.gather [hbm4b:s5+s20], $0x40, s26, s20, $0xb8;
	[tilespmem:$0x1A800] =	vst v63  }
0x177: {  	_ = 	snop  }
0x178: {  	[tilespmem:s23], [sflag:$0x2] =	stream.indirect.gather [hbm4b:s5+s20], $0x40, s8, s20, $0xb8;
	[tilespmem:$0x1A800] =	vst v63  }
0x179: {  	_ = 	snop  }
0x17a: {  	[tilespmem:s13], [sflag:$0x2] =	stream.indirect.gather [hbm4b:s5+s20], $0x40, s17, s20, $0xb8;
	[tilespmem:$0x1A800] =	vst v63  }
0x17b: {  	_ =	swait.ge [sflag:s25], $0x8000  }
0x17c: {  	[sflag:s25] =	ssyncset.done $0x0  }
0x17d: {  	[sflag:s25] =	ssyncadd.s32 $0xFFFF8000  }
0x17e: {  	[spmem:s3] =	stream.indirect.scatter.add.f32 [tilespmem:s14], [sflag:$0x3], $0x40, s12, s20, $0xb8;
	[tilespmem:$0x1A800] =	vst v63  }
0x17f: {  	_ =	swait.ge [sflag:s18], $0x2000  }
0x180: {  	[sflag:s18] =	ssyncset.done $0x0  }
0x181: {  	[sflag:s18] =	ssyncadd.s32 $0xFFFFE000  }
0x182: {  	[spmem:s3] =	stream.indirect.scatter.add.f32 [tilespmem:s9], [sflag:$0x3], $0x40, s16, s20, $0xb8;
	[tilespmem:$0x1A800] =	vst v63  }
0x183: {  	_ =	swait.ge [sflag:s18], $0x2000  }
0x184: {  	[sflag:s18] =	ssyncset.done $0x0  }
0x185: {  	s26 =	simm.s32 $0x300;
	[sflag:s18] =	ssyncadd.s32 $0xFFFFE000  }
0x186: {  	[spmem:s3] =	stream.indirect.scatter.add.f32 [tilespmem:s6], [sflag:$0x3], $0x40, s26, s20, $0xb8;
	[tilespmem:$0x1A800] =	vst v63  }
0x187: {  	_ =	swait.ge [sflag:s18], $0x2000  }
0x188: {  	[sflag:s18] =	ssyncset.done $0x0  }
0x189: {  	s26 =	simm.s32 $0x380;
	[sflag:s18] =	ssyncadd.s32 $0xFFFFE000  }
0x18a: {  	[spmem:s3] =	stream.indirect.scatter.add.f32 [tilespmem:s2], [sflag:$0x3], $0x40, s26, s20, $0xb8;
	[tilespmem:$0x1A800] =	vst v63  }
0x18b: {  	_ =	swait.ge [sflag:s18], $0x2000  }
0x18c: {  	p2 =	sge.u32 s15, s11;
	s15 =	smov.u32 s24;
	[sflag:s18] =	ssyncset.done $0x0  }
0x18d: {  	s24 =	simm.s32 @!p2 $0x0;
	s26 =	simm.s32 @!p2 $0x3;
	[sflag:s18] =	ssyncadd.s32 $0xFFFFE000  }
0x18e: {  	[tilespmem:s24], [sflag:$0x3] =	stream.linear.gather @!p2 [hbm4b:s21+s24], $0x200, $0x38;
	[tilespmem:$0x1A800] =	vst v63  }
0x18f: {  	_ =	swait.ge @!p2 [sflag:s26], $0x200  }
0x190: {  	[sflag:s26] =	ssyncset.done @!p2 $0x0  }
0x191: {  	s31 =	simm.s32 @!p2 $0x200;
	[sflag:s26] =	ssyncadd.s32 @!p2 $0xFFFFFE00  }
0x192: {  	[tilespmem:s31], [sflag:$0x3] =	stream.linear.gather @!p2 [hbm4b:s19+s24], $0x200, $0x38;
	[tilespmem:$0x1A800] =	vst v63  }
0x193: {  	_ =	swait.ge @!p2 [sflag:s26], $0x200  }
0x194: {  	[sflag:s26] =	ssyncset.done @!p2 $0x0  }
0x195: {  	s31 =	simm.s32 @!p2 $0x800;
	[sflag:s26] =	ssyncadd.s32 @!p2 $0xFFFFFE00;
	s26 =	simm.s32 @!p2 $0x80  }
0x196: {  	[tilespmem:s31], [sflag:$0x1] =	stream.indirect.gather @!p2 [hbm4b:s5+s26], $0x40, s24, s26, $0xb8;
	[tilespmem:$0x1A800] =	vst v63  }
0x197: {  	s24 =	simm.s32 @!p2 $0x2800  }
0x198: {  	[tilespmem:s24], [sflag:$0x1] =	stream.indirect.gather @!p2 [hbm4b:s5+s26], $0x40, s26, s26, $0xb8;
	[tilespmem:$0x1A800] =	vst v63  }
0x199: {  	s31 =	simm.s32 @!p2 $0x4800;
	s24 =	simm.s32 @!p2 $0x100  }
0x19a: {  	[tilespmem:s31], [sflag:$0x1] =	stream.indirect.gather @!p2 [hbm4b:s5+s26], $0x40, s24, s26, $0xb8;
	[tilespmem:$0x1A800] =	vst v63  }
0x19b: {  	s24 =	simm.s32 @!p2 $0x180;
	s31 =	simm.s32 @!p2 $0x6800  }
0x19c: {  	[tilespmem:s31], [sflag:$0x1] =	stream.indirect.gather @!p2 [hbm4b:s5+s26], $0x40, s24, s26, $0xb8;
	[tilespmem:$0x1A800] =	vst v63  }
0x19d: {  	_ =	swait.ge [sflag:s10], $0x8000  }
0x19e: {  	[sflag:s10] =	ssyncset.done $0x0  }
0x19f: {  	[sflag:s10] =	ssyncadd.s32 $0xFFFF8000  }
0x1a0: {  	[spmem:s3] =	stream.indirect.scatter.add.f32 [tilespmem:s30], [sflag:$0x3], $0x40, s29, s20, $0xb8;
	[tilespmem:$0x1A800] =	vst v63  }
0x1a1: {  	_ =	swait.ge [sflag:s18], $0x2000  }
0x1a2: {  	[sflag:s18] =	ssyncset.done $0x0  }
0x1a3: {  	s24 =	simm.s32 $0x680;
	[sflag:s18] =	ssyncadd.s32 $0xFFFFE000  }
0x1a4: {  	[spmem:s3] =	stream.indirect.scatter.add.f32 [tilespmem:s0], [sflag:$0x3], $0x40, s24, s20, $0xb8;
	[tilespmem:$0x1A800] =	vst v63  }
0x1a5: {  	_ =	swait.ge [sflag:s18], $0x2000  }
0x1a6: {  	[sflag:s18] =	ssyncset.done $0x0  }
0x1a7: {  	s24 =	simm.s32 $0x700;
	[sflag:s18] =	ssyncadd.s32 $0xFFFFE000  }
0x1a8: {  	[spmem:s3] =	stream.indirect.scatter.add.f32 [tilespmem:s23], [sflag:$0x3], $0x40, s24, s20, $0xb8;
	[tilespmem:$0x1A800] =	vst v63  }
0x1a9: {  	_ =	swait.ge [sflag:s18], $0x2000  }
.Ltmp5:
0x1aa: {  	[sflag:s18] =	ssyncset.done $0x0;
	(pc) =	sbr.rel @p1 .LBB2_9-.Ltmp5, $4  }
0x1ab: {  	s24 =	simm.s32 $0x780;
	[sflag:s18] =	ssyncadd.s32 $0xFFFFE000  }
0x1ac: {  	[spmem:s3] =	stream.indirect.scatter.add.f32 [tilespmem:s13], [sflag:$0x3], $0x40, s24, s20, $0xb8;
	[tilespmem:$0x1A800] =	vst v63  }
0x1ad: {  	_ =	swait.ge [sflag:s18], $0x2000  }
0x1ae: {  	s21 =	sadd.s32 $0x80, s21;
	s19 =	sadd.s32 $0x80, s19;
	[sflag:s18] =	ssyncset.done $0x0  }
0x1af: {  	s26 =	rddreg [dreg:$0xb]  }
0x1b0: {  	s24 =	rddreg [dreg:$0xc]  }
0x1b1: {  	s22 =	smov.u32 s15;
	s31 =	rddreg [dreg:$0xe]  }
.LBB2_11:
0x1b2: {  	s15 =	sadd.s32 $0xFFFFFFC0, s21;
	[sflag:s18] =	ssyncadd.s32 @p0 $0xFFFFE000  }
0x1b3: {  	[tilespmem:s28], [sflag:$0x3] =	stream.linear.gather [hbm4b:s15+s4], $0x200, $0x38;
	[tilespmem:$0x1A800] =	vst v63  }
0x1b4: {  	_ =	swait.ge [sflag:s18], $0x200  }
0x1b5: {  	[sflag:s18] =	ssyncset.done $0x0  }
0x1b6: {  	s15 =	sadd.s32 $0xFFFFFFC0, s19;
	[sflag:s18] =	ssyncadd.s32 $0xFFFFFE00  }
0x1b7: {  	[tilespmem:s29], [sflag:$0x3] =	stream.linear.gather [hbm4b:s15+s4], $0x200, $0x38;
	[tilespmem:$0x1A800] =	vst v63  }
0x1b8: {  	_ =	swait.ge [sflag:s18], $0x200  }
0x1b9: {  	[sflag:s18] =	ssyncset.done $0x0  }
0x1ba: {  	[sflag:s18] =	ssyncadd.s32 $0xFFFFFE00  }
0x1bb: {  	[tilespmem:s30], [sflag:$0x2] =	stream.indirect.gather [hbm4b:s5+s20], $0x40, s28, s20, $0xb8;
	[tilespmem:$0x1A800] =	vst v63  }
0x1bc: {  	s15 =	simm.s32 $0x480  }
0x1bd: {  	[tilespmem:s0], [sflag:$0x2] =	stream.indirect.gather [hbm4b:s5+s20], $0x40, s15, s20, $0xb8;
	[tilespmem:$0x1A800] =	vst v63  }
0x1be: {  	_ = 	snop  }
0x1bf: {  	[tilespmem:s23], [sflag:$0x2] =	stream.indirect.gather [hbm4b:s5+s20], $0x40, s8, s20, $0xb8;
	[tilespmem:$0x1A800] =	vst v63  }
0x1c0: {  	_ = 	snop  }
0x1c1: {  	[tilespmem:s13], [sflag:$0x2] =	stream.indirect.gather [hbm4b:s5+s20], $0x40, s17, s20, $0xb8;
	[tilespmem:$0x1A800] =	vst v63  }
0x1c2: {  	_ =	swait.ge [sflag:s25], $0x8000  }
0x1c3: {  	[sflag:s25] =	ssyncset.done $0x0  }
0x1c4: {  	[sflag:s25] =	ssyncadd.s32 $0xFFFF8000  }
0x1c5: {  	[spmem:s3] =	stream.indirect.scatter.add.f32 [tilespmem:s14], [sflag:$0x3], $0x40, s12, s20, $0xb8;
	[tilespmem:$0x1A800] =	vst v63  }
0x1c6: {  	_ =	swait.ge [sflag:s18], $0x2000  }
0x1c7: {  	[sflag:s18] =	ssyncset.done $0x0  }
0x1c8: {  	[sflag:s18] =	ssyncadd.s32 $0xFFFFE000  }
0x1c9: {  	[spmem:s3] =	stream.indirect.scatter.add.f32 [tilespmem:s9], [sflag:$0x3], $0x40, s16, s20, $0xb8;
	[tilespmem:$0x1A800] =	vst v63  }
0x1ca: {  	_ =	swait.ge [sflag:s18], $0x2000  }
0x1cb: {  	[sflag:s18] =	ssyncset.done $0x0  }
0x1cc: {  	s14 =	simm.s32 $0x300;
	[sflag:s18] =	ssyncadd.s32 $0xFFFFE000  }
0x1cd: {  	[spmem:s3] =	stream.indirect.scatter.add.f32 [tilespmem:s6], [sflag:$0x3], $0x40, s14, s20, $0xb8;
	[tilespmem:$0x1A800] =	vst v63  }
0x1ce: {  	_ =	swait.ge [sflag:s18], $0x2000  }
0x1cf: {  	[sflag:s18] =	ssyncset.done $0x0  }
0x1d0: {  	s15 =	simm.s32 $0x380;
	[sflag:s18] =	ssyncadd.s32 $0xFFFFE000  }
0x1d1: {  	[spmem:s3] =	stream.indirect.scatter.add.f32 [tilespmem:s2], [sflag:$0x3], $0x40, s15, s20, $0xb8;
	[tilespmem:$0x1A800] =	vst v63  }
0x1d2: {  	_ =	swait.ge [sflag:s18], $0x2000  }
0x1d3: {  	p0 =	sge.u32 s22, s11;
	[sflag:s18] =	ssyncset.done $0x0  }
0x1d4: {  	s22 =	simm.s32 @!p0 $0x3;
	s15 =	simm.s32 @!p0 $0x0;
	[sflag:s18] =	ssyncadd.s32 $0xFFFFE000  }
0x1d5: {  	[tilespmem:s15], [sflag:$0x3] =	stream.linear.gather @!p0 [hbm4b:s21+s15], $0x200, $0x38;
	[tilespmem:$0x1A800] =	vst v63  }
0x1d6: {  	_ =	swait.ge @!p0 [sflag:s22], $0x200  }
0x1d7: {  	[sflag:s22] =	ssyncset.done @!p0 $0x0  }
0x1d8: {  	s21 =	simm.s32 @!p0 $0x200;
	[sflag:s22] =	ssyncadd.s32 @!p0 $0xFFFFFE00  }
0x1d9: {  	[tilespmem:s21], [sflag:$0x3] =	stream.linear.gather @!p0 [hbm4b:s19+s15], $0x200, $0x38;
	[tilespmem:$0x1A800] =	vst v63  }
0x1da: {  	_ =	swait.ge @!p0 [sflag:s22], $0x200  }
0x1db: {  	[sflag:s22] =	ssyncset.done @!p0 $0x0  }
0x1dc: {  	s19 =	simm.s32 @!p0 $0x80;
	s21 =	simm.s32 @!p0 $0x800;
	[sflag:s22] =	ssyncadd.s32 @!p0 $0xFFFFFE00  }
0x1dd: {  	[tilespmem:s21], [sflag:$0x1] =	stream.indirect.gather @!p0 [hbm4b:s5+s19], $0x40, s15, s19, $0xb8;
	[tilespmem:$0x1A800] =	vst v63  }
0x1de: {  	s15 =	simm.s32 @!p0 $0x2800  }
0x1df: {  	[tilespmem:s15], [sflag:$0x1] =	stream.indirect.gather @!p0 [hbm4b:s5+s19], $0x40, s19, s19, $0xb8;
	[tilespmem:$0x1A800] =	vst v63  }
0x1e0: {  	s21 =	simm.s32 @!p0 $0x4800;
	s15 =	simm.s32 @!p0 $0x100  }
0x1e1: {  	[tilespmem:s21], [sflag:$0x1] =	stream.indirect.gather @!p0 [hbm4b:s5+s19], $0x40, s15, s19, $0xb8;
	[tilespmem:$0x1A800] =	vst v63  }
0x1e2: {  	s15 =	simm.s32 @!p0 $0x180;
	s21 =	simm.s32 @!p0 $0x6800  }
0x1e3: {  	[tilespmem:s21], [sflag:$0x1] =	stream.indirect.gather @!p0 [hbm4b:s5+s19], $0x40, s15, s19, $0xb8;
	[tilespmem:$0x1A800] =	vst v63  }
0x1e4: {  	_ =	swait.ge [sflag:s10], $0x8000  }
0x1e5: {  	[sflag:s10] =	ssyncset.done $0x0  }
0x1e6: {  	[sflag:s10] =	ssyncadd.s32 $0xFFFF8000  }
0x1e7: {  	[spmem:s3] =	stream.indirect.scatter.add.f32 [tilespmem:s30], [sflag:$0x3], $0x40, s29, s20, $0xb8;
	[tilespmem:$0x1A800] =	vst v63  }
0x1e8: {  	_ =	swait.ge [sflag:s18], $0x2000  }
0x1e9: {  	[sflag:s18] =	ssyncset.done $0x0  }
0x1ea: {  	s6 =	simm.s32 $0x680;
	[sflag:s18] =	ssyncadd.s32 $0xFFFFE000  }
0x1eb: {  	[spmem:s3] =	stream.indirect.scatter.add.f32 [tilespmem:s0], [sflag:$0x3], $0x40, s6, s20, $0xb8;
	[tilespmem:$0x1A800] =	vst v63  }
0x1ec: {  	_ =	swait.ge [sflag:s18], $0x2000  }
0x1ed: {  	[sflag:s18] =	ssyncset.done $0x0  }
0x1ee: {  	s9 =	simm.s32 $0x700;
	[sflag:s18] =	ssyncadd.s32 $0xFFFFE000  }
0x1ef: {  	[spmem:s3] =	stream.indirect.scatter.add.f32 [tilespmem:s23], [sflag:$0x3], $0x40, s9, s20, $0xb8;
	[tilespmem:$0x1A800] =	vst v63  }
0x1f0: {  	_ =	swait.ge [sflag:s18], $0x2000  }
0x1f1: {  	[sflag:s18] =	ssyncset.done $0x0  }
0x1f2: {  	s12 =	simm.s32 $0x780;
	[sflag:s18] =	ssyncadd.s32 $0xFFFFE000  }
0x1f3: {  	[spmem:s3] =	stream.indirect.scatter.add.f32 [tilespmem:s13], [sflag:$0x3], $0x40, s12, s20, $0xb8;
	[tilespmem:$0x1A800] =	vst v63  }
0x1f4: {  	_ =	swait.ge [sflag:s18], $0x2000  }
0x1f5: {  	[sflag:s18] =	ssyncset.done $0x0  }
0x1f6: {  	[sflag:s18] =	ssyncadd.s32 $0xFFFFE000  }
0x1f7: {  	[bflag:$0x0] =	sbarrier.arrive $0xFFFF  }
0x1f8: {  	s14 =	rddreg [dreg:$0x9]  }
0x1f9: {  	s19 =	rddreg [dreg:$0xd]  }
0x1fa: {  	s21 =	rddreg [dreg:$0x5]  }
0x1fb: {  	[hbm:s14], [sflag:s21] =	dma.local [spmem:s19], $0x1400  }
0x1fc: {  	_ =	swait.ge [sflag:s18], $0x1400  }
0x1fd: {  	s31 =	sadd.s32 $0x1, s31;
	s22 =	rddreg [dreg:$0xa]  }
0x1fe: {  	p0 =	sne.s32 s31, s22  }
.Ltmp6:
0x1ff: {  	_ = 	snop;
	(pc) =	sbr.rel @p0 .LBB2_1-.Ltmp6, $4  }
.Ltmp7:
0x200: {  	[sflag:s18] =	ssyncset.done $0x0;
	(pc) =	sbr.rel @!p0 .LBB2_12-.Ltmp7, $4  }
0x201: {  	[sflag:s18] =	ssyncadd.s32 $0xFFFFEC00  }
0x202: {  	s2 =	simm.s32 $0x200;
	s6 =	simm.s32 $0x4800;
	[bflag:$0x0] =	sbarrier.arrive $0xFFFF  }
0x203: {  	s9 =	simm.s32 $0x6800;
	s12 =	simm.s32 $0x800;
	s14 =	simm.s32 $0x2800  }
0x204: {  	_ = 	snop  }
.LBB2_3:
.Ltmp8:
0x205: {  	(pc) =	sbr.rel .LBB2_6-.Ltmp8, $4  }
0x206: {  	s26 =	rddreg [dreg:$0xb]  }
0x207: {  	s22 =	simm.s32 $0x1;
	s24 =	rddreg [dreg:$0xc];
	s8 =	simm.s32 $0x500  }
0x208: {  	s17 =	simm.s32 $0x580;
	s16 =	simm.s32 $0x280;
	s2 =	simm.s32 $0x4800  }
0x209: {  	s6 =	simm.s32 $0x2800;
	s9 =	simm.s32 $0x200;
	s12 =	simm.s32 $0x800  }
.LBB2_8:
.Ltmp9:
0x20a: {  	(pc) =	sbr.rel .LBB2_11-.Ltmp9, $4  }
0x20b: {  	_ = 	snop  }
0x20c: {  	s26 =	rddreg [dreg:$0xb]  }
0x20d: {  	s24 =	rddreg [dreg:$0xc]  }
0x20e: {  	s22 =	simm.s32 $0x1;
	s31 =	rddreg [dreg:$0xe]  }
.LBB2_12:
0x20f: {  	_ =	sfence.sel $0x180000  }
0x210: {  	[bflag:$0x0] =	sbarrier.arrive $0xFFFF  }
0x211: {  	_ =	strace $0x90000047  }
0x212: {  	s0 =	stileid.u32;
	[bflag:$0x2] =	sbarrier.arrive $0xFFFF  }
0x213: {  	p0 =	sne.s32 s0, $0x0;
	s0 =	rddreg [dreg:$0x3]  }
0x214: {  	s0 =	sadd.s32 @!p0 $0x100000, s0  }
0x215: {  	[sflag:s0] =	ssyncadd.tile.s32 @!p0 $0x1;
	_ =	shalt  }
.Lfunc_end2:
_tile_overlayer_lowered:
.L_overlay_start_2:
0x216: {  	(tag) =	ssettag $0x2  }
0x217: {  	s0 =	rddreg [dreg:$0x0];
	s2 =	stileid.u32  }
0x218: {  	s1 =	rddreg [dreg:$0x1];
	p0 =	sne.s32 s2, $0x0  }
0x219: {  	s3 =	rddreg [dreg:$0x2];
	[bflag:$0x3] =	sbarrier.arrive $0xFFFF;
	s2 =	simm.s32 @!p0 $0x1C03  }
0x21a: {  	[timem:s3], [sflag:s2] =	dma.local @!p0 [hbm:s0], s1  }
0x21b: {  	s0 =	simm.s32 @!p0 $0x3  }
0x21c: {  	_ =	swait.ge @!p0 [sflag:s0], s1  }
0x21d: {  	s1 =	ssub.s32 @!p0 $0x0, s1;
	[sflag:s0] =	ssyncset.done @!p0 $0x0  }
0x21e: {  	[sflag:s0] =	ssyncadd.s32 @!p0 s1  }
0x21f: {  	[bflag:$0x3] =	sbarrier.arrive $0xFFFF  }
0x220: {  	_ =	shalt  }

// kernel: kernel.14.cloned.1.call-start
scs
__scs_entry_jumppad:
0x0: {  	(pc) =	sbr.rel $0x88, $3  }
0x1: {  	(tag) =	ssettag $0x0;
	lr =	simm.s32 $0x1  }
0x2: {  	[smem:$0x3F95] =	sst lr;
	_ =	strace $0xD0000000  }
0x3: {  	_ = 	snop  }
0x4: {  	_ = 	snop  }
0x5: {  	_ = 	snop  }
0x6: {  	_ = 	snop  }
0x7: {  	_ = 	snop  }
__scs_overlays_trampoline_lowered:
0x8: {  	[smem:$0x3FA4] =	sst s0  }
0x9: {  	[smem:$0x3FA5] =	sst s1  }
0xa: {  	[smem:$0x3FA6] =	sst s2  }
0xb: {  	[smem:$0x3FA7] =	sst s3  }
0xc: {  	[smem:$0x3FA8] =	sst s4  }
0xd: {  	[smem:$0x3FA9] =	sst s5  }
0xe: {  	[smem:$0x3FAA] =	sst s6  }
0xf: {  	[smem:$0x3FAB] =	sst s7  }
0x10: {  	[smem:$0x3FAC] =	sst s8  }
0x11: {  	[smem:$0x3FAD] =	sst s9;
	s0 =	simm.s32 @!p0 $0x0  }
0x12: {  	s1 =	sld [smem:$0x3F93];
	s0 =	simm.s32 @p0 $0x1  }
0x13: {  	[smem:$0x3FAE] =	sst s0;
	s0 =	simm.s32 @!p1 $0x0  }
0x14: {  	s2 =	sld [smem:$0x3F92];
	s0 =	simm.s32 @p1 $0x1  }
0x15: {  	[smem:$0x3FAF] =	sst s0;
	s0 =	simm.s32 @!p2 $0x0  }
0x16: {  	s3 =	sld [smem:$0x3FDB];
	s0 =	simm.s32 @p2 $0x1  }
0x17: {  	s4 =	simm.s32 $0x1BF5;
	[smem:$0x3FB1] =	sst s0  }
0x18: {  	s0 =	sld [smem:$0x3F94];
	_ =	swait.ge [sflag:s4], $0x0  }
0x19: {  	s7 =	sld [smem:$0x3F95]  }
0x1a: {  	s8 =	sadd.s32 $0xFFFFE003, lr  }
0x1b: {  	s9 =	sadd.s32 $0xFFFFFEF7, lr;
	s5 =	simm.s32 $0xFFFFFFFF;
	p2 =	slt.u32 s8, $0xFFFFF086  }
0x1c: {  	p1 =	slt.u32 s9, $0xF7A;
	s5 =	simm.s32 @!p2 $0x0  }
0x1d: {  	s5 =	simm.s32 @p1 $0x1;
	p0 =	seq.s32 s7, s2  }
0x1e: {  	s7 =	smul.u32 @!p0 $0xF7A, s2;
	p2 =	seq.s32 @!p0 s5, $0x0  }
0x1f: {  	s9 =	smul.u32 $0xF7A, s1;
	s8 =	simm.s32 @!p0 $0x1BF5;
	p2 =	por !p2, p0  }
0x20: {  	[sflag:s8] =	ssyncset.s32 @!p0 $0xFFFFF086;
	s6 =	sadd.s32 @!p0 s3, s7;
	s7 =	simm.s32 @!p0 $0x108  }
0x21: {  	s3 =	sadd.s32 s3, s9;
	s6 =	sadd.s32 @!p0 $0x88, s6;
	s7 =	simm.s32 @p2 $0x1082  }
0x22: {  	[simem:s7], [sflag:s8] =	dma.local @!p0 [hbm:s6], $0xF7A  }
0x23: {  	s9 =	sor.u32 $0xD0000000, s2;
	s6 =	simm.s32 $0x108;
	_ =	swait.ge @!p0 [sflag:s8], $0x0  }
0x24: {  	s3 =	sadd.s32 $0x88, s3;
	s6 =	simm.s32 @!p1 $0x1082;
	[sflag:s4] =	ssyncset.s32 $0xFFFFF086  }
0x25: {  	[simem:s6], [sflag:s4] =	dma.local [hbm:s3], $0xF7A  }
0x26: {  	[smem:$0x3F95] =	sst s1;
	(tag) =	ssettag s2;
	_ =	strace s9  }
0x27: {  	s1 =	sld [smem:$0x3FA5]  }
0x28: {  	s2 =	sld [smem:$0x3FA6]  }
0x29: {  	s4 =	sld [smem:$0x3FA8]  }
0x2a: {  	p0 =	seq.s32 s5, $0x0;
	s5 =	sld [smem:$0x3FA9]  }
0x2b: {  	s6 =	sld [smem:$0x3FAA]  }
0x2c: {  	s7 =	sld [smem:$0x3FAB]  }
0x2d: {  	s3 =	simm.s32 $0x108;
	s8 =	sld [smem:$0x3FAC]  }
0x2e: {  	s3 =	simm.s32 @!p0 $0x1082;
	s9 =	sld [smem:$0x3FAD]  }
0x2f: {  	lr =	sadd.s32 s0, s3;
	s0 =	sld [smem:$0x3FA4]  }
0x30: {  	s3 =	sld [smem:$0x3FA7]  }
0x31: {  	[smem:$0x3FB0] =	sst s10  }
0x32: {  	s10 =	sld [smem:$0x3FAE];
	_ =	sdelay $0x3  }
0x33: {  	p0 =	seq.s32 s10, $0x1;
	s10 =	sld [smem:$0x3FB0];
	_ =	sdelay $0x3  }
0x34: {  	[smem:$0x3FB0] =	sst s10  }
0x35: {  	s10 =	sld [smem:$0x3FAF];
	_ =	sdelay $0x3  }
0x36: {  	p1 =	seq.s32 s10, $0x1;
	s10 =	sld [smem:$0x3FB0];
	_ =	sdelay $0x3  }
0x37: {  	[smem:$0x3FB0] =	sst s10  }
0x38: {  	s10 =	sld [smem:$0x3FB1]  }
0x39: {  	_ = 	snop;
	(pc) =	sbr.ind lr, $3  }
0x3a: {  	_ = 	snop  }
0x3b: {  	_ = 	snop  }
0x3c: {  	p2 =	seq.s32 s10, $0x1;
	s10 =	sld [smem:$0x3FB0]  }
0x3d: {  	_ =	shalt  }
0x3e: {  	_ =	shalt  }
0x3f: {  	_ =	shalt  }
0x40: {  	_ =	shalt  }
0x41: {  	_ =	shalt  }
0x42: {  	_ =	shalt  }
0x43: {  	_ =	shalt  }
0x44: {  	_ =	shalt  }
0x45: {  	_ =	shalt  }
0x46: {  	_ =	shalt  }
0x47: {  	_ =	shalt  }
0x48: {  	_ =	shalt  }
0x49: {  	_ =	shalt  }
0x4a: {  	_ =	shalt  }
0x4b: {  	_ =	shalt  }
0x4c: {  	_ =	shalt  }
0x4d: {  	_ =	shalt  }
0x4e: {  	_ =	shalt  }
0x4f: {  	_ =	shalt  }
0x50: {  	_ =	shalt  }
0x51: {  	_ =	shalt  }
0x52: {  	_ =	shalt  }
0x53: {  	_ =	shalt  }
0x54: {  	_ =	shalt  }
0x55: {  	_ =	shalt  }
0x56: {  	_ =	shalt  }
0x57: {  	_ =	shalt  }
0x58: {  	_ =	shalt  }
0x59: {  	_ =	shalt  }
0x5a: {  	_ =	shalt  }
0x5b: {  	_ =	shalt  }
0x5c: {  	_ =	shalt  }
0x5d: {  	_ =	shalt  }
0x5e: {  	_ =	shalt  }
0x5f: {  	_ =	shalt  }
0x60: {  	_ =	shalt  }
0x61: {  	_ =	shalt  }
0x62: {  	_ =	shalt  }
0x63: {  	_ =	shalt  }
0x64: {  	_ =	shalt  }
0x65: {  	_ =	shalt  }
0x66: {  	_ =	shalt  }
0x67: {  	_ =	shalt  }
0x68: {  	_ =	shalt  }
0x69: {  	_ =	shalt  }
0x6a: {  	_ =	shalt  }
0x6b: {  	_ =	shalt  }
0x6c: {  	_ =	shalt  }
0x6d: {  	_ =	shalt  }
0x6e: {  	_ =	shalt  }
0x6f: {  	_ =	shalt  }
0x70: {  	_ =	shalt  }
0x71: {  	_ =	shalt  }
0x72: {  	_ =	shalt  }
0x73: {  	_ =	shalt  }
0x74: {  	_ =	shalt  }
0x75: {  	_ =	shalt  }
0x76: {  	_ =	shalt  }
0x77: {  	_ =	shalt  }
0x78: {  	_ =	shalt  }
0x79: {  	_ =	shalt  }
0x7a: {  	_ =	shalt  }
0x7b: {  	_ =	shalt  }
0x7c: {  	_ =	shalt  }
0x7d: {  	_ =	shalt  }
0x7e: {  	_ =	shalt  }
0x7f: {  	_ =	shalt  }
0x80: {  	_ =	shalt  }
0x81: {  	_ =	shalt  }
0x82: {  	_ =	shalt  }
0x83: {  	_ =	shalt  }
0x84: {  	_ =	shalt  }
0x85: {  	_ =	shalt  }
0x86: {  	_ =	shalt  }
0x87: {  	_ =	shalt  }
.Lfunc_end0:
.L_simem_size_0:
called_computation.2_lowered:
.L_overlay_start_0:
0x88: {  	s2 =	sld [smem:$0x3FD9]  }
0x89: {  	s3 =	sld [smem:$0x3FFE];
	_ =	sdelay $0x1  }
0x8a: {  	s1 =	srdreg.scid  }
0x8b: {  	s0 =	sand.u32 $0x1, s1  }
0x8c: {  	s16 =	sshll.u32 s0, $0xA;
	s2 =	sadd.s32 s3, s2  }
0x8d: {  	s2 =	sadd.s32 s2, s16  }
0x8e: {  	[smem:$0x3FBC] =	sst s2  }
0x8f: {  	_ = 	snop  }
0x90: {  	(tm) =	ssettm $0x1  }
0x91: {  	s17 =	sld [smem:$0x3FFB];
	_ =	sdelay $0x3  }
0x92: {  	_ =	strace s17  }
0x93: {  	s2 =	sld [smem:$0x3FFC];
	_ =	sdelay $0x3  }
0x94: {  	_ =	strace s2  }
0x95: {  	s2 =	sld [smem:$0x3FFD];
	_ =	sdelay $0x3  }
0x96: {  	_ =	strace s2  }
0x97: {  	_ =	strace $0x8FFFFFFF  }
0x98: {  	s18 =	sld [smem:$0x3FDB];
	_ =	sdelay $0x1  }
0x99: {  	s19 =	simm.s32 $_scs_section_size  }
0x9a: {  	s4 =	simm.s32 $_size__tile_overlayer_lowered;
	s5 =	simm.s32 $_tile_overlayer_lowered  }
0x9b: {  	s22 =	simm.s32 $0x1BFF;
	s21 =	sshll.u32 s5, $0x1;
	s2 =	sadd.s32 s19, s18  }
0x9c: {  	s6 =	simm.s32 $0x0;
	s20 =	sshll.u32 s4, $0x1;
	s4 =	sadd.s32 s21, s2  }
0x9d: {  	[timem:s6], [sflag:s22] =	dma.local [hbm:s4], s20  }
0x9e: {  	_ =	swait.ge [sflag:s22], s20  }
0x9f: {  	s3 =	ssub.s32 $0x0, s20;
	[sflag:s22] =	ssyncset.done $0x0  }
0xa0: {  	[sflag:s22] =	ssyncadd.s32 s3;
	_ =	sdelay $0x1  }
0xa1: {  	s23 =	simm.s32 $0x1B8B  }
0xa2: {  	_ =	swait.ge [sflag:s23], $0x1  }
0xa3: {  	[sflag:s23] =	ssyncset.done $0x0  }
0xa4: {  	s25 =	simm.s32 $0x1B8E;
	s24 =	sld [smem:$0x3FFE];
	[sflag:s23] =	ssyncadd.s32 $0xFFFFFFFF  }
0xa5: {  	s26 =	simm.s32 $execute0_lowered;
	[smem:$0x3FD2] =	sst s25  }
0xa6: {  	s4 =	sshll.u32 s26, $0x1;
	_ =	strace $0x8000004C;
	[dreg:$0x1] =	wrdreg $0xFFFFFFFF  }
0xa7: {  	s28 =	simm.s32 $_size_execute0_lowered;
	s2 =	sadd.s32 s2, s4;
	[dreg:$0x0] =	wrdreg $0x0  }
0xa8: {  	s4 =	sshll.u32 s28, $0x1;
	[dreg:$0x2] =	wrdreg s2  }
0xa9: {  	[dreg:$0x3] =	wrdreg s4  }
0xaa: {  	[dreg:$0x4] =	wrdreg $0xC0  }
0xab: {  	_ =	task [dreg:s6], $0x5FFFF  }
0xac: {  	[dreg:$0x1] =	wrdreg $0xFFFFFFFF  }
0xad: {  	[dreg:$0x0] =	wrdreg $0x60  }
0xae: {  	[dreg:$0x2] =	wrdreg s24  }
0xaf: {  	[dreg:$0x3] =	wrdreg $0x108000  }
0xb0: {  	[dreg:$0x4] =	wrdreg $0x9  }
0xb1: {  	_ =	task.clear_ibuf [dreg:s6], $0x5FFFF;
	_ =	strace $0x9000004C  }
0xb2: {  	s29 =	simm.s32 $0x9;
	_ =	strace $0x8000004E  }
0xb3: {  	_ =	swait.ge [sflag:s29], $0x1  }
0xb4: {  	[sflag:s29] =	ssyncadd.s32 $0xFFFFFFFF  }
0xb5: {  	_ =	strace $0x9000004E  }
0xb6: {  	_ =	sfence  }
0xb7: {  	s30 =	sld [smem:$0x0];
	_ =	sdelay $0x2  }
0xb8: {  	s31 =	sshll.u32 s1, $0xD;
	s1 =	sshrl.u32 s1, $0x2  }
0xb9: {  	s3 =	sand.u32 $0x4000, s31;
	s1 =	sadd.s32 s1, s30  }
0xba: {  	s0 =	sor.u32 s3, s0;
	s1 =	sshll.u32 s1, $0x11  }
0xbb: {  	s0 =	sor.u32 s1, s0  }
0xbc: {  	s0 =	sadd.s32 $0x8F2B, s0  }
0xbd: {  	[sflag:s0] =	ssyncadd.remote.s32 $0x1  }
0xbe: {  	_ =	sfence.sel $0xFFFF  }
0xbf: {  	[dreg:$0x0] =	wrdreg $0xFFFFFFFF;
	(pc) =	sbr.abs _section_cstart, $3  }
0xc0: {  	[dreg:$0x1] =	wrdreg $0xFFFFFFFF  }
0xc1: {  	_ =	task.clear_ibuf [dreg:s6], $0x2FFFF;
	_ =	strace $0x9FFFFFFF  }
0xc2: {  	(tm) =	ssettm $0x7FFFFFFF  }
0xc3: {  	_ =	shalt  }
tec
execute0_lowered:
.L_overlay_start_1:
0x0: {  	(tag) =	ssettag $0x1  }
0x1: {  	s0 =	rddreg [dreg:$0x0]  }
0x2: {  	s2 =	rddreg [dreg:$0x1];
	s3 =	simm.s32 $0x0;
	s10 =	stileid.u32  }
0x3: {  	s1 =	srdreg.scid;
	s18 =	simm.s32 $0x3;
	s12 =	simm.s32 $0x800  }
0x4: {  	s14 =	simm.s32 $0x2800;
	s28 =	simm.s32 $0x400;
	s29 =	simm.s32 $0x600  }
0x5: {  	s30 =	simm.s32 $0x8800;
	s17 =	simm.s32 $0x580;
	s13 =	simm.s32 $0xE800  }
0x6: {  	s16 =	simm.s32 $0x280;
	s31 =	simm.s32 $0x0;
	[smem:$0x7FF] =	sst s3  }
0x7: {  	s5 =	smul.u32 $0x98, s10;
	s1 =	sand.u32 $0x1, s1;
	s4 =	sshll.u32 s10, $0x3  }
0x8: {  	s6 =	smul.u32 $0xA000, s10;
	s20 =	sadd.s32 $0x2B200, s0;
	s22 =	sshll.u32 s10, $0x6  }
0x9: {  	s10 =	simm.s32 $0x2;
	p0 =	seq.s32 s1, $0x0;
	s7 =	sor.u32 $0x980, s4  }
0xa: {  	s8 =	smul.u32 $0xA0000, s1;
	_ =	strace $0x8000004D;
	s4 =	sadd.s32 $0x2C600, s0  }
0xb: {  	s1 =	ssub.s32 $0x2, s1;
	[dreg:$0x3] =	wrdreg s20;
	s20 =	simm.s32 $0x80  }
0xc: {  	s7 =	smov.u32 @p0 s5;
	s5 =	sadd.s32 $0x3800, s0;
	s21 =	sshrl.u32 s1, $0x1  }
0xd: {  	s7 =	sshll.u32 s7, $0x4;
	s8 =	sadd.s32 s6, s8;
	s1 =	ssub.s32 s1, s21  }
0xe: {  	s6 =	sadd.s32 s6, s2;
	s21 =	sor.u32 $0x1C03, s22;
	s9 =	sadd.s32 s7, s0  }
0xf: {  	s19 =	sshrl.u32 s8, $0x3;
	s7 =	simm.s32 $0x13;
	s26 =	smax.u32 s1, $0x1  }
0x10: {  	s1 =	simm.s32 $0x200;
	s8 =	simm.s32 $0x500;
	[dreg:$0x4] =	wrdreg s21  }
0x11: {  	s0 =	sadd.s32 s19, s0;
	s23 =	sadd.s32 $0x21200, s9;
	[dreg:$0x9] =	wrdreg s26  }
0x12: {  	s7 =	simm.s32 @!p0 $0x1;
	s24 =	sadd.s32 $0x17200, s9;
	[dreg:$0x5] =	wrdreg s23  }
0x13: {  	s26 =	sadd.s32 $0x17280, s9;
	s15 =	sadd.s32 $0x21280, s9;
	[dreg:$0x6] =	wrdreg s24  }
0x14: {  	s19 =	sshrl.u32 s6, $0x3;
	s6 =	simm.s32 $0x4800;
	[dreg:$0xa] =	wrdreg s26  }
0x15: {  	s9 =	simm.s32 $0x6800;
	s11 =	sadd.s32 $0xFFFFFFFF, s7;
	[dreg:$0xb] =	wrdreg s15  }
0x16: {  	s25 =	sadd.s32 $0x40000, s0;
	s0 =	sadd.s32 $0x68000, s0;
	[dreg:$0xc] =	wrdreg s19  }
0x17: {  	s23 =	simm.s32 $0xC800;
	s24 =	smov.u32 s15;
	[dreg:$0x7] =	wrdreg s25  }
0x18: {  	[dreg:$0x8] =	wrdreg s0;
	s0 =	simm.s32 $0xA800;
	s25 =	simm.s32 $0x1  }
.LBB2_1:
0x19: {  	[dreg:$0xd] =	wrdreg s31  }
0x1a: {  	s15 =	rddreg [dreg:$0x3]  }
0x1b: {  	s21 =	rddreg [dreg:$0x4]  }
0x1c: {  	[spmem:s19], [sflag:s21] =	dma.local [hbm:s15], $0x1400  }
0x1d: {  	_ =	swait.ge [sflag:s18], $0x1400  }
0x1e: {  	[sflag:s18] =	ssyncset.done $0x0  }
0x1f: {  	[sflag:s18] =	ssyncadd.s32 $0xFFFFEC00  }
0x20: {  	[bflag:$0x0] =	sbarrier.arrive $0xFFFF  }
0x21: {  	s21 =	rddreg [dreg:$0x5]  }
0x22: {  	[tilespmem:s3], [sflag:$0x3] =	stream.linear.gather [hbm4b:s21+s3], $0x200, $0x38;
	[tilespmem:$0x1A800] =	vst v63  }
0x23: {  	_ =	swait.ge [sflag:s18], $0x200  }
0x24: {  	[sflag:s18] =	ssyncset.done $0x0  }
0x25: {  	s22 =	rddreg [dreg:$0x6];
	[sflag:s18] =	ssyncadd.s32 $0xFFFFFE00  }
0x26: {  	[tilespmem:s1], [sflag:$0x3] =	stream.linear.gather [hbm4b:s22+s3], $0x200, $0x38;
	[tilespmem:$0x1A800] =	vst v63  }
0x27: {  	p2 =	sne.s32 s7, $0x1;
	_ =	swait.ge [sflag:s18], $0x200  }
0x28: {  	p0 =	por $0x0, $0x0;
	s31 =	simm.s32 $0x6800;
	[sflag:s18] =	ssyncset.done $0x0  }
0x29: {  	p1 =	por $0x0, $0x0;
	s19 =	simm.s32 $0x100;
	[sflag:s18] =	ssyncadd.s32 $0xFFFFFE00  }
0x2a: {  	[tilespmem:s12], [sflag:$0x1] =	stream.indirect.gather [hbm4b:s4+s20], $0x40, s3, s20, $0xb8;
	[tilespmem:$0x1A800] =	vst v63  }
0x2b: {  	s15 =	simm.s32 $0x1;
	s21 =	simm.s32 $0x180;
	s22 =	sadd.s32 $0xFFFFFFC0, s24  }
0x2c: {  	[tilespmem:s14], [sflag:$0x1] =	stream.indirect.gather [hbm4b:s4+s20], $0x40, s20, s20, $0xb8;
	[tilespmem:$0x1A800] =	vst v63  }
.Ltmp0:
0x2d: {  	s1 =	simm.s32 $0x4800;
	[dreg:$0xe] =	wrdreg s22;
	(pc) =	sbr.rel @!p2 .LBB2_6-.Ltmp0, $4  }
0x2e: {  	[tilespmem:s6], [sflag:$0x1] =	stream.indirect.gather [hbm4b:s4+s20], $0x40, s19, s20, $0xb8;
	[tilespmem:$0x1A800] =	vst v63  }
0x2f: {  	s22 =	simm.s32 $0x0;
	s12 =	simm.s32 $0x800;
	s6 =	simm.s32 $0x2800  }
0x30: {  	[tilespmem:s9], [sflag:$0x1] =	stream.indirect.gather [hbm4b:s4+s20], $0x40, s21, s20, $0xb8;
	[tilespmem:$0x1A800] =	vst v63  }
0x31: {  	s19 =	smov.u32 s26;
	s9 =	simm.s32 $0x200;
	s21 =	smov.u32 s24  }
0x32: {  	s8 =	rddreg [dreg:$0xe]  }
0x33: {  	[tilespmem:s28], [sflag:$0x3] =	stream.linear.gather [hbm4b:s8+s3], $0x200, $0x38;
	[tilespmem:$0x1A800] =	vst v63  }
0x34: {  	_ =	swait.ge [sflag:s18], $0x200  }
0x35: {  	[sflag:s18] =	ssyncset.done $0x0  }
0x36: {  	s19 =	sadd.s32 $0xFFFFFFC0, s26;
	[sflag:s18] =	ssyncadd.s32 $0xFFFFFE00  }
0x37: {  	[tilespmem:s29], [sflag:$0x3] =	stream.linear.gather [hbm4b:s19+s3], $0x200, $0x38;
	[tilespmem:$0x1A800] =	vst v63  }
0x38: {  	_ =	swait.ge [sflag:s18], $0x200  }
0x39: {  	[sflag:s18] =	ssyncset.done $0x0  }
0x3a: {  	[sflag:s18] =	ssyncadd.s32 $0xFFFFFE00  }
0x3b: {  	[tilespmem:s30], [sflag:$0x2] =	stream.indirect.gather [hbm4b:s4+s20], $0x40, s28, s20, $0xb8;
	[tilespmem:$0x1A800] =	vst v63  }
0x3c: {  	s21 =	simm.s32 $0x480  }
0x3d: {  	[tilespmem:s0], [sflag:$0x2] =	stream.indirect.gather [hbm4b:s4+s20], $0x40, s21, s20, $0xb8;
	[tilespmem:$0x1A800] =	vst v63  }
0x3e: {  	s14 =	simm.s32 $0x500  }
0x3f: {  	[tilespmem:s23], [sflag:$0x2] =	stream.indirect.gather [hbm4b:s4+s20], $0x40, s14, s20, $0xb8;
	[tilespmem:$0x1A800] =	vst v63  }
0x40: {  	s17 =	simm.s32 $0x580  }
0x41: {  	[tilespmem:s13], [sflag:$0x2] =	stream.indirect.gather [hbm4b:s4+s20], $0x40, s17, s20, $0xb8;
	[tilespmem:$0x1A800] =	vst v63  }
0x42: {  	_ =	swait.ge [sflag:s25], $0x8000  }
0x43: {  	[sflag:s25] =	ssyncset.done $0x0  }
0x44: {  	[sflag:s25] =	ssyncadd.s32 $0xFFFF8000  }
0x45: {  	[spmem:s2] =	stream.indirect.scatter.add.f32 [tilespmem:s12], [sflag:$0x3], $0x40, s9, s20, $0xb8;
	[tilespmem:$0x1A800] =	vst v63  }
0x46: {  	_ =	swait.ge [sflag:s18], $0x2000  }
0x47: {  	[sflag:s18] =	ssyncset.done $0x0  }
0x48: {  	s16 =	simm.s32 $0x280;
	[sflag:s18] =	ssyncadd.s32 $0xFFFFE000  }
0x49: {  	[spmem:s2] =	stream.indirect.scatter.add.f32 [tilespmem:s6], [sflag:$0x3], $0x40, s16, s20, $0xb8;
	[tilespmem:$0x1A800] =	vst v63  }
0x4a: {  	_ =	swait.ge [sflag:s18], $0x2000  }
0x4b: {  	[sflag:s18] =	ssyncset.done $0x0  }
0x4c: {  	s22 =	simm.s32 $0x300;
	[sflag:s18] =	ssyncadd.s32 $0xFFFFE000  }
0x4d: {  	[spmem:s2] =	stream.indirect.scatter.add.f32 [tilespmem:s1], [sflag:$0x3], $0x40, s22, s20, $0xb8;
	[tilespmem:$0x1A800] =	vst v63  }
0x4e: {  	_ =	swait.ge [sflag:s18], $0x2000  }
0x4f: {  	[sflag:s18] =	ssyncset.done $0x0  }
0x50: {  	s14 =	simm.s32 $0x380;
	[sflag:s18] =	ssyncadd.s32 $0xFFFFE000  }
0x51: {  	[spmem:s2] =	stream.indirect.scatter.add.f32 [tilespmem:s31], [sflag:$0x3], $0x40, s14, s20, $0xb8;
	[tilespmem:$0x1A800] =	vst v63  }
0x52: {  	_ =	swait.ge [sflag:s18], $0x2000  }
0x53: {  	p1 =	sle.u32 s11, $0x0;
	[sflag:s18] =	ssyncset.done $0x0  }
0x54: {  	s19 =	simm.s32 @!p1 $0x0;
	s21 =	simm.s32 @!p1 $0x3;
	[sflag:s18] =	ssyncadd.s32 $0xFFFFE000  }
0x55: {  	[tilespmem:s19], [sflag:$0x3] =	stream.linear.gather @!p1 [hbm4b:s24+s19], $0x200, $0x38;
	[tilespmem:$0x1A800] =	vst v63  }
0x56: {  	_ =	swait.ge @!p1 [sflag:s21], $0x200  }
0x57: {  	[sflag:s21] =	ssyncset.done @!p1 $0x0  }
0x58: {  	s22 =	simm.s32 @!p1 $0x200;
	[sflag:s21] =	ssyncadd.s32 @!p1 $0xFFFFFE00  }
0x59: {  	[tilespmem:s22], [sflag:$0x3] =	stream.linear.gather @!p1 [hbm4b:s26+s19], $0x200, $0x38;
	[tilespmem:$0x1A800] =	vst v63  }
0x5a: {  	_ =	swait.ge @!p1 [sflag:s21], $0x200  }
0x5b: {  	[sflag:s21] =	ssyncset.done @!p1 $0x0  }
0x5c: {  	s22 =	simm.s32 @!p1 $0x800;
	[sflag:s21] =	ssyncadd.s32 @!p1 $0xFFFFFE00;
	s21 =	simm.s32 @!p1 $0x80  }
0x5d: {  	[tilespmem:s22], [sflag:$0x1] =	stream.indirect.gather @!p1 [hbm4b:s4+s21], $0x40, s19, s21, $0xb8;
	[tilespmem:$0x1A800] =	vst v63  }
0x5e: {  	s19 =	simm.s32 @!p1 $0x2800  }
0x5f: {  	[tilespmem:s19], [sflag:$0x1] =	stream.indirect.gather @!p1 [hbm4b:s4+s21], $0x40, s21, s21, $0xb8;
	[tilespmem:$0x1A800] =	vst v63  }
0x60: {  	s22 =	simm.s32 @!p1 $0x4800;
	s19 =	simm.s32 @!p1 $0x100  }
0x61: {  	[tilespmem:s22], [sflag:$0x1] =	stream.indirect.gather @!p1 [hbm4b:s4+s21], $0x40, s19, s21, $0xb8;
	[tilespmem:$0x1A800] =	vst v63  }
0x62: {  	s19 =	simm.s32 @!p1 $0x180;
	s22 =	simm.s32 @!p1 $0x6800  }
0x63: {  	[tilespmem:s22], [sflag:$0x1] =	stream.indirect.gather @!p1 [hbm4b:s4+s21], $0x40, s19, s21, $0xb8;
	[tilespmem:$0x1A800] =	vst v63  }
0x64: {  	_ =	swait.ge [sflag:s10], $0x8000  }
0x65: {  	[sflag:s10] =	ssyncset.done $0x0  }
0x66: {  	[sflag:s10] =	ssyncadd.s32 $0xFFFF8000  }
0x67: {  	[spmem:s2] =	stream.indirect.scatter.add.f32 [tilespmem:s30], [sflag:$0x3], $0x40, s29, s20, $0xb8;
	[tilespmem:$0x1A800] =	vst v63  }
0x68: {  	_ =	swait.ge [sflag:s18], $0x2000  }
0x69: {  	[sflag:s18] =	ssyncset.done $0x0  }
0x6a: {  	s1 =	simm.s32 $0x680;
	[sflag:s18] =	ssyncadd.s32 $0xFFFFE000  }
0x6b: {  	[spmem:s2] =	stream.indirect.scatter.add.f32 [tilespmem:s0], [sflag:$0x3], $0x40, s1, s20, $0xb8;
	[tilespmem:$0x1A800] =	vst v63  }
0x6c: {  	_ =	swait.ge [sflag:s18], $0x2000  }
0x6d: {  	[sflag:s18] =	ssyncset.done $0x0  }
0x6e: {  	s12 =	simm.s32 $0x700;
	[sflag:s18] =	ssyncadd.s32 $0xFFFFE000  }
0x6f: {  	[spmem:s2] =	stream.indirect.scatter.add.f32 [tilespmem:s23], [sflag:$0x3], $0x40, s12, s20, $0xb8;
	[tilespmem:$0x1A800] =	vst v63  }
0x70: {  	p2 =	sne.s32 s7, $0x2;
	s8 =	simm.s32 $0x4800;
	_ =	swait.ge [sflag:s18], $0x2000  }
.Ltmp1:
0x71: {  	s17 =	simm.s32 $0x780;
	[sflag:s18] =	ssyncset.done $0x0;
	(pc) =	sbr.rel @!p2 .LBB2_3-.Ltmp1, $4  }
0x72: {  	s9 =	simm.s32 $0x300;
	s6 =	simm.s32 $0x800;
	[sflag:s18] =	ssyncadd.s32 $0xFFFFE000  }
0x73: {  	[spmem:s2] =	stream.indirect.scatter.add.f32 [tilespmem:s13], [sflag:$0x3], $0x40, s17, s20, $0xb8;
	[tilespmem:$0x1A800] =	vst v63  }
0x74: {  	s22 =	simm.s32 $0x2;
	s19 =	sadd.s32 $0x80, s26;
	_ =	swait.ge [sflag:s18], $0x2000  }
0x75: {  	s21 =	sadd.s32 $0x80, s24;
	p1 =	por $0x1, $0x1;
	[sflag:s18] =	ssyncset.done $0x0  }
.LBB2_4:
0x76: {  	s26 =	sadd.s32 $0xFFFFFFC0, s21  }
0x77: {  	[sflag:s18] =	ssyncadd.s32 $0xFFFFE000;
	s24 =	smov.u32 s22;
	s22 =	sadd.s32 $0x1, s22  }
0x78: {  	[tilespmem:s28], [sflag:$0x3] =	stream.linear.gather [hbm4b:s26+s3], $0x200, $0x38;
	[tilespmem:$0x1A800] =	vst v63  }
0x79: {  	p2 =	sne.s32 s7, s22;
	_ =	swait.ge [sflag:s18], $0x200  }
0x7a: {  	[sflag:s18] =	ssyncset.done $0x0  }
0x7b: {  	s26 =	sadd.s32 $0xFFFFFFC0, s19;
	[sflag:s18] =	ssyncadd.s32 $0xFFFFFE00  }
0x7c: {  	[tilespmem:s29], [sflag:$0x3] =	stream.linear.gather [hbm4b:s26+s3], $0x200, $0x38;
	[tilespmem:$0x1A800] =	vst v63  }
0x7d: {  	_ =	swait.ge [sflag:s18], $0x200  }
0x7e: {  	[sflag:s18] =	ssyncset.done $0x0  }
0x7f: {  	[sflag:s18] =	ssyncadd.s32 $0xFFFFFE00  }
0x80: {  	[tilespmem:s30], [sflag:$0x2] =	stream.indirect.gather [hbm4b:s4+s20], $0x40, s28, s20, $0xb8;
	[tilespmem:$0x1A800] =	vst v63  }
0x81: {  	s26 =	simm.s32 $0x480  }
0x82: {  	[tilespmem:s0], [sflag:$0x2] =	stream.indirect.gather [hbm4b:s4+s20], $0x40, s26, s20, $0xb8;
	[tilespmem:$0x1A800] =	vst v63  }
0x83: {  	s26 =	simm.s32 $0x500  }
0x84: {  	[tilespmem:s23], [sflag:$0x2] =	stream.indirect.gather [hbm4b:s4+s20], $0x40, s26, s20, $0xb8;
	[tilespmem:$0x1A800] =	vst v63  }
0x85: {  	s26 =	simm.s32 $0x580  }
0x86: {  	[tilespmem:s13], [sflag:$0x2] =	stream.indirect.gather [hbm4b:s4+s20], $0x40, s26, s20, $0xb8;
	[tilespmem:$0x1A800] =	vst v63  }
0x87: {  	_ =	swait.ge [sflag:s25], $0x8000  }
0x88: {  	[sflag:s25] =	ssyncset.done $0x0  }
0x89: {  	s16 =	simm.s32 $0x200;
	[sflag:s25] =	ssyncadd.s32 $0xFFFF8000  }
0x8a: {  	[spmem:s2] =	stream.indirect.scatter.add.f32 [tilespmem:s6], [sflag:$0x3], $0x40, s16, s20, $0xb8;
	[tilespmem:$0x1A800] =	vst v63  }
0x8b: {  	_ =	swait.ge [sflag:s18], $0x2000  }
0x8c: {  	[sflag:s18] =	ssyncset.done $0x0  }
0x8d: {  	s26 =	simm.s32 $0x280;
	s16 =	simm.s32 $0x2800;
	[sflag:s18] =	ssyncadd.s32 $0xFFFFE000  }
0x8e: {  	[spmem:s2] =	stream.indirect.scatter.add.f32 [tilespmem:s16], [sflag:$0x3], $0x40, s26, s20, $0xb8;
	[tilespmem:$0x1A800] =	vst v63  }
0x8f: {  	_ =	swait.ge [sflag:s18], $0x2000  }
0x90: {  	[sflag:s18] =	ssyncset.done $0x0  }
0x91: {  	[sflag:s18] =	ssyncadd.s32 $0xFFFFE000  }
0x92: {  	[spmem:s2] =	stream.indirect.scatter.add.f32 [tilespmem:s8], [sflag:$0x3], $0x40, s9, s20, $0xb8;
	[tilespmem:$0x1A800] =	vst v63  }
0x93: {  	_ =	swait.ge [sflag:s18], $0x2000  }
0x94: {  	[sflag:s18] =	ssyncset.done $0x0  }
0x95: {  	[sflag:s18] =	ssyncadd.s32 $0xFFFFE000  }
0x96: {  	[spmem:s2] =	stream.indirect.scatter.add.f32 [tilespmem:s31], [sflag:$0x3], $0x40, s14, s20, $0xb8;
	[tilespmem:$0x1A800] =	vst v63  }
0x97: {  	_ =	swait.ge [sflag:s18], $0x2000  }
0x98: {  	p3 =	sge.u32 s15, s11;
	s15 =	smov.u32 s24;
	[sflag:s18] =	ssyncset.done $0x0  }
0x99: {  	s24 =	simm.s32 @!p3 $0x0;
	s26 =	simm.s32 @!p3 $0x3;
	[sflag:s18] =	ssyncadd.s32 $0xFFFFE000  }
0x9a: {  	[tilespmem:s24], [sflag:$0x3] =	stream.linear.gather @!p3 [hbm4b:s21+s24], $0x200, $0x38;
	[tilespmem:$0x1A800] =	vst v63  }
0x9b: {  	_ =	swait.ge @!p3 [sflag:s26], $0x200  }
0x9c: {  	[sflag:s26] =	ssyncset.done @!p3 $0x0  }
0x9d: {  	s31 =	simm.s32 @!p3 $0x200;
	[sflag:s26] =	ssyncadd.s32 @!p3 $0xFFFFFE00  }
0x9e: {  	[tilespmem:s31], [sflag:$0x3] =	stream.linear.gather @!p3 [hbm4b:s19+s24], $0x200, $0x38;
	[tilespmem:$0x1A800] =	vst v63  }
0x9f: {  	_ =	swait.ge @!p3 [sflag:s26], $0x200  }
0xa0: {  	[sflag:s26] =	ssyncset.done @!p3 $0x0  }
0xa1: {  	s31 =	simm.s32 @!p3 $0x800;
	[sflag:s26] =	ssyncadd.s32 @!p3 $0xFFFFFE00;
	s26 =	simm.s32 @!p3 $0x80  }
0xa2: {  	[tilespmem:s31], [sflag:$0x1] =	stream.indirect.gather @!p3 [hbm4b:s4+s26], $0x40, s24, s26, $0xb8;
	[tilespmem:$0x1A800] =	vst v63  }
0xa3: {  	s24 =	simm.s32 @!p3 $0x2800  }
0xa4: {  	[tilespmem:s24], [sflag:$0x1] =	stream.indirect.gather @!p3 [hbm4b:s4+s26], $0x40, s26, s26, $0xb8;
	[tilespmem:$0x1A800] =	vst v63  }
0xa5: {  	s31 =	simm.s32 @!p3 $0x4800;
	s24 =	simm.s32 @!p3 $0x100  }
0xa6: {  	[tilespmem:s31], [sflag:$0x1] =	stream.indirect.gather @!p3 [hbm4b:s4+s26], $0x40, s24, s26, $0xb8;
	[tilespmem:$0x1A800] =	vst v63  }
0xa7: {  	s24 =	simm.s32 @!p3 $0x180;
	s31 =	simm.s32 @!p3 $0x6800  }
0xa8: {  	[tilespmem:s31], [sflag:$0x1] =	stream.indirect.gather @!p3 [hbm4b:s4+s26], $0x40, s24, s26, $0xb8;
	[tilespmem:$0x1A800] =	vst v63  }
0xa9: {  	s31 =	simm.s32 $0x6800  }
0xaa: {  	_ =	swait.ge [sflag:s10], $0x8000  }
0xab: {  	[sflag:s10] =	ssyncset.done $0x0  }
0xac: {  	[sflag:s10] =	ssyncadd.s32 $0xFFFF8000  }
0xad: {  	[spmem:s2] =	stream.indirect.scatter.add.f32 [tilespmem:s30], [sflag:$0x3], $0x40, s29, s20, $0xb8;
	[tilespmem:$0x1A800] =	vst v63  }
0xae: {  	_ =	swait.ge [sflag:s18], $0x2000  }
0xaf: {  	[sflag:s18] =	ssyncset.done $0x0  }
0xb0: {  	[sflag:s18] =	ssyncadd.s32 $0xFFFFE000  }
0xb1: {  	[spmem:s2] =	stream.indirect.scatter.add.f32 [tilespmem:s0], [sflag:$0x3], $0x40, s1, s20, $0xb8;
	[tilespmem:$0x1A800] =	vst v63  }
0xb2: {  	_ =	swait.ge [sflag:s18], $0x2000  }
0xb3: {  	[sflag:s18] =	ssyncset.done $0x0  }
0xb4: {  	[sflag:s18] =	ssyncadd.s32 $0xFFFFE000  }
0xb5: {  	[spmem:s2] =	stream.indirect.scatter.add.f32 [tilespmem:s23], [sflag:$0x3], $0x40, s12, s20, $0xb8;
	[tilespmem:$0x1A800] =	vst v63  }
0xb6: {  	_ =	swait.ge [sflag:s18], $0x2000  }
.Ltmp2:
0xb7: {  	[sflag:s18] =	ssyncset.done $0x0;
	(pc) =	sbr.rel @p2 .LBB2_4-.Ltmp2, $4  }
0xb8: {  	[sflag:s18] =	ssyncadd.s32 $0xFFFFE000  }
0xb9: {  	[spmem:s2] =	stream.indirect.scatter.add.f32 [tilespmem:s13], [sflag:$0x3], $0x40, s17, s20, $0xb8;
	[tilespmem:$0x1A800] =	vst v63  }
0xba: {  	_ =	swait.ge [sflag:s18], $0x2000  }
0xbb: {  	s21 =	sadd.s32 $0x80, s21;
	s19 =	sadd.s32 $0x80, s19;
	[sflag:s18] =	ssyncset.done $0x0  }
0xbc: {  	s26 =	rddreg [dreg:$0xa]  }
0xbd: {  	s22 =	smov.u32 s15;
	s24 =	rddreg [dreg:$0xb];
	s8 =	simm.s32 $0x500  }
0xbe: {  	s17 =	simm.s32 $0x580;
	s16 =	simm.s32 $0x280;
	s1 =	simm.s32 $0x4800  }
0xbf: {  	s6 =	simm.s32 $0x2800;
	s9 =	simm.s32 $0x200;
	s12 =	simm.s32 $0x800  }
.LBB2_6:
0xc0: {  	s15 =	sadd.s32 $0xFFFFFFC0, s21;
	[sflag:s18] =	ssyncadd.s32 @p1 $0xFFFFE000  }
0xc1: {  	[tilespmem:s28], [sflag:$0x3] =	stream.linear.gather [hbm4b:s15+s3], $0x200, $0x38;
	[tilespmem:$0x1A800] =	vst v63  }
0xc2: {  	_ =	swait.ge [sflag:s18], $0x200  }
0xc3: {  	[sflag:s18] =	ssyncset.done $0x0  }
0xc4: {  	s14 =	sadd.s32 $0xFFFFFFC0, s19;
	[sflag:s18] =	ssyncadd.s32 $0xFFFFFE00  }
0xc5: {  	[tilespmem:s29], [sflag:$0x3] =	stream.linear.gather [hbm4b:s14+s3], $0x200, $0x38;
	[tilespmem:$0x1A800] =	vst v63  }
0xc6: {  	_ =	swait.ge [sflag:s18], $0x200  }
0xc7: {  	[sflag:s18] =	ssyncset.done $0x0  }
0xc8: {  	[sflag:s18] =	ssyncadd.s32 $0xFFFFFE00  }
0xc9: {  	[tilespmem:s30], [sflag:$0x2] =	stream.indirect.gather [hbm4b:s4+s20], $0x40, s28, s20, $0xb8;
	[tilespmem:$0x1A800] =	vst v63  }
0xca: {  	s14 =	simm.s32 $0x480  }
0xcb: {  	[tilespmem:s0], [sflag:$0x2] =	stream.indirect.gather [hbm4b:s4+s20], $0x40, s14, s20, $0xb8;
	[tilespmem:$0x1A800] =	vst v63  }
0xcc: {  	_ = 	snop  }
0xcd: {  	[tilespmem:s23], [sflag:$0x2] =	stream.indirect.gather [hbm4b:s4+s20], $0x40, s8, s20, $0xb8;
	[tilespmem:$0x1A800] =	vst v63  }
0xce: {  	_ = 	snop  }
0xcf: {  	[tilespmem:s13], [sflag:$0x2] =	stream.indirect.gather [hbm4b:s4+s20], $0x40, s17, s20, $0xb8;
	[tilespmem:$0x1A800] =	vst v63  }
0xd0: {  	_ =	swait.ge [sflag:s25], $0x8000  }
0xd1: {  	[sflag:s25] =	ssyncset.done $0x0  }
0xd2: {  	[sflag:s25] =	ssyncadd.s32 $0xFFFF8000  }
0xd3: {  	[spmem:s2] =	stream.indirect.scatter.add.f32 [tilespmem:s12], [sflag:$0x3], $0x40, s9, s20, $0xb8;
	[tilespmem:$0x1A800] =	vst v63  }
0xd4: {  	_ =	swait.ge [sflag:s18], $0x2000  }
0xd5: {  	[sflag:s18] =	ssyncset.done $0x0  }
0xd6: {  	[sflag:s18] =	ssyncadd.s32 $0xFFFFE000  }
0xd7: {  	[spmem:s2] =	stream.indirect.scatter.add.f32 [tilespmem:s6], [sflag:$0x3], $0x40, s16, s20, $0xb8;
	[tilespmem:$0x1A800] =	vst v63  }
0xd8: {  	_ =	swait.ge [sflag:s18], $0x2000  }
0xd9: {  	[sflag:s18] =	ssyncset.done $0x0  }
0xda: {  	s14 =	simm.s32 $0x300;
	[sflag:s18] =	ssyncadd.s32 $0xFFFFE000  }
0xdb: {  	[spmem:s2] =	stream.indirect.scatter.add.f32 [tilespmem:s1], [sflag:$0x3], $0x40, s14, s20, $0xb8;
	[tilespmem:$0x1A800] =	vst v63  }
0xdc: {  	_ =	swait.ge [sflag:s18], $0x2000  }
0xdd: {  	[sflag:s18] =	ssyncset.done $0x0  }
0xde: {  	s14 =	simm.s32 $0x380;
	[sflag:s18] =	ssyncadd.s32 $0xFFFFE000  }
0xdf: {  	[spmem:s2] =	stream.indirect.scatter.add.f32 [tilespmem:s31], [sflag:$0x3], $0x40, s14, s20, $0xb8;
	[tilespmem:$0x1A800] =	vst v63  }
0xe0: {  	_ =	swait.ge [sflag:s18], $0x2000  }
0xe1: {  	p1 =	sge.u32 s22, s11;
	[sflag:s18] =	ssyncset.done $0x0  }
0xe2: {  	s15 =	simm.s32 @!p1 $0x0;
	s22 =	simm.s32 @!p1 $0x3;
	[sflag:s18] =	ssyncadd.s32 $0xFFFFE000  }
0xe3: {  	[tilespmem:s15], [sflag:$0x3] =	stream.linear.gather @!p1 [hbm4b:s21+s15], $0x200, $0x38;
	[tilespmem:$0x1A800] =	vst v63  }
0xe4: {  	_ =	swait.ge @!p1 [sflag:s22], $0x200  }
0xe5: {  	[sflag:s22] =	ssyncset.done @!p1 $0x0  }
0xe6: {  	s21 =	simm.s32 @!p1 $0x200;
	[sflag:s22] =	ssyncadd.s32 @!p1 $0xFFFFFE00  }
0xe7: {  	[tilespmem:s21], [sflag:$0x3] =	stream.linear.gather @!p1 [hbm4b:s19+s15], $0x200, $0x38;
	[tilespmem:$0x1A800] =	vst v63  }
0xe8: {  	_ =	swait.ge @!p1 [sflag:s22], $0x200  }
0xe9: {  	[sflag:s22] =	ssyncset.done @!p1 $0x0  }
0xea: {  	s19 =	simm.s32 @!p1 $0x80;
	s21 =	simm.s32 @!p1 $0x800;
	[sflag:s22] =	ssyncadd.s32 @!p1 $0xFFFFFE00  }
0xeb: {  	[tilespmem:s21], [sflag:$0x1] =	stream.indirect.gather @!p1 [hbm4b:s4+s19], $0x40, s15, s19, $0xb8;
	[tilespmem:$0x1A800] =	vst v63  }
0xec: {  	s15 =	simm.s32 @!p1 $0x2800  }
0xed: {  	[tilespmem:s15], [sflag:$0x1] =	stream.indirect.gather @!p1 [hbm4b:s4+s19], $0x40, s19, s19, $0xb8;
	[tilespmem:$0x1A800] =	vst v63  }
0xee: {  	s21 =	simm.s32 @!p1 $0x4800;
	s15 =	simm.s32 @!p1 $0x100  }
0xef: {  	[tilespmem:s21], [sflag:$0x1] =	stream.indirect.gather @!p1 [hbm4b:s4+s19], $0x40, s15, s19, $0xb8;
	[tilespmem:$0x1A800] =	vst v63  }
0xf0: {  	s15 =	simm.s32 @!p1 $0x180;
	s21 =	simm.s32 @!p1 $0x6800  }
0xf1: {  	[tilespmem:s21], [sflag:$0x1] =	stream.indirect.gather @!p1 [hbm4b:s4+s19], $0x40, s15, s19, $0xb8;
	[tilespmem:$0x1A800] =	vst v63  }
0xf2: {  	_ =	swait.ge [sflag:s10], $0x8000  }
0xf3: {  	[sflag:s10] =	ssyncset.done $0x0  }
0xf4: {  	[sflag:s10] =	ssyncadd.s32 $0xFFFF8000  }
0xf5: {  	[spmem:s2] =	stream.indirect.scatter.add.f32 [tilespmem:s30], [sflag:$0x3], $0x40, s29, s20, $0xb8;
	[tilespmem:$0x1A800] =	vst v63  }
0xf6: {  	_ =	swait.ge [sflag:s18], $0x2000  }
0xf7: {  	[sflag:s18] =	ssyncset.done $0x0  }
0xf8: {  	s21 =	simm.s32 $0x680;
	[sflag:s18] =	ssyncadd.s32 $0xFFFFE000  }
0xf9: {  	[spmem:s2] =	stream.indirect.scatter.add.f32 [tilespmem:s0], [sflag:$0x3], $0x40, s21, s20, $0xb8;
	[tilespmem:$0x1A800] =	vst v63  }
0xfa: {  	_ =	swait.ge [sflag:s18], $0x2000  }
0xfb: {  	[sflag:s18] =	ssyncset.done $0x0  }
0xfc: {  	s22 =	simm.s32 $0x700;
	[sflag:s18] =	ssyncadd.s32 $0xFFFFE000  }
0xfd: {  	[spmem:s2] =	stream.indirect.scatter.add.f32 [tilespmem:s23], [sflag:$0x3], $0x40, s22, s20, $0xb8;
	[tilespmem:$0x1A800] =	vst v63  }
0xfe: {  	_ =	swait.ge [sflag:s18], $0x2000  }
0xff: {  	[sflag:s18] =	ssyncset.done $0x0  }
0x100: {  	s14 =	simm.s32 $0x780;
	[sflag:s18] =	ssyncadd.s32 $0xFFFFE000  }
0x101: {  	[spmem:s2] =	stream.indirect.scatter.add.f32 [tilespmem:s13], [sflag:$0x3], $0x40, s14, s20, $0xb8;
	[tilespmem:$0x1A800] =	vst v63  }
0x102: {  	_ =	swait.ge [sflag:s18], $0x2000  }
0x103: {  	[sflag:s18] =	ssyncset.done $0x0  }
0x104: {  	[sflag:s18] =	ssyncadd.s32 $0xFFFFE000  }
0x105: {  	[bflag:$0x0] =	sbarrier.arrive $0xFFFF  }
0x106: {  	s19 =	rddreg [dreg:$0x7]  }
0x107: {  	s21 =	rddreg [dreg:$0xc]  }
0x108: {  	s22 =	rddreg [dreg:$0x4]  }
0x109: {  	[hbm:s19], [sflag:s22] =	dma.local [spmem:s21], $0x1400  }
0x10a: {  	_ =	swait.ge [sflag:s18], $0x1400  }
0x10b: {  	[sflag:s18] =	ssyncset.done $0x0  }
0x10c: {  	[sflag:s18] =	ssyncadd.s32 $0xFFFFEC00  }
0x10d: {  	[bflag:$0x0] =	sbarrier.arrive $0xFFFF  }
0x10e: {  	s14 =	rddreg [dreg:$0x3]  }
0x10f: {  	[spmem:s21], [sflag:s22] =	dma.local [hbm:s14], $0x1400  }
0x110: {  	_ =	swait.ge [sflag:s18], $0x1400  }
0x111: {  	[sflag:s18] =	ssyncset.done $0x0  }
0x112: {  	[sflag:s18] =	ssyncadd.s32 $0xFFFFEC00  }
0x113: {  	[bflag:$0x0] =	sbarrier.arrive $0xFFFF  }
0x114: {  	s22 =	simm.s32 $0x0;
	s21 =	rddreg [dreg:$0x5]  }
0x115: {  	[tilespmem:s22], [sflag:$0x3] =	stream.linear.gather [hbm4b:s21+s22], $0x200, $0x38;
	[tilespmem:$0x1A800] =	vst v63  }
0x116: {  	_ =	swait.ge [sflag:s18], $0x200  }
0x117: {  	[sflag:s18] =	ssyncset.done $0x0  }
0x118: {  	s14 =	rddreg [dreg:$0x6];
	[sflag:s18] =	ssyncadd.s32 $0xFFFFFE00  }
0x119: {  	[tilespmem:s9], [sflag:$0x3] =	stream.linear.gather [hbm4b:s14+s22], $0x200, $0x38;
	[tilespmem:$0x1A800] =	vst v63  }
0x11a: {  	_ =	swait.ge [sflag:s18], $0x200  }
0x11b: {  	[sflag:s18] =	ssyncset.done $0x0  }
0x11c: {  	p1 =	sne.s32 s7, $0x1;
	[sflag:s18] =	ssyncadd.s32 $0xFFFFFE00  }
0x11d: {  	[tilespmem:s12], [sflag:$0x1] =	stream.indirect.gather [hbm4b:s5+s20], $0x40, s22, s20, $0xb8;
	[tilespmem:$0x1A800] =	vst v63  }
0x11e: {  	s15 =	simm.s32 $0x1;
	s19 =	simm.s32 $0x100;
	s21 =	simm.s32 $0x180  }
0x11f: {  	[tilespmem:s6], [sflag:$0x1] =	stream.indirect.gather [hbm4b:s5+s20], $0x40, s20, s20, $0xb8;
	[tilespmem:$0x1A800] =	vst v63  }
.Ltmp3:
0x120: {  	s14 =	simm.s32 $0x800;
	s9 =	simm.s32 $0x2800;
	(pc) =	sbr.rel @!p1 .LBB2_11-.Ltmp3, $4  }
0x121: {  	[tilespmem:s1], [sflag:$0x1] =	stream.indirect.gather [hbm4b:s5+s20], $0x40, s19, s20, $0xb8;
	[tilespmem:$0x1A800] =	vst v63  }
0x122: {  	s12 =	simm.s32 $0x200;
	s6 =	simm.s32 $0x4800;
	s19 =	smov.u32 s26  }
0x123: {  	[tilespmem:s31], [sflag:$0x1] =	stream.indirect.gather [hbm4b:s5+s20], $0x40, s21, s20, $0xb8;
	[tilespmem:$0x1A800] =	vst v63  }
0x124: {  	s1 =	simm.s32 $0x6800;
	s21 =	smov.u32 s24;
	s31 =	rddreg [dreg:$0xd]  }
0x125: {  	s19 =	rddreg [dreg:$0xe]  }
0x126: {  	[tilespmem:s28], [sflag:$0x3] =	stream.linear.gather [hbm4b:s19+s3], $0x200, $0x38;
	[tilespmem:$0x1A800] =	vst v63  }
0x127: {  	_ =	swait.ge [sflag:s18], $0x200  }
0x128: {  	[sflag:s18] =	ssyncset.done $0x0  }
0x129: {  	s31 =	sadd.s32 $0xFFFFFFC0, s26;
	[sflag:s18] =	ssyncadd.s32 $0xFFFFFE00  }
0x12a: {  	[tilespmem:s29], [sflag:$0x3] =	stream.linear.gather [hbm4b:s31+s3], $0x200, $0x38;
	[tilespmem:$0x1A800] =	vst v63  }
0x12b: {  	_ =	swait.ge [sflag:s18], $0x200  }
0x12c: {  	[sflag:s18] =	ssyncset.done $0x0  }
0x12d: {  	[sflag:s18] =	ssyncadd.s32 $0xFFFFFE00  }
0x12e: {  	[tilespmem:s30], [sflag:$0x2] =	stream.indirect.gather [hbm4b:s5+s20], $0x40, s28, s20, $0xb8;
	[tilespmem:$0x1A800] =	vst v63  }
0x12f: {  	s21 =	simm.s32 $0x480  }
0x130: {  	[tilespmem:s0], [sflag:$0x2] =	stream.indirect.gather [hbm4b:s5+s20], $0x40, s21, s20, $0xb8;
	[tilespmem:$0x1A800] =	vst v63  }
0x131: {  	_ = 	snop  }
0x132: {  	[tilespmem:s23], [sflag:$0x2] =	stream.indirect.gather [hbm4b:s5+s20], $0x40, s8, s20, $0xb8;
	[tilespmem:$0x1A800] =	vst v63  }
0x133: {  	_ = 	snop  }
0x134: {  	[tilespmem:s13], [sflag:$0x2] =	stream.indirect.gather [hbm4b:s5+s20], $0x40, s17, s20, $0xb8;
	[tilespmem:$0x1A800] =	vst v63  }
0x135: {  	_ =	swait.ge [sflag:s25], $0x8000  }
0x136: {  	[sflag:s25] =	ssyncset.done $0x0  }
0x137: {  	[sflag:s25] =	ssyncadd.s32 $0xFFFF8000  }
0x138: {  	[spmem:s2] =	stream.indirect.scatter.add.f32 [tilespmem:s14], [sflag:$0x3], $0x40, s12, s20, $0xb8;
	[tilespmem:$0x1A800] =	vst v63  }
0x139: {  	_ =	swait.ge [sflag:s18], $0x2000  }
0x13a: {  	[sflag:s18] =	ssyncset.done $0x0  }
0x13b: {  	[sflag:s18] =	ssyncadd.s32 $0xFFFFE000  }
0x13c: {  	[spmem:s2] =	stream.indirect.scatter.add.f32 [tilespmem:s9], [sflag:$0x3], $0x40, s16, s20, $0xb8;
	[tilespmem:$0x1A800] =	vst v63  }
0x13d: {  	_ =	swait.ge [sflag:s18], $0x2000  }
0x13e: {  	[sflag:s18] =	ssyncset.done $0x0  }
0x13f: {  	s22 =	simm.s32 $0x300;
	[sflag:s18] =	ssyncadd.s32 $0xFFFFE000  }
0x140: {  	[spmem:s2] =	stream.indirect.scatter.add.f32 [tilespmem:s6], [sflag:$0x3], $0x40, s22, s20, $0xb8;
	[tilespmem:$0x1A800] =	vst v63  }
0x141: {  	_ =	swait.ge [sflag:s18], $0x2000  }
0x142: {  	[sflag:s18] =	ssyncset.done $0x0  }
0x143: {  	s31 =	simm.s32 $0x380;
	[sflag:s18] =	ssyncadd.s32 $0xFFFFE000  }
0x144: {  	[spmem:s2] =	stream.indirect.scatter.add.f32 [tilespmem:s1], [sflag:$0x3], $0x40, s31, s20, $0xb8;
	[tilespmem:$0x1A800] =	vst v63  }
0x145: {  	_ =	swait.ge [sflag:s18], $0x2000  }
0x146: {  	p0 =	sle.u32 s11, $0x0;
	[sflag:s18] =	ssyncset.done $0x0  }
0x147: {  	s19 =	simm.s32 @!p0 $0x0;
	s21 =	simm.s32 @!p0 $0x3;
	[sflag:s18] =	ssyncadd.s32 $0xFFFFE000  }
0x148: {  	[tilespmem:s19], [sflag:$0x3] =	stream.linear.gather @!p0 [hbm4b:s24+s19], $0x200, $0x38;
	[tilespmem:$0x1A800] =	vst v63  }
0x149: {  	_ =	swait.ge @!p0 [sflag:s21], $0x200  }
0x14a: {  	[sflag:s21] =	ssyncset.done @!p0 $0x0  }
0x14b: {  	s22 =	simm.s32 @!p0 $0x200;
	[sflag:s21] =	ssyncadd.s32 @!p0 $0xFFFFFE00  }
0x14c: {  	[tilespmem:s22], [sflag:$0x3] =	stream.linear.gather @!p0 [hbm4b:s26+s19], $0x200, $0x38;
	[tilespmem:$0x1A800] =	vst v63  }
0x14d: {  	_ =	swait.ge @!p0 [sflag:s21], $0x200  }
0x14e: {  	[sflag:s21] =	ssyncset.done @!p0 $0x0  }
0x14f: {  	s22 =	simm.s32 @!p0 $0x800;
	[sflag:s21] =	ssyncadd.s32 @!p0 $0xFFFFFE00;
	s21 =	simm.s32 @!p0 $0x80  }
0x150: {  	[tilespmem:s22], [sflag:$0x1] =	stream.indirect.gather @!p0 [hbm4b:s5+s21], $0x40, s19, s21, $0xb8;
	[tilespmem:$0x1A800] =	vst v63  }
0x151: {  	s19 =	simm.s32 @!p0 $0x2800  }
0x152: {  	[tilespmem:s19], [sflag:$0x1] =	stream.indirect.gather @!p0 [hbm4b:s5+s21], $0x40, s21, s21, $0xb8;
	[tilespmem:$0x1A800] =	vst v63  }
0x153: {  	s22 =	simm.s32 @!p0 $0x4800;
	s19 =	simm.s32 @!p0 $0x100  }
0x154: {  	[tilespmem:s22], [sflag:$0x1] =	stream.indirect.gather @!p0 [hbm4b:s5+s21], $0x40, s19, s21, $0xb8;
	[tilespmem:$0x1A800] =	vst v63  }
0x155: {  	s19 =	simm.s32 @!p0 $0x180;
	s22 =	simm.s32 @!p0 $0x6800  }
0x156: {  	[tilespmem:s22], [sflag:$0x1] =	stream.indirect.gather @!p0 [hbm4b:s5+s21], $0x40, s19, s21, $0xb8;
	[tilespmem:$0x1A800] =	vst v63  }
0x157: {  	_ =	swait.ge [sflag:s10], $0x8000  }
0x158: {  	[sflag:s10] =	ssyncset.done $0x0  }
0x159: {  	[sflag:s10] =	ssyncadd.s32 $0xFFFF8000  }
0x15a: {  	[spmem:s2] =	stream.indirect.scatter.add.f32 [tilespmem:s30], [sflag:$0x3], $0x40, s29, s20, $0xb8;
	[tilespmem:$0x1A800] =	vst v63  }
0x15b: {  	_ =	swait.ge [sflag:s18], $0x2000  }
0x15c: {  	[sflag:s18] =	ssyncset.done $0x0  }
0x15d: {  	s21 =	simm.s32 $0x680;
	[sflag:s18] =	ssyncadd.s32 $0xFFFFE000  }
0x15e: {  	[spmem:s2] =	stream.indirect.scatter.add.f32 [tilespmem:s0], [sflag:$0x3], $0x40, s21, s20, $0xb8;
	[tilespmem:$0x1A800] =	vst v63  }
0x15f: {  	_ =	swait.ge [sflag:s18], $0x2000  }
0x160: {  	[sflag:s18] =	ssyncset.done $0x0  }
0x161: {  	s22 =	simm.s32 $0x700;
	[sflag:s18] =	ssyncadd.s32 $0xFFFFE000  }
0x162: {  	[spmem:s2] =	stream.indirect.scatter.add.f32 [tilespmem:s23], [sflag:$0x3], $0x40, s22, s20, $0xb8;
	[tilespmem:$0x1A800] =	vst v63  }
0x163: {  	p1 =	sne.s32 s7, $0x2;
	_ =	swait.ge [sflag:s18], $0x2000  }
.Ltmp4:
0x164: {  	[sflag:s18] =	ssyncset.done $0x0;
	(pc) =	sbr.rel @!p1 .LBB2_8-.Ltmp4, $4  }
0x165: {  	s31 =	simm.s32 $0x780;
	[sflag:s18] =	ssyncadd.s32 $0xFFFFE000  }
0x166: {  	[spmem:s2] =	stream.indirect.scatter.add.f32 [tilespmem:s13], [sflag:$0x3], $0x40, s31, s20, $0xb8;
	[tilespmem:$0x1A800] =	vst v63  }
0x167: {  	s19 =	sadd.s32 $0x80, s26;
	p0 =	por $0x1, $0x1;
	_ =	swait.ge [sflag:s18], $0x2000  }
0x168: {  	s21 =	sadd.s32 $0x80, s24;
	s22 =	simm.s32 $0x2;
	[sflag:s18] =	ssyncset.done $0x0  }
.LBB2_9:
0x169: {  	s26 =	sadd.s32 $0xFFFFFFC0, s21  }
0x16a: {  	[sflag:s18] =	ssyncadd.s32 $0xFFFFE000;
	s24 =	smov.u32 s22;
	s22 =	sadd.s32 $0x1, s22  }
0x16b: {  	[tilespmem:s28], [sflag:$0x3] =	stream.linear.gather [hbm4b:s26+s3], $0x200, $0x38;
	[tilespmem:$0x1A800] =	vst v63  }
0x16c: {  	p1 =	sne.s32 s7, s22;
	_ =	swait.ge [sflag:s18], $0x200  }
0x16d: {  	[sflag:s18] =	ssyncset.done $0x0  }
0x16e: {  	s26 =	sadd.s32 $0xFFFFFFC0, s19;
	[sflag:s18] =	ssyncadd.s32 $0xFFFFFE00  }
0x16f: {  	[tilespmem:s29], [sflag:$0x3] =	stream.linear.gather [hbm4b:s26+s3], $0x200, $0x38;
	[tilespmem:$0x1A800] =	vst v63  }
0x170: {  	_ =	swait.ge [sflag:s18], $0x200  }
0x171: {  	[sflag:s18] =	ssyncset.done $0x0  }
0x172: {  	[sflag:s18] =	ssyncadd.s32 $0xFFFFFE00  }
0x173: {  	[tilespmem:s30], [sflag:$0x2] =	stream.indirect.gather [hbm4b:s5+s20], $0x40, s28, s20, $0xb8;
	[tilespmem:$0x1A800] =	vst v63  }
0x174: {  	s26 =	simm.s32 $0x480  }
0x175: {  	[tilespmem:s0], [sflag:$0x2] =	stream.indirect.gather [hbm4b:s5+s20], $0x40, s26, s20, $0xb8;
	[tilespmem:$0x1A800] =	vst v63  }
0x176: {  	_ = 	snop  }
0x177: {  	[tilespmem:s23], [sflag:$0x2] =	stream.indirect.gather [hbm4b:s5+s20], $0x40, s8, s20, $0xb8;
	[tilespmem:$0x1A800] =	vst v63  }
0x178: {  	_ = 	snop  }
0x179: {  	[tilespmem:s13], [sflag:$0x2] =	stream.indirect.gather [hbm4b:s5+s20], $0x40, s17, s20, $0xb8;
	[tilespmem:$0x1A800] =	vst v63  }
0x17a: {  	_ =	swait.ge [sflag:s25], $0x8000  }
0x17b: {  	[sflag:s25] =	ssyncset.done $0x0  }
0x17c: {  	[sflag:s25] =	ssyncadd.s32 $0xFFFF8000  }
0x17d: {  	[spmem:s2] =	stream.indirect.scatter.add.f32 [tilespmem:s14], [sflag:$0x3], $0x40, s12, s20, $0xb8;
	[tilespmem:$0x1A800] =	vst v63  }
0x17e: {  	_ =	swait.ge [sflag:s18], $0x2000  }
0x17f: {  	[sflag:s18] =	ssyncset.done $0x0  }
0x180: {  	[sflag:s18] =	ssyncadd.s32 $0xFFFFE000  }
0x181: {  	[spmem:s2] =	stream.indirect.scatter.add.f32 [tilespmem:s9], [sflag:$0x3], $0x40, s16, s20, $0xb8;
	[tilespmem:$0x1A800] =	vst v63  }
0x182: {  	_ =	swait.ge [sflag:s18], $0x2000  }
0x183: {  	[sflag:s18] =	ssyncset.done $0x0  }
0x184: {  	s26 =	simm.s32 $0x300;
	[sflag:s18] =	ssyncadd.s32 $0xFFFFE000  }
0x185: {  	[spmem:s2] =	stream.indirect.scatter.add.f32 [tilespmem:s6], [sflag:$0x3], $0x40, s26, s20, $0xb8;
	[tilespmem:$0x1A800] =	vst v63  }
0x186: {  	_ =	swait.ge [sflag:s18], $0x2000  }
0x187: {  	[sflag:s18] =	ssyncset.done $0x0  }
0x188: {  	s26 =	simm.s32 $0x380;
	[sflag:s18] =	ssyncadd.s32 $0xFFFFE000  }
0x189: {  	[spmem:s2] =	stream.indirect.scatter.add.f32 [tilespmem:s1], [sflag:$0x3], $0x40, s26, s20, $0xb8;
	[tilespmem:$0x1A800] =	vst v63  }
0x18a: {  	_ =	swait.ge [sflag:s18], $0x2000  }
0x18b: {  	p2 =	sge.u32 s15, s11;
	s15 =	smov.u32 s24;
	[sflag:s18] =	ssyncset.done $0x0  }
0x18c: {  	s24 =	simm.s32 @!p2 $0x0;
	s26 =	simm.s32 @!p2 $0x3;
	[sflag:s18] =	ssyncadd.s32 $0xFFFFE000  }
0x18d: {  	[tilespmem:s24], [sflag:$0x3] =	stream.linear.gather @!p2 [hbm4b:s21+s24], $0x200, $0x38;
	[tilespmem:$0x1A800] =	vst v63  }
0x18e: {  	_ =	swait.ge @!p2 [sflag:s26], $0x200  }
0x18f: {  	[sflag:s26] =	ssyncset.done @!p2 $0x0  }
0x190: {  	s31 =	simm.s32 @!p2 $0x200;
	[sflag:s26] =	ssyncadd.s32 @!p2 $0xFFFFFE00  }
0x191: {  	[tilespmem:s31], [sflag:$0x3] =	stream.linear.gather @!p2 [hbm4b:s19+s24], $0x200, $0x38;
	[tilespmem:$0x1A800] =	vst v63  }
0x192: {  	_ =	swait.ge @!p2 [sflag:s26], $0x200  }
0x193: {  	[sflag:s26] =	ssyncset.done @!p2 $0x0  }
0x194: {  	s31 =	simm.s32 @!p2 $0x800;
	[sflag:s26] =	ssyncadd.s32 @!p2 $0xFFFFFE00;
	s26 =	simm.s32 @!p2 $0x80  }
0x195: {  	[tilespmem:s31], [sflag:$0x1] =	stream.indirect.gather @!p2 [hbm4b:s5+s26], $0x40, s24, s26, $0xb8;
	[tilespmem:$0x1A800] =	vst v63  }
0x196: {  	s24 =	simm.s32 @!p2 $0x2800  }
0x197: {  	[tilespmem:s24], [sflag:$0x1] =	stream.indirect.gather @!p2 [hbm4b:s5+s26], $0x40, s26, s26, $0xb8;
	[tilespmem:$0x1A800] =	vst v63  }
0x198: {  	s31 =	simm.s32 @!p2 $0x4800;
	s24 =	simm.s32 @!p2 $0x100  }
0x199: {  	[tilespmem:s31], [sflag:$0x1] =	stream.indirect.gather @!p2 [hbm4b:s5+s26], $0x40, s24, s26, $0xb8;
	[tilespmem:$0x1A800] =	vst v63  }
0x19a: {  	s24 =	simm.s32 @!p2 $0x180;
	s31 =	simm.s32 @!p2 $0x6800  }
0x19b: {  	[tilespmem:s31], [sflag:$0x1] =	stream.indirect.gather @!p2 [hbm4b:s5+s26], $0x40, s24, s26, $0xb8;
	[tilespmem:$0x1A800] =	vst v63  }
0x19c: {  	_ =	swait.ge [sflag:s10], $0x8000  }
0x19d: {  	[sflag:s10] =	ssyncset.done $0x0  }
0x19e: {  	[sflag:s10] =	ssyncadd.s32 $0xFFFF8000  }
0x19f: {  	[spmem:s2] =	stream.indirect.scatter.add.f32 [tilespmem:s30], [sflag:$0x3], $0x40, s29, s20, $0xb8;
	[tilespmem:$0x1A800] =	vst v63  }
0x1a0: {  	_ =	swait.ge [sflag:s18], $0x2000  }
0x1a1: {  	[sflag:s18] =	ssyncset.done $0x0  }
0x1a2: {  	s24 =	simm.s32 $0x680;
	[sflag:s18] =	ssyncadd.s32 $0xFFFFE000  }
0x1a3: {  	[spmem:s2] =	stream.indirect.scatter.add.f32 [tilespmem:s0], [sflag:$0x3], $0x40, s24, s20, $0xb8;
	[tilespmem:$0x1A800] =	vst v63  }
0x1a4: {  	_ =	swait.ge [sflag:s18], $0x2000  }
0x1a5: {  	[sflag:s18] =	ssyncset.done $0x0  }
0x1a6: {  	s24 =	simm.s32 $0x700;
	[sflag:s18] =	ssyncadd.s32 $0xFFFFE000  }
0x1a7: {  	[spmem:s2] =	stream.indirect.scatter.add.f32 [tilespmem:s23], [sflag:$0x3], $0x40, s24, s20, $0xb8;
	[tilespmem:$0x1A800] =	vst v63  }
0x1a8: {  	_ =	swait.ge [sflag:s18], $0x2000  }
.Ltmp5:
0x1a9: {  	[sflag:s18] =	ssyncset.done $0x0;
	(pc) =	sbr.rel @p1 .LBB2_9-.Ltmp5, $4  }
0x1aa: {  	s24 =	simm.s32 $0x780;
	[sflag:s18] =	ssyncadd.s32 $0xFFFFE000  }
0x1ab: {  	[spmem:s2] =	stream.indirect.scatter.add.f32 [tilespmem:s13], [sflag:$0x3], $0x40, s24, s20, $0xb8;
	[tilespmem:$0x1A800] =	vst v63  }
0x1ac: {  	_ =	swait.ge [sflag:s18], $0x2000  }
0x1ad: {  	s21 =	sadd.s32 $0x80, s21;
	s19 =	sadd.s32 $0x80, s19;
	[sflag:s18] =	ssyncset.done $0x0  }
0x1ae: {  	s26 =	rddreg [dreg:$0xa]  }
0x1af: {  	s24 =	rddreg [dreg:$0xb]  }
0x1b0: {  	s22 =	smov.u32 s15;
	s31 =	rddreg [dreg:$0xd]  }
.LBB2_11:
0x1b1: {  	s15 =	sadd.s32 $0xFFFFFFC0, s21;
	[sflag:s18] =	ssyncadd.s32 @p0 $0xFFFFE000  }
0x1b2: {  	[tilespmem:s28], [sflag:$0x3] =	stream.linear.gather [hbm4b:s15+s3], $0x200, $0x38;
	[tilespmem:$0x1A800] =	vst v63  }
0x1b3: {  	_ =	swait.ge [sflag:s18], $0x200  }
0x1b4: {  	[sflag:s18] =	ssyncset.done $0x0  }
0x1b5: {  	s15 =	sadd.s32 $0xFFFFFFC0, s19;
	[sflag:s18] =	ssyncadd.s32 $0xFFFFFE00  }
0x1b6: {  	[tilespmem:s29], [sflag:$0x3] =	stream.linear.gather [hbm4b:s15+s3], $0x200, $0x38;
	[tilespmem:$0x1A800] =	vst v63  }
0x1b7: {  	_ =	swait.ge [sflag:s18], $0x200  }
0x1b8: {  	[sflag:s18] =	ssyncset.done $0x0  }
0x1b9: {  	[sflag:s18] =	ssyncadd.s32 $0xFFFFFE00  }
0x1ba: {  	[tilespmem:s30], [sflag:$0x2] =	stream.indirect.gather [hbm4b:s5+s20], $0x40, s28, s20, $0xb8;
	[tilespmem:$0x1A800] =	vst v63  }
0x1bb: {  	s15 =	simm.s32 $0x480  }
0x1bc: {  	[tilespmem:s0], [sflag:$0x2] =	stream.indirect.gather [hbm4b:s5+s20], $0x40, s15, s20, $0xb8;
	[tilespmem:$0x1A800] =	vst v63  }
0x1bd: {  	_ = 	snop  }
0x1be: {  	[tilespmem:s23], [sflag:$0x2] =	stream.indirect.gather [hbm4b:s5+s20], $0x40, s8, s20, $0xb8;
	[tilespmem:$0x1A800] =	vst v63  }
0x1bf: {  	_ = 	snop  }
0x1c0: {  	[tilespmem:s13], [sflag:$0x2] =	stream.indirect.gather [hbm4b:s5+s20], $0x40, s17, s20, $0xb8;
	[tilespmem:$0x1A800] =	vst v63  }
0x1c1: {  	_ =	swait.ge [sflag:s25], $0x8000  }
0x1c2: {  	[sflag:s25] =	ssyncset.done $0x0  }
0x1c3: {  	[sflag:s25] =	ssyncadd.s32 $0xFFFF8000  }
0x1c4: {  	[spmem:s2] =	stream.indirect.scatter.add.f32 [tilespmem:s14], [sflag:$0x3], $0x40, s12, s20, $0xb8;
	[tilespmem:$0x1A800] =	vst v63  }
0x1c5: {  	_ =	swait.ge [sflag:s18], $0x2000  }
0x1c6: {  	[sflag:s18] =	ssyncset.done $0x0  }
0x1c7: {  	[sflag:s18] =	ssyncadd.s32 $0xFFFFE000  }
0x1c8: {  	[spmem:s2] =	stream.indirect.scatter.add.f32 [tilespmem:s9], [sflag:$0x3], $0x40, s16, s20, $0xb8;
	[tilespmem:$0x1A800] =	vst v63  }
0x1c9: {  	_ =	swait.ge [sflag:s18], $0x2000  }
0x1ca: {  	[sflag:s18] =	ssyncset.done $0x0  }
0x1cb: {  	s14 =	simm.s32 $0x300;
	[sflag:s18] =	ssyncadd.s32 $0xFFFFE000  }
0x1cc: {  	[spmem:s2] =	stream.indirect.scatter.add.f32 [tilespmem:s6], [sflag:$0x3], $0x40, s14, s20, $0xb8;
	[tilespmem:$0x1A800] =	vst v63  }
0x1cd: {  	_ =	swait.ge [sflag:s18], $0x2000  }
0x1ce: {  	[sflag:s18] =	ssyncset.done $0x0  }
0x1cf: {  	s15 =	simm.s32 $0x380;
	[sflag:s18] =	ssyncadd.s32 $0xFFFFE000  }
0x1d0: {  	[spmem:s2] =	stream.indirect.scatter.add.f32 [tilespmem:s1], [sflag:$0x3], $0x40, s15, s20, $0xb8;
	[tilespmem:$0x1A800] =	vst v63  }
0x1d1: {  	_ =	swait.ge [sflag:s18], $0x2000  }
0x1d2: {  	p0 =	sge.u32 s22, s11;
	[sflag:s18] =	ssyncset.done $0x0  }
0x1d3: {  	s22 =	simm.s32 @!p0 $0x3;
	s15 =	simm.s32 @!p0 $0x0;
	[sflag:s18] =	ssyncadd.s32 $0xFFFFE000  }
0x1d4: {  	[tilespmem:s15], [sflag:$0x3] =	stream.linear.gather @!p0 [hbm4b:s21+s15], $0x200, $0x38;
	[tilespmem:$0x1A800] =	vst v63  }
0x1d5: {  	_ =	swait.ge @!p0 [sflag:s22], $0x200  }
0x1d6: {  	[sflag:s22] =	ssyncset.done @!p0 $0x0  }
0x1d7: {  	s21 =	simm.s32 @!p0 $0x200;
	[sflag:s22] =	ssyncadd.s32 @!p0 $0xFFFFFE00  }
0x1d8: {  	[tilespmem:s21], [sflag:$0x3] =	stream.linear.gather @!p0 [hbm4b:s19+s15], $0x200, $0x38;
	[tilespmem:$0x1A800] =	vst v63  }
0x1d9: {  	_ =	swait.ge @!p0 [sflag:s22], $0x200  }
0x1da: {  	[sflag:s22] =	ssyncset.done @!p0 $0x0  }
0x1db: {  	s19 =	simm.s32 @!p0 $0x80;
	s21 =	simm.s32 @!p0 $0x800;
	[sflag:s22] =	ssyncadd.s32 @!p0 $0xFFFFFE00  }
0x1dc: {  	[tilespmem:s21], [sflag:$0x1] =	stream.indirect.gather @!p0 [hbm4b:s5+s19], $0x40, s15, s19, $0xb8;
	[tilespmem:$0x1A800] =	vst v63  }
0x1dd: {  	s15 =	simm.s32 @!p0 $0x2800  }
0x1de: {  	[tilespmem:s15], [sflag:$0x1] =	stream.indirect.gather @!p0 [hbm4b:s5+s19], $0x40, s19, s19, $0xb8;
	[tilespmem:$0x1A800] =	vst v63  }
0x1df: {  	s21 =	simm.s32 @!p0 $0x4800;
	s15 =	simm.s32 @!p0 $0x100  }
0x1e0: {  	[tilespmem:s21], [sflag:$0x1] =	stream.indirect.gather @!p0 [hbm4b:s5+s19], $0x40, s15, s19, $0xb8;
	[tilespmem:$0x1A800] =	vst v63  }
0x1e1: {  	s15 =	simm.s32 @!p0 $0x180;
	s21 =	simm.s32 @!p0 $0x6800  }
0x1e2: {  	[tilespmem:s21], [sflag:$0x1] =	stream.indirect.gather @!p0 [hbm4b:s5+s19], $0x40, s15, s19, $0xb8;
	[tilespmem:$0x1A800] =	vst v63  }
0x1e3: {  	_ =	swait.ge [sflag:s10], $0x8000  }
0x1e4: {  	[sflag:s10] =	ssyncset.done $0x0  }
0x1e5: {  	[sflag:s10] =	ssyncadd.s32 $0xFFFF8000  }
0x1e6: {  	[spmem:s2] =	stream.indirect.scatter.add.f32 [tilespmem:s30], [sflag:$0x3], $0x40, s29, s20, $0xb8;
	[tilespmem:$0x1A800] =	vst v63  }
0x1e7: {  	_ =	swait.ge [sflag:s18], $0x2000  }
0x1e8: {  	[sflag:s18] =	ssyncset.done $0x0  }
0x1e9: {  	s6 =	simm.s32 $0x680;
	[sflag:s18] =	ssyncadd.s32 $0xFFFFE000  }
0x1ea: {  	[spmem:s2] =	stream.indirect.scatter.add.f32 [tilespmem:s0], [sflag:$0x3], $0x40, s6, s20, $0xb8;
	[tilespmem:$0x1A800] =	vst v63  }
0x1eb: {  	_ =	swait.ge [sflag:s18], $0x2000  }
0x1ec: {  	[sflag:s18] =	ssyncset.done $0x0  }
0x1ed: {  	s9 =	simm.s32 $0x700;
	[sflag:s18] =	ssyncadd.s32 $0xFFFFE000  }
0x1ee: {  	[spmem:s2] =	stream.indirect.scatter.add.f32 [tilespmem:s23], [sflag:$0x3], $0x40, s9, s20, $0xb8;
	[tilespmem:$0x1A800] =	vst v63  }
0x1ef: {  	_ =	swait.ge [sflag:s18], $0x2000  }
0x1f0: {  	[sflag:s18] =	ssyncset.done $0x0  }
0x1f1: {  	s12 =	simm.s32 $0x780;
	[sflag:s18] =	ssyncadd.s32 $0xFFFFE000  }
0x1f2: {  	[spmem:s2] =	stream.indirect.scatter.add.f32 [tilespmem:s13], [sflag:$0x3], $0x40, s12, s20, $0xb8;
	[tilespmem:$0x1A800] =	vst v63  }
0x1f3: {  	_ =	swait.ge [sflag:s18], $0x2000  }
0x1f4: {  	[sflag:s18] =	ssyncset.done $0x0  }
0x1f5: {  	[sflag:s18] =	ssyncadd.s32 $0xFFFFE000  }
0x1f6: {  	[bflag:$0x0] =	sbarrier.arrive $0xFFFF  }
0x1f7: {  	s14 =	rddreg [dreg:$0x8]  }
0x1f8: {  	s19 =	rddreg [dreg:$0xc]  }
0x1f9: {  	s21 =	rddreg [dreg:$0x4]  }
0x1fa: {  	[hbm:s14], [sflag:s21] =	dma.local [spmem:s19], $0x1400  }
0x1fb: {  	_ =	swait.ge [sflag:s18], $0x1400  }
0x1fc: {  	s31 =	sadd.s32 $0x1, s31;
	s22 =	rddreg [dreg:$0x9]  }
0x1fd: {  	p0 =	sne.s32 s31, s22  }
.Ltmp6:
0x1fe: {  	_ = 	snop;
	(pc) =	sbr.rel @p0 .LBB2_1-.Ltmp6, $4  }
.Ltmp7:
0x1ff: {  	[sflag:s18] =	ssyncset.done $0x0;
	(pc) =	sbr.rel @!p0 .LBB2_12-.Ltmp7, $4  }
0x200: {  	[sflag:s18] =	ssyncadd.s32 $0xFFFFEC00  }
0x201: {  	s1 =	simm.s32 $0x200;
	s6 =	simm.s32 $0x4800;
	[bflag:$0x0] =	sbarrier.arrive $0xFFFF  }
0x202: {  	s9 =	simm.s32 $0x6800;
	s12 =	simm.s32 $0x800;
	s14 =	simm.s32 $0x2800  }
0x203: {  	_ = 	snop  }
.LBB2_3:
.Ltmp8:
0x204: {  	(pc) =	sbr.rel .LBB2_6-.Ltmp8, $4  }
0x205: {  	s26 =	rddreg [dreg:$0xa]  }
0x206: {  	s22 =	simm.s32 $0x1;
	s24 =	rddreg [dreg:$0xb];
	s8 =	simm.s32 $0x500  }
0x207: {  	s17 =	simm.s32 $0x580;
	s16 =	simm.s32 $0x280;
	s1 =	simm.s32 $0x4800  }
0x208: {  	s6 =	simm.s32 $0x2800;
	s9 =	simm.s32 $0x200;
	s12 =	simm.s32 $0x800  }
.LBB2_8:
.Ltmp9:
0x209: {  	(pc) =	sbr.rel .LBB2_11-.Ltmp9, $4  }
0x20a: {  	_ = 	snop  }
0x20b: {  	s26 =	rddreg [dreg:$0xa]  }
0x20c: {  	s24 =	rddreg [dreg:$0xb]  }
0x20d: {  	s22 =	simm.s32 $0x1;
	s31 =	rddreg [dreg:$0xd]  }
.LBB2_12:
0x20e: {  	_ =	sfence.sel $0x180000  }
0x20f: {  	[bflag:$0x0] =	sbarrier.arrive $0xFFFF  }
0x210: {  	_ =	strace $0x9000004D  }
0x211: {  	s0 =	stileid.u32;
	[bflag:$0x2] =	sbarrier.arrive $0xFFFF  }
0x212: {  	p0 =	sne.s32 s0, $0x0;
	s0 =	rddreg [dreg:$0x2]  }
0x213: {  	s0 =	sadd.s32 @!p0 $0x100000, s0  }
0x214: {  	[sflag:s0] =	ssyncadd.tile.s32 @!p0 $0x1;
	_ =	shalt  }
.Lfunc_end2:
_tile_overlayer_lowered:
.L_overlay_start_2:
0x215: {  	(tag) =	ssettag $0x2  }
0x216: {  	s0 =	rddreg [dreg:$0x0];
	s2 =	stileid.u32  }
0x217: {  	s1 =	rddreg [dreg:$0x1];
	p0 =	sne.s32 s2, $0x0  }
0x218: {  	s3 =	rddreg [dreg:$0x2];
	[bflag:$0x3] =	sbarrier.arrive $0xFFFF;
	s2 =	simm.s32 @!p0 $0x1C03  }
0x219: {  	[timem:s3], [sflag:s2] =	dma.local @!p0 [hbm:s0], s1  }
0x21a: {  	s0 =	simm.s32 @!p0 $0x3  }
0x21b: {  	_ =	swait.ge @!p0 [sflag:s0], s1  }
0x21c: {  	s1 =	ssub.s32 @!p0 $0x0, s1;
	[sflag:s0] =	ssyncset.done @!p0 $0x0  }
0x21d: {  	[sflag:s0] =	ssyncadd.s32 @!p0 s1  }
0x21e: {  	[bflag:$0x3] =	sbarrier.arrive $0xFFFF  }
0x21f: {  	_ =	shalt  }

// kernel: kernel.8.cloned.1.call-start
scs
__scs_entry_jumppad:
0x0: {  	(pc) =	sbr.rel $0x88, $3  }
0x1: {  	(tag) =	ssettag $0x0;
	lr =	simm.s32 $0x1  }
0x2: {  	[smem:$0x3F95] =	sst lr;
	_ =	strace $0xD0000000  }
0x3: {  	_ = 	snop  }
0x4: {  	_ = 	snop  }
0x5: {  	_ = 	snop  }
0x6: {  	_ = 	snop  }
0x7: {  	_ = 	snop  }
__scs_overlays_trampoline_lowered:
0x8: {  	[smem:$0x3FA4] =	sst s0  }
0x9: {  	[smem:$0x3FA5] =	sst s1  }
0xa: {  	[smem:$0x3FA6] =	sst s2  }
0xb: {  	[smem:$0x3FA7] =	sst s3  }
0xc: {  	[smem:$0x3FA8] =	sst s4  }
0xd: {  	[smem:$0x3FA9] =	sst s5  }
0xe: {  	[smem:$0x3FAA] =	sst s6  }
0xf: {  	[smem:$0x3FAB] =	sst s7  }
0x10: {  	[smem:$0x3FAC] =	sst s8  }
0x11: {  	[smem:$0x3FAD] =	sst s9;
	s0 =	simm.s32 @!p0 $0x0  }
0x12: {  	s1 =	sld [smem:$0x3F93];
	s0 =	simm.s32 @p0 $0x1  }
0x13: {  	[smem:$0x3FAE] =	sst s0;
	s0 =	simm.s32 @!p1 $0x0  }
0x14: {  	s2 =	sld [smem:$0x3F92];
	s0 =	simm.s32 @p1 $0x1  }
0x15: {  	[smem:$0x3FAF] =	sst s0;
	s0 =	simm.s32 @!p2 $0x0  }
0x16: {  	s3 =	sld [smem:$0x3FDB];
	s0 =	simm.s32 @p2 $0x1  }
0x17: {  	s4 =	simm.s32 $0x1BF5;
	[smem:$0x3FB1] =	sst s0  }
0x18: {  	s0 =	sld [smem:$0x3F94];
	_ =	swait.ge [sflag:s4], $0x0  }
0x19: {  	s7 =	sld [smem:$0x3F95]  }
0x1a: {  	s8 =	sadd.s32 $0xFFFFE003, lr  }
0x1b: {  	s9 =	sadd.s32 $0xFFFFFEF7, lr;
	s5 =	simm.s32 $0xFFFFFFFF;
	p2 =	slt.u32 s8, $0xFFFFF086  }
0x1c: {  	p1 =	slt.u32 s9, $0xF7A;
	s5 =	simm.s32 @!p2 $0x0  }
0x1d: {  	s5 =	simm.s32 @p1 $0x1;
	p0 =	seq.s32 s7, s2  }
0x1e: {  	s7 =	smul.u32 @!p0 $0xF7A, s2;
	p2 =	seq.s32 @!p0 s5, $0x0  }
0x1f: {  	s9 =	smul.u32 $0xF7A, s1;
	s8 =	simm.s32 @!p0 $0x1BF5;
	p2 =	por !p2, p0  }
0x20: {  	[sflag:s8] =	ssyncset.s32 @!p0 $0xFFFFF086;
	s6 =	sadd.s32 @!p0 s3, s7;
	s7 =	simm.s32 @!p0 $0x108  }
0x21: {  	s3 =	sadd.s32 s3, s9;
	s6 =	sadd.s32 @!p0 $0x88, s6;
	s7 =	simm.s32 @p2 $0x1082  }
0x22: {  	[simem:s7], [sflag:s8] =	dma.local @!p0 [hbm:s6], $0xF7A  }
0x23: {  	s9 =	sor.u32 $0xD0000000, s2;
	s6 =	simm.s32 $0x108;
	_ =	swait.ge @!p0 [sflag:s8], $0x0  }
0x24: {  	s3 =	sadd.s32 $0x88, s3;
	s6 =	simm.s32 @!p1 $0x1082;
	[sflag:s4] =	ssyncset.s32 $0xFFFFF086  }
0x25: {  	[simem:s6], [sflag:s4] =	dma.local [hbm:s3], $0xF7A  }
0x26: {  	[smem:$0x3F95] =	sst s1;
	(tag) =	ssettag s2;
	_ =	strace s9  }
0x27: {  	s1 =	sld [smem:$0x3FA5]  }
0x28: {  	s2 =	sld [smem:$0x3FA6]  }
0x29: {  	s4 =	sld [smem:$0x3FA8]  }
0x2a: {  	p0 =	seq.s32 s5, $0x0;
	s5 =	sld [smem:$0x3FA9]  }
0x2b: {  	s6 =	sld [smem:$0x3FAA]  }
0x2c: {  	s7 =	sld [smem:$0x3FAB]  }
0x2d: {  	s3 =	simm.s32 $0x108;
	s8 =	sld [smem:$0x3FAC]  }
0x2e: {  	s3 =	simm.s32 @!p0 $0x1082;
	s9 =	sld [smem:$0x3FAD]  }
0x2f: {  	lr =	sadd.s32 s0, s3;
	s0 =	sld [smem:$0x3FA4]  }
0x30: {  	s3 =	sld [smem:$0x3FA7]  }
0x31: {  	[smem:$0x3FB0] =	sst s10  }
0x32: {  	s10 =	sld [smem:$0x3FAE];
	_ =	sdelay $0x3  }
0x33: {  	p0 =	seq.s32 s10, $0x1;
	s10 =	sld [smem:$0x3FB0];
	_ =	sdelay $0x3  }
0x34: {  	[smem:$0x3FB0] =	sst s10  }
0x35: {  	s10 =	sld [smem:$0x3FAF];
	_ =	sdelay $0x3  }
0x36: {  	p1 =	seq.s32 s10, $0x1;
	s10 =	sld [smem:$0x3FB0];
	_ =	sdelay $0x3  }
0x37: {  	[smem:$0x3FB0] =	sst s10  }
0x38: {  	s10 =	sld [smem:$0x3FB1]  }
0x39: {  	_ = 	snop;
	(pc) =	sbr.ind lr, $3  }
0x3a: {  	_ = 	snop  }
0x3b: {  	_ = 	snop  }
0x3c: {  	p2 =	seq.s32 s10, $0x1;
	s10 =	sld [smem:$0x3FB0]  }
0x3d: {  	_ =	shalt  }
0x3e: {  	_ =	shalt  }
0x3f: {  	_ =	shalt  }
0x40: {  	_ =	shalt  }
0x41: {  	_ =	shalt  }
0x42: {  	_ =	shalt  }
0x43: {  	_ =	shalt  }
0x44: {  	_ =	shalt  }
0x45: {  	_ =	shalt  }
0x46: {  	_ =	shalt  }
0x47: {  	_ =	shalt  }
0x48: {  	_ =	shalt  }
0x49: {  	_ =	shalt  }
0x4a: {  	_ =	shalt  }
0x4b: {  	_ =	shalt  }
0x4c: {  	_ =	shalt  }
0x4d: {  	_ =	shalt  }
0x4e: {  	_ =	shalt  }
0x4f: {  	_ =	shalt  }
0x50: {  	_ =	shalt  }
0x51: {  	_ =	shalt  }
0x52: {  	_ =	shalt  }
0x53: {  	_ =	shalt  }
0x54: {  	_ =	shalt  }
0x55: {  	_ =	shalt  }
0x56: {  	_ =	shalt  }
0x57: {  	_ =	shalt  }
0x58: {  	_ =	shalt  }
0x59: {  	_ =	shalt  }
0x5a: {  	_ =	shalt  }
0x5b: {  	_ =	shalt  }
0x5c: {  	_ =	shalt  }
0x5d: {  	_ =	shalt  }
0x5e: {  	_ =	shalt  }
0x5f: {  	_ =	shalt  }
0x60: {  	_ =	shalt  }
0x61: {  	_ =	shalt  }
0x62: {  	_ =	shalt  }
0x63: {  	_ =	shalt  }
0x64: {  	_ =	shalt  }
0x65: {  	_ =	shalt  }
0x66: {  	_ =	shalt  }
0x67: {  	_ =	shalt  }
0x68: {  	_ =	shalt  }
0x69: {  	_ =	shalt  }
0x6a: {  	_ =	shalt  }
0x6b: {  	_ =	shalt  }
0x6c: {  	_ =	shalt  }
0x6d: {  	_ =	shalt  }
0x6e: {  	_ =	shalt  }
0x6f: {  	_ =	shalt  }
0x70: {  	_ =	shalt  }
0x71: {  	_ =	shalt  }
0x72: {  	_ =	shalt  }
0x73: {  	_ =	shalt  }
0x74: {  	_ =	shalt  }
0x75: {  	_ =	shalt  }
0x76: {  	_ =	shalt  }
0x77: {  	_ =	shalt  }
0x78: {  	_ =	shalt  }
0x79: {  	_ =	shalt  }
0x7a: {  	_ =	shalt  }
0x7b: {  	_ =	shalt  }
0x7c: {  	_ =	shalt  }
0x7d: {  	_ =	shalt  }
0x7e: {  	_ =	shalt  }
0x7f: {  	_ =	shalt  }
0x80: {  	_ =	shalt  }
0x81: {  	_ =	shalt  }
0x82: {  	_ =	shalt  }
0x83: {  	_ =	shalt  }
0x84: {  	_ =	shalt  }
0x85: {  	_ =	shalt  }
0x86: {  	_ =	shalt  }
0x87: {  	_ =	shalt  }
.Lfunc_end0:
.L_simem_size_0:
called_computation_lowered:
.L_overlay_start_0:
0x88: {  	s2 =	sld [smem:$0x3FD9]  }
0x89: {  	s3 =	sld [smem:$0x3FFE];
	_ =	sdelay $0x1  }
0x8a: {  	s1 =	srdreg.scid  }
0x8b: {  	s0 =	sand.u32 $0x1, s1  }
0x8c: {  	s17 =	sshll.u32 s0, $0xA;
	s2 =	sadd.s32 s3, s2  }
0x8d: {  	s2 =	sadd.s32 s2, s17  }
0x8e: {  	[smem:$0x3FBC] =	sst s2  }
0x8f: {  	_ = 	snop  }
0x90: {  	(tm) =	ssettm $0x1  }
0x91: {  	s18 =	sld [smem:$0x3FFB];
	_ =	sdelay $0x3  }
0x92: {  	_ =	strace s18  }
0x93: {  	s2 =	sld [smem:$0x3FFC];
	_ =	sdelay $0x3  }
0x94: {  	_ =	strace s2  }
0x95: {  	s2 =	sld [smem:$0x3FFD];
	_ =	sdelay $0x3  }
0x96: {  	_ =	strace s2  }
0x97: {  	_ =	strace $0x8FFFFFFF  }
0x98: {  	s19 =	sld [smem:$0x3FDB];
	_ =	sdelay $0x1  }
0x99: {  	s20 =	simm.s32 $_scs_section_size  }
0x9a: {  	s4 =	simm.s32 $_size__tile_overlayer_lowered;
	s5 =	simm.s32 $_tile_overlayer_lowered  }
0x9b: {  	s6 =	simm.s32 $0x1BFF;
	s21 =	sshll.u32 s5, $0x1;
	s3 =	sadd.s32 s20, s19  }
0x9c: {  	s22 =	simm.s32 $0x0;
	s4 =	sshll.u32 s4, $0x1;
	s5 =	sadd.s32 s21, s3  }
0x9d: {  	[timem:s22], [sflag:s6] =	dma.local [hbm:s5], s4  }
0x9e: {  	_ =	swait.ge [sflag:s6], s4  }
0x9f: {  	s4 =	ssub.s32 $0x0, s4;
	[sflag:s6] =	ssyncset.done $0x0  }
0xa0: {  	[sflag:s6] =	ssyncadd.s32 s4;
	_ =	sdelay $0x1  }
0xa1: {  	s23 =	simm.s32 $0x1B8B  }
0xa2: {  	_ =	swait.ge [sflag:s23], $0x1  }
0xa3: {  	[sflag:s23] =	ssyncset.done $0x0  }
0xa4: {  	[sflag:s23] =	ssyncadd.s32 $0xFFFFFFFF  }
0xa5: {  	s4 =	sld [smem:$0x0]  }
0xa6: {  	s5 =	sand.u32 $0xFFFFFFFE, s1  }
0xa7: {  	p0 =	sne.s32 s1, s5  }
0xa8: {  	s5 =	sshll.u32 @p0 s5, $0xE  }
0xa9: {  	s5 =	sadd.s32 @p0 $0x11B8D, s5;
	s6 =	sshll.u32 @p0 s4, $0x11  }
0xaa: {  	s5 =	sor.u32 @p0 s6, s5  }
0xab: {  	[sflag:s5] =	ssyncadd.remote.s32 @p0 $0x1;
	_ =	sdelay $0x1  }
0xac: {  	s5 =	simm.s32 @p0 $0x1B8D  }
0xad: {  	_ =	swait.eq @p0 [sflag:s5], $0x1  }
0xae: {  	[sflag:s5] =	ssyncadd.s32 @p0 $0xFFFFFFFF  }
0xaf: {  	s6 =	sshll.u32 @!p0 s1, $0xE  }
0xb0: {  	s6 =	sor.u32 @!p0 $0x4000, s6;
	s5 =	simm.s32 @!p0 $0x1B8D  }
0xb1: {  	s4 =	sshll.u32 @!p0 s4, $0x11;
	s6 =	sadd.s32 @!p0 $0x11B8D, s6;
	_ =	swait.eq @!p0 [sflag:s5], $0x1  }
0xb2: {  	s4 =	sor.u32 @!p0 s4, s6;
	[sflag:s5] =	ssyncadd.s32 @!p0 $0xFFFFFFFF  }
0xb3: {  	s25 =	simm.s32 $0x1B8E;
	s24 =	sld [smem:$0x3FFE];
	[sflag:s4] =	ssyncadd.remote.s32 @!p0 $0x1  }
0xb4: {  	s26 =	simm.s32 $execute0_lowered;
	[smem:$0x3FD2] =	sst s25  }
0xb5: {  	s5 =	sshll.u32 s26, $0x1;
	_ =	strace $0x80000049;
	[dreg:$0x1] =	wrdreg $0xFFFFFFFF  }
0xb6: {  	s28 =	simm.s32 $_size_execute0_lowered;
	s3 =	sadd.s32 s3, s5;
	[dreg:$0x0] =	wrdreg $0x0  }
0xb7: {  	s5 =	sshll.u32 s28, $0x1;
	[dreg:$0x2] =	wrdreg s3  }
0xb8: {  	[dreg:$0x3] =	wrdreg s5  }
0xb9: {  	[dreg:$0x4] =	wrdreg $0xC0  }
0xba: {  	_ =	task [dreg:s22], $0x5FFFF  }
0xbb: {  	[dreg:$0x1] =	wrdreg $0xFFFFFFFF  }
0xbc: {  	[dreg:$0x0] =	wrdreg $0x60  }
0xbd: {  	[dreg:$0x2] =	wrdreg s24  }
0xbe: {  	[dreg:$0x3] =	wrdreg $0x30000  }
0xbf: {  	[dreg:$0x4] =	wrdreg $0x9  }
0xc0: {  	_ =	task.clear_ibuf [dreg:s22], $0x5FFFF;
	_ =	strace $0x90000049  }
0xc1: {  	s29 =	simm.s32 $0x9;
	_ =	strace $0x8000004B  }
0xc2: {  	_ =	swait.ge [sflag:s29], $0x1  }
0xc3: {  	[sflag:s29] =	ssyncadd.s32 $0xFFFFFFFF  }
0xc4: {  	_ =	strace $0x9000004B  }
0xc5: {  	_ =	sfence  }
0xc6: {  	s30 =	sld [smem:$0x0];
	_ =	sdelay $0x2  }
0xc7: {  	s31 =	sshll.u32 s1, $0xD;
	s1 =	sshrl.u32 s1, $0x2  }
0xc8: {  	s4 =	sand.u32 $0x4000, s31;
	s1 =	sadd.s32 s1, s30  }
0xc9: {  	s0 =	sor.u32 s4, s0;
	s1 =	sshll.u32 s1, $0x11  }
0xca: {  	s0 =	sor.u32 s1, s0  }
0xcb: {  	s0 =	sadd.s32 $0x8F2B, s0  }
0xcc: {  	[sflag:s0] =	ssyncadd.remote.s32 $0x1  }
0xcd: {  	_ =	sfence.sel $0xFFFF  }
0xce: {  	[dreg:$0x0] =	wrdreg $0xFFFFFFFF;
	(pc) =	sbr.abs _section_cstart, $3  }
0xcf: {  	[dreg:$0x1] =	wrdreg $0xFFFFFFFF  }
0xd0: {  	_ =	task.clear_ibuf [dreg:s22], $0x2FFFF;
	_ =	strace $0x9FFFFFFF  }
0xd1: {  	(tm) =	ssettm $0x7FFFFFFF  }
tec
execute0_lowered:
.L_overlay_start_1:
0x0: {  	(tag) =	ssettag $0x1  }
0x1: {  	s1 =	srdreg.scid;
	s6 =	rddreg [dreg:$0x0]  }
0x2: {  	s0 =	stileid.u32;
	s2 =	rddreg [dreg:$0x1]  }
0x3: {  	s3 =	simm.s32 $0x0;
	s12 =	simm.s32 $0x2800;
	s13 =	simm.s32 $0x80  }
0x4: {  	s14 =	simm.s32 $0x0;
	s5 =	sand.u32 $0x1, s1;
	s29 =	sshll.u32 s0, $0x1  }
0x5: {  	s7 =	smul.u32 $0x2800, s0;
	[smem:$0x7FF] =	sst s3;
	s31 =	sshll.u32 s0, $0x6  }
0x6: {  	s1 =	sor.u32 s5, s29;
	s8 =	smul.u32 $0x28000, s5;
	s10 =	ssub.s32 $0x2, s5  }
0x7: {  	s5 =	sadd.s32 $0x7CC00, s6;
	s4 =	smul.u32 $0x500, s1;
	s1 =	rddreg [dreg:$0x2]  }
0x8: {  	_ =	strace $0x8000004A;
	s30 =	sshrl.u32 s10, $0x1;
	s8 =	sadd.s32 s7, s8  }
0x9: {  	s11 =	sadd.s32 s7, s2;
	s10 =	ssub.s32 s10, s30;
	s8 =	sshrl.u32 s8, $0x3  }
0xa: {  	s9 =	sadd.s32 s4, s6;
	s4 =	sadd.s32 $0x7C600, s6;
	s8 =	sadd.s32 s8, s6  }
0xb: {  	s6 =	sor.u32 $0x1C01, s31;
	s7 =	sadd.s32 $0x17200, s9;
	s9 =	smax.u32 s10, $0x1  }
0xc: {  	s10 =	sshrl.u32 s11, $0x3;
	s11 =	simm.s32 $0x1;
	s8 =	sadd.s32 $0x7CE00, s8  }
.LBB2_1:
0xd: {  	[spmem:s10], [sflag:s6] =	dma.local [hbm:s4], $0x500  }
0xe: {  	_ =	swait.ge [sflag:s11], $0x500  }
0xf: {  	[sflag:s11] =	ssyncset.done $0x0  }
0x10: {  	[sflag:s11] =	ssyncadd.s32 $0xFFFFFB00  }
0x11: {  	[tilespmem:s3], [sflag:$0x1] =	stream.linear.gather [hbm4b:s7+s3], $0x2800, $0x38;
	[tilespmem:$0x5800] =	vst v63  }
0x12: {  	_ =	swait.ge [sflag:s11], $0x2800  }
0x13: {  	[sflag:s11] =	ssyncset.done $0x0  }
0x14: {  	[sflag:s11] =	ssyncadd.s32 $0xFFFFD800  }
0x15: {  	[tilespmem:s12], [sflag:$0x1] =	stream.linear.gather [hbm4b:s5+s3], $0x800, $0x38;
	[tilespmem:$0x5800] =	vst v63  }
0x16: {  	_ =	swait.ge [sflag:s11], $0x800  }
0x17: {  	[sflag:s11] =	ssyncset.done $0x0  }
0x18: {  	[sflag:s11] =	ssyncadd.s32 $0xFFFFF800  }
0x19: {  	s15 =	simm.s32 $0x0;
	[bflag:$0x0] =	sbarrier.arrive $0xFFFF  }
0x1a: {  	[spmem:s2] =	stream.indirect.scatter.add.f32 [tilespmem:s12], [sflag:$0x1], $0x10, s15, s13, $0xb8;
	[tilespmem:$0x5800] =	vst v63  }
0x1b: {  	_ =	swait.ge [sflag:s11], $0x800  }
0x1c: {  	s15 =	simm.s32 $0x200;
	[sflag:s11] =	ssyncset.done $0x0  }
.LBB2_2:
0x1d: {  	s16 =	sshra.s32 s15, $0x2;
	[sflag:s11] =	ssyncadd.s32 $0xFFFFF800;
	p0 =	sne.s32 s15, $0x9E00  }
0x1e: {  	[spmem:s2] =	stream.indirect.scatter.add.f32 [tilespmem:s12], [sflag:$0x1], $0x10, s16, s13, $0xb8;
	[tilespmem:$0x5800] =	vst v63  }
.Ltmp0:
0x1f: {  	_ = 	snop;
	(pc) =	sbr.rel @p0 .LBB2_2-.Ltmp0, $4  }
0x20: {  	_ = 	snop  }
0x21: {  	s15 =	sadd.s32 $0x200, s15  }
0x22: {  	_ =	swait.ge [sflag:s11], $0x800  }
0x23: {  	[sflag:s11] =	ssyncset.done $0x0  }
0x24: {  	s14 =	sadd.s32 $0x1, s14  }
0x25: {  	[sflag:s11] =	ssyncadd.s32 $0xFFFFF800;
	p0 =	sne.s32 s14, s9  }
.Ltmp1:
0x26: {  	[bflag:$0x0] =	sbarrier.arrive $0xFFFF;
	(pc) =	sbr.rel @p0 .LBB2_1-.Ltmp1, $4  }
0x27: {  	[hbm:s8], [sflag:s6] =	dma.local [spmem:s10], $0x500  }
0x28: {  	_ =	swait.ge [sflag:s11], $0x500  }
0x29: {  	[sflag:s11] =	ssyncset.done $0x0  }
0x2a: {  	[sflag:s11] =	ssyncadd.s32 $0xFFFFFB00  }
0x2b: {  	_ =	sfence.sel $0x180000  }
0x2c: {  	[bflag:$0x0] =	sbarrier.arrive $0xFFFF  }
0x2d: {  	p0 =	sne.s32 s0, $0x0;
	_ =	strace $0x9000004A  }
0x2e: {  	s0 =	sadd.s32 @!p0 $0x100000, s1;
	[bflag:$0x2] =	sbarrier.arrive $0xFFFF  }
0x2f: {  	[sflag:s0] =	ssyncadd.tile.s32 @!p0 $0x1;
	_ =	shalt  }
.Lfunc_end2:
_tile_overlayer_lowered:
.L_overlay_start_2:
0x30: {  	(tag) =	ssettag $0x2  }
0x31: {  	s0 =	rddreg [dreg:$0x0];
	s2 =	stileid.u32  }
0x32: {  	s1 =	rddreg [dreg:$0x1];
	p0 =	sne.s32 s2, $0x0  }
0x33: {  	s3 =	rddreg [dreg:$0x2];
	[bflag:$0x3] =	sbarrier.arrive $0xFFFF;
	s2 =	simm.s32 @!p0 $0x1C01  }
0x34: {  	[timem:s3], [sflag:s2] =	dma.local @!p0 [hbm:s0], s1  }
0x35: {  	s0 =	simm.s32 @!p0 $0x1  }
0x36: {  	_ =	swait.ge @!p0 [sflag:s0], s1  }
0x37: {  	s1 =	ssub.s32 @!p0 $0x0, s1;
	[sflag:s0] =	ssyncset.done @!p0 $0x0  }
0x38: {  	[sflag:s0] =	ssyncadd.s32 @!p0 s1  }
0x39: {  	[bflag:$0x3] =	sbarrier.arrive $0xFFFF  }
0x3a: {  	_ =	shalt  }

</sc_bundles>
